<compile_context>
chip_gen: v7x
topology: tpu7x:2x2x1
jax: 0.10.2.dev20260603
libtpu: 0.0.44.dev20260713+nightly
codegen_flags: <defaults>
</compile_context>

<pallas_src>
import functools

import jax
import jax.numpy as jnp
from jax import lax
from jax.experimental import pallas as pl
from jax.experimental.pallas import tpu as pltpu
from jax.experimental.pallas import tpu_sc as plsc

_LANES = 16
_NW = 32


def _vrsqrt(x):
    i = plsc.bitcast(x, jnp.int32)
    i = jnp.int32(0x5F3759DF) - (i >> 1)
    y = plsc.bitcast(i, jnp.float32)
    for _ in range(3):
        y = y * (1.5 - 0.5 * x * y * y)
    return y


@functools.lru_cache(maxsize=None)
def _build(ntok, hid, seq, ncomb, ntypes):
    ch = 2 * seq
    assert ch % _LANES == 0
    ngrp = ch // _LANES
    assert ntok % (_NW * ch) == 0
    tpw = ntok // _NW
    nch = tpw // ch
    splits = []
    off = 0
    while off < ch:
        w = min(128, ch - off)
        splits.append((off, w))
        off += w
    mesh = plsc.VectorSubcoreMesh(core_axis_name="c", subcore_axis_name="s")

    @functools.partial(
        pl.kernel,
        mesh=mesh,
        compiler_params=pltpu.CompilerParams(needs_layout_passes=False),
        out_type=jax.ShapeDtypeStruct((ntok, hid), jnp.float32),
        scratch_types=[
            pltpu.VMEM((ch,), jnp.int32),
            pltpu.VMEM((ch,), jnp.int32),
            pltpu.VMEM((ch, hid), jnp.float32),
            pltpu.VMEM((ncomb, hid), jnp.float32),
            pltpu.VMEM((2, hid), jnp.float32),
            pltpu.SemaphoreType.DMA,
        ],
    )
    def emb_kernel(ids_hbm, tt_hbm, table_hbm, comb_hbm, gb_hbm, out_hbm,
                   idx_v, tt_v, rows_v, comb_v, gb_v, sem):
        wid = lax.axis_index("s") * 2 + lax.axis_index("c")
        base = wid * tpw
        pltpu.sync_copy(comb_hbm, comb_v)
        pltpu.sync_copy(gb_hbm, gb_v)
        gvecs = [gb_v[0, pl.ds(_LANES * j, _LANES)] for j in range(hid // _LANES)]
        bvecs = [gb_v[1, pl.ds(_LANES * j, _LANES)] for j in range(hid // _LANES)]
        lane_iota = lax.iota(jnp.int32, _LANES)

        def chunk_body(c, carry):
            cb = base + c * ch
            pltpu.sync_copy(ids_hbm.at[pl.ds(cb, ch)], idx_v)
            pltpu.sync_copy(tt_hbm.at[pl.ds(cb, ch)], tt_v)
            copies = [
                pltpu.async_copy(
                    table_hbm.at[idx_v.at[pl.ds(soff, sw)]],
                    rows_v.at[pl.ds(soff, sw)],
                    sem,
                )
                for soff, sw in splits
            ]
            for cp in copies:
                cp.wait()

            def grp_body(g, gcarry):
                ridx = g * _LANES + lane_iota
                tt16 = tt_v[pl.ds(g * _LANES, _LANES)]
                ci = (ridx % seq) * ntypes + tt16
                s = jnp.zeros((_LANES,), jnp.float32)
                sq = jnp.zeros((_LANES,), jnp.float32)
                for h in range(hid):
                    col = jnp.full((_LANES,), h, jnp.int32)
                    v = (plsc.load_gather(rows_v, [ridx, col])
                         + plsc.load_gather(comb_v, [ci, col]))
                    plsc.store_scatter(rows_v, [ridx, col], v)
                    s = s + v
                    sq = sq + v * v
                mean = s * (1.0 / hid)
                r = _vrsqrt(sq * (1.0 / hid) - mean * mean + 1e-5)
                for h in range(hid):
                    col = jnp.full((_LANES,), h, jnp.int32)
                    v = plsc.load_gather(rows_v, [ridx, col])
                    gh = gvecs[h // _LANES][h % _LANES]
                    bh = bvecs[h // _LANES][h % _LANES]
                    v = (v - mean) * r * gh + bh
                    plsc.store_scatter(rows_v, [ridx, col], v)
                return gcarry

            lax.fori_loop(0, ngrp, grp_body, 0)
            pltpu.sync_copy(rows_v, out_hbm.at[pl.ds(cb, ch)])
            return carry

        lax.fori_loop(0, nch, chunk_body, 0)

    return emb_kernel


def kernel(input_ids, token_type_ids, token_table, type_table, gamma, beta, pos_enc):
    b, l = input_ids.shape
    hid = token_table.shape[1]
    ntypes = type_table.shape[0]
    ntok = b * l
    ids = input_ids.reshape(ntok)
    tt = token_type_ids.reshape(ntok)
    comb = (pos_enc[:l, None, :] + type_table[None, :, :]).reshape(l * ntypes, hid)
    gb = jnp.stack([gamma, beta])
    emb = _build(ntok, hid, l, l * ntypes, ntypes)
    out = emb(ids, tt, token_table, comb, gb)
    return out.reshape(b, l, hid)

# --- scband reference (transcript-rebuilt; emitter-appended) ---
"""Pipeline reference for scband-transformer-embedding-3143916060985 (READ-ONLY COPY).

The authoritative reference and input builder live on the scoring server;
editing this copy changes nothing except your own understanding.
"""

import jax, jax.numpy as jnp
import numpy as np

VOCAB = 1000000
HID = 128
MAXLEN = 512
NTYPES = 2
B = 1024
L = 200


def _build_pos_enc():
    pe = np.zeros((MAXLEN, HID), dtype=np.float32)
    position = np.arange(0.0, MAXLEN)[:, None]
    coef = -np.log(10000.0) / HID
    div_term = np.exp(coef * np.arange(0.0, HID, 2))
    pe[:, 0::2] = np.sin(position * div_term)
    pe[:, 1::2] = np.cos(position * div_term)
    pe /= np.sqrt(HID)
    return jnp.asarray(pe)


def setup_inputs(seed: int = 0) -> dict:
    key = jax.random.key(seed)
    k1, k2, k3, k4 = jax.random.split(key, 4)
    input_ids = jax.random.randint(k1, (B, L), 0, VOCAB, dtype=jnp.int32)
    token_type_ids = jax.random.randint(k2, (B, L), 0, NTYPES, dtype=jnp.int32)
    token_table = jax.random.normal(k3, (VOCAB, HID), dtype=jnp.float32)
    token_table = token_table.at[0].set(0.0)  # padding_idx=0
    type_table = jax.random.normal(k4, (NTYPES, HID), dtype=jnp.float32)
    gamma = jnp.ones((HID,), dtype=jnp.float32)
    beta = jnp.zeros((HID,), dtype=jnp.float32)
    pos_enc = _build_pos_enc()
    return {
        "input_ids": input_ids,
        "token_type_ids": token_type_ids,
        "token_table": token_table,
        "type_table": type_table,
        "gamma": gamma,
        "beta": beta,
        "pos_enc": pos_enc,
    }


def reference(input_ids, token_type_ids, token_table, type_table, gamma, beta, pos_enc):
    seq_length = input_ids.shape[1]
    position_ids = jnp.arange(0, seq_length, dtype=jnp.int32)
    tok = jnp.take(token_table, input_ids, axis=0)           # [B, L, H]
    pos = jnp.take(pos_enc, position_ids, axis=0)[None, :, :]  # [1, L, H]
    typ = jnp.take(type_table, token_type_ids, axis=0)        # [B, L, H]
    emb = tok + pos + typ
    mean = jnp.mean(emb, axis=-1, keepdims=True)
    var = jnp.var(emb, axis=-1, keepdims=True)
    out = (emb - mean) / jnp.sqrt(var + 1e-5) * gamma + beta
    # dropout p=0.0 -> identity
    return out

if __name__ == "__main__":
    import jax
    _d = setup_inputs()
    print(jax.jit(kernel)(*tuple(_d.values())))

</pallas_src>

<mosaic_0001>
#map = affine_map<(d0, d1) -> (0)>
#map1 = affine_map<(d0, d1) -> (0, 0)>
module attributes {stable_mosaic.version = 14 : i64} {
  func.func @emb_kernel(%arg0: i32, %arg1: i32, %arg2: memref<204800xi32, #tpu.memory_space<hbm>>, %arg3: memref<204800xi32, #tpu.memory_space<hbm>>, %arg4: memref<1000000x128xf32, #tpu.memory_space<hbm>>, %arg5: memref<400x128xf32, #tpu.memory_space<hbm>>, %arg6: memref<2x128xf32, #tpu.memory_space<hbm>>, %arg7: memref<204800x128xf32, #tpu.memory_space<hbm>>, %arg8: memref<400xi32, #tpu.memory_space<vmem>>, %arg9: memref<400xi32, #tpu.memory_space<vmem>>, %arg10: memref<400x128xf32, #tpu.memory_space<vmem>>, %arg11: memref<400x128xf32, #tpu.memory_space<vmem>>, %arg12: memref<2x128xf32, #tpu.memory_space<vmem>>, %arg13: memref<!tpu.dma_semaphore, #tpu.memory_space<semaphore_mem>>) attributes {dimension_semantics = [#tpu.dimension_semantics<core_parallel>, #tpu.dimension_semantics<subcore_parallel>], iteration_bounds = array<i64: 2, 16>, scalar_prefetch = 0 : i64, scratch_operands = 6 : i64, tpu.core_type = #tpu.core_type<sc_vector_subcore>, window_params = [{transform_indices = #map}, {transform_indices = #map}, {transform_indices = #map1}, {transform_indices = #map1}, {transform_indices = #map1}, {transform_indices = #map1}]} {
    %mul3A = arith.constant 2 : i32
    %mul3A_0 = arith.muli %arg1, %mul3A : i32
    %add3A = arith.addi %mul3A_0, %arg0 : i32
    %mul3A_1 = arith.constant 6400 : i32
    %mul3A_2 = arith.muli %add3A, %mul3A_1 : i32
    "tpu.region"() ({
      %run_scoped3A = tpu.sem_alloc : memref<!tpu.dma_semaphore, #tpu.memory_space<semaphore_mem>>
      tpu.enqueue_dma source(%arg5 : memref<400x128xf32, #tpu.memory_space<hbm>>) target(%arg11 : memref<400x128xf32, #tpu.memory_space<vmem>>) target_semaphore(%run_scoped3A : memref<!tpu.dma_semaphore, #tpu.memory_space<semaphore_mem>>)
      tpu.wait_dma2 semaphore(%run_scoped3A : memref<!tpu.dma_semaphore, #tpu.memory_space<semaphore_mem>>) src(%arg5 : memref<400x128xf32, #tpu.memory_space<hbm>>) dst(%arg11 : memref<400x128xf32, #tpu.memory_space<vmem>>)
      tpu.yield
    }) : () -> ()
    "tpu.region"() ({
      %run_scoped3A = tpu.sem_alloc : memref<!tpu.dma_semaphore, #tpu.memory_space<semaphore_mem>>
      tpu.enqueue_dma source(%arg6 : memref<2x128xf32, #tpu.memory_space<hbm>>) target(%arg12 : memref<2x128xf32, #tpu.memory_space<vmem>>) target_semaphore(%run_scoped3A : memref<!tpu.dma_semaphore, #tpu.memory_space<semaphore_mem>>)
      tpu.wait_dma2 semaphore(%run_scoped3A : memref<!tpu.dma_semaphore, #tpu.memory_space<semaphore_mem>>) src(%arg6 : memref<2x128xf32, #tpu.memory_space<hbm>>) dst(%arg12 : memref<2x128xf32, #tpu.memory_space<vmem>>)
      tpu.yield
    }) : () -> ()
    %get3A = arith.constant 0 : i32
    %get3A_3 = arith.index_cast %get3A : i32 to index
    %get3A_4 = arith.constant 0 : index
    %get3A_5 = tpu.vector_load %arg12[%get3A_3, %get3A_4] {strides = array<i32>} : memref<2x128xf32, #tpu.memory_space<vmem>>, vector<16xf32>,
    %get3A_6 = arith.constant 0 : i32
    %get3A_7 = arith.index_cast %get3A_6 : i32 to index
    %get3A_8 = arith.constant 16 : index
    %get3A_9 = tpu.vector_load %arg12[%get3A_7, %get3A_8] {strides = array<i32>} : memref<2x128xf32, #tpu.memory_space<vmem>>, vector<16xf32>,
    %get3A_10 = arith.constant 0 : i32
    %get3A_11 = arith.index_cast %get3A_10 : i32 to index
    %get3A_12 = arith.constant 32 : index
    %get3A_13 = tpu.vector_load %arg12[%get3A_11, %get3A_12] {strides = array<i32>} : memref<2x128xf32, #tpu.memory_space<vmem>>, vector<16xf32>,
    %get3A_14 = arith.constant 0 : i32
    %get3A_15 = arith.index_cast %get3A_14 : i32 to index
    %get3A_16 = arith.constant 48 : index
    %get3A_17 = tpu.vector_load %arg12[%get3A_15, %get3A_16] {strides = array<i32>} : memref<2x128xf32, #tpu.memory_space<vmem>>, vector<16xf32>,
    %get3A_18 = arith.constant 0 : i32
    %get3A_19 = arith.index_cast %get3A_18 : i32 to index
    %get3A_20 = arith.constant 64 : index
    %get3A_21 = tpu.vector_load %arg12[%get3A_19, %get3A_20] {strides = array<i32>} : memref<2x128xf32, #tpu.memory_space<vmem>>, vector<16xf32>,
    %get3A_22 = arith.constant 0 : i32
    %get3A_23 = arith.index_cast %get3A_22 : i32 to index
    %get3A_24 = arith.constant 80 : index
    %get3A_25 = tpu.vector_load %arg12[%get3A_23, %get3A_24] {strides = array<i32>} : memref<2x128xf32, #tpu.memory_space<vmem>>, vector<16xf32>,
    %get3A_26 = arith.constant 0 : i32
    %get3A_27 = arith.index_cast %get3A_26 : i32 to index
    %get3A_28 = arith.constant 96 : index
    %get3A_29 = tpu.vector_load %arg12[%get3A_27, %get3A_28] {strides = array<i32>} : memref<2x128xf32, #tpu.memory_space<vmem>>, vector<16xf32>,
    %get3A_30 = arith.constant 0 : i32
    %get3A_31 = arith.index_cast %get3A_30 : i32 to index
    %get3A_32 = arith.constant 112 : index
    %get3A_33 = tpu.vector_load %arg12[%get3A_31, %get3A_32] {strides = array<i32>} : memref<2x128xf32, #tpu.memory_space<vmem>>, vector<16xf32>,
    %get3A_34 = arith.constant 1 : i32
    %get3A_35 = arith.index_cast %get3A_34 : i32 to index
    %get3A_36 = arith.constant 0 : index
    %get3A_37 = tpu.vector_load %arg12[%get3A_35, %get3A_36] {strides = array<i32>} : memref<2x128xf32, #tpu.memory_space<vmem>>, vector<16xf32>,
    %get3A_38 = arith.constant 1 : i32
    %get3A_39 = arith.index_cast %get3A_38 : i32 to index
    %get3A_40 = arith.constant 16 : index
    %get3A_41 = tpu.vector_load %arg12[%get3A_39, %get3A_40] {strides = array<i32>} : memref<2x128xf32, #tpu.memory_space<vmem>>, vector<16xf32>,
    %get3A_42 = arith.constant 1 : i32
    %get3A_43 = arith.index_cast %get3A_42 : i32 to index
    %get3A_44 = arith.constant 32 : index
    %get3A_45 = tpu.vector_load %arg12[%get3A_43, %get3A_44] {strides = array<i32>} : memref<2x128xf32, #tpu.memory_space<vmem>>, vector<16xf32>,
    %get3A_46 = arith.constant 1 : i32
    %get3A_47 = arith.index_cast %get3A_46 : i32 to index
    %get3A_48 = arith.constant 48 : index
    %get3A_49 = tpu.vector_load %arg12[%get3A_47, %get3A_48] {strides = array<i32>} : memref<2x128xf32, #tpu.memory_space<vmem>>, vector<16xf32>,
    %get3A_50 = arith.constant 1 : i32
    %get3A_51 = arith.index_cast %get3A_50 : i32 to index
    %get3A_52 = arith.constant 64 : index
    %get3A_53 = tpu.vector_load %arg12[%get3A_51, %get3A_52] {strides = array<i32>} : memref<2x128xf32, #tpu.memory_space<vmem>>, vector<16xf32>,
    %get3A_54 = arith.constant 1 : i32
    %get3A_55 = arith.index_cast %get3A_54 : i32 to index
    %get3A_56 = arith.constant 80 : index
    %get3A_57 = tpu.vector_load %arg12[%get3A_55, %get3A_56] {strides = array<i32>} : memref<2x128xf32, #tpu.memory_space<vmem>>, vector<16xf32>,
    %get3A_58 = arith.constant 1 : i32
    %get3A_59 = arith.index_cast %get3A_58 : i32 to index
    %get3A_60 = arith.constant 96 : index
    %get3A_61 = tpu.vector_load %arg12[%get3A_59, %get3A_60] {strides = array<i32>} : memref<2x128xf32, #tpu.memory_space<vmem>>, vector<16xf32>,
    %get3A_62 = arith.constant 1 : i32
    %get3A_63 = arith.index_cast %get3A_62 : i32 to index
    %get3A_64 = arith.constant 112 : index
    %get3A_65 = tpu.vector_load %arg12[%get3A_63, %get3A_64] {strides = array<i32>} : memref<2x128xf32, #tpu.memory_space<vmem>>, vector<16xf32>,
    %iota3A = tpu.iota {dimensions = array<i32: 0>} : vector<16xi32>
    %scan3A = arith.constant 0 : i32
    %scan3A_66 = arith.constant 0 : i32
    %scan3A_67 = arith.constant 16 : i32
    %scan3A_68 = arith.addi %scan3A_66, %scan3A_67 : i32
    %scan3A_69 = arith.constant 1 : i32
    scf.for %scan3A_71 = %scan3A_66 to %scan3A_68 step %scan3A_69  : i32 {
      %mul3A_72 = arith.constant 400 : i32
      %mul3A_73 = arith.muli %scan3A_71, %mul3A_72 : i32
      %add3A_74 = arith.addi %mul3A_2, %mul3A_73 : i32
      "tpu.region"() ({
        %run_scoped3A = tpu.sem_alloc : memref<!tpu.dma_semaphore, #tpu.memory_space<semaphore_mem>>
        %dma_start3A_143 = tpu.memref_slice %arg2[%add3A_74] : memref<204800xi32, #tpu.memory_space<hbm>> -> memref<400xi32, #tpu.memory_space<hbm>>
        %dma_start3A_144 = tpu.memref_slice %arg2[%add3A_74] : memref<204800xi32, #tpu.memory_space<hbm>> -> memref<400xi32, #tpu.memory_space<hbm>>
        tpu.enqueue_dma source(%dma_start3A_144 : memref<400xi32, #tpu.memory_space<hbm>>) target(%arg8 : memref<400xi32, #tpu.memory_space<vmem>>) target_semaphore(%run_scoped3A : memref<!tpu.dma_semaphore, #tpu.memory_space<semaphore_mem>>)
        %dma_wait3A_145 = tpu.memref_slice %arg2[%add3A_74] : memref<204800xi32, #tpu.memory_space<hbm>> -> memref<400xi32, #tpu.memory_space<hbm>>
        %dma_wait3A_146 = tpu.memref_slice %arg2[%add3A_74] : memref<204800xi32, #tpu.memory_space<hbm>> -> memref<400xi32, #tpu.memory_space<hbm>>
        tpu.wait_dma2 semaphore(%run_scoped3A : memref<!tpu.dma_semaphore, #tpu.memory_space<semaphore_mem>>) src(%dma_wait3A_146 : memref<400xi32, #tpu.memory_space<hbm>>) dst(%arg8 : memref<400xi32, #tpu.memory_space<vmem>>)
        tpu.yield
      }) : () -> ()
      "tpu.region"() ({
        %run_scoped3A = tpu.sem_alloc : memref<!tpu.dma_semaphore, #tpu.memory_space<semaphore_mem>>
        %dma_start3A_143 = tpu.memref_slice %arg3[%add3A_74] : memref<204800xi32, #tpu.memory_space<hbm>> -> memref<400xi32, #tpu.memory_space<hbm>>
        %dma_start3A_144 = tpu.memref_slice %arg3[%add3A_74] : memref<204800xi32, #tpu.memory_space<hbm>> -> memref<400xi32, #tpu.memory_space<hbm>>
        tpu.enqueue_dma source(%dma_start3A_144 : memref<400xi32, #tpu.memory_space<hbm>>) target(%arg9 : memref<400xi32, #tpu.memory_space<vmem>>) target_semaphore(%run_scoped3A : memref<!tpu.dma_semaphore, #tpu.memory_space<semaphore_mem>>)
        %dma_wait3A_145 = tpu.memref_slice %arg3[%add3A_74] : memref<204800xi32, #tpu.memory_space<hbm>> -> memref<400xi32, #tpu.memory_space<hbm>>
        %dma_wait3A_146 = tpu.memref_slice %arg3[%add3A_74] : memref<204800xi32, #tpu.memory_space<hbm>> -> memref<400xi32, #tpu.memory_space<hbm>>
        tpu.wait_dma2 semaphore(%run_scoped3A : memref<!tpu.dma_semaphore, #tpu.memory_space<semaphore_mem>>) src(%dma_wait3A_146 : memref<400xi32, #tpu.memory_space<hbm>>) dst(%arg9 : memref<400xi32, #tpu.memory_space<vmem>>)
        tpu.yield
      }) : () -> ()
      %dma_start3A = arith.constant 0 : i32
      %dma_start3A_75 = arith.constant 0 : i32
      %dma_start3A_76 = tpu.memref_slice %arg10[%dma_start3A, %dma_start3A_75] : memref<400x128xf32, #tpu.memory_space<vmem>> -> memref<128x128xf32, #tpu.memory_space<vmem>>
      %dma_start3A_77 = arith.constant 0 : i32
      %dma_start3A_78 = tpu.memref_slice %arg8[%dma_start3A_77] : memref<400xi32, #tpu.memory_space<vmem>> -> memref<128xi32, #tpu.memory_space<vmem>>
      %dma_start3A_79 = arith.constant 0 : i32
      %dma_start3A_80 = arith.constant 0 : i32
      %dma_start3A_81 = tpu.memref_slice %arg4[%dma_start3A_79, %dma_start3A_80] : memref<1000000x128xf32, #tpu.memory_space<hbm>> -> memref<1000000x128xf32, #tpu.memory_space<hbm>>
      tpu.enqueue_indirect_dma source(%dma_start3A_81 : memref<1000000x128xf32, #tpu.memory_space<hbm>>) target(%dma_start3A_76 : memref<128x128xf32, #tpu.memory_space<vmem>>) offsets(%dma_start3A_78 : memref<128xi32, #tpu.memory_space<vmem>>) semaphore(%arg13 : memref<!tpu.dma_semaphore, #tpu.memory_space<semaphore_mem>>)
      %dma_start3A_82 = arith.constant 128 : i32
      %dma_start3A_83 = arith.constant 0 : i32
      %dma_start3A_84 = tpu.memref_slice %arg10[%dma_start3A_82, %dma_start3A_83] : memref<400x128xf32, #tpu.memory_space<vmem>> -> memref<128x128xf32, #tpu.memory_space<vmem>>
      %dma_start3A_85 = arith.constant 128 : i32
      %dma_start3A_86 = tpu.memref_slice %arg8[%dma_start3A_85] : memref<400xi32, #tpu.memory_space<vmem>> -> memref<128xi32, #tpu.memory_space<vmem>>
      %dma_start3A_87 = arith.constant 0 : i32
      %dma_start3A_88 = arith.constant 0 : i32
      %dma_start3A_89 = tpu.memref_slice %arg4[%dma_start3A_87, %dma_start3A_88] : memref<1000000x128xf32, #tpu.memory_space<hbm>> -> memref<1000000x128xf32, #tpu.memory_space<hbm>>
      tpu.enqueue_indirect_dma source(%dma_start3A_89 : memref<1000000x128xf32, #tpu.memory_space<hbm>>) target(%dma_start3A_84 : memref<128x128xf32, #tpu.memory_space<vmem>>) offsets(%dma_start3A_86 : memref<128xi32, #tpu.memory_space<vmem>>) semaphore(%arg13 : memref<!tpu.dma_semaphore, #tpu.memory_space<semaphore_mem>>)
      %dma_start3A_90 = arith.constant 256 : i32
      %dma_start3A_91 = arith.constant 0 : i32
      %dma_start3A_92 = tpu.memref_slice %arg10[%dma_start3A_90, %dma_start3A_91] : memref<400x128xf32, #tpu.memory_space<vmem>> -> memref<128x128xf32, #tpu.memory_space<vmem>>
      %dma_start3A_93 = arith.constant 256 : i32
      %dma_start3A_94 = tpu.memref_slice %arg8[%dma_start3A_93] : memref<400xi32, #tpu.memory_space<vmem>> -> memref<128xi32, #tpu.memory_space<vmem>>
      %dma_start3A_95 = arith.constant 0 : i32
      %dma_start3A_96 = arith.constant 0 : i32
      %dma_start3A_97 = tpu.memref_slice %arg4[%dma_start3A_95, %dma_start3A_96] : memref<1000000x128xf32, #tpu.memory_space<hbm>> -> memref<1000000x128xf32, #tpu.memory_space<hbm>>
      tpu.enqueue_indirect_dma source(%dma_start3A_97 : memref<1000000x128xf32, #tpu.memory_space<hbm>>) target(%dma_start3A_92 : memref<128x128xf32, #tpu.memory_space<vmem>>) offsets(%dma_start3A_94 : memref<128xi32, #tpu.memory_space<vmem>>) semaphore(%arg13 : memref<!tpu.dma_semaphore, #tpu.memory_space<semaphore_mem>>)
      %dma_start3A_98 = arith.constant 384 : i32
      %dma_start3A_99 = arith.constant 0 : i32
      %dma_start3A_100 = tpu.memref_slice %arg10[%dma_start3A_98, %dma_start3A_99] : memref<400x128xf32, #tpu.memory_space<vmem>> -> memref<16x128xf32, #tpu.memory_space<vmem>>
      %dma_start3A_101 = arith.constant 384 : i32
      %dma_start3A_102 = tpu.memref_slice %arg8[%dma_start3A_101] : memref<400xi32, #tpu.memory_space<vmem>> -> memref<16xi32, #tpu.memory_space<vmem>>
      %dma_start3A_103 = arith.constant 0 : i32
      %dma_start3A_104 = arith.constant 0 : i32
      %dma_start3A_105 = tpu.memref_slice %arg4[%dma_start3A_103, %dma_start3A_104] : memref<1000000x128xf32, #tpu.memory_space<hbm>> -> memref<1000000x128xf32, #tpu.memory_space<hbm>>
      tpu.enqueue_indirect_dma source(%dma_start3A_105 : memref<1000000x128xf32, #tpu.memory_space<hbm>>) target(%dma_start3A_100 : memref<16x128xf32, #tpu.memory_space<vmem>>) offsets(%dma_start3A_102 : memref<16xi32, #tpu.memory_space<vmem>>) semaphore(%arg13 : memref<!tpu.dma_semaphore, #tpu.memory_space<semaphore_mem>>)
      %dma_wait3A = arith.constant 0 : i32
      %dma_wait3A_106 = arith.constant 0 : i32
      %dma_wait3A_107 = tpu.memref_slice %arg10[%dma_wait3A, %dma_wait3A_106] : memref<400x128xf32, #tpu.memory_space<vmem>> -> memref<128x128xf32, #tpu.memory_space<vmem>>
      %dma_wait3A_108 = arith.constant 0 : i32
      %dma_wait3A_109 = tpu.memref_slice %arg8[%dma_wait3A_108] : memref<400xi32, #tpu.memory_space<vmem>> -> memref<128xi32, #tpu.memory_space<vmem>>
      %dma_wait3A_110 = arith.constant 0 : i32
      %dma_wait3A_111 = arith.constant 0 : i32
      %dma_wait3A_112 = tpu.memref_slice %arg4[%dma_wait3A_110, %dma_wait3A_111] : memref<1000000x128xf32, #tpu.memory_space<hbm>> -> memref<1000000x128xf32, #tpu.memory_space<hbm>>
      tpu.wait_indirect_dma semaphore(%arg13 : memref<!tpu.dma_semaphore, #tpu.memory_space<semaphore_mem>>) src(%dma_wait3A_112 : memref<1000000x128xf32, #tpu.memory_space<hbm>>) dst(%dma_wait3A_107 : memref<128x128xf32, #tpu.memory_space<vmem>>)
      %dma_wait3A_113 = arith.constant 128 : i32
      %dma_wait3A_114 = arith.constant 0 : i32
      %dma_wait3A_115 = tpu.memref_slice %arg10[%dma_wait3A_113, %dma_wait3A_114] : memref<400x128xf32, #tpu.memory_space<vmem>> -> memref<128x128xf32, #tpu.memory_space<vmem>>
      %dma_wait3A_116 = arith.constant 128 : i32
      %dma_wait3A_117 = tpu.memref_slice %arg8[%dma_wait3A_116] : memref<400xi32, #tpu.memory_space<vmem>> -> memref<128xi32, #tpu.memory_space<vmem>>
      %dma_wait3A_118 = arith.constant 0 : i32
      %dma_wait3A_119 = arith.constant 0 : i32
      %dma_wait3A_120 = tpu.memref_slice %arg4[%dma_wait3A_118, %dma_wait3A_119] : memref<1000000x128xf32, #tpu.memory_space<hbm>> -> memref<1000000x128xf32, #tpu.memory_space<hbm>>
      tpu.wait_indirect_dma semaphore(%arg13 : memref<!tpu.dma_semaphore, #tpu.memory_space<semaphore_mem>>) src(%dma_wait3A_120 : memref<1000000x128xf32, #tpu.memory_space<hbm>>) dst(%dma_wait3A_115 : memref<128x128xf32, #tpu.memory_space<vmem>>)
      %dma_wait3A_121 = arith.constant 256 : i32
      %dma_wait3A_122 = arith.constant 0 : i32
      %dma_wait3A_123 = tpu.memref_slice %arg10[%dma_wait3A_121, %dma_wait3A_122] : memref<400x128xf32, #tpu.memory_space<vmem>> -> memref<128x128xf32, #tpu.memory_space<vmem>>
      %dma_wait3A_124 = arith.constant 256 : i32
      %dma_wait3A_125 = tpu.memref_slice %arg8[%dma_wait3A_124] : memref<400xi32, #tpu.memory_space<vmem>> -> memref<128xi32, #tpu.memory_space<vmem>>
      %dma_wait3A_126 = arith.constant 0 : i32
      %dma_wait3A_127 = arith.constant 0 : i32
      %dma_wait3A_128 = tpu.memref_slice %arg4[%dma_wait3A_126, %dma_wait3A_127] : memref<1000000x128xf32, #tpu.memory_space<hbm>> -> memref<1000000x128xf32, #tpu.memory_space<hbm>>
      tpu.wait_indirect_dma semaphore(%arg13 : memref<!tpu.dma_semaphore, #tpu.memory_space<semaphore_mem>>) src(%dma_wait3A_128 : memref<1000000x128xf32, #tpu.memory_space<hbm>>) dst(%dma_wait3A_123 : memref<128x128xf32, #tpu.memory_space<vmem>>)
      %dma_wait3A_129 = arith.constant 384 : i32
      %dma_wait3A_130 = arith.constant 0 : i32
      %dma_wait3A_131 = tpu.memref_slice %arg10[%dma_wait3A_129, %dma_wait3A_130] : memref<400x128xf32, #tpu.memory_space<vmem>> -> memref<16x128xf32, #tpu.memory_space<vmem>>
      %dma_wait3A_132 = arith.constant 384 : i32
      %dma_wait3A_133 = tpu.memref_slice %arg8[%dma_wait3A_132] : memref<400xi32, #tpu.memory_space<vmem>> -> memref<16xi32, #tpu.memory_space<vmem>>
      %dma_wait3A_134 = arith.constant 0 : i32
      %dma_wait3A_135 = arith.constant 0 : i32
      %dma_wait3A_136 = tpu.memref_slice %arg4[%dma_wait3A_134, %dma_wait3A_135] : memref<1000000x128xf32, #tpu.memory_space<hbm>> -> memref<1000000x128xf32, #tpu.memory_space<hbm>>
      tpu.wait_indirect_dma semaphore(%arg13 : memref<!tpu.dma_semaphore, #tpu.memory_space<semaphore_mem>>) src(%dma_wait3A_136 : memref<1000000x128xf32, #tpu.memory_space<hbm>>) dst(%dma_wait3A_131 : memref<16x128xf32, #tpu.memory_space<vmem>>)
      %scan3A_137 = arith.constant 0 : i32
      %scan3A_138 = arith.constant 0 : i32
      %scan3A_139 = arith.constant 25 : i32
      %scan3A_140 = arith.addi %scan3A_138, %scan3A_139 : i32
      %scan3A_141 = arith.constant 1 : i32
      scf.for %scan3A_143 = %scan3A_138 to %scan3A_140 step %scan3A_141  : i32 {
        %mul3A_144 = arith.constant 16 : i32
        %mul3A_145 = arith.muli %scan3A_143, %mul3A_144 : i32
        %add3A_146 = vector.broadcast %mul3A_145 : i32 to vector<16xi32>
        %add3A_147 = arith.addi %add3A_146, %iota3A : vector<16xi32>
        %mul3A_148 = arith.constant 16 : i32
        %mul3A_149 = arith.muli %scan3A_143, %mul3A_148 : i32
        %get3A_150 = arith.index_cast %mul3A_149 : i32 to index
        %get3A_151 = tpu.vector_load %arg9[%get3A_150] {strides = array<i32>} : memref<400xi32, #tpu.memory_space<vmem>>, vector<16xi32>,
        %jit3A = arith.constant 200 : i32
        %eq3A = arith.constant 0 : i32
        %eq3A_152 = arith.cmpi eq, %jit3A, %eq3A : i32
        %jit3A_153 = arith.constant 1 : i32
        %select_n3A = arith.select %eq3A_152, %jit3A_153, %jit3A : i32
        %rem3A = vector.broadcast %select_n3A : i32 to vector<16xi32>
        %rem3A_154 = arith.remsi %add3A_147, %rem3A : vector<16xi32>
        %ne3A = arith.constant 0 : i32
        %ne3A_155 = vector.broadcast %ne3A : i32 to vector<16xi32>
        %ne3A_156 = arith.cmpi ne, %rem3A_154, %ne3A_155 : vector<16xi32>
        %lt3A = arith.constant 0 : i32
        %lt3A_157 = vector.broadcast %lt3A : i32 to vector<16xi32>
        %lt3A_158 = arith.cmpi slt, %rem3A_154, %lt3A_157 : vector<16xi32>
        %lt3A_159 = arith.constant 0 : i32
        %lt3A_160 = arith.cmpi slt, %select_n3A, %lt3A_159 : i32
        %ne3A_161 = vector.broadcast %lt3A_160 : i1 to vector<16xi1>
        %ne3A_162 = vector.broadcast %ne3A_161 : vector<16xi1> to vector<16xi1>
        %ne3A_163 = arith.xori %lt3A_158, %ne3A_162 : vector<16xi1>
        %and3A = arith.andi %ne3A_163, %ne3A_156 : vector<16xi1>
        %add3A_164 = vector.broadcast %select_n3A : i32 to vector<16xi32>
        %add3A_165 = arith.addi %rem3A_154, %add3A_164 : vector<16xi32>
        %select_n3A_166 = arith.select %and3A, %add3A_165, %rem3A_154 : vector<16xi1>, vector<16xi32>
        %mul3A_167 = arith.constant 2 : i32
        %mul3A_168 = vector.broadcast %mul3A_167 : i32 to vector<16xi32>
        %mul3A_169 = arith.muli %select_n3A_166, %mul3A_168 : vector<16xi32>
        %add3A_170 = arith.addi %mul3A_169, %get3A_151 : vector<16xi32>
        %broadcast_in_dim3A = arith.constant 0.000000e+00 : f32
        %broadcast_in_dim3A_171 = vector.broadcast %broadcast_in_dim3A : f32 to vector<16xf32>
        %broadcast_in_dim3A_172 = arith.constant 0.000000e+00 : f32
        %broadcast_in_dim3A_173 = vector.broadcast %broadcast_in_dim3A_172 : f32 to vector<16xf32>
        %broadcast_in_dim3A_174 = arith.constant 0 : i32
        %broadcast_in_dim3A_175 = vector.broadcast %broadcast_in_dim3A_174 : i32 to vector<16xi32>
        %gather3A = tpu.vector_load_idx %arg10[%add3A_147, %broadcast_in_dim3A_175] : memref<400x128xf32, #tpu.memory_space<vmem>>[vector<16xi32>, vector<16xi32>], vector<16xf32>,
        %gather3A_176 = tpu.vector_load_idx %arg11[%add3A_170, %broadcast_in_dim3A_175] : memref<400x128xf32, #tpu.memory_space<vmem>>[vector<16xi32>, vector<16xi32>], vector<16xf32>,
        %add3A_177 = arith.addf %gather3A, %gather3A_176 : vector<16xf32>
        tpu.vector_store_idx %arg10[%add3A_147, %broadcast_in_dim3A_175], %add3A_177 : memref<400x128xf32, #tpu.memory_space<vmem>>[vector<16xi32>, vector<16xi32>], vector<16xf32>,
        %add3A_178 = arith.addf %broadcast_in_dim3A_171, %add3A_177 : vector<16xf32>
        %mul3A_179 = arith.mulf %add3A_177, %add3A_177 : vector<16xf32>
        %add3A_180 = arith.addf %broadcast_in_dim3A_173, %mul3A_179 : vector<16xf32>
        %broadcast_in_dim3A_181 = arith.constant 1 : i32
        %broadcast_in_dim3A_182 = vector.broadcast %broadcast_in_dim3A_181 : i32 to vector<16xi32>
        %gather3A_183 = tpu.vector_load_idx %arg10[%add3A_147, %broadcast_in_dim3A_182] : memref<400x128xf32, #tpu.memory_space<vmem>>[vector<16xi32>, vector<16xi32>], vector<16xf32>,
        %gather3A_184 = tpu.vector_load_idx %arg11[%add3A_170, %broadcast_in_dim3A_182] : memref<400x128xf32, #tpu.memory_space<vmem>>[vector<16xi32>, vector<16xi32>], vector<16xf32>,
        %add3A_185 = arith.addf %gather3A_183, %gather3A_184 : vector<16xf32>
        tpu.vector_store_idx %arg10[%add3A_147, %broadcast_in_dim3A_182], %add3A_185 : memref<400x128xf32, #tpu.memory_space<vmem>>[vector<16xi32>, vector<16xi32>], vector<16xf32>,
        %add3A_186 = arith.addf %add3A_178, %add3A_185 : vector<16xf32>
        %mul3A_187 = arith.mulf %add3A_185, %add3A_185 : vector<16xf32>
        %add3A_188 = arith.addf %add3A_180, %mul3A_187 : vector<16xf32>
        %broadcast_in_dim3A_189 = arith.constant 2 : i32
        %broadcast_in_dim3A_190 = vector.broadcast %broadcast_in_dim3A_189 : i32 to vector<16xi32>
        %gather3A_191 = tpu.vector_load_idx %arg10[%add3A_147, %broadcast_in_dim3A_190] : memref<400x128xf32, #tpu.memory_space<vmem>>[vector<16xi32>, vector<16xi32>], vector<16xf32>,
        %gather3A_192 = tpu.vector_load_idx %arg11[%add3A_170, %broadcast_in_dim3A_190] : memref<400x128xf32, #tpu.memory_space<vmem>>[vector<16xi32>, vector<16xi32>], vector<16xf32>,
        %add3A_193 = arith.addf %gather3A_191, %gather3A_192 : vector<16xf32>
        tpu.vector_store_idx %arg10[%add3A_147, %broadcast_in_dim3A_190], %add3A_193 : memref<400x128xf32, #tpu.memory_space<vmem>>[vector<16xi32>, vector<16xi32>], vector<16xf32>,
        %add3A_194 = arith.addf %add3A_186, %add3A_193 : vector<16xf32>
        %mul3A_195 = arith.mulf %add3A_193, %add3A_193 : vector<16xf32>
        %add3A_196 = arith.addf %add3A_188, %mul3A_195 : vector<16xf32>
        %broadcast_in_dim3A_197 = arith.constant 3 : i32
        %broadcast_in_dim3A_198 = vector.broadcast %broadcast_in_dim3A_197 : i32 to vector<16xi32>
        %gather3A_199 = tpu.vector_load_idx %arg10[%add3A_147, %broadcast_in_dim3A_198] : memref<400x128xf32, #tpu.memory_space<vmem>>[vector<16xi32>, vector<16xi32>], vector<16xf32>,
        %gather3A_200 = tpu.vector_load_idx %arg11[%add3A_170, %broadcast_in_dim3A_198] : memref<400x128xf32, #tpu.memory_space<vmem>>[vector<16xi32>, vector<16xi32>], vector<16xf32>,
        %add3A_201 = arith.addf %gather3A_199, %gather3A_200 : vector<16xf32>
        tpu.vector_store_idx %arg10[%add3A_147, %broadcast_in_dim3A_198], %add3A_201 : memref<400x128xf32, #tpu.memory_space<vmem>>[vector<16xi32>, vector<16xi32>], vector<16xf32>,
        %add3A_202 = arith.addf %add3A_194, %add3A_201 : vector<16xf32>
        %mul3A_203 = arith.mulf %add3A_201, %add3A_201 : vector<16xf32>
        %add3A_204 = arith.addf %add3A_196, %mul3A_203 : vector<16xf32>
        %broadcast_in_dim3A_205 = arith.constant 4 : i32
        %broadcast_in_dim3A_206 = vector.broadcast %broadcast_in_dim3A_205 : i32 to vector<16xi32>
        %gather3A_207 = tpu.vector_load_idx %arg10[%add3A_147, %broadcast_in_dim3A_206] : memref<400x128xf32, #tpu.memory_space<vmem>>[vector<16xi32>, vector<16xi32>], vector<16xf32>,
        %gather3A_208 = tpu.vector_load_idx %arg11[%add3A_170, %broadcast_in_dim3A_206] : memref<400x128xf32, #tpu.memory_space<vmem>>[vector<16xi32>, vector<16xi32>], vector<16xf32>,
        %add3A_209 = arith.addf %gather3A_207, %gather3A_208 : vector<16xf32>
        tpu.vector_store_idx %arg10[%add3A_147, %broadcast_in_dim3A_206], %add3A_209 : memref<400x128xf32, #tpu.memory_space<vmem>>[vector<16xi32>, vector<16xi32>], vector<16xf32>,
        %add3A_210 = arith.addf %add3A_202, %add3A_209 : vector<16xf32>
        %mul3A_211 = arith.mulf %add3A_209, %add3A_209 : vector<16xf32>
        %add3A_212 = arith.addf %add3A_204, %mul3A_211 : vector<16xf32>
        %broadcast_in_dim3A_213 = arith.constant 5 : i32
        %broadcast_in_dim3A_214 = vector.broadcast %broadcast_in_dim3A_213 : i32 to vector<16xi32>
        %gather3A_215 = tpu.vector_load_idx %arg10[%add3A_147, %broadcast_in_dim3A_214] : memref<400x128xf32, #tpu.memory_space<vmem>>[vector<16xi32>, vector<16xi32>], vector<16xf32>,
        %gather3A_216 = tpu.vector_load_idx %arg11[%add3A_170, %broadcast_in_dim3A_214] : memref<400x128xf32, #tpu.memory_space<vmem>>[vector<16xi32>, vector<16xi32>], vector<16xf32>,
        %add3A_217 = arith.addf %gather3A_215, %gather3A_216 : vector<16xf32>
        tpu.vector_store_idx %arg10[%add3A_147, %broadcast_in_dim3A_214], %add3A_217 : memref<400x128xf32, #tpu.memory_space<vmem>>[vector<16xi32>, vector<16xi32>], vector<16xf32>,
        %add3A_218 = arith.addf %add3A_210, %add3A_217 : vector<16xf32>
        %mul3A_219 = arith.mulf %add3A_217, %add3A_217 : vector<16xf32>
        %add3A_220 = arith.addf %add3A_212, %mul3A_219 : vector<16xf32>
        %broadcast_in_dim3A_221 = arith.constant 6 : i32
        %broadcast_in_dim3A_222 = vector.broadcast %broadcast_in_dim3A_221 : i32 to vector<16xi32>
        %gather3A_223 = tpu.vector_load_idx %arg10[%add3A_147, %broadcast_in_dim3A_222] : memref<400x128xf32, #tpu.memory_space<vmem>>[vector<16xi32>, vector<16xi32>], vector<16xf32>,
        %gather3A_224 = tpu.vector_load_idx %arg11[%add3A_170, %broadcast_in_dim3A_222] : memref<400x128xf32, #tpu.memory_space<vmem>>[vector<16xi32>, vector<16xi32>], vector<16xf32>,
        %add3A_225 = arith.addf %gather3A_223, %gather3A_224 : vector<16xf32>
        tpu.vector_store_idx %arg10[%add3A_147, %broadcast_in_dim3A_222], %add3A_225 : memref<400x128xf32, #tpu.memory_space<vmem>>[vector<16xi32>, vector<16xi32>], vector<16xf32>,
        %add3A_226 = arith.addf %add3A_218, %add3A_225 : vector<16xf32>
        %mul3A_227 = arith.mulf %add3A_225, %add3A_225 : vector<16xf32>
        %add3A_228 = arith.addf %add3A_220, %mul3A_227 : vector<16xf32>
        %broadcast_in_dim3A_229 = arith.constant 7 : i32
        %broadcast_in_dim3A_230 = vector.broadcast %broadcast_in_dim3A_229 : i32 to vector<16xi32>
        %gather3A_231 = tpu.vector_load_idx %arg10[%add3A_147, %broadcast_in_dim3A_230] : memref<400x128xf32, #tpu.memory_space<vmem>>[vector<16xi32>, vector<16xi32>], vector<16xf32>,
        %gather3A_232 = tpu.vector_load_idx %arg11[%add3A_170, %broadcast_in_dim3A_230] : memref<400x128xf32, #tpu.memory_space<vmem>>[vector<16xi32>, vector<16xi32>], vector<16xf32>,
        %add3A_233 = arith.addf %gather3A_231, %gather3A_232 : vector<16xf32>
        tpu.vector_store_idx %arg10[%add3A_147, %broadcast_in_dim3A_230], %add3A_233 : memref<400x128xf32, #tpu.memory_space<vmem>>[vector<16xi32>, vector<16xi32>], vector<16xf32>,
        %add3A_234 = arith.addf %add3A_226, %add3A_233 : vector<16xf32>
        %mul3A_235 = arith.mulf %add3A_233, %add3A_233 : vector<16xf32>
        %add3A_236 = arith.addf %add3A_228, %mul3A_235 : vector<16xf32>
        %broadcast_in_dim3A_237 = arith.constant 8 : i32
        %broadcast_in_dim3A_238 = vector.broadcast %broadcast_in_dim3A_237 : i32 to vector<16xi32>
        %gather3A_239 = tpu.vector_load_idx %arg10[%add3A_147, %broadcast_in_dim3A_238] : memref<400x128xf32, #tpu.memory_space<vmem>>[vector<16xi32>, vector<16xi32>], vector<16xf32>,
        %gather3A_240 = tpu.vector_load_idx %arg11[%add3A_170, %broadcast_in_dim3A_238] : memref<400x128xf32, #tpu.memory_space<vmem>>[vector<16xi32>, vector<16xi32>], vector<16xf32>,
        %add3A_241 = arith.addf %gather3A_239, %gather3A_240 : vector<16xf32>
        tpu.vector_store_idx %arg10[%add3A_147, %broadcast_in_dim3A_238], %add3A_241 : memref<400x128xf32, #tpu.memory_space<vmem>>[vector<16xi32>, vector<16xi32>], vector<16xf32>,
        %add3A_242 = arith.addf %add3A_234, %add3A_241 : vector<16xf32>
        %mul3A_243 = arith.mulf %add3A_241, %add3A_241 : vector<16xf32>
        %add3A_244 = arith.addf %add3A_236, %mul3A_243 : vector<16xf32>
        %broadcast_in_dim3A_245 = arith.constant 9 : i32
        %broadcast_in_dim3A_246 = vector.broadcast %broadcast_in_dim3A_245 : i32 to vector<16xi32>
        %gather3A_247 = tpu.vector_load_idx %arg10[%add3A_147, %broadcast_in_dim3A_246] : memref<400x128xf32, #tpu.memory_space<vmem>>[vector<16xi32>, vector<16xi32>], vector<16xf32>,
        %gather3A_248 = tpu.vector_load_idx %arg11[%add3A_170, %broadcast_in_dim3A_246] : memref<400x128xf32, #tpu.memory_space<vmem>>[vector<16xi32>, vector<16xi32>], vector<16xf32>,
        %add3A_249 = arith.addf %gather3A_247, %gather3A_248 : vector<16xf32>
        tpu.vector_store_idx %arg10[%add3A_147, %broadcast_in_dim3A_246], %add3A_249 : memref<400x128xf32, #tpu.memory_space<vmem>>[vector<16xi32>, vector<16xi32>], vector<16xf32>,
        %add3A_250 = arith.addf %add3A_242, %add3A_249 : vector<16xf32>
        %mul3A_251 = arith.mulf %add3A_249, %add3A_249 : vector<16xf32>
        %add3A_252 = arith.addf %add3A_244, %mul3A_251 : vector<16xf32>
        %broadcast_in_dim3A_253 = arith.constant 10 : i32
        %broadcast_in_dim3A_254 = vector.broadcast %broadcast_in_dim3A_253 : i32 to vector<16xi32>
        %gather3A_255 = tpu.vector_load_idx %arg10[%add3A_147, %broadcast_in_dim3A_254] : memref<400x128xf32, #tpu.memory_space<vmem>>[vector<16xi32>, vector<16xi32>], vector<16xf32>,
        %gather3A_256 = tpu.vector_load_idx %arg11[%add3A_170, %broadcast_in_dim3A_254] : memref<400x128xf32, #tpu.memory_space<vmem>>[vector<16xi32>, vector<16xi32>], vector<16xf32>,
        %add3A_257 = arith.addf %gather3A_255, %gather3A_256 : vector<16xf32>
        tpu.vector_store_idx %arg10[%add3A_147, %broadcast_in_dim3A_254], %add3A_257 : memref<400x128xf32, #tpu.memory_space<vmem>>[vector<16xi32>, vector<16xi32>], vector<16xf32>,
        %add3A_258 = arith.addf %add3A_250, %add3A_257 : vector<16xf32>
        %mul3A_259 = arith.mulf %add3A_257, %add3A_257 : vector<16xf32>
        %add3A_260 = arith.addf %add3A_252, %mul3A_259 : vector<16xf32>
        %broadcast_in_dim3A_261 = arith.constant 11 : i32
        %broadcast_in_dim3A_262 = vector.broadcast %broadcast_in_dim3A_261 : i32 to vector<16xi32>
        %gather3A_263 = tpu.vector_load_idx %arg10[%add3A_147, %broadcast_in_dim3A_262] : memref<400x128xf32, #tpu.memory_space<vmem>>[vector<16xi32>, vector<16xi32>], vector<16xf32>,
        %gather3A_264 = tpu.vector_load_idx %arg11[%add3A_170, %broadcast_in_dim3A_262] : memref<400x128xf32, #tpu.memory_space<vmem>>[vector<16xi32>, vector<16xi32>], vector<16xf32>,
        %add3A_265 = arith.addf %gather3A_263, %gather3A_264 : vector<16xf32>
        tpu.vector_store_idx %arg10[%add3A_147, %broadcast_in_dim3A_262], %add3A_265 : memref<400x128xf32, #tpu.memory_space<vmem>>[vector<16xi32>, vector<16xi32>], vector<16xf32>,
        %add3A_266 = arith.addf %add3A_258, %add3A_265 : vector<16xf32>
        %mul3A_267 = arith.mulf %add3A_265, %add3A_265 : vector<16xf32>
        %add3A_268 = arith.addf %add3A_260, %mul3A_267 : vector<16xf32>
        %broadcast_in_dim3A_269 = arith.constant 12 : i32
        %broadcast_in_dim3A_270 = vector.broadcast %broadcast_in_dim3A_269 : i32 to vector<16xi32>
        %gather3A_271 = tpu.vector_load_idx %arg10[%add3A_147, %broadcast_in_dim3A_270] : memref<400x128xf32, #tpu.memory_space<vmem>>[vector<16xi32>, vector<16xi32>], vector<16xf32>,
        %gather3A_272 = tpu.vector_load_idx %arg11[%add3A_170, %broadcast_in_dim3A_270] : memref<400x128xf32, #tpu.memory_space<vmem>>[vector<16xi32>, vector<16xi32>], vector<16xf32>,
        %add3A_273 = arith.addf %gather3A_271, %gather3A_272 : vector<16xf32>
        tpu.vector_store_idx %arg10[%add3A_147, %broadcast_in_dim3A_270], %add3A_273 : memref<400x128xf32, #tpu.memory_space<vmem>>[vector<16xi32>, vector<16xi32>], vector<16xf32>,
        %add3A_274 = arith.addf %add3A_266, %add3A_273 : vector<16xf32>
        %mul3A_275 = arith.mulf %add3A_273, %add3A_273 : vector<16xf32>
        %add3A_276 = arith.addf %add3A_268, %mul3A_275 : vector<16xf32>
        %broadcast_in_dim3A_277 = arith.constant 13 : i32
        %broadcast_in_dim3A_278 = vector.broadcast %broadcast_in_dim3A_277 : i32 to vector<16xi32>
        %gather3A_279 = tpu.vector_load_idx %arg10[%add3A_147, %broadcast_in_dim3A_278] : memref<400x128xf32, #tpu.memory_space<vmem>>[vector<16xi32>, vector<16xi32>], vector<16xf32>,
        %gather3A_280 = tpu.vector_load_idx %arg11[%add3A_170, %broadcast_in_dim3A_278] : memref<400x128xf32, #tpu.memory_space<vmem>>[vector<16xi32>, vector<16xi32>], vector<16xf32>,
        %add3A_281 = arith.addf %gather3A_279, %gather3A_280 : vector<16xf32>
        tpu.vector_store_idx %arg10[%add3A_147, %broadcast_in_dim3A_278], %add3A_281 : memref<400x128xf32, #tpu.memory_space<vmem>>[vector<16xi32>, vector<16xi32>], vector<16xf32>,
        %add3A_282 = arith.addf %add3A_274, %add3A_281 : vector<16xf32>
        %mul3A_283 = arith.mulf %add3A_281, %add3A_281 : vector<16xf32>
        %add3A_284 = arith.addf %add3A_276, %mul3A_283 : vector<16xf32>
        %broadcast_in_dim3A_285 = arith.constant 14 : i32
        %broadcast_in_dim3A_286 = vector.broadcast %broadcast_in_dim3A_285 : i32 to vector<16xi32>
        %gather3A_287 = tpu.vector_load_idx %arg10[%add3A_147, %broadcast_in_dim3A_286] : memref<400x128xf32, #tpu.memory_space<vmem>>[vector<16xi32>, vector<16xi32>], vector<16xf32>,
        %gather3A_288 = tpu.vector_load_idx %arg11[%add3A_170, %broadcast_in_dim3A_286] : memref<400x128xf32, #tpu.memory_space<vmem>>[vector<16xi32>, vector<16xi32>], vector<16xf32>,
        %add3A_289 = arith.addf %gather3A_287, %gather3A_288 : vector<16xf32>
        tpu.vector_store_idx %arg10[%add3A_147, %broadcast_in_dim3A_286], %add3A_289 : memref<400x128xf32, #tpu.memory_space<vmem>>[vector<16xi32>, vector<16xi32>], vector<16xf32>,
        %add3A_290 = arith.addf %add3A_282, %add3A_289 : vector<16xf32>
        %mul3A_291 = arith.mulf %add3A_289, %add3A_289 : vector<16xf32>
        %add3A_292 = arith.addf %add3A_284, %mul3A_291 : vector<16xf32>
        %broadcast_in_dim3A_293 = arith.constant 15 : i32
        %broadcast_in_dim3A_294 = vector.broadcast %broadcast_in_dim3A_293 : i32 to vector<16xi32>
        %gather3A_295 = tpu.vector_load_idx %arg10[%add3A_147, %broadcast_in_dim3A_294] : memref<400x128xf32, #tpu.memory_space<vmem>>[vector<16xi32>, vector<16xi32>], vector<16xf32>,
        %gather3A_296 = tpu.vector_load_idx %arg11[%add3A_170, %broadcast_in_dim3A_294] : memref<400x128xf32, #tpu.memory_space<vmem>>[vector<16xi32>, vector<16xi32>], vector<16xf32>,
        %add3A_297 = arith.addf %gather3A_295, %gather3A_296 : vector<16xf32>
        tpu.vector_store_idx %arg10[%add3A_147, %broadcast_in_dim3A_294], %add3A_297 : memref<400x128xf32, #tpu.memory_space<vmem>>[vector<16xi32>, vector<16xi32>], vector<16xf32>,
        %add3A_298 = arith.addf %add3A_290, %add3A_297 : vector<16xf32>
        %mul3A_299 = arith.mulf %add3A_297, %add3A_297 : vector<16xf32>
        %add3A_300 = arith.addf %add3A_292, %mul3A_299 : vector<16xf32>
        %broadcast_in_dim3A_301 = arith.constant 16 : i32
        %broadcast_in_dim3A_302 = vector.broadcast %broadcast_in_dim3A_301 : i32 to vector<16xi32>
        %gather3A_303 = tpu.vector_load_idx %arg10[%add3A_147, %broadcast_in_dim3A_302] : memref<400x128xf32, #tpu.memory_space<vmem>>[vector<16xi32>, vector<16xi32>], vector<16xf32>,
        %gather3A_304 = tpu.vector_load_idx %arg11[%add3A_170, %broadcast_in_dim3A_302] : memref<400x128xf32, #tpu.memory_space<vmem>>[vector<16xi32>, vector<16xi32>], vector<16xf32>,
        %add3A_305 = arith.addf %gather3A_303, %gather3A_304 : vector<16xf32>
        tpu.vector_store_idx %arg10[%add3A_147, %broadcast_in_dim3A_302], %add3A_305 : memref<400x128xf32, #tpu.memory_space<vmem>>[vector<16xi32>, vector<16xi32>], vector<16xf32>,
        %add3A_306 = arith.addf %add3A_298, %add3A_305 : vector<16xf32>
        %mul3A_307 = arith.mulf %add3A_305, %add3A_305 : vector<16xf32>
        %add3A_308 = arith.addf %add3A_300, %mul3A_307 : vector<16xf32>
        %broadcast_in_dim3A_309 = arith.constant 17 : i32
        %broadcast_in_dim3A_310 = vector.broadcast %broadcast_in_dim3A_309 : i32 to vector<16xi32>
        %gather3A_311 = tpu.vector_load_idx %arg10[%add3A_147, %broadcast_in_dim3A_310] : memref<400x128xf32, #tpu.memory_space<vmem>>[vector<16xi32>, vector<16xi32>], vector<16xf32>,
        %gather3A_312 = tpu.vector_load_idx %arg11[%add3A_170, %broadcast_in_dim3A_310] : memref<400x128xf32, #tpu.memory_space<vmem>>[vector<16xi32>, vector<16xi32>], vector<16xf32>,
        %add3A_313 = arith.addf %gather3A_311, %gather3A_312 : vector<16xf32>
        tpu.vector_store_idx %arg10[%add3A_147, %broadcast_in_dim3A_310], %add3A_313 : memref<400x128xf32, #tpu.memory_space<vmem>>[vector<16xi32>, vector<16xi32>], vector<16xf32>,
        %add3A_314 = arith.addf %add3A_306, %add3A_313 : vector<16xf32>
        %mul3A_315 = arith.mulf %add3A_313, %add3A_313 : vector<16xf32>
        %add3A_316 = arith.addf %add3A_308, %mul3A_315 : vector<16xf32>
        %broadcast_in_dim3A_317 = arith.constant 18 : i32
        %broadcast_in_dim3A_318 = vector.broadcast %broadcast_in_dim3A_317 : i32 to vector<16xi32>
        %gather3A_319 = tpu.vector_load_idx %arg10[%add3A_147, %broadcast_in_dim3A_318] : memref<400x128xf32, #tpu.memory_space<vmem>>[vector<16xi32>, vector<16xi32>], vector<16xf32>,
        %gather3A_320 = tpu.vector_load_idx %arg11[%add3A_170, %broadcast_in_dim3A_318] : memref<400x128xf32, #tpu.memory_space<vmem>>[vector<16xi32>, vector<16xi32>], vector<16xf32>,
        %add3A_321 = arith.addf %gather3A_319, %gather3A_320 : vector<16xf32>
        tpu.vector_store_idx %arg10[%add3A_147, %broadcast_in_dim3A_318], %add3A_321 : memref<400x128xf32, #tpu.memory_space<vmem>>[vector<16xi32>, vector<16xi32>], vector<16xf32>,
        %add3A_322 = arith.addf %add3A_314, %add3A_321 : vector<16xf32>
        %mul3A_323 = arith.mulf %add3A_321, %add3A_321 : vector<16xf32>
        %add3A_324 = arith.addf %add3A_316, %mul3A_323 : vector<16xf32>
        %broadcast_in_dim3A_325 = arith.constant 19 : i32
        %broadcast_in_dim3A_326 = vector.broadcast %broadcast_in_dim3A_325 : i32 to vector<16xi32>
        %gather3A_327 = tpu.vector_load_idx %arg10[%add3A_147, %broadcast_in_dim3A_326] : memref<400x128xf32, #tpu.memory_space<vmem>>[vector<16xi32>, vector<16xi32>], vector<16xf32>,
        %gather3A_328 = tpu.vector_load_idx %arg11[%add3A_170, %broadcast_in_dim3A_326] : memref<400x128xf32, #tpu.memory_space<vmem>>[vector<16xi32>, vector<16xi32>], vector<16xf32>,
        %add3A_329 = arith.addf %gather3A_327, %gather3A_328 : vector<16xf32>
        tpu.vector_store_idx %arg10[%add3A_147, %broadcast_in_dim3A_326], %add3A_329 : memref<400x128xf32, #tpu.memory_space<vmem>>[vector<16xi32>, vector<16xi32>], vector<16xf32>,
        %add3A_330 = arith.addf %add3A_322, %add3A_329 : vector<16xf32>
        %mul3A_331 = arith.mulf %add3A_329, %add3A_329 : vector<16xf32>
        %add3A_332 = arith.addf %add3A_324, %mul3A_331 : vector<16xf32>
        %broadcast_in_dim3A_333 = arith.constant 20 : i32
        %broadcast_in_dim3A_334 = vector.broadcast %broadcast_in_dim3A_333 : i32 to vector<16xi32>
        %gather3A_335 = tpu.vector_load_idx %arg10[%add3A_147, %broadcast_in_dim3A_334] : memref<400x128xf32, #tpu.memory_space<vmem>>[vector<16xi32>, vector<16xi32>], vector<16xf32>,
        %gather3A_336 = tpu.vector_load_idx %arg11[%add3A_170, %broadcast_in_dim3A_334] : memref<400x128xf32, #tpu.memory_space<vmem>>[vector<16xi32>, vector<16xi32>], vector<16xf32>,
        %add3A_337 = arith.addf %gather3A_335, %gather3A_336 : vector<16xf32>
        tpu.vector_store_idx %arg10[%add3A_147, %broadcast_in_dim3A_334], %add3A_337 : memref<400x128xf32, #tpu.memory_space<vmem>>[vector<16xi32>, vector<16xi32>], vector<16xf32>,
        %add3A_338 = arith.addf %add3A_330, %add3A_337 : vector<16xf32>
        %mul3A_339 = arith.mulf %add3A_337, %add3A_337 : vector<16xf32>
        %add3A_340 = arith.addf %add3A_332, %mul3A_339 : vector<16xf32>
        %broadcast_in_dim3A_341 = arith.constant 21 : i32
        %broadcast_in_dim3A_342 = vector.broadcast %broadcast_in_dim3A_341 : i32 to vector<16xi32>
        %gather3A_343 = tpu.vector_load_idx %arg10[%add3A_147, %broadcast_in_dim3A_342] : memref<400x128xf32, #tpu.memory_space<vmem>>[vector<16xi32>, vector<16xi32>], vector<16xf32>,
        %gather3A_344 = tpu.vector_load_idx %arg11[%add3A_170, %broadcast_in_dim3A_342] : memref<400x128xf32, #tpu.memory_space<vmem>>[vector<16xi32>, vector<16xi32>], vector<16xf32>,
        %add3A_345 = arith.addf %gather3A_343, %gather3A_344 : vector<16xf32>
        tpu.vector_store_idx %arg10[%add3A_147, %broadcast_in_dim3A_342], %add3A_345 : memref<400x128xf32, #tpu.memory_space<vmem>>[vector<16xi32>, vector<16xi32>], vector<16xf32>,
        %add3A_346 = arith.addf %add3A_338, %add3A_345 : vector<16xf32>
        %mul3A_347 = arith.mulf %add3A_345, %add3A_345 : vector<16xf32>
        %add3A_348 = arith.addf %add3A_340, %mul3A_347 : vector<16xf32>
        %broadcast_in_dim3A_349 = arith.constant 22 : i32
        %broadcast_in_dim3A_350 = vector.broadcast %broadcast_in_dim3A_349 : i32 to vector<16xi32>
        %gather3A_351 = tpu.vector_load_idx %arg10[%add3A_147, %broadcast_in_dim3A_350] : memref<400x128xf32, #tpu.memory_space<vmem>>[vector<16xi32>, vector<16xi32>], vector<16xf32>,
        %gather3A_352 = tpu.vector_load_idx %arg11[%add3A_170, %broadcast_in_dim3A_350] : memref<400x128xf32, #tpu.memory_space<vmem>>[vector<16xi32>, vector<16xi32>], vector<16xf32>,
        %add3A_353 = arith.addf %gather3A_351, %gather3A_352 : vector<16xf32>
        tpu.vector_store_idx %arg10[%add3A_147, %broadcast_in_dim3A_350], %add3A_353 : memref<400x128xf32, #tpu.memory_space<vmem>>[vector<16xi32>, vector<16xi32>], vector<16xf32>,
        %add3A_354 = arith.addf %add3A_346, %add3A_353 : vector<16xf32>
        %mul3A_355 = arith.mulf %add3A_353, %add3A_353 : vector<16xf32>
        %add3A_356 = arith.addf %add3A_348, %mul3A_355 : vector<16xf32>
        %broadcast_in_dim3A_357 = arith.constant 23 : i32
        %broadcast_in_dim3A_358 = vector.broadcast %broadcast_in_dim3A_357 : i32 to vector<16xi32>
        %gather3A_359 = tpu.vector_load_idx %arg10[%add3A_147, %broadcast_in_dim3A_358] : memref<400x128xf32, #tpu.memory_space<vmem>>[vector<16xi32>, vector<16xi32>], vector<16xf32>,
        %gather3A_360 = tpu.vector_load_idx %arg11[%add3A_170, %broadcast_in_dim3A_358] : memref<400x128xf32, #tpu.memory_space<vmem>>[vector<16xi32>, vector<16xi32>], vector<16xf32>,
        %add3A_361 = arith.addf %gather3A_359, %gather3A_360 : vector<16xf32>
        tpu.vector_store_idx %arg10[%add3A_147, %broadcast_in_dim3A_358], %add3A_361 : memref<400x128xf32, #tpu.memory_space<vmem>>[vector<16xi32>, vector<16xi32>], vector<16xf32>,
        %add3A_362 = arith.addf %add3A_354, %add3A_361 : vector<16xf32>
        %mul3A_363 = arith.mulf %add3A_361, %add3A_361 : vector<16xf32>
        %add3A_364 = arith.addf %add3A_356, %mul3A_363 : vector<16xf32>
        %broadcast_in_dim3A_365 = arith.constant 24 : i32
        %broadcast_in_dim3A_366 = vector.broadcast %broadcast_in_dim3A_365 : i32 to vector<16xi32>
        %gather3A_367 = tpu.vector_load_idx %arg10[%add3A_147, %broadcast_in_dim3A_366] : memref<400x128xf32, #tpu.memory_space<vmem>>[vector<16xi32>, vector<16xi32>], vector<16xf32>,
        %gather3A_368 = tpu.vector_load_idx %arg11[%add3A_170, %broadcast_in_dim3A_366] : memref<400x128xf32, #tpu.memory_space<vmem>>[vector<16xi32>, vector<16xi32>], vector<16xf32>,
        %add3A_369 = arith.addf %gather3A_367, %gather3A_368 : vector<16xf32>
        tpu.vector_store_idx %arg10[%add3A_147, %broadcast_in_dim3A_366], %add3A_369 : memref<400x128xf32, #tpu.memory_space<vmem>>[vector<16xi32>, vector<16xi32>], vector<16xf32>,
        %add3A_370 = arith.addf %add3A_362, %add3A_369 : vector<16xf32>
        %mul3A_371 = arith.mulf %add3A_369, %add3A_369 : vector<16xf32>
        %add3A_372 = arith.addf %add3A_364, %mul3A_371 : vector<16xf32>
        %broadcast_in_dim3A_373 = arith.constant 25 : i32
        %broadcast_in_dim3A_374 = vector.broadcast %broadcast_in_dim3A_373 : i32 to vector<16xi32>
        %gather3A_375 = tpu.vector_load_idx %arg10[%add3A_147, %broadcast_in_dim3A_374] : memref<400x128xf32, #tpu.memory_space<vmem>>[vector<16xi32>, vector<16xi32>], vector<16xf32>,
        %gather3A_376 = tpu.vector_load_idx %arg11[%add3A_170, %broadcast_in_dim3A_374] : memref<400x128xf32, #tpu.memory_space<vmem>>[vector<16xi32>, vector<16xi32>], vector<16xf32>,
        %add3A_377 = arith.addf %gather3A_375, %gather3A_376 : vector<16xf32>
        tpu.vector_store_idx %arg10[%add3A_147, %broadcast_in_dim3A_374], %add3A_377 : memref<400x128xf32, #tpu.memory_space<vmem>>[vector<16xi32>, vector<16xi32>], vector<16xf32>,
        %add3A_378 = arith.addf %add3A_370, %add3A_377 : vector<16xf32>
        %mul3A_379 = arith.mulf %add3A_377, %add3A_377 : vector<16xf32>
        %add3A_380 = arith.addf %add3A_372, %mul3A_379 : vector<16xf32>
        %broadcast_in_dim3A_381 = arith.constant 26 : i32
        %broadcast_in_dim3A_382 = vector.broadcast %broadcast_in_dim3A_381 : i32 to vector<16xi32>
        %gather3A_383 = tpu.vector_load_idx %arg10[%add3A_147, %broadcast_in_dim3A_382] : memref<400x128xf32, #tpu.memory_space<vmem>>[vector<16xi32>, vector<16xi32>], vector<16xf32>,
        %gather3A_384 = tpu.vector_load_idx %arg11[%add3A_170, %broadcast_in_dim3A_382] : memref<400x128xf32, #tpu.memory_space<vmem>>[vector<16xi32>, vector<16xi32>], vector<16xf32>,
        %add3A_385 = arith.addf %gather3A_383, %gather3A_384 : vector<16xf32>
        tpu.vector_store_idx %arg10[%add3A_147, %broadcast_in_dim3A_382], %add3A_385 : memref<400x128xf32, #tpu.memory_space<vmem>>[vector<16xi32>, vector<16xi32>], vector<16xf32>,
        %add3A_386 = arith.addf %add3A_378, %add3A_385 : vector<16xf32>
        %mul3A_387 = arith.mulf %add3A_385, %add3A_385 : vector<16xf32>
        %add3A_388 = arith.addf %add3A_380, %mul3A_387 : vector<16xf32>
        %broadcast_in_dim3A_389 = arith.constant 27 : i32
        %broadcast_in_dim3A_390 = vector.broadcast %broadcast_in_dim3A_389 : i32 to vector<16xi32>
        %gather3A_391 = tpu.vector_load_idx %arg10[%add3A_147, %broadcast_in_dim3A_390] : memref<400x128xf32, #tpu.memory_space<vmem>>[vector<16xi32>, vector<16xi32>], vector<16xf32>,
        %gather3A_392 = tpu.vector_load_idx %arg11[%add3A_170, %broadcast_in_dim3A_390] : memref<400x128xf32, #tpu.memory_space<vmem>>[vector<16xi32>, vector<16xi32>], vector<16xf32>,
        %add3A_393 = arith.addf %gather3A_391, %gather3A_392 : vector<16xf32>
        tpu.vector_store_idx %arg10[%add3A_147, %broadcast_in_dim3A_390], %add3A_393 : memref<400x128xf32, #tpu.memory_space<vmem>>[vector<16xi32>, vector<16xi32>], vector<16xf32>,
        %add3A_394 = arith.addf %add3A_386, %add3A_393 : vector<16xf32>
        %mul3A_395 = arith.mulf %add3A_393, %add3A_393 : vector<16xf32>
        %add3A_396 = arith.addf %add3A_388, %mul3A_395 : vector<16xf32>
        %broadcast_in_dim3A_397 = arith.constant 28 : i32
        %broadcast_in_dim3A_398 = vector.broadcast %broadcast_in_dim3A_397 : i32 to vector<16xi32>
        %gather3A_399 = tpu.vector_load_idx %arg10[%add3A_147, %broadcast_in_dim3A_398] : memref<400x128xf32, #tpu.memory_space<vmem>>[vector<16xi32>, vector<16xi32>], vector<16xf32>,
        %gather3A_400 = tpu.vector_load_idx %arg11[%add3A_170, %broadcast_in_dim3A_398] : memref<400x128xf32, #tpu.memory_space<vmem>>[vector<16xi32>, vector<16xi32>], vector<16xf32>,
        %add3A_401 = arith.addf %gather3A_399, %gather3A_400 : vector<16xf32>
        tpu.vector_store_idx %arg10[%add3A_147, %broadcast_in_dim3A_398], %add3A_401 : memref<400x128xf32, #tpu.memory_space<vmem>>[vector<16xi32>, vector<16xi32>], vector<16xf32>,
        %add3A_402 = arith.addf %add3A_394, %add3A_401 : vector<16xf32>
        %mul3A_403 = arith.mulf %add3A_401, %add3A_401 : vector<16xf32>
        %add3A_404 = arith.addf %add3A_396, %mul3A_403 : vector<16xf32>
        %broadcast_in_dim3A_405 = arith.constant 29 : i32
        %broadcast_in_dim3A_406 = vector.broadcast %broadcast_in_dim3A_405 : i32 to vector<16xi32>
        %gather3A_407 = tpu.vector_load_idx %arg10[%add3A_147, %broadcast_in_dim3A_406] : memref<400x128xf32, #tpu.memory_space<vmem>>[vector<16xi32>, vector<16xi32>], vector<16xf32>,
        %gather3A_408 = tpu.vector_load_idx %arg11[%add3A_170, %broadcast_in_dim3A_406] : memref<400x128xf32, #tpu.memory_space<vmem>>[vector<16xi32>, vector<16xi32>], vector<16xf32>,
        %add3A_409 = arith.addf %gather3A_407, %gather3A_408 : vector<16xf32>
        tpu.vector_store_idx %arg10[%add3A_147, %broadcast_in_dim3A_406], %add3A_409 : memref<400x128xf32, #tpu.memory_space<vmem>>[vector<16xi32>, vector<16xi32>], vector<16xf32>,
        %add3A_410 = arith.addf %add3A_402, %add3A_409 : vector<16xf32>
        %mul3A_411 = arith.mulf %add3A_409, %add3A_409 : vector<16xf32>
        %add3A_412 = arith.addf %add3A_404, %mul3A_411 : vector<16xf32>
        %broadcast_in_dim3A_413 = arith.constant 30 : i32
        %broadcast_in_dim3A_414 = vector.broadcast %broadcast_in_dim3A_413 : i32 to vector<16xi32>
        %gather3A_415 = tpu.vector_load_idx %arg10[%add3A_147, %broadcast_in_dim3A_414] : memref<400x128xf32, #tpu.memory_space<vmem>>[vector<16xi32>, vector<16xi32>], vector<16xf32>,
        %gather3A_416 = tpu.vector_load_idx %arg11[%add3A_170, %broadcast_in_dim3A_414] : memref<400x128xf32, #tpu.memory_space<vmem>>[vector<16xi32>, vector<16xi32>], vector<16xf32>,
        %add3A_417 = arith.addf %gather3A_415, %gather3A_416 : vector<16xf32>
        tpu.vector_store_idx %arg10[%add3A_147, %broadcast_in_dim3A_414], %add3A_417 : memref<400x128xf32, #tpu.memory_space<vmem>>[vector<16xi32>, vector<16xi32>], vector<16xf32>,
        %add3A_418 = arith.addf %add3A_410, %add3A_417 : vector<16xf32>
        %mul3A_419 = arith.mulf %add3A_417, %add3A_417 : vector<16xf32>
        %add3A_420 = arith.addf %add3A_412, %mul3A_419 : vector<16xf32>
        %broadcast_in_dim3A_421 = arith.constant 31 : i32
        %broadcast_in_dim3A_422 = vector.broadcast %broadcast_in_dim3A_421 : i32 to vector<16xi32>
        %gather3A_423 = tpu.vector_load_idx %arg10[%add3A_147, %broadcast_in_dim3A_422] : memref<400x128xf32, #tpu.memory_space<vmem>>[vector<16xi32>, vector<16xi32>], vector<16xf32>,
        %gather3A_424 = tpu.vector_load_idx %arg11[%add3A_170, %broadcast_in_dim3A_422] : memref<400x128xf32, #tpu.memory_space<vmem>>[vector<16xi32>, vector<16xi32>], vector<16xf32>,
        %add3A_425 = arith.addf %gather3A_423, %gather3A_424 : vector<16xf32>
        tpu.vector_store_idx %arg10[%add3A_147, %broadcast_in_dim3A_422], %add3A_425 : memref<400x128xf32, #tpu.memory_space<vmem>>[vector<16xi32>, vector<16xi32>], vector<16xf32>,
        %add3A_426 = arith.addf %add3A_418, %add3A_425 : vector<16xf32>
        %mul3A_427 = arith.mulf %add3A_425, %add3A_425 : vector<16xf32>
        %add3A_428 = arith.addf %add3A_420, %mul3A_427 : vector<16xf32>
        %broadcast_in_dim3A_429 = arith.constant 32 : i32
        %broadcast_in_dim3A_430 = vector.broadcast %broadcast_in_dim3A_429 : i32 to vector<16xi32>
        %gather3A_431 = tpu.vector_load_idx %arg10[%add3A_147, %broadcast_in_dim3A_430] : memref<400x128xf32, #tpu.memory_space<vmem>>[vector<16xi32>, vector<16xi32>], vector<16xf32>,
        %gather3A_432 = tpu.vector_load_idx %arg11[%add3A_170, %broadcast_in_dim3A_430] : memref<400x128xf32, #tpu.memory_space<vmem>>[vector<16xi32>, vector<16xi32>], vector<16xf32>,
        %add3A_433 = arith.addf %gather3A_431, %gather3A_432 : vector<16xf32>
        tpu.vector_store_idx %arg10[%add3A_147, %broadcast_in_dim3A_430], %add3A_433 : memref<400x128xf32, #tpu.memory_space<vmem>>[vector<16xi32>, vector<16xi32>], vector<16xf32>,
        %add3A_434 = arith.addf %add3A_426, %add3A_433 : vector<16xf32>
        %mul3A_435 = arith.mulf %add3A_433, %add3A_433 : vector<16xf32>
        %add3A_436 = arith.addf %add3A_428, %mul3A_435 : vector<16xf32>
        %broadcast_in_dim3A_437 = arith.constant 33 : i32
        %broadcast_in_dim3A_438 = vector.broadcast %broadcast_in_dim3A_437 : i32 to vector<16xi32>
        %gather3A_439 = tpu.vector_load_idx %arg10[%add3A_147, %broadcast_in_dim3A_438] : memref<400x128xf32, #tpu.memory_space<vmem>>[vector<16xi32>, vector<16xi32>], vector<16xf32>,
        %gather3A_440 = tpu.vector_load_idx %arg11[%add3A_170, %broadcast_in_dim3A_438] : memref<400x128xf32, #tpu.memory_space<vmem>>[vector<16xi32>, vector<16xi32>], vector<16xf32>,
        %add3A_441 = arith.addf %gather3A_439, %gather3A_440 : vector<16xf32>
        tpu.vector_store_idx %arg10[%add3A_147, %broadcast_in_dim3A_438], %add3A_441 : memref<400x128xf32, #tpu.memory_space<vmem>>[vector<16xi32>, vector<16xi32>], vector<16xf32>,
        %add3A_442 = arith.addf %add3A_434, %add3A_441 : vector<16xf32>
        %mul3A_443 = arith.mulf %add3A_441, %add3A_441 : vector<16xf32>
        %add3A_444 = arith.addf %add3A_436, %mul3A_443 : vector<16xf32>
        %broadcast_in_dim3A_445 = arith.constant 34 : i32
        %broadcast_in_dim3A_446 = vector.broadcast %broadcast_in_dim3A_445 : i32 to vector<16xi32>
        %gather3A_447 = tpu.vector_load_idx %arg10[%add3A_147, %broadcast_in_dim3A_446] : memref<400x128xf32, #tpu.memory_space<vmem>>[vector<16xi32>, vector<16xi32>], vector<16xf32>,
        %gather3A_448 = tpu.vector_load_idx %arg11[%add3A_170, %broadcast_in_dim3A_446] : memref<400x128xf32, #tpu.memory_space<vmem>>[vector<16xi32>, vector<16xi32>], vector<16xf32>,
        %add3A_449 = arith.addf %gather3A_447, %gather3A_448 : vector<16xf32>
        tpu.vector_store_idx %arg10[%add3A_147, %broadcast_in_dim3A_446], %add3A_449 : memref<400x128xf32, #tpu.memory_space<vmem>>[vector<16xi32>, vector<16xi32>], vector<16xf32>,
        %add3A_450 = arith.addf %add3A_442, %add3A_449 : vector<16xf32>
        %mul3A_451 = arith.mulf %add3A_449, %add3A_449 : vector<16xf32>
        %add3A_452 = arith.addf %add3A_444, %mul3A_451 : vector<16xf32>
        %broadcast_in_dim3A_453 = arith.constant 35 : i32
        %broadcast_in_dim3A_454 = vector.broadcast %broadcast_in_dim3A_453 : i32 to vector<16xi32>
        %gather3A_455 = tpu.vector_load_idx %arg10[%add3A_147, %broadcast_in_dim3A_454] : memref<400x128xf32, #tpu.memory_space<vmem>>[vector<16xi32>, vector<16xi32>], vector<16xf32>,
        %gather3A_456 = tpu.vector_load_idx %arg11[%add3A_170, %broadcast_in_dim3A_454] : memref<400x128xf32, #tpu.memory_space<vmem>>[vector<16xi32>, vector<16xi32>], vector<16xf32>,
        %add3A_457 = arith.addf %gather3A_455, %gather3A_456 : vector<16xf32>
        tpu.vector_store_idx %arg10[%add3A_147, %broadcast_in_dim3A_454], %add3A_457 : memref<400x128xf32, #tpu.memory_space<vmem>>[vector<16xi32>, vector<16xi32>], vector<16xf32>,
        %add3A_458 = arith.addf %add3A_450, %add3A_457 : vector<16xf32>
        %mul3A_459 = arith.mulf %add3A_457, %add3A_457 : vector<16xf32>
        %add3A_460 = arith.addf %add3A_452, %mul3A_459 : vector<16xf32>
        %broadcast_in_dim3A_461 = arith.constant 36 : i32
        %broadcast_in_dim3A_462 = vector.broadcast %broadcast_in_dim3A_461 : i32 to vector<16xi32>
        %gather3A_463 = tpu.vector_load_idx %arg10[%add3A_147, %broadcast_in_dim3A_462] : memref<400x128xf32, #tpu.memory_space<vmem>>[vector<16xi32>, vector<16xi32>], vector<16xf32>,
        %gather3A_464 = tpu.vector_load_idx %arg11[%add3A_170, %broadcast_in_dim3A_462] : memref<400x128xf32, #tpu.memory_space<vmem>>[vector<16xi32>, vector<16xi32>], vector<16xf32>,
        %add3A_465 = arith.addf %gather3A_463, %gather3A_464 : vector<16xf32>
        tpu.vector_store_idx %arg10[%add3A_147, %broadcast_in_dim3A_462], %add3A_465 : memref<400x128xf32, #tpu.memory_space<vmem>>[vector<16xi32>, vector<16xi32>], vector<16xf32>,
        %add3A_466 = arith.addf %add3A_458, %add3A_465 : vector<16xf32>
        %mul3A_467 = arith.mulf %add3A_465, %add3A_465 : vector<16xf32>
        %add3A_468 = arith.addf %add3A_460, %mul3A_467 : vector<16xf32>
        %broadcast_in_dim3A_469 = arith.constant 37 : i32
        %broadcast_in_dim3A_470 = vector.broadcast %broadcast_in_dim3A_469 : i32 to vector<16xi32>
        %gather3A_471 = tpu.vector_load_idx %arg10[%add3A_147, %broadcast_in_dim3A_470] : memref<400x128xf32, #tpu.memory_space<vmem>>[vector<16xi32>, vector<16xi32>], vector<16xf32>,
        %gather3A_472 = tpu.vector_load_idx %arg11[%add3A_170, %broadcast_in_dim3A_470] : memref<400x128xf32, #tpu.memory_space<vmem>>[vector<16xi32>, vector<16xi32>], vector<16xf32>,
        %add3A_473 = arith.addf %gather3A_471, %gather3A_472 : vector<16xf32>
        tpu.vector_store_idx %arg10[%add3A_147, %broadcast_in_dim3A_470], %add3A_473 : memref<400x128xf32, #tpu.memory_space<vmem>>[vector<16xi32>, vector<16xi32>], vector<16xf32>,
        %add3A_474 = arith.addf %add3A_466, %add3A_473 : vector<16xf32>
        %mul3A_475 = arith.mulf %add3A_473, %add3A_473 : vector<16xf32>
        %add3A_476 = arith.addf %add3A_468, %mul3A_475 : vector<16xf32>
        %broadcast_in_dim3A_477 = arith.constant 38 : i32
        %broadcast_in_dim3A_478 = vector.broadcast %broadcast_in_dim3A_477 : i32 to vector<16xi32>
        %gather3A_479 = tpu.vector_load_idx %arg10[%add3A_147, %broadcast_in_dim3A_478] : memref<400x128xf32, #tpu.memory_space<vmem>>[vector<16xi32>, vector<16xi32>], vector<16xf32>,
        %gather3A_480 = tpu.vector_load_idx %arg11[%add3A_170, %broadcast_in_dim3A_478] : memref<400x128xf32, #tpu.memory_space<vmem>>[vector<16xi32>, vector<16xi32>], vector<16xf32>,
        %add3A_481 = arith.addf %gather3A_479, %gather3A_480 : vector<16xf32>
        tpu.vector_store_idx %arg10[%add3A_147, %broadcast_in_dim3A_478], %add3A_481 : memref<400x128xf32, #tpu.memory_space<vmem>>[vector<16xi32>, vector<16xi32>], vector<16xf32>,
        %add3A_482 = arith.addf %add3A_474, %add3A_481 : vector<16xf32>
        %mul3A_483 = arith.mulf %add3A_481, %add3A_481 : vector<16xf32>
        %add3A_484 = arith.addf %add3A_476, %mul3A_483 : vector<16xf32>
        %broadcast_in_dim3A_485 = arith.constant 39 : i32
        %broadcast_in_dim3A_486 = vector.broadcast %broadcast_in_dim3A_485 : i32 to vector<16xi32>
        %gather3A_487 = tpu.vector_load_idx %arg10[%add3A_147, %broadcast_in_dim3A_486] : memref<400x128xf32, #tpu.memory_space<vmem>>[vector<16xi32>, vector<16xi32>], vector<16xf32>,
        %gather3A_488 = tpu.vector_load_idx %arg11[%add3A_170, %broadcast_in_dim3A_486] : memref<400x128xf32, #tpu.memory_space<vmem>>[vector<16xi32>, vector<16xi32>], vector<16xf32>,
        %add3A_489 = arith.addf %gather3A_487, %gather3A_488 : vector<16xf32>
        tpu.vector_store_idx %arg10[%add3A_147, %broadcast_in_dim3A_486], %add3A_489 : memref<400x128xf32, #tpu.memory_space<vmem>>[vector<16xi32>, vector<16xi32>], vector<16xf32>,
        %add3A_490 = arith.addf %add3A_482, %add3A_489 : vector<16xf32>
        %mul3A_491 = arith.mulf %add3A_489, %add3A_489 : vector<16xf32>
        %add3A_492 = arith.addf %add3A_484, %mul3A_491 : vector<16xf32>
        %broadcast_in_dim3A_493 = arith.constant 40 : i32
        %broadcast_in_dim3A_494 = vector.broadcast %broadcast_in_dim3A_493 : i32 to vector<16xi32>
        %gather3A_495 = tpu.vector_load_idx %arg10[%add3A_147, %broadcast_in_dim3A_494] : memref<400x128xf32, #tpu.memory_space<vmem>>[vector<16xi32>, vector<16xi32>], vector<16xf32>,
        %gather3A_496 = tpu.vector_load_idx %arg11[%add3A_170, %broadcast_in_dim3A_494] : memref<400x128xf32, #tpu.memory_space<vmem>>[vector<16xi32>, vector<16xi32>], vector<16xf32>,
        %add3A_497 = arith.addf %gather3A_495, %gather3A_496 : vector<16xf32>
        tpu.vector_store_idx %arg10[%add3A_147, %broadcast_in_dim3A_494], %add3A_497 : memref<400x128xf32, #tpu.memory_space<vmem>>[vector<16xi32>, vector<16xi32>], vector<16xf32>,
        %add3A_498 = arith.addf %add3A_490, %add3A_497 : vector<16xf32>
        %mul3A_499 = arith.mulf %add3A_497, %add3A_497 : vector<16xf32>
        %add3A_500 = arith.addf %add3A_492, %mul3A_499 : vector<16xf32>
        %broadcast_in_dim3A_501 = arith.constant 41 : i32
        %broadcast_in_dim3A_502 = vector.broadcast %broadcast_in_dim3A_501 : i32 to vector<16xi32>
        %gather3A_503 = tpu.vector_load_idx %arg10[%add3A_147, %broadcast_in_dim3A_502] : memref<400x128xf32, #tpu.memory_space<vmem>>[vector<16xi32>, vector<16xi32>], vector<16xf32>,
        %gather3A_504 = tpu.vector_load_idx %arg11[%add3A_170, %broadcast_in_dim3A_502] : memref<400x128xf32, #tpu.memory_space<vmem>>[vector<16xi32>, vector<16xi32>], vector<16xf32>,
        %add3A_505 = arith.addf %gather3A_503, %gather3A_504 : vector<16xf32>
        tpu.vector_store_idx %arg10[%add3A_147, %broadcast_in_dim3A_502], %add3A_505 : memref<400x128xf32, #tpu.memory_space<vmem>>[vector<16xi32>, vector<16xi32>], vector<16xf32>,
        %add3A_506 = arith.addf %add3A_498, %add3A_505 : vector<16xf32>
        %mul3A_507 = arith.mulf %add3A_505, %add3A_505 : vector<16xf32>
        %add3A_508 = arith.addf %add3A_500, %mul3A_507 : vector<16xf32>
        %broadcast_in_dim3A_509 = arith.constant 42 : i32
        %broadcast_in_dim3A_510 = vector.broadcast %broadcast_in_dim3A_509 : i32 to vector<16xi32>
        %gather3A_511 = tpu.vector_load_idx %arg10[%add3A_147, %broadcast_in_dim3A_510] : memref<400x128xf32, #tpu.memory_space<vmem>>[vector<16xi32>, vector<16xi32>], vector<16xf32>,
        %gather3A_512 = tpu.vector_load_idx %arg11[%add3A_170, %broadcast_in_dim3A_510] : memref<400x128xf32, #tpu.memory_space<vmem>>[vector<16xi32>, vector<16xi32>], vector<16xf32>,
        %add3A_513 = arith.addf %gather3A_511, %gather3A_512 : vector<16xf32>
        tpu.vector_store_idx %arg10[%add3A_147, %broadcast_in_dim3A_510], %add3A_513 : memref<400x128xf32, #tpu.memory_space<vmem>>[vector<16xi32>, vector<16xi32>], vector<16xf32>,
        %add3A_514 = arith.addf %add3A_506, %add3A_513 : vector<16xf32>
        %mul3A_515 = arith.mulf %add3A_513, %add3A_513 : vector<16xf32>
        %add3A_516 = arith.addf %add3A_508, %mul3A_515 : vector<16xf32>
        %broadcast_in_dim3A_517 = arith.constant 43 : i32
        %broadcast_in_dim3A_518 = vector.broadcast %broadcast_in_dim3A_517 : i32 to vector<16xi32>
        %gather3A_519 = tpu.vector_load_idx %arg10[%add3A_147, %broadcast_in_dim3A_518] : memref<400x128xf32, #tpu.memory_space<vmem>>[vector<16xi32>, vector<16xi32>], vector<16xf32>,
        %gather3A_520 = tpu.vector_load_idx %arg11[%add3A_170, %broadcast_in_dim3A_518] : memref<400x128xf32, #tpu.memory_space<vmem>>[vector<16xi32>, vector<16xi32>], vector<16xf32>,
        %add3A_521 = arith.addf %gather3A_519, %gather3A_520 : vector<16xf32>
        tpu.vector_store_idx %arg10[%add3A_147, %broadcast_in_dim3A_518], %add3A_521 : memref<400x128xf32, #tpu.memory_space<vmem>>[vector<16xi32>, vector<16xi32>], vector<16xf32>,
        %add3A_522 = arith.addf %add3A_514, %add3A_521 : vector<16xf32>
        %mul3A_523 = arith.mulf %add3A_521, %add3A_521 : vector<16xf32>
        %add3A_524 = arith.addf %add3A_516, %mul3A_523 : vector<16xf32>
        %broadcast_in_dim3A_525 = arith.constant 44 : i32
        %broadcast_in_dim3A_526 = vector.broadcast %broadcast_in_dim3A_525 : i32 to vector<16xi32>
        %gather3A_527 = tpu.vector_load_idx %arg10[%add3A_147, %broadcast_in_dim3A_526] : memref<400x128xf32, #tpu.memory_space<vmem>>[vector<16xi32>, vector<16xi32>], vector<16xf32>,
        %gather3A_528 = tpu.vector_load_idx %arg11[%add3A_170, %broadcast_in_dim3A_526] : memref<400x128xf32, #tpu.memory_space<vmem>>[vector<16xi32>, vector<16xi32>], vector<16xf32>,
        %add3A_529 = arith.addf %gather3A_527, %gather3A_528 : vector<16xf32>
        tpu.vector_store_idx %arg10[%add3A_147, %broadcast_in_dim3A_526], %add3A_529 : memref<400x128xf32, #tpu.memory_space<vmem>>[vector<16xi32>, vector<16xi32>], vector<16xf32>,
        %add3A_530 = arith.addf %add3A_522, %add3A_529 : vector<16xf32>
        %mul3A_531 = arith.mulf %add3A_529, %add3A_529 : vector<16xf32>
        %add3A_532 = arith.addf %add3A_524, %mul3A_531 : vector<16xf32>
        %broadcast_in_dim3A_533 = arith.constant 45 : i32
        %broadcast_in_dim3A_534 = vector.broadcast %broadcast_in_dim3A_533 : i32 to vector<16xi32>
        %gather3A_535 = tpu.vector_load_idx %arg10[%add3A_147, %broadcast_in_dim3A_534] : memref<400x128xf32, #tpu.memory_space<vmem>>[vector<16xi32>, vector<16xi32>], vector<16xf32>,
        %gather3A_536 = tpu.vector_load_idx %arg11[%add3A_170, %broadcast_in_dim3A_534] : memref<400x128xf32, #tpu.memory_space<vmem>>[vector<16xi32>, vector<16xi32>], vector<16xf32>,
        %add3A_537 = arith.addf %gather3A_535, %gather3A_536 : vector<16xf32>
        tpu.vector_store_idx %arg10[%add3A_147, %broadcast_in_dim3A_534], %add3A_537 : memref<400x128xf32, #tpu.memory_space<vmem>>[vector<16xi32>, vector<16xi32>], vector<16xf32>,
        %add3A_538 = arith.addf %add3A_530, %add3A_537 : vector<16xf32>
        %mul3A_539 = arith.mulf %add3A_537, %add3A_537 : vector<16xf32>
        %add3A_540 = arith.addf %add3A_532, %mul3A_539 : vector<16xf32>
        %broadcast_in_dim3A_541 = arith.constant 46 : i32
        %broadcast_in_dim3A_542 = vector.broadcast %broadcast_in_dim3A_541 : i32 to vector<16xi32>
        %gather3A_543 = tpu.vector_load_idx %arg10[%add3A_147, %broadcast_in_dim3A_542] : memref<400x128xf32, #tpu.memory_space<vmem>>[vector<16xi32>, vector<16xi32>], vector<16xf32>,
        %gather3A_544 = tpu.vector_load_idx %arg11[%add3A_170, %broadcast_in_dim3A_542] : memref<400x128xf32, #tpu.memory_space<vmem>>[vector<16xi32>, vector<16xi32>], vector<16xf32>,
        %add3A_545 = arith.addf %gather3A_543, %gather3A_544 : vector<16xf32>
        tpu.vector_store_idx %arg10[%add3A_147, %broadcast_in_dim3A_542], %add3A_545 : memref<400x128xf32, #tpu.memory_space<vmem>>[vector<16xi32>, vector<16xi32>], vector<16xf32>,
        %add3A_546 = arith.addf %add3A_538, %add3A_545 : vector<16xf32>
        %mul3A_547 = arith.mulf %add3A_545, %add3A_545 : vector<16xf32>
        %add3A_548 = arith.addf %add3A_540, %mul3A_547 : vector<16xf32>
        %broadcast_in_dim3A_549 = arith.constant 47 : i32
        %broadcast_in_dim3A_550 = vector.broadcast %broadcast_in_dim3A_549 : i32 to vector<16xi32>
        %gather3A_551 = tpu.vector_load_idx %arg10[%add3A_147, %broadcast_in_dim3A_550] : memref<400x128xf32, #tpu.memory_space<vmem>>[vector<16xi32>, vector<16xi32>], vector<16xf32>,
        %gather3A_552 = tpu.vector_load_idx %arg11[%add3A_170, %broadcast_in_dim3A_550] : memref<400x128xf32, #tpu.memory_space<vmem>>[vector<16xi32>, vector<16xi32>], vector<16xf32>,
        %add3A_553 = arith.addf %gather3A_551, %gather3A_552 : vector<16xf32>
        tpu.vector_store_idx %arg10[%add3A_147, %broadcast_in_dim3A_550], %add3A_553 : memref<400x128xf32, #tpu.memory_space<vmem>>[vector<16xi32>, vector<16xi32>], vector<16xf32>,
        %add3A_554 = arith.addf %add3A_546, %add3A_553 : vector<16xf32>
        %mul3A_555 = arith.mulf %add3A_553, %add3A_553 : vector<16xf32>
        %add3A_556 = arith.addf %add3A_548, %mul3A_555 : vector<16xf32>
        %broadcast_in_dim3A_557 = arith.constant 48 : i32
        %broadcast_in_dim3A_558 = vector.broadcast %broadcast_in_dim3A_557 : i32 to vector<16xi32>
        %gather3A_559 = tpu.vector_load_idx %arg10[%add3A_147, %broadcast_in_dim3A_558] : memref<400x128xf32, #tpu.memory_space<vmem>>[vector<16xi32>, vector<16xi32>], vector<16xf32>,
        %gather3A_560 = tpu.vector_load_idx %arg11[%add3A_170, %broadcast_in_dim3A_558] : memref<400x128xf32, #tpu.memory_space<vmem>>[vector<16xi32>, vector<16xi32>], vector<16xf32>,
        %add3A_561 = arith.addf %gather3A_559, %gather3A_560 : vector<16xf32>
        tpu.vector_store_idx %arg10[%add3A_147, %broadcast_in_dim3A_558], %add3A_561 : memref<400x128xf32, #tpu.memory_space<vmem>>[vector<16xi32>, vector<16xi32>], vector<16xf32>,
        %add3A_562 = arith.addf %add3A_554, %add3A_561 : vector<16xf32>
        %mul3A_563 = arith.mulf %add3A_561, %add3A_561 : vector<16xf32>
        %add3A_564 = arith.addf %add3A_556, %mul3A_563 : vector<16xf32>
        %broadcast_in_dim3A_565 = arith.constant 49 : i32
        %broadcast_in_dim3A_566 = vector.broadcast %broadcast_in_dim3A_565 : i32 to vector<16xi32>
        %gather3A_567 = tpu.vector_load_idx %arg10[%add3A_147, %broadcast_in_dim3A_566] : memref<400x128xf32, #tpu.memory_space<vmem>>[vector<16xi32>, vector<16xi32>], vector<16xf32>,
        %gather3A_568 = tpu.vector_load_idx %arg11[%add3A_170, %broadcast_in_dim3A_566] : memref<400x128xf32, #tpu.memory_space<vmem>>[vector<16xi32>, vector<16xi32>], vector<16xf32>,
        %add3A_569 = arith.addf %gather3A_567, %gather3A_568 : vector<16xf32>
        tpu.vector_store_idx %arg10[%add3A_147, %broadcast_in_dim3A_566], %add3A_569 : memref<400x128xf32, #tpu.memory_space<vmem>>[vector<16xi32>, vector<16xi32>], vector<16xf32>,
        %add3A_570 = arith.addf %add3A_562, %add3A_569 : vector<16xf32>
        %mul3A_571 = arith.mulf %add3A_569, %add3A_569 : vector<16xf32>
        %add3A_572 = arith.addf %add3A_564, %mul3A_571 : vector<16xf32>
        %broadcast_in_dim3A_573 = arith.constant 50 : i32
        %broadcast_in_dim3A_574 = vector.broadcast %broadcast_in_dim3A_573 : i32 to vector<16xi32>
        %gather3A_575 = tpu.vector_load_idx %arg10[%add3A_147, %broadcast_in_dim3A_574] : memref<400x128xf32, #tpu.memory_space<vmem>>[vector<16xi32>, vector<16xi32>], vector<16xf32>,
        %gather3A_576 = tpu.vector_load_idx %arg11[%add3A_170, %broadcast_in_dim3A_574] : memref<400x128xf32, #tpu.memory_space<vmem>>[vector<16xi32>, vector<16xi32>], vector<16xf32>,
        %add3A_577 = arith.addf %gather3A_575, %gather3A_576 : vector<16xf32>
        tpu.vector_store_idx %arg10[%add3A_147, %broadcast_in_dim3A_574], %add3A_577 : memref<400x128xf32, #tpu.memory_space<vmem>>[vector<16xi32>, vector<16xi32>], vector<16xf32>,
        %add3A_578 = arith.addf %add3A_570, %add3A_577 : vector<16xf32>
        %mul3A_579 = arith.mulf %add3A_577, %add3A_577 : vector<16xf32>
        %add3A_580 = arith.addf %add3A_572, %mul3A_579 : vector<16xf32>
        %broadcast_in_dim3A_581 = arith.constant 51 : i32
        %broadcast_in_dim3A_582 = vector.broadcast %broadcast_in_dim3A_581 : i32 to vector<16xi32>
        %gather3A_583 = tpu.vector_load_idx %arg10[%add3A_147, %broadcast_in_dim3A_582] : memref<400x128xf32, #tpu.memory_space<vmem>>[vector<16xi32>, vector<16xi32>], vector<16xf32>,
        %gather3A_584 = tpu.vector_load_idx %arg11[%add3A_170, %broadcast_in_dim3A_582] : memref<400x128xf32, #tpu.memory_space<vmem>>[vector<16xi32>, vector<16xi32>], vector<16xf32>,
        %add3A_585 = arith.addf %gather3A_583, %gather3A_584 : vector<16xf32>
        tpu.vector_store_idx %arg10[%add3A_147, %broadcast_in_dim3A_582], %add3A_585 : memref<400x128xf32, #tpu.memory_space<vmem>>[vector<16xi32>, vector<16xi32>], vector<16xf32>,
        %add3A_586 = arith.addf %add3A_578, %add3A_585 : vector<16xf32>
        %mul3A_587 = arith.mulf %add3A_585, %add3A_585 : vector<16xf32>
        %add3A_588 = arith.addf %add3A_580, %mul3A_587 : vector<16xf32>
        %broadcast_in_dim3A_589 = arith.constant 52 : i32
        %broadcast_in_dim3A_590 = vector.broadcast %broadcast_in_dim3A_589 : i32 to vector<16xi32>
        %gather3A_591 = tpu.vector_load_idx %arg10[%add3A_147, %broadcast_in_dim3A_590] : memref<400x128xf32, #tpu.memory_space<vmem>>[vector<16xi32>, vector<16xi32>], vector<16xf32>,
        %gather3A_592 = tpu.vector_load_idx %arg11[%add3A_170, %broadcast_in_dim3A_590] : memref<400x128xf32, #tpu.memory_space<vmem>>[vector<16xi32>, vector<16xi32>], vector<16xf32>,
        %add3A_593 = arith.addf %gather3A_591, %gather3A_592 : vector<16xf32>
        tpu.vector_store_idx %arg10[%add3A_147, %broadcast_in_dim3A_590], %add3A_593 : memref<400x128xf32, #tpu.memory_space<vmem>>[vector<16xi32>, vector<16xi32>], vector<16xf32>,
        %add3A_594 = arith.addf %add3A_586, %add3A_593 : vector<16xf32>
        %mul3A_595 = arith.mulf %add3A_593, %add3A_593 : vector<16xf32>
        %add3A_596 = arith.addf %add3A_588, %mul3A_595 : vector<16xf32>
        %broadcast_in_dim3A_597 = arith.constant 53 : i32
        %broadcast_in_dim3A_598 = vector.broadcast %broadcast_in_dim3A_597 : i32 to vector<16xi32>
        %gather3A_599 = tpu.vector_load_idx %arg10[%add3A_147, %broadcast_in_dim3A_598] : memref<400x128xf32, #tpu.memory_space<vmem>>[vector<16xi32>, vector<16xi32>], vector<16xf32>,
        %gather3A_600 = tpu.vector_load_idx %arg11[%add3A_170, %broadcast_in_dim3A_598] : memref<400x128xf32, #tpu.memory_space<vmem>>[vector<16xi32>, vector<16xi32>], vector<16xf32>,
        %add3A_601 = arith.addf %gather3A_599, %gather3A_600 : vector<16xf32>
        tpu.vector_store_idx %arg10[%add3A_147, %broadcast_in_dim3A_598], %add3A_601 : memref<400x128xf32, #tpu.memory_space<vmem>>[vector<16xi32>, vector<16xi32>], vector<16xf32>,
        %add3A_602 = arith.addf %add3A_594, %add3A_601 : vector<16xf32>
        %mul3A_603 = arith.mulf %add3A_601, %add3A_601 : vector<16xf32>
        %add3A_604 = arith.addf %add3A_596, %mul3A_603 : vector<16xf32>
        %broadcast_in_dim3A_605 = arith.constant 54 : i32
        %broadcast_in_dim3A_606 = vector.broadcast %broadcast_in_dim3A_605 : i32 to vector<16xi32>
        %gather3A_607 = tpu.vector_load_idx %arg10[%add3A_147, %broadcast_in_dim3A_606] : memref<400x128xf32, #tpu.memory_space<vmem>>[vector<16xi32>, vector<16xi32>], vector<16xf32>,
        %gather3A_608 = tpu.vector_load_idx %arg11[%add3A_170, %broadcast_in_dim3A_606] : memref<400x128xf32, #tpu.memory_space<vmem>>[vector<16xi32>, vector<16xi32>], vector<16xf32>,
        %add3A_609 = arith.addf %gather3A_607, %gather3A_608 : vector<16xf32>
        tpu.vector_store_idx %arg10[%add3A_147, %broadcast_in_dim3A_606], %add3A_609 : memref<400x128xf32, #tpu.memory_space<vmem>>[vector<16xi32>, vector<16xi32>], vector<16xf32>,
        %add3A_610 = arith.addf %add3A_602, %add3A_609 : vector<16xf32>
        %mul3A_611 = arith.mulf %add3A_609, %add3A_609 : vector<16xf32>
        %add3A_612 = arith.addf %add3A_604, %mul3A_611 : vector<16xf32>
        %broadcast_in_dim3A_613 = arith.constant 55 : i32
        %broadcast_in_dim3A_614 = vector.broadcast %broadcast_in_dim3A_613 : i32 to vector<16xi32>
        %gather3A_615 = tpu.vector_load_idx %arg10[%add3A_147, %broadcast_in_dim3A_614] : memref<400x128xf32, #tpu.memory_space<vmem>>[vector<16xi32>, vector<16xi32>], vector<16xf32>,
        %gather3A_616 = tpu.vector_load_idx %arg11[%add3A_170, %broadcast_in_dim3A_614] : memref<400x128xf32, #tpu.memory_space<vmem>>[vector<16xi32>, vector<16xi32>], vector<16xf32>,
        %add3A_617 = arith.addf %gather3A_615, %gather3A_616 : vector<16xf32>
        tpu.vector_store_idx %arg10[%add3A_147, %broadcast_in_dim3A_614], %add3A_617 : memref<400x128xf32, #tpu.memory_space<vmem>>[vector<16xi32>, vector<16xi32>], vector<16xf32>,
        %add3A_618 = arith.addf %add3A_610, %add3A_617 : vector<16xf32>
        %mul3A_619 = arith.mulf %add3A_617, %add3A_617 : vector<16xf32>
        %add3A_620 = arith.addf %add3A_612, %mul3A_619 : vector<16xf32>
        %broadcast_in_dim3A_621 = arith.constant 56 : i32
        %broadcast_in_dim3A_622 = vector.broadcast %broadcast_in_dim3A_621 : i32 to vector<16xi32>
        %gather3A_623 = tpu.vector_load_idx %arg10[%add3A_147, %broadcast_in_dim3A_622] : memref<400x128xf32, #tpu.memory_space<vmem>>[vector<16xi32>, vector<16xi32>], vector<16xf32>,
        %gather3A_624 = tpu.vector_load_idx %arg11[%add3A_170, %broadcast_in_dim3A_622] : memref<400x128xf32, #tpu.memory_space<vmem>>[vector<16xi32>, vector<16xi32>], vector<16xf32>,
        %add3A_625 = arith.addf %gather3A_623, %gather3A_624 : vector<16xf32>
        tpu.vector_store_idx %arg10[%add3A_147, %broadcast_in_dim3A_622], %add3A_625 : memref<400x128xf32, #tpu.memory_space<vmem>>[vector<16xi32>, vector<16xi32>], vector<16xf32>,
        %add3A_626 = arith.addf %add3A_618, %add3A_625 : vector<16xf32>
        %mul3A_627 = arith.mulf %add3A_625, %add3A_625 : vector<16xf32>
        %add3A_628 = arith.addf %add3A_620, %mul3A_627 : vector<16xf32>
        %broadcast_in_dim3A_629 = arith.constant 57 : i32
        %broadcast_in_dim3A_630 = vector.broadcast %broadcast_in_dim3A_629 : i32 to vector<16xi32>
        %gather3A_631 = tpu.vector_load_idx %arg10[%add3A_147, %broadcast_in_dim3A_630] : memref<400x128xf32, #tpu.memory_space<vmem>>[vector<16xi32>, vector<16xi32>], vector<16xf32>,
        %gather3A_632 = tpu.vector_load_idx %arg11[%add3A_170, %broadcast_in_dim3A_630] : memref<400x128xf32, #tpu.memory_space<vmem>>[vector<16xi32>, vector<16xi32>], vector<16xf32>,
        %add3A_633 = arith.addf %gather3A_631, %gather3A_632 : vector<16xf32>
        tpu.vector_store_idx %arg10[%add3A_147, %broadcast_in_dim3A_630], %add3A_633 : memref<400x128xf32, #tpu.memory_space<vmem>>[vector<16xi32>, vector<16xi32>], vector<16xf32>,
        %add3A_634 = arith.addf %add3A_626, %add3A_633 : vector<16xf32>
        %mul3A_635 = arith.mulf %add3A_633, %add3A_633 : vector<16xf32>
        %add3A_636 = arith.addf %add3A_628, %mul3A_635 : vector<16xf32>
        %broadcast_in_dim3A_637 = arith.constant 58 : i32
        %broadcast_in_dim3A_638 = vector.broadcast %broadcast_in_dim3A_637 : i32 to vector<16xi32>
        %gather3A_639 = tpu.vector_load_idx %arg10[%add3A_147, %broadcast_in_dim3A_638] : memref<400x128xf32, #tpu.memory_space<vmem>>[vector<16xi32>, vector<16xi32>], vector<16xf32>,
        %gather3A_640 = tpu.vector_load_idx %arg11[%add3A_170, %broadcast_in_dim3A_638] : memref<400x128xf32, #tpu.memory_space<vmem>>[vector<16xi32>, vector<16xi32>], vector<16xf32>,
        %add3A_641 = arith.addf %gather3A_639, %gather3A_640 : vector<16xf32>
        tpu.vector_store_idx %arg10[%add3A_147, %broadcast_in_dim3A_638], %add3A_641 : memref<400x128xf32, #tpu.memory_space<vmem>>[vector<16xi32>, vector<16xi32>], vector<16xf32>,
        %add3A_642 = arith.addf %add3A_634, %add3A_641 : vector<16xf32>
        %mul3A_643 = arith.mulf %add3A_641, %add3A_641 : vector<16xf32>
        %add3A_644 = arith.addf %add3A_636, %mul3A_643 : vector<16xf32>
        %broadcast_in_dim3A_645 = arith.constant 59 : i32
        %broadcast_in_dim3A_646 = vector.broadcast %broadcast_in_dim3A_645 : i32 to vector<16xi32>
        %gather3A_647 = tpu.vector_load_idx %arg10[%add3A_147, %broadcast_in_dim3A_646] : memref<400x128xf32, #tpu.memory_space<vmem>>[vector<16xi32>, vector<16xi32>], vector<16xf32>,
        %gather3A_648 = tpu.vector_load_idx %arg11[%add3A_170, %broadcast_in_dim3A_646] : memref<400x128xf32, #tpu.memory_space<vmem>>[vector<16xi32>, vector<16xi32>], vector<16xf32>,
        %add3A_649 = arith.addf %gather3A_647, %gather3A_648 : vector<16xf32>
        tpu.vector_store_idx %arg10[%add3A_147, %broadcast_in_dim3A_646], %add3A_649 : memref<400x128xf32, #tpu.memory_space<vmem>>[vector<16xi32>, vector<16xi32>], vector<16xf32>,
        %add3A_650 = arith.addf %add3A_642, %add3A_649 : vector<16xf32>
        %mul3A_651 = arith.mulf %add3A_649, %add3A_649 : vector<16xf32>
        %add3A_652 = arith.addf %add3A_644, %mul3A_651 : vector<16xf32>
        %broadcast_in_dim3A_653 = arith.constant 60 : i32
        %broadcast_in_dim3A_654 = vector.broadcast %broadcast_in_dim3A_653 : i32 to vector<16xi32>
        %gather3A_655 = tpu.vector_load_idx %arg10[%add3A_147, %broadcast_in_dim3A_654] : memref<400x128xf32, #tpu.memory_space<vmem>>[vector<16xi32>, vector<16xi32>], vector<16xf32>,
        %gather3A_656 = tpu.vector_load_idx %arg11[%add3A_170, %broadcast_in_dim3A_654] : memref<400x128xf32, #tpu.memory_space<vmem>>[vector<16xi32>, vector<16xi32>], vector<16xf32>,
        %add3A_657 = arith.addf %gather3A_655, %gather3A_656 : vector<16xf32>
        tpu.vector_store_idx %arg10[%add3A_147, %broadcast_in_dim3A_654], %add3A_657 : memref<400x128xf32, #tpu.memory_space<vmem>>[vector<16xi32>, vector<16xi32>], vector<16xf32>,
        %add3A_658 = arith.addf %add3A_650, %add3A_657 : vector<16xf32>
        %mul3A_659 = arith.mulf %add3A_657, %add3A_657 : vector<16xf32>
        %add3A_660 = arith.addf %add3A_652, %mul3A_659 : vector<16xf32>
        %broadcast_in_dim3A_661 = arith.constant 61 : i32
        %broadcast_in_dim3A_662 = vector.broadcast %broadcast_in_dim3A_661 : i32 to vector<16xi32>
        %gather3A_663 = tpu.vector_load_idx %arg10[%add3A_147, %broadcast_in_dim3A_662] : memref<400x128xf32, #tpu.memory_space<vmem>>[vector<16xi32>, vector<16xi32>], vector<16xf32>,
        %gather3A_664 = tpu.vector_load_idx %arg11[%add3A_170, %broadcast_in_dim3A_662] : memref<400x128xf32, #tpu.memory_space<vmem>>[vector<16xi32>, vector<16xi32>], vector<16xf32>,
        %add3A_665 = arith.addf %gather3A_663, %gather3A_664 : vector<16xf32>
        tpu.vector_store_idx %arg10[%add3A_147, %broadcast_in_dim3A_662], %add3A_665 : memref<400x128xf32, #tpu.memory_space<vmem>>[vector<16xi32>, vector<16xi32>], vector<16xf32>,
        %add3A_666 = arith.addf %add3A_658, %add3A_665 : vector<16xf32>
        %mul3A_667 = arith.mulf %add3A_665, %add3A_665 : vector<16xf32>
        %add3A_668 = arith.addf %add3A_660, %mul3A_667 : vector<16xf32>
        %broadcast_in_dim3A_669 = arith.constant 62 : i32
        %broadcast_in_dim3A_670 = vector.broadcast %broadcast_in_dim3A_669 : i32 to vector<16xi32>
        %gather3A_671 = tpu.vector_load_idx %arg10[%add3A_147, %broadcast_in_dim3A_670] : memref<400x128xf32, #tpu.memory_space<vmem>>[vector<16xi32>, vector<16xi32>], vector<16xf32>,
        %gather3A_672 = tpu.vector_load_idx %arg11[%add3A_170, %broadcast_in_dim3A_670] : memref<400x128xf32, #tpu.memory_space<vmem>>[vector<16xi32>, vector<16xi32>], vector<16xf32>,
        %add3A_673 = arith.addf %gather3A_671, %gather3A_672 : vector<16xf32>
        tpu.vector_store_idx %arg10[%add3A_147, %broadcast_in_dim3A_670], %add3A_673 : memref<400x128xf32, #tpu.memory_space<vmem>>[vector<16xi32>, vector<16xi32>], vector<16xf32>,
        %add3A_674 = arith.addf %add3A_666, %add3A_673 : vector<16xf32>
        %mul3A_675 = arith.mulf %add3A_673, %add3A_673 : vector<16xf32>
        %add3A_676 = arith.addf %add3A_668, %mul3A_675 : vector<16xf32>
        %broadcast_in_dim3A_677 = arith.constant 63 : i32
        %broadcast_in_dim3A_678 = vector.broadcast %broadcast_in_dim3A_677 : i32 to vector<16xi32>
        %gather3A_679 = tpu.vector_load_idx %arg10[%add3A_147, %broadcast_in_dim3A_678] : memref<400x128xf32, #tpu.memory_space<vmem>>[vector<16xi32>, vector<16xi32>], vector<16xf32>,
        %gather3A_680 = tpu.vector_load_idx %arg11[%add3A_170, %broadcast_in_dim3A_678] : memref<400x128xf32, #tpu.memory_space<vmem>>[vector<16xi32>, vector<16xi32>], vector<16xf32>,
        %add3A_681 = arith.addf %gather3A_679, %gather3A_680 : vector<16xf32>
        tpu.vector_store_idx %arg10[%add3A_147, %broadcast_in_dim3A_678], %add3A_681 : memref<400x128xf32, #tpu.memory_space<vmem>>[vector<16xi32>, vector<16xi32>], vector<16xf32>,
        %add3A_682 = arith.addf %add3A_674, %add3A_681 : vector<16xf32>
        %mul3A_683 = arith.mulf %add3A_681, %add3A_681 : vector<16xf32>
        %add3A_684 = arith.addf %add3A_676, %mul3A_683 : vector<16xf32>
        %broadcast_in_dim3A_685 = arith.constant 64 : i32
        %broadcast_in_dim3A_686 = vector.broadcast %broadcast_in_dim3A_685 : i32 to vector<16xi32>
        %gather3A_687 = tpu.vector_load_idx %arg10[%add3A_147, %broadcast_in_dim3A_686] : memref<400x128xf32, #tpu.memory_space<vmem>>[vector<16xi32>, vector<16xi32>], vector<16xf32>,
        %gather3A_688 = tpu.vector_load_idx %arg11[%add3A_170, %broadcast_in_dim3A_686] : memref<400x128xf32, #tpu.memory_space<vmem>>[vector<16xi32>, vector<16xi32>], vector<16xf32>,
        %add3A_689 = arith.addf %gather3A_687, %gather3A_688 : vector<16xf32>
        tpu.vector_store_idx %arg10[%add3A_147, %broadcast_in_dim3A_686], %add3A_689 : memref<400x128xf32, #tpu.memory_space<vmem>>[vector<16xi32>, vector<16xi32>], vector<16xf32>,
        %add3A_690 = arith.addf %add3A_682, %add3A_689 : vector<16xf32>
        %mul3A_691 = arith.mulf %add3A_689, %add3A_689 : vector<16xf32>
        %add3A_692 = arith.addf %add3A_684, %mul3A_691 : vector<16xf32>
        %broadcast_in_dim3A_693 = arith.constant 65 : i32
        %broadcast_in_dim3A_694 = vector.broadcast %broadcast_in_dim3A_693 : i32 to vector<16xi32>
        %gather3A_695 = tpu.vector_load_idx %arg10[%add3A_147, %broadcast_in_dim3A_694] : memref<400x128xf32, #tpu.memory_space<vmem>>[vector<16xi32>, vector<16xi32>], vector<16xf32>,
        %gather3A_696 = tpu.vector_load_idx %arg11[%add3A_170, %broadcast_in_dim3A_694] : memref<400x128xf32, #tpu.memory_space<vmem>>[vector<16xi32>, vector<16xi32>], vector<16xf32>,
        %add3A_697 = arith.addf %gather3A_695, %gather3A_696 : vector<16xf32>
        tpu.vector_store_idx %arg10[%add3A_147, %broadcast_in_dim3A_694], %add3A_697 : memref<400x128xf32, #tpu.memory_space<vmem>>[vector<16xi32>, vector<16xi32>], vector<16xf32>,
        %add3A_698 = arith.addf %add3A_690, %add3A_697 : vector<16xf32>
        %mul3A_699 = arith.mulf %add3A_697, %add3A_697 : vector<16xf32>
        %add3A_700 = arith.addf %add3A_692, %mul3A_699 : vector<16xf32>
        %broadcast_in_dim3A_701 = arith.constant 66 : i32
        %broadcast_in_dim3A_702 = vector.broadcast %broadcast_in_dim3A_701 : i32 to vector<16xi32>
        %gather3A_703 = tpu.vector_load_idx %arg10[%add3A_147, %broadcast_in_dim3A_702] : memref<400x128xf32, #tpu.memory_space<vmem>>[vector<16xi32>, vector<16xi32>], vector<16xf32>,
        %gather3A_704 = tpu.vector_load_idx %arg11[%add3A_170, %broadcast_in_dim3A_702] : memref<400x128xf32, #tpu.memory_space<vmem>>[vector<16xi32>, vector<16xi32>], vector<16xf32>,
        %add3A_705 = arith.addf %gather3A_703, %gather3A_704 : vector<16xf32>
        tpu.vector_store_idx %arg10[%add3A_147, %broadcast_in_dim3A_702], %add3A_705 : memref<400x128xf32, #tpu.memory_space<vmem>>[vector<16xi32>, vector<16xi32>], vector<16xf32>,
        %add3A_706 = arith.addf %add3A_698, %add3A_705 : vector<16xf32>
        %mul3A_707 = arith.mulf %add3A_705, %add3A_705 : vector<16xf32>
        %add3A_708 = arith.addf %add3A_700, %mul3A_707 : vector<16xf32>
        %broadcast_in_dim3A_709 = arith.constant 67 : i32
        %broadcast_in_dim3A_710 = vector.broadcast %broadcast_in_dim3A_709 : i32 to vector<16xi32>
        %gather3A_711 = tpu.vector_load_idx %arg10[%add3A_147, %broadcast_in_dim3A_710] : memref<400x128xf32, #tpu.memory_space<vmem>>[vector<16xi32>, vector<16xi32>], vector<16xf32>,
        %gather3A_712 = tpu.vector_load_idx %arg11[%add3A_170, %broadcast_in_dim3A_710] : memref<400x128xf32, #tpu.memory_space<vmem>>[vector<16xi32>, vector<16xi32>], vector<16xf32>,
        %add3A_713 = arith.addf %gather3A_711, %gather3A_712 : vector<16xf32>
        tpu.vector_store_idx %arg10[%add3A_147, %broadcast_in_dim3A_710], %add3A_713 : memref<400x128xf32, #tpu.memory_space<vmem>>[vector<16xi32>, vector<16xi32>], vector<16xf32>,
        %add3A_714 = arith.addf %add3A_706, %add3A_713 : vector<16xf32>
        %mul3A_715 = arith.mulf %add3A_713, %add3A_713 : vector<16xf32>
        %add3A_716 = arith.addf %add3A_708, %mul3A_715 : vector<16xf32>
        %broadcast_in_dim3A_717 = arith.constant 68 : i32
        %broadcast_in_dim3A_718 = vector.broadcast %broadcast_in_dim3A_717 : i32 to vector<16xi32>
        %gather3A_719 = tpu.vector_load_idx %arg10[%add3A_147, %broadcast_in_dim3A_718] : memref<400x128xf32, #tpu.memory_space<vmem>>[vector<16xi32>, vector<16xi32>], vector<16xf32>,
        %gather3A_720 = tpu.vector_load_idx %arg11[%add3A_170, %broadcast_in_dim3A_718] : memref<400x128xf32, #tpu.memory_space<vmem>>[vector<16xi32>, vector<16xi32>], vector<16xf32>,
        %add3A_721 = arith.addf %gather3A_719, %gather3A_720 : vector<16xf32>
        tpu.vector_store_idx %arg10[%add3A_147, %broadcast_in_dim3A_718], %add3A_721 : memref<400x128xf32, #tpu.memory_space<vmem>>[vector<16xi32>, vector<16xi32>], vector<16xf32>,
        %add3A_722 = arith.addf %add3A_714, %add3A_721 : vector<16xf32>
        %mul3A_723 = arith.mulf %add3A_721, %add3A_721 : vector<16xf32>
        %add3A_724 = arith.addf %add3A_716, %mul3A_723 : vector<16xf32>
        %broadcast_in_dim3A_725 = arith.constant 69 : i32
        %broadcast_in_dim3A_726 = vector.broadcast %broadcast_in_dim3A_725 : i32 to vector<16xi32>
        %gather3A_727 = tpu.vector_load_idx %arg10[%add3A_147, %broadcast_in_dim3A_726] : memref<400x128xf32, #tpu.memory_space<vmem>>[vector<16xi32>, vector<16xi32>], vector<16xf32>,
        %gather3A_728 = tpu.vector_load_idx %arg11[%add3A_170, %broadcast_in_dim3A_726] : memref<400x128xf32, #tpu.memory_space<vmem>>[vector<16xi32>, vector<16xi32>], vector<16xf32>,
        %add3A_729 = arith.addf %gather3A_727, %gather3A_728 : vector<16xf32>
        tpu.vector_store_idx %arg10[%add3A_147, %broadcast_in_dim3A_726], %add3A_729 : memref<400x128xf32, #tpu.memory_space<vmem>>[vector<16xi32>, vector<16xi32>], vector<16xf32>,
        %add3A_730 = arith.addf %add3A_722, %add3A_729 : vector<16xf32>
        %mul3A_731 = arith.mulf %add3A_729, %add3A_729 : vector<16xf32>
        %add3A_732 = arith.addf %add3A_724, %mul3A_731 : vector<16xf32>
        %broadcast_in_dim3A_733 = arith.constant 70 : i32
        %broadcast_in_dim3A_734 = vector.broadcast %broadcast_in_dim3A_733 : i32 to vector<16xi32>
        %gather3A_735 = tpu.vector_load_idx %arg10[%add3A_147, %broadcast_in_dim3A_734] : memref<400x128xf32, #tpu.memory_space<vmem>>[vector<16xi32>, vector<16xi32>], vector<16xf32>,
        %gather3A_736 = tpu.vector_load_idx %arg11[%add3A_170, %broadcast_in_dim3A_734] : memref<400x128xf32, #tpu.memory_space<vmem>>[vector<16xi32>, vector<16xi32>], vector<16xf32>,
        %add3A_737 = arith.addf %gather3A_735, %gather3A_736 : vector<16xf32>
        tpu.vector_store_idx %arg10[%add3A_147, %broadcast_in_dim3A_734], %add3A_737 : memref<400x128xf32, #tpu.memory_space<vmem>>[vector<16xi32>, vector<16xi32>], vector<16xf32>,
        %add3A_738 = arith.addf %add3A_730, %add3A_737 : vector<16xf32>
        %mul3A_739 = arith.mulf %add3A_737, %add3A_737 : vector<16xf32>
        %add3A_740 = arith.addf %add3A_732, %mul3A_739 : vector<16xf32>
        %broadcast_in_dim3A_741 = arith.constant 71 : i32
        %broadcast_in_dim3A_742 = vector.broadcast %broadcast_in_dim3A_741 : i32 to vector<16xi32>
        %gather3A_743 = tpu.vector_load_idx %arg10[%add3A_147, %broadcast_in_dim3A_742] : memref<400x128xf32, #tpu.memory_space<vmem>>[vector<16xi32>, vector<16xi32>], vector<16xf32>,
        %gather3A_744 = tpu.vector_load_idx %arg11[%add3A_170, %broadcast_in_dim3A_742] : memref<400x128xf32, #tpu.memory_space<vmem>>[vector<16xi32>, vector<16xi32>], vector<16xf32>,
        %add3A_745 = arith.addf %gather3A_743, %gather3A_744 : vector<16xf32>
        tpu.vector_store_idx %arg10[%add3A_147, %broadcast_in_dim3A_742], %add3A_745 : memref<400x128xf32, #tpu.memory_space<vmem>>[vector<16xi32>, vector<16xi32>], vector<16xf32>,
        %add3A_746 = arith.addf %add3A_738, %add3A_745 : vector<16xf32>
        %mul3A_747 = arith.mulf %add3A_745, %add3A_745 : vector<16xf32>
        %add3A_748 = arith.addf %add3A_740, %mul3A_747 : vector<16xf32>
        %broadcast_in_dim3A_749 = arith.constant 72 : i32
        %broadcast_in_dim3A_750 = vector.broadcast %broadcast_in_dim3A_749 : i32 to vector<16xi32>
        %gather3A_751 = tpu.vector_load_idx %arg10[%add3A_147, %broadcast_in_dim3A_750] : memref<400x128xf32, #tpu.memory_space<vmem>>[vector<16xi32>, vector<16xi32>], vector<16xf32>,
        %gather3A_752 = tpu.vector_load_idx %arg11[%add3A_170, %broadcast_in_dim3A_750] : memref<400x128xf32, #tpu.memory_space<vmem>>[vector<16xi32>, vector<16xi32>], vector<16xf32>,
        %add3A_753 = arith.addf %gather3A_751, %gather3A_752 : vector<16xf32>
        tpu.vector_store_idx %arg10[%add3A_147, %broadcast_in_dim3A_750], %add3A_753 : memref<400x128xf32, #tpu.memory_space<vmem>>[vector<16xi32>, vector<16xi32>], vector<16xf32>,
        %add3A_754 = arith.addf %add3A_746, %add3A_753 : vector<16xf32>
        %mul3A_755 = arith.mulf %add3A_753, %add3A_753 : vector<16xf32>
        %add3A_756 = arith.addf %add3A_748, %mul3A_755 : vector<16xf32>
        %broadcast_in_dim3A_757 = arith.constant 73 : i32
        %broadcast_in_dim3A_758 = vector.broadcast %broadcast_in_dim3A_757 : i32 to vector<16xi32>
        %gather3A_759 = tpu.vector_load_idx %arg10[%add3A_147, %broadcast_in_dim3A_758] : memref<400x128xf32, #tpu.memory_space<vmem>>[vector<16xi32>, vector<16xi32>], vector<16xf32>,
        %gather3A_760 = tpu.vector_load_idx %arg11[%add3A_170, %broadcast_in_dim3A_758] : memref<400x128xf32, #tpu.memory_space<vmem>>[vector<16xi32>, vector<16xi32>], vector<16xf32>,
        %add3A_761 = arith.addf %gather3A_759, %gather3A_760 : vector<16xf32>
        tpu.vector_store_idx %arg10[%add3A_147, %broadcast_in_dim3A_758], %add3A_761 : memref<400x128xf32, #tpu.memory_space<vmem>>[vector<16xi32>, vector<16xi32>], vector<16xf32>,
        %add3A_762 = arith.addf %add3A_754, %add3A_761 : vector<16xf32>
        %mul3A_763 = arith.mulf %add3A_761, %add3A_761 : vector<16xf32>
        %add3A_764 = arith.addf %add3A_756, %mul3A_763 : vector<16xf32>
        %broadcast_in_dim3A_765 = arith.constant 74 : i32
        %broadcast_in_dim3A_766 = vector.broadcast %broadcast_in_dim3A_765 : i32 to vector<16xi32>
        %gather3A_767 = tpu.vector_load_idx %arg10[%add3A_147, %broadcast_in_dim3A_766] : memref<400x128xf32, #tpu.memory_space<vmem>>[vector<16xi32>, vector<16xi32>], vector<16xf32>,
        %gather3A_768 = tpu.vector_load_idx %arg11[%add3A_170, %broadcast_in_dim3A_766] : memref<400x128xf32, #tpu.memory_space<vmem>>[vector<16xi32>, vector<16xi32>], vector<16xf32>,
        %add3A_769 = arith.addf %gather3A_767, %gather3A_768 : vector<16xf32>
        tpu.vector_store_idx %arg10[%add3A_147, %broadcast_in_dim3A_766], %add3A_769 : memref<400x128xf32, #tpu.memory_space<vmem>>[vector<16xi32>, vector<16xi32>], vector<16xf32>,
        %add3A_770 = arith.addf %add3A_762, %add3A_769 : vector<16xf32>
        %mul3A_771 = arith.mulf %add3A_769, %add3A_769 : vector<16xf32>
        %add3A_772 = arith.addf %add3A_764, %mul3A_771 : vector<16xf32>
        %broadcast_in_dim3A_773 = arith.constant 75 : i32
        %broadcast_in_dim3A_774 = vector.broadcast %broadcast_in_dim3A_773 : i32 to vector<16xi32>
        %gather3A_775 = tpu.vector_load_idx %arg10[%add3A_147, %broadcast_in_dim3A_774] : memref<400x128xf32, #tpu.memory_space<vmem>>[vector<16xi32>, vector<16xi32>], vector<16xf32>,
        %gather3A_776 = tpu.vector_load_idx %arg11[%add3A_170, %broadcast_in_dim3A_774] : memref<400x128xf32, #tpu.memory_space<vmem>>[vector<16xi32>, vector<16xi32>], vector<16xf32>,
        %add3A_777 = arith.addf %gather3A_775, %gather3A_776 : vector<16xf32>
        tpu.vector_store_idx %arg10[%add3A_147, %broadcast_in_dim3A_774], %add3A_777 : memref<400x128xf32, #tpu.memory_space<vmem>>[vector<16xi32>, vector<16xi32>], vector<16xf32>,
        %add3A_778 = arith.addf %add3A_770, %add3A_777 : vector<16xf32>
        %mul3A_779 = arith.mulf %add3A_777, %add3A_777 : vector<16xf32>
        %add3A_780 = arith.addf %add3A_772, %mul3A_779 : vector<16xf32>
        %broadcast_in_dim3A_781 = arith.constant 76 : i32
        %broadcast_in_dim3A_782 = vector.broadcast %broadcast_in_dim3A_781 : i32 to vector<16xi32>
        %gather3A_783 = tpu.vector_load_idx %arg10[%add3A_147, %broadcast_in_dim3A_782] : memref<400x128xf32, #tpu.memory_space<vmem>>[vector<16xi32>, vector<16xi32>], vector<16xf32>,
        %gather3A_784 = tpu.vector_load_idx %arg11[%add3A_170, %broadcast_in_dim3A_782] : memref<400x128xf32, #tpu.memory_space<vmem>>[vector<16xi32>, vector<16xi32>], vector<16xf32>,
        %add3A_785 = arith.addf %gather3A_783, %gather3A_784 : vector<16xf32>
        tpu.vector_store_idx %arg10[%add3A_147, %broadcast_in_dim3A_782], %add3A_785 : memref<400x128xf32, #tpu.memory_space<vmem>>[vector<16xi32>, vector<16xi32>], vector<16xf32>,
        %add3A_786 = arith.addf %add3A_778, %add3A_785 : vector<16xf32>
        %mul3A_787 = arith.mulf %add3A_785, %add3A_785 : vector<16xf32>
        %add3A_788 = arith.addf %add3A_780, %mul3A_787 : vector<16xf32>
        %broadcast_in_dim3A_789 = arith.constant 77 : i32
        %broadcast_in_dim3A_790 = vector.broadcast %broadcast_in_dim3A_789 : i32 to vector<16xi32>
        %gather3A_791 = tpu.vector_load_idx %arg10[%add3A_147, %broadcast_in_dim3A_790] : memref<400x128xf32, #tpu.memory_space<vmem>>[vector<16xi32>, vector<16xi32>], vector<16xf32>,
        %gather3A_792 = tpu.vector_load_idx %arg11[%add3A_170, %broadcast_in_dim3A_790] : memref<400x128xf32, #tpu.memory_space<vmem>>[vector<16xi32>, vector<16xi32>], vector<16xf32>,
        %add3A_793 = arith.addf %gather3A_791, %gather3A_792 : vector<16xf32>
        tpu.vector_store_idx %arg10[%add3A_147, %broadcast_in_dim3A_790], %add3A_793 : memref<400x128xf32, #tpu.memory_space<vmem>>[vector<16xi32>, vector<16xi32>], vector<16xf32>,
        %add3A_794 = arith.addf %add3A_786, %add3A_793 : vector<16xf32>
        %mul3A_795 = arith.mulf %add3A_793, %add3A_793 : vector<16xf32>
        %add3A_796 = arith.addf %add3A_788, %mul3A_795 : vector<16xf32>
        %broadcast_in_dim3A_797 = arith.constant 78 : i32
        %broadcast_in_dim3A_798 = vector.broadcast %broadcast_in_dim3A_797 : i32 to vector<16xi32>
        %gather3A_799 = tpu.vector_load_idx %arg10[%add3A_147, %broadcast_in_dim3A_798] : memref<400x128xf32, #tpu.memory_space<vmem>>[vector<16xi32>, vector<16xi32>], vector<16xf32>,
        %gather3A_800 = tpu.vector_load_idx %arg11[%add3A_170, %broadcast_in_dim3A_798] : memref<400x128xf32, #tpu.memory_space<vmem>>[vector<16xi32>, vector<16xi32>], vector<16xf32>,
        %add3A_801 = arith.addf %gather3A_799, %gather3A_800 : vector<16xf32>
        tpu.vector_store_idx %arg10[%add3A_147, %broadcast_in_dim3A_798], %add3A_801 : memref<400x128xf32, #tpu.memory_space<vmem>>[vector<16xi32>, vector<16xi32>], vector<16xf32>,
        %add3A_802 = arith.addf %add3A_794, %add3A_801 : vector<16xf32>
        %mul3A_803 = arith.mulf %add3A_801, %add3A_801 : vector<16xf32>
        %add3A_804 = arith.addf %add3A_796, %mul3A_803 : vector<16xf32>
        %broadcast_in_dim3A_805 = arith.constant 79 : i32
        %broadcast_in_dim3A_806 = vector.broadcast %broadcast_in_dim3A_805 : i32 to vector<16xi32>
        %gather3A_807 = tpu.vector_load_idx %arg10[%add3A_147, %broadcast_in_dim3A_806] : memref<400x128xf32, #tpu.memory_space<vmem>>[vector<16xi32>, vector<16xi32>], vector<16xf32>,
        %gather3A_808 = tpu.vector_load_idx %arg11[%add3A_170, %broadcast_in_dim3A_806] : memref<400x128xf32, #tpu.memory_space<vmem>>[vector<16xi32>, vector<16xi32>], vector<16xf32>,
        %add3A_809 = arith.addf %gather3A_807, %gather3A_808 : vector<16xf32>
        tpu.vector_store_idx %arg10[%add3A_147, %broadcast_in_dim3A_806], %add3A_809 : memref<400x128xf32, #tpu.memory_space<vmem>>[vector<16xi32>, vector<16xi32>], vector<16xf32>,
        %add3A_810 = arith.addf %add3A_802, %add3A_809 : vector<16xf32>
        %mul3A_811 = arith.mulf %add3A_809, %add3A_809 : vector<16xf32>
        %add3A_812 = arith.addf %add3A_804, %mul3A_811 : vector<16xf32>
        %broadcast_in_dim3A_813 = arith.constant 80 : i32
        %broadcast_in_dim3A_814 = vector.broadcast %broadcast_in_dim3A_813 : i32 to vector<16xi32>
        %gather3A_815 = tpu.vector_load_idx %arg10[%add3A_147, %broadcast_in_dim3A_814] : memref<400x128xf32, #tpu.memory_space<vmem>>[vector<16xi32>, vector<16xi32>], vector<16xf32>,
        %gather3A_816 = tpu.vector_load_idx %arg11[%add3A_170, %broadcast_in_dim3A_814] : memref<400x128xf32, #tpu.memory_space<vmem>>[vector<16xi32>, vector<16xi32>], vector<16xf32>,
        %add3A_817 = arith.addf %gather3A_815, %gather3A_816 : vector<16xf32>
        tpu.vector_store_idx %arg10[%add3A_147, %broadcast_in_dim3A_814], %add3A_817 : memref<400x128xf32, #tpu.memory_space<vmem>>[vector<16xi32>, vector<16xi32>], vector<16xf32>,
        %add3A_818 = arith.addf %add3A_810, %add3A_817 : vector<16xf32>
        %mul3A_819 = arith.mulf %add3A_817, %add3A_817 : vector<16xf32>
        %add3A_820 = arith.addf %add3A_812, %mul3A_819 : vector<16xf32>
        %broadcast_in_dim3A_821 = arith.constant 81 : i32
        %broadcast_in_dim3A_822 = vector.broadcast %broadcast_in_dim3A_821 : i32 to vector<16xi32>
        %gather3A_823 = tpu.vector_load_idx %arg10[%add3A_147, %broadcast_in_dim3A_822] : memref<400x128xf32, #tpu.memory_space<vmem>>[vector<16xi32>, vector<16xi32>], vector<16xf32>,
        %gather3A_824 = tpu.vector_load_idx %arg11[%add3A_170, %broadcast_in_dim3A_822] : memref<400x128xf32, #tpu.memory_space<vmem>>[vector<16xi32>, vector<16xi32>], vector<16xf32>,
        %add3A_825 = arith.addf %gather3A_823, %gather3A_824 : vector<16xf32>
        tpu.vector_store_idx %arg10[%add3A_147, %broadcast_in_dim3A_822], %add3A_825 : memref<400x128xf32, #tpu.memory_space<vmem>>[vector<16xi32>, vector<16xi32>], vector<16xf32>,
        %add3A_826 = arith.addf %add3A_818, %add3A_825 : vector<16xf32>
        %mul3A_827 = arith.mulf %add3A_825, %add3A_825 : vector<16xf32>
        %add3A_828 = arith.addf %add3A_820, %mul3A_827 : vector<16xf32>
        %broadcast_in_dim3A_829 = arith.constant 82 : i32
        %broadcast_in_dim3A_830 = vector.broadcast %broadcast_in_dim3A_829 : i32 to vector<16xi32>
        %gather3A_831 = tpu.vector_load_idx %arg10[%add3A_147, %broadcast_in_dim3A_830] : memref<400x128xf32, #tpu.memory_space<vmem>>[vector<16xi32>, vector<16xi32>], vector<16xf32>,
        %gather3A_832 = tpu.vector_load_idx %arg11[%add3A_170, %broadcast_in_dim3A_830] : memref<400x128xf32, #tpu.memory_space<vmem>>[vector<16xi32>, vector<16xi32>], vector<16xf32>,
        %add3A_833 = arith.addf %gather3A_831, %gather3A_832 : vector<16xf32>
        tpu.vector_store_idx %arg10[%add3A_147, %broadcast_in_dim3A_830], %add3A_833 : memref<400x128xf32, #tpu.memory_space<vmem>>[vector<16xi32>, vector<16xi32>], vector<16xf32>,
        %add3A_834 = arith.addf %add3A_826, %add3A_833 : vector<16xf32>
        %mul3A_835 = arith.mulf %add3A_833, %add3A_833 : vector<16xf32>
        %add3A_836 = arith.addf %add3A_828, %mul3A_835 : vector<16xf32>
        %broadcast_in_dim3A_837 = arith.constant 83 : i32
        %broadcast_in_dim3A_838 = vector.broadcast %broadcast_in_dim3A_837 : i32 to vector<16xi32>
        %gather3A_839 = tpu.vector_load_idx %arg10[%add3A_147, %broadcast_in_dim3A_838] : memref<400x128xf32, #tpu.memory_space<vmem>>[vector<16xi32>, vector<16xi32>], vector<16xf32>,
        %gather3A_840 = tpu.vector_load_idx %arg11[%add3A_170, %broadcast_in_dim3A_838] : memref<400x128xf32, #tpu.memory_space<vmem>>[vector<16xi32>, vector<16xi32>], vector<16xf32>,
        %add3A_841 = arith.addf %gather3A_839, %gather3A_840 : vector<16xf32>
        tpu.vector_store_idx %arg10[%add3A_147, %broadcast_in_dim3A_838], %add3A_841 : memref<400x128xf32, #tpu.memory_space<vmem>>[vector<16xi32>, vector<16xi32>], vector<16xf32>,
        %add3A_842 = arith.addf %add3A_834, %add3A_841 : vector<16xf32>
        %mul3A_843 = arith.mulf %add3A_841, %add3A_841 : vector<16xf32>
        %add3A_844 = arith.addf %add3A_836, %mul3A_843 : vector<16xf32>
        %broadcast_in_dim3A_845 = arith.constant 84 : i32
        %broadcast_in_dim3A_846 = vector.broadcast %broadcast_in_dim3A_845 : i32 to vector<16xi32>
        %gather3A_847 = tpu.vector_load_idx %arg10[%add3A_147, %broadcast_in_dim3A_846] : memref<400x128xf32, #tpu.memory_space<vmem>>[vector<16xi32>, vector<16xi32>], vector<16xf32>,
        %gather3A_848 = tpu.vector_load_idx %arg11[%add3A_170, %broadcast_in_dim3A_846] : memref<400x128xf32, #tpu.memory_space<vmem>>[vector<16xi32>, vector<16xi32>], vector<16xf32>,
        %add3A_849 = arith.addf %gather3A_847, %gather3A_848 : vector<16xf32>
        tpu.vector_store_idx %arg10[%add3A_147, %broadcast_in_dim3A_846], %add3A_849 : memref<400x128xf32, #tpu.memory_space<vmem>>[vector<16xi32>, vector<16xi32>], vector<16xf32>,
        %add3A_850 = arith.addf %add3A_842, %add3A_849 : vector<16xf32>
        %mul3A_851 = arith.mulf %add3A_849, %add3A_849 : vector<16xf32>
        %add3A_852 = arith.addf %add3A_844, %mul3A_851 : vector<16xf32>
        %broadcast_in_dim3A_853 = arith.constant 85 : i32
        %broadcast_in_dim3A_854 = vector.broadcast %broadcast_in_dim3A_853 : i32 to vector<16xi32>
        %gather3A_855 = tpu.vector_load_idx %arg10[%add3A_147, %broadcast_in_dim3A_854] : memref<400x128xf32, #tpu.memory_space<vmem>>[vector<16xi32>, vector<16xi32>], vector<16xf32>,
        %gather3A_856 = tpu.vector_load_idx %arg11[%add3A_170, %broadcast_in_dim3A_854] : memref<400x128xf32, #tpu.memory_space<vmem>>[vector<16xi32>, vector<16xi32>], vector<16xf32>,
        %add3A_857 = arith.addf %gather3A_855, %gather3A_856 : vector<16xf32>
        tpu.vector_store_idx %arg10[%add3A_147, %broadcast_in_dim3A_854], %add3A_857 : memref<400x128xf32, #tpu.memory_space<vmem>>[vector<16xi32>, vector<16xi32>], vector<16xf32>,
        %add3A_858 = arith.addf %add3A_850, %add3A_857 : vector<16xf32>
        %mul3A_859 = arith.mulf %add3A_857, %add3A_857 : vector<16xf32>
        %add3A_860 = arith.addf %add3A_852, %mul3A_859 : vector<16xf32>
        %broadcast_in_dim3A_861 = arith.constant 86 : i32
        %broadcast_in_dim3A_862 = vector.broadcast %broadcast_in_dim3A_861 : i32 to vector<16xi32>
        %gather3A_863 = tpu.vector_load_idx %arg10[%add3A_147, %broadcast_in_dim3A_862] : memref<400x128xf32, #tpu.memory_space<vmem>>[vector<16xi32>, vector<16xi32>], vector<16xf32>,
        %gather3A_864 = tpu.vector_load_idx %arg11[%add3A_170, %broadcast_in_dim3A_862] : memref<400x128xf32, #tpu.memory_space<vmem>>[vector<16xi32>, vector<16xi32>], vector<16xf32>,
        %add3A_865 = arith.addf %gather3A_863, %gather3A_864 : vector<16xf32>
        tpu.vector_store_idx %arg10[%add3A_147, %broadcast_in_dim3A_862], %add3A_865 : memref<400x128xf32, #tpu.memory_space<vmem>>[vector<16xi32>, vector<16xi32>], vector<16xf32>,
        %add3A_866 = arith.addf %add3A_858, %add3A_865 : vector<16xf32>
        %mul3A_867 = arith.mulf %add3A_865, %add3A_865 : vector<16xf32>
        %add3A_868 = arith.addf %add3A_860, %mul3A_867 : vector<16xf32>
        %broadcast_in_dim3A_869 = arith.constant 87 : i32
        %broadcast_in_dim3A_870 = vector.broadcast %broadcast_in_dim3A_869 : i32 to vector<16xi32>
        %gather3A_871 = tpu.vector_load_idx %arg10[%add3A_147, %broadcast_in_dim3A_870] : memref<400x128xf32, #tpu.memory_space<vmem>>[vector<16xi32>, vector<16xi32>], vector<16xf32>,
        %gather3A_872 = tpu.vector_load_idx %arg11[%add3A_170, %broadcast_in_dim3A_870] : memref<400x128xf32, #tpu.memory_space<vmem>>[vector<16xi32>, vector<16xi32>], vector<16xf32>,
        %add3A_873 = arith.addf %gather3A_871, %gather3A_872 : vector<16xf32>
        tpu.vector_store_idx %arg10[%add3A_147, %broadcast_in_dim3A_870], %add3A_873 : memref<400x128xf32, #tpu.memory_space<vmem>>[vector<16xi32>, vector<16xi32>], vector<16xf32>,
        %add3A_874 = arith.addf %add3A_866, %add3A_873 : vector<16xf32>
        %mul3A_875 = arith.mulf %add3A_873, %add3A_873 : vector<16xf32>
        %add3A_876 = arith.addf %add3A_868, %mul3A_875 : vector<16xf32>
        %broadcast_in_dim3A_877 = arith.constant 88 : i32
        %broadcast_in_dim3A_878 = vector.broadcast %broadcast_in_dim3A_877 : i32 to vector<16xi32>
        %gather3A_879 = tpu.vector_load_idx %arg10[%add3A_147, %broadcast_in_dim3A_878] : memref<400x128xf32, #tpu.memory_space<vmem>>[vector<16xi32>, vector<16xi32>], vector<16xf32>,
        %gather3A_880 = tpu.vector_load_idx %arg11[%add3A_170, %broadcast_in_dim3A_878] : memref<400x128xf32, #tpu.memory_space<vmem>>[vector<16xi32>, vector<16xi32>], vector<16xf32>,
        %add3A_881 = arith.addf %gather3A_879, %gather3A_880 : vector<16xf32>
        tpu.vector_store_idx %arg10[%add3A_147, %broadcast_in_dim3A_878], %add3A_881 : memref<400x128xf32, #tpu.memory_space<vmem>>[vector<16xi32>, vector<16xi32>], vector<16xf32>,
        %add3A_882 = arith.addf %add3A_874, %add3A_881 : vector<16xf32>
        %mul3A_883 = arith.mulf %add3A_881, %add3A_881 : vector<16xf32>
        %add3A_884 = arith.addf %add3A_876, %mul3A_883 : vector<16xf32>
        %broadcast_in_dim3A_885 = arith.constant 89 : i32
        %broadcast_in_dim3A_886 = vector.broadcast %broadcast_in_dim3A_885 : i32 to vector<16xi32>
        %gather3A_887 = tpu.vector_load_idx %arg10[%add3A_147, %broadcast_in_dim3A_886] : memref<400x128xf32, #tpu.memory_space<vmem>>[vector<16xi32>, vector<16xi32>], vector<16xf32>,
        %gather3A_888 = tpu.vector_load_idx %arg11[%add3A_170, %broadcast_in_dim3A_886] : memref<400x128xf32, #tpu.memory_space<vmem>>[vector<16xi32>, vector<16xi32>], vector<16xf32>,
        %add3A_889 = arith.addf %gather3A_887, %gather3A_888 : vector<16xf32>
        tpu.vector_store_idx %arg10[%add3A_147, %broadcast_in_dim3A_886], %add3A_889 : memref<400x128xf32, #tpu.memory_space<vmem>>[vector<16xi32>, vector<16xi32>], vector<16xf32>,
        %add3A_890 = arith.addf %add3A_882, %add3A_889 : vector<16xf32>
        %mul3A_891 = arith.mulf %add3A_889, %add3A_889 : vector<16xf32>
        %add3A_892 = arith.addf %add3A_884, %mul3A_891 : vector<16xf32>
        %broadcast_in_dim3A_893 = arith.constant 90 : i32
        %broadcast_in_dim3A_894 = vector.broadcast %broadcast_in_dim3A_893 : i32 to vector<16xi32>
        %gather3A_895 = tpu.vector_load_idx %arg10[%add3A_147, %broadcast_in_dim3A_894] : memref<400x128xf32, #tpu.memory_space<vmem>>[vector<16xi32>, vector<16xi32>], vector<16xf32>,
        %gather3A_896 = tpu.vector_load_idx %arg11[%add3A_170, %broadcast_in_dim3A_894] : memref<400x128xf32, #tpu.memory_space<vmem>>[vector<16xi32>, vector<16xi32>], vector<16xf32>,
        %add3A_897 = arith.addf %gather3A_895, %gather3A_896 : vector<16xf32>
        tpu.vector_store_idx %arg10[%add3A_147, %broadcast_in_dim3A_894], %add3A_897 : memref<400x128xf32, #tpu.memory_space<vmem>>[vector<16xi32>, vector<16xi32>], vector<16xf32>,
        %add3A_898 = arith.addf %add3A_890, %add3A_897 : vector<16xf32>
        %mul3A_899 = arith.mulf %add3A_897, %add3A_897 : vector<16xf32>
        %add3A_900 = arith.addf %add3A_892, %mul3A_899 : vector<16xf32>
        %broadcast_in_dim3A_901 = arith.constant 91 : i32
        %broadcast_in_dim3A_902 = vector.broadcast %broadcast_in_dim3A_901 : i32 to vector<16xi32>
        %gather3A_903 = tpu.vector_load_idx %arg10[%add3A_147, %broadcast_in_dim3A_902] : memref<400x128xf32, #tpu.memory_space<vmem>>[vector<16xi32>, vector<16xi32>], vector<16xf32>,
        %gather3A_904 = tpu.vector_load_idx %arg11[%add3A_170, %broadcast_in_dim3A_902] : memref<400x128xf32, #tpu.memory_space<vmem>>[vector<16xi32>, vector<16xi32>], vector<16xf32>,
        %add3A_905 = arith.addf %gather3A_903, %gather3A_904 : vector<16xf32>
        tpu.vector_store_idx %arg10[%add3A_147, %broadcast_in_dim3A_902], %add3A_905 : memref<400x128xf32, #tpu.memory_space<vmem>>[vector<16xi32>, vector<16xi32>], vector<16xf32>,
        %add3A_906 = arith.addf %add3A_898, %add3A_905 : vector<16xf32>
        %mul3A_907 = arith.mulf %add3A_905, %add3A_905 : vector<16xf32>
        %add3A_908 = arith.addf %add3A_900, %mul3A_907 : vector<16xf32>
        %broadcast_in_dim3A_909 = arith.constant 92 : i32
        %broadcast_in_dim3A_910 = vector.broadcast %broadcast_in_dim3A_909 : i32 to vector<16xi32>
        %gather3A_911 = tpu.vector_load_idx %arg10[%add3A_147, %broadcast_in_dim3A_910] : memref<400x128xf32, #tpu.memory_space<vmem>>[vector<16xi32>, vector<16xi32>], vector<16xf32>,
        %gather3A_912 = tpu.vector_load_idx %arg11[%add3A_170, %broadcast_in_dim3A_910] : memref<400x128xf32, #tpu.memory_space<vmem>>[vector<16xi32>, vector<16xi32>], vector<16xf32>,
        %add3A_913 = arith.addf %gather3A_911, %gather3A_912 : vector<16xf32>
        tpu.vector_store_idx %arg10[%add3A_147, %broadcast_in_dim3A_910], %add3A_913 : memref<400x128xf32, #tpu.memory_space<vmem>>[vector<16xi32>, vector<16xi32>], vector<16xf32>,
        %add3A_914 = arith.addf %add3A_906, %add3A_913 : vector<16xf32>
        %mul3A_915 = arith.mulf %add3A_913, %add3A_913 : vector<16xf32>
        %add3A_916 = arith.addf %add3A_908, %mul3A_915 : vector<16xf32>
        %broadcast_in_dim3A_917 = arith.constant 93 : i32
        %broadcast_in_dim3A_918 = vector.broadcast %broadcast_in_dim3A_917 : i32 to vector<16xi32>
        %gather3A_919 = tpu.vector_load_idx %arg10[%add3A_147, %broadcast_in_dim3A_918] : memref<400x128xf32, #tpu.memory_space<vmem>>[vector<16xi32>, vector<16xi32>], vector<16xf32>,
        %gather3A_920 = tpu.vector_load_idx %arg11[%add3A_170, %broadcast_in_dim3A_918] : memref<400x128xf32, #tpu.memory_space<vmem>>[vector<16xi32>, vector<16xi32>], vector<16xf32>,
        %add3A_921 = arith.addf %gather3A_919, %gather3A_920 : vector<16xf32>
        tpu.vector_store_idx %arg10[%add3A_147, %broadcast_in_dim3A_918], %add3A_921 : memref<400x128xf32, #tpu.memory_space<vmem>>[vector<16xi32>, vector<16xi32>], vector<16xf32>,
        %add3A_922 = arith.addf %add3A_914, %add3A_921 : vector<16xf32>
        %mul3A_923 = arith.mulf %add3A_921, %add3A_921 : vector<16xf32>
        %add3A_924 = arith.addf %add3A_916, %mul3A_923 : vector<16xf32>
        %broadcast_in_dim3A_925 = arith.constant 94 : i32
        %broadcast_in_dim3A_926 = vector.broadcast %broadcast_in_dim3A_925 : i32 to vector<16xi32>
        %gather3A_927 = tpu.vector_load_idx %arg10[%add3A_147, %broadcast_in_dim3A_926] : memref<400x128xf32, #tpu.memory_space<vmem>>[vector<16xi32>, vector<16xi32>], vector<16xf32>,
        %gather3A_928 = tpu.vector_load_idx %arg11[%add3A_170, %broadcast_in_dim3A_926] : memref<400x128xf32, #tpu.memory_space<vmem>>[vector<16xi32>, vector<16xi32>], vector<16xf32>,
        %add3A_929 = arith.addf %gather3A_927, %gather3A_928 : vector<16xf32>
        tpu.vector_store_idx %arg10[%add3A_147, %broadcast_in_dim3A_926], %add3A_929 : memref<400x128xf32, #tpu.memory_space<vmem>>[vector<16xi32>, vector<16xi32>], vector<16xf32>,
        %add3A_930 = arith.addf %add3A_922, %add3A_929 : vector<16xf32>
        %mul3A_931 = arith.mulf %add3A_929, %add3A_929 : vector<16xf32>
        %add3A_932 = arith.addf %add3A_924, %mul3A_931 : vector<16xf32>
        %broadcast_in_dim3A_933 = arith.constant 95 : i32
        %broadcast_in_dim3A_934 = vector.broadcast %broadcast_in_dim3A_933 : i32 to vector<16xi32>
        %gather3A_935 = tpu.vector_load_idx %arg10[%add3A_147, %broadcast_in_dim3A_934] : memref<400x128xf32, #tpu.memory_space<vmem>>[vector<16xi32>, vector<16xi32>], vector<16xf32>,
        %gather3A_936 = tpu.vector_load_idx %arg11[%add3A_170, %broadcast_in_dim3A_934] : memref<400x128xf32, #tpu.memory_space<vmem>>[vector<16xi32>, vector<16xi32>], vector<16xf32>,
        %add3A_937 = arith.addf %gather3A_935, %gather3A_936 : vector<16xf32>
        tpu.vector_store_idx %arg10[%add3A_147, %broadcast_in_dim3A_934], %add3A_937 : memref<400x128xf32, #tpu.memory_space<vmem>>[vector<16xi32>, vector<16xi32>], vector<16xf32>,
        %add3A_938 = arith.addf %add3A_930, %add3A_937 : vector<16xf32>
        %mul3A_939 = arith.mulf %add3A_937, %add3A_937 : vector<16xf32>
        %add3A_940 = arith.addf %add3A_932, %mul3A_939 : vector<16xf32>
        %broadcast_in_dim3A_941 = arith.constant 96 : i32
        %broadcast_in_dim3A_942 = vector.broadcast %broadcast_in_dim3A_941 : i32 to vector<16xi32>
        %gather3A_943 = tpu.vector_load_idx %arg10[%add3A_147, %broadcast_in_dim3A_942] : memref<400x128xf32, #tpu.memory_space<vmem>>[vector<16xi32>, vector<16xi32>], vector<16xf32>,
        %gather3A_944 = tpu.vector_load_idx %arg11[%add3A_170, %broadcast_in_dim3A_942] : memref<400x128xf32, #tpu.memory_space<vmem>>[vector<16xi32>, vector<16xi32>], vector<16xf32>,
        %add3A_945 = arith.addf %gather3A_943, %gather3A_944 : vector<16xf32>
        tpu.vector_store_idx %arg10[%add3A_147, %broadcast_in_dim3A_942], %add3A_945 : memref<400x128xf32, #tpu.memory_space<vmem>>[vector<16xi32>, vector<16xi32>], vector<16xf32>,
        %add3A_946 = arith.addf %add3A_938, %add3A_945 : vector<16xf32>
        %mul3A_947 = arith.mulf %add3A_945, %add3A_945 : vector<16xf32>
        %add3A_948 = arith.addf %add3A_940, %mul3A_947 : vector<16xf32>
        %broadcast_in_dim3A_949 = arith.constant 97 : i32
        %broadcast_in_dim3A_950 = vector.broadcast %broadcast_in_dim3A_949 : i32 to vector<16xi32>
        %gather3A_951 = tpu.vector_load_idx %arg10[%add3A_147, %broadcast_in_dim3A_950] : memref<400x128xf32, #tpu.memory_space<vmem>>[vector<16xi32>, vector<16xi32>], vector<16xf32>,
        %gather3A_952 = tpu.vector_load_idx %arg11[%add3A_170, %broadcast_in_dim3A_950] : memref<400x128xf32, #tpu.memory_space<vmem>>[vector<16xi32>, vector<16xi32>], vector<16xf32>,
        %add3A_953 = arith.addf %gather3A_951, %gather3A_952 : vector<16xf32>
        tpu.vector_store_idx %arg10[%add3A_147, %broadcast_in_dim3A_950], %add3A_953 : memref<400x128xf32, #tpu.memory_space<vmem>>[vector<16xi32>, vector<16xi32>], vector<16xf32>,
        %add3A_954 = arith.addf %add3A_946, %add3A_953 : vector<16xf32>
        %mul3A_955 = arith.mulf %add3A_953, %add3A_953 : vector<16xf32>
        %add3A_956 = arith.addf %add3A_948, %mul3A_955 : vector<16xf32>
        %broadcast_in_dim3A_957 = arith.constant 98 : i32
        %broadcast_in_dim3A_958 = vector.broadcast %broadcast_in_dim3A_957 : i32 to vector<16xi32>
        %gather3A_959 = tpu.vector_load_idx %arg10[%add3A_147, %broadcast_in_dim3A_958] : memref<400x128xf32, #tpu.memory_space<vmem>>[vector<16xi32>, vector<16xi32>], vector<16xf32>,
        %gather3A_960 = tpu.vector_load_idx %arg11[%add3A_170, %broadcast_in_dim3A_958] : memref<400x128xf32, #tpu.memory_space<vmem>>[vector<16xi32>, vector<16xi32>], vector<16xf32>,
        %add3A_961 = arith.addf %gather3A_959, %gather3A_960 : vector<16xf32>
        tpu.vector_store_idx %arg10[%add3A_147, %broadcast_in_dim3A_958], %add3A_961 : memref<400x128xf32, #tpu.memory_space<vmem>>[vector<16xi32>, vector<16xi32>], vector<16xf32>,
        %add3A_962 = arith.addf %add3A_954, %add3A_961 : vector<16xf32>
        %mul3A_963 = arith.mulf %add3A_961, %add3A_961 : vector<16xf32>
        %add3A_964 = arith.addf %add3A_956, %mul3A_963 : vector<16xf32>
        %broadcast_in_dim3A_965 = arith.constant 99 : i32
        %broadcast_in_dim3A_966 = vector.broadcast %broadcast_in_dim3A_965 : i32 to vector<16xi32>
        %gather3A_967 = tpu.vector_load_idx %arg10[%add3A_147, %broadcast_in_dim3A_966] : memref<400x128xf32, #tpu.memory_space<vmem>>[vector<16xi32>, vector<16xi32>], vector<16xf32>,
        %gather3A_968 = tpu.vector_load_idx %arg11[%add3A_170, %broadcast_in_dim3A_966] : memref<400x128xf32, #tpu.memory_space<vmem>>[vector<16xi32>, vector<16xi32>], vector<16xf32>,
        %add3A_969 = arith.addf %gather3A_967, %gather3A_968 : vector<16xf32>
        tpu.vector_store_idx %arg10[%add3A_147, %broadcast_in_dim3A_966], %add3A_969 : memref<400x128xf32, #tpu.memory_space<vmem>>[vector<16xi32>, vector<16xi32>], vector<16xf32>,
        %add3A_970 = arith.addf %add3A_962, %add3A_969 : vector<16xf32>
        %mul3A_971 = arith.mulf %add3A_969, %add3A_969 : vector<16xf32>
        %add3A_972 = arith.addf %add3A_964, %mul3A_971 : vector<16xf32>
        %broadcast_in_dim3A_973 = arith.constant 100 : i32
        %broadcast_in_dim3A_974 = vector.broadcast %broadcast_in_dim3A_973 : i32 to vector<16xi32>
        %gather3A_975 = tpu.vector_load_idx %arg10[%add3A_147, %broadcast_in_dim3A_974] : memref<400x128xf32, #tpu.memory_space<vmem>>[vector<16xi32>, vector<16xi32>], vector<16xf32>,
        %gather3A_976 = tpu.vector_load_idx %arg11[%add3A_170, %broadcast_in_dim3A_974] : memref<400x128xf32, #tpu.memory_space<vmem>>[vector<16xi32>, vector<16xi32>], vector<16xf32>,
        %add3A_977 = arith.addf %gather3A_975, %gather3A_976 : vector<16xf32>
        tpu.vector_store_idx %arg10[%add3A_147, %broadcast_in_dim3A_974], %add3A_977 : memref<400x128xf32, #tpu.memory_space<vmem>>[vector<16xi32>, vector<16xi32>], vector<16xf32>,
        %add3A_978 = arith.addf %add3A_970, %add3A_977 : vector<16xf32>
        %mul3A_979 = arith.mulf %add3A_977, %add3A_977 : vector<16xf32>
        %add3A_980 = arith.addf %add3A_972, %mul3A_979 : vector<16xf32>
        %broadcast_in_dim3A_981 = arith.constant 101 : i32
        %broadcast_in_dim3A_982 = vector.broadcast %broadcast_in_dim3A_981 : i32 to vector<16xi32>
        %gather3A_983 = tpu.vector_load_idx %arg10[%add3A_147, %broadcast_in_dim3A_982] : memref<400x128xf32, #tpu.memory_space<vmem>>[vector<16xi32>, vector<16xi32>], vector<16xf32>,
        %gather3A_984 = tpu.vector_load_idx %arg11[%add3A_170, %broadcast_in_dim3A_982] : memref<400x128xf32, #tpu.memory_space<vmem>>[vector<16xi32>, vector<16xi32>], vector<16xf32>,
        %add3A_985 = arith.addf %gather3A_983, %gather3A_984 : vector<16xf32>
        tpu.vector_store_idx %arg10[%add3A_147, %broadcast_in_dim3A_982], %add3A_985 : memref<400x128xf32, #tpu.memory_space<vmem>>[vector<16xi32>, vector<16xi32>], vector<16xf32>,
        %add3A_986 = arith.addf %add3A_978, %add3A_985 : vector<16xf32>
        %mul3A_987 = arith.mulf %add3A_985, %add3A_985 : vector<16xf32>
        %add3A_988 = arith.addf %add3A_980, %mul3A_987 : vector<16xf32>
        %broadcast_in_dim3A_989 = arith.constant 102 : i32
        %broadcast_in_dim3A_990 = vector.broadcast %broadcast_in_dim3A_989 : i32 to vector<16xi32>
        %gather3A_991 = tpu.vector_load_idx %arg10[%add3A_147, %broadcast_in_dim3A_990] : memref<400x128xf32, #tpu.memory_space<vmem>>[vector<16xi32>, vector<16xi32>], vector<16xf32>,
        %gather3A_992 = tpu.vector_load_idx %arg11[%add3A_170, %broadcast_in_dim3A_990] : memref<400x128xf32, #tpu.memory_space<vmem>>[vector<16xi32>, vector<16xi32>], vector<16xf32>,
        %add3A_993 = arith.addf %gather3A_991, %gather3A_992 : vector<16xf32>
        tpu.vector_store_idx %arg10[%add3A_147, %broadcast_in_dim3A_990], %add3A_993 : memref<400x128xf32, #tpu.memory_space<vmem>>[vector<16xi32>, vector<16xi32>], vector<16xf32>,
        %add3A_994 = arith.addf %add3A_986, %add3A_993 : vector<16xf32>
        %mul3A_995 = arith.mulf %add3A_993, %add3A_993 : vector<16xf32>
        %add3A_996 = arith.addf %add3A_988, %mul3A_995 : vector<16xf32>
        %broadcast_in_dim3A_997 = arith.constant 103 : i32
        %broadcast_in_dim3A_998 = vector.broadcast %broadcast_in_dim3A_997 : i32 to vector<16xi32>
        %gather3A_999 = tpu.vector_load_idx %arg10[%add3A_147, %broadcast_in_dim3A_998] : memref<400x128xf32, #tpu.memory_space<vmem>>[vector<16xi32>, vector<16xi32>], vector<16xf32>,
        %gather3A_1000 = tpu.vector_load_idx %arg11[%add3A_170, %broadcast_in_dim3A_998] : memref<400x128xf32, #tpu.memory_space<vmem>>[vector<16xi32>, vector<16xi32>], vector<16xf32>,
        %add3A_1001 = arith.addf %gather3A_999, %gather3A_1000 : vector<16xf32>
        tpu.vector_store_idx %arg10[%add3A_147, %broadcast_in_dim3A_998], %add3A_1001 : memref<400x128xf32, #tpu.memory_space<vmem>>[vector<16xi32>, vector<16xi32>], vector<16xf32>,
        %add3A_1002 = arith.addf %add3A_994, %add3A_1001 : vector<16xf32>
        %mul3A_1003 = arith.mulf %add3A_1001, %add3A_1001 : vector<16xf32>
        %add3A_1004 = arith.addf %add3A_996, %mul3A_1003 : vector<16xf32>
        %broadcast_in_dim3A_1005 = arith.constant 104 : i32
        %broadcast_in_dim3A_1006 = vector.broadcast %broadcast_in_dim3A_1005 : i32 to vector<16xi32>
        %gather3A_1007 = tpu.vector_load_idx %arg10[%add3A_147, %broadcast_in_dim3A_1006] : memref<400x128xf32, #tpu.memory_space<vmem>>[vector<16xi32>, vector<16xi32>], vector<16xf32>,
        %gather3A_1008 = tpu.vector_load_idx %arg11[%add3A_170, %broadcast_in_dim3A_1006] : memref<400x128xf32, #tpu.memory_space<vmem>>[vector<16xi32>, vector<16xi32>], vector<16xf32>,
        %add3A_1009 = arith.addf %gather3A_1007, %gather3A_1008 : vector<16xf32>
        tpu.vector_store_idx %arg10[%add3A_147, %broadcast_in_dim3A_1006], %add3A_1009 : memref<400x128xf32, #tpu.memory_space<vmem>>[vector<16xi32>, vector<16xi32>], vector<16xf32>,
        %add3A_1010 = arith.addf %add3A_1002, %add3A_1009 : vector<16xf32>
        %mul3A_1011 = arith.mulf %add3A_1009, %add3A_1009 : vector<16xf32>
        %add3A_1012 = arith.addf %add3A_1004, %mul3A_1011 : vector<16xf32>
        %broadcast_in_dim3A_1013 = arith.constant 105 : i32
        %broadcast_in_dim3A_1014 = vector.broadcast %broadcast_in_dim3A_1013 : i32 to vector<16xi32>
        %gather3A_1015 = tpu.vector_load_idx %arg10[%add3A_147, %broadcast_in_dim3A_1014] : memref<400x128xf32, #tpu.memory_space<vmem>>[vector<16xi32>, vector<16xi32>], vector<16xf32>,
        %gather3A_1016 = tpu.vector_load_idx %arg11[%add3A_170, %broadcast_in_dim3A_1014] : memref<400x128xf32, #tpu.memory_space<vmem>>[vector<16xi32>, vector<16xi32>], vector<16xf32>,
        %add3A_1017 = arith.addf %gather3A_1015, %gather3A_1016 : vector<16xf32>
        tpu.vector_store_idx %arg10[%add3A_147, %broadcast_in_dim3A_1014], %add3A_1017 : memref<400x128xf32, #tpu.memory_space<vmem>>[vector<16xi32>, vector<16xi32>], vector<16xf32>,
        %add3A_1018 = arith.addf %add3A_1010, %add3A_1017 : vector<16xf32>
        %mul3A_1019 = arith.mulf %add3A_1017, %add3A_1017 : vector<16xf32>
        %add3A_1020 = arith.addf %add3A_1012, %mul3A_1019 : vector<16xf32>
        %broadcast_in_dim3A_1021 = arith.constant 106 : i32
        %broadcast_in_dim3A_1022 = vector.broadcast %broadcast_in_dim3A_1021 : i32 to vector<16xi32>
        %gather3A_1023 = tpu.vector_load_idx %arg10[%add3A_147, %broadcast_in_dim3A_1022] : memref<400x128xf32, #tpu.memory_space<vmem>>[vector<16xi32>, vector<16xi32>], vector<16xf32>,
        %gather3A_1024 = tpu.vector_load_idx %arg11[%add3A_170, %broadcast_in_dim3A_1022] : memref<400x128xf32, #tpu.memory_space<vmem>>[vector<16xi32>, vector<16xi32>], vector<16xf32>,
        %add3A_1025 = arith.addf %gather3A_1023, %gather3A_1024 : vector<16xf32>
        tpu.vector_store_idx %arg10[%add3A_147, %broadcast_in_dim3A_1022], %add3A_1025 : memref<400x128xf32, #tpu.memory_space<vmem>>[vector<16xi32>, vector<16xi32>], vector<16xf32>,
        %add3A_1026 = arith.addf %add3A_1018, %add3A_1025 : vector<16xf32>
        %mul3A_1027 = arith.mulf %add3A_1025, %add3A_1025 : vector<16xf32>
        %add3A_1028 = arith.addf %add3A_1020, %mul3A_1027 : vector<16xf32>
        %broadcast_in_dim3A_1029 = arith.constant 107 : i32
        %broadcast_in_dim3A_1030 = vector.broadcast %broadcast_in_dim3A_1029 : i32 to vector<16xi32>
        %gather3A_1031 = tpu.vector_load_idx %arg10[%add3A_147, %broadcast_in_dim3A_1030] : memref<400x128xf32, #tpu.memory_space<vmem>>[vector<16xi32>, vector<16xi32>], vector<16xf32>,
        %gather3A_1032 = tpu.vector_load_idx %arg11[%add3A_170, %broadcast_in_dim3A_1030] : memref<400x128xf32, #tpu.memory_space<vmem>>[vector<16xi32>, vector<16xi32>], vector<16xf32>,
        %add3A_1033 = arith.addf %gather3A_1031, %gather3A_1032 : vector<16xf32>
        tpu.vector_store_idx %arg10[%add3A_147, %broadcast_in_dim3A_1030], %add3A_1033 : memref<400x128xf32, #tpu.memory_space<vmem>>[vector<16xi32>, vector<16xi32>], vector<16xf32>,
        %add3A_1034 = arith.addf %add3A_1026, %add3A_1033 : vector<16xf32>
        %mul3A_1035 = arith.mulf %add3A_1033, %add3A_1033 : vector<16xf32>
        %add3A_1036 = arith.addf %add3A_1028, %mul3A_1035 : vector<16xf32>
        %broadcast_in_dim3A_1037 = arith.constant 108 : i32
        %broadcast_in_dim3A_1038 = vector.broadcast %broadcast_in_dim3A_1037 : i32 to vector<16xi32>
        %gather3A_1039 = tpu.vector_load_idx %arg10[%add3A_147, %broadcast_in_dim3A_1038] : memref<400x128xf32, #tpu.memory_space<vmem>>[vector<16xi32>, vector<16xi32>], vector<16xf32>,
        %gather3A_1040 = tpu.vector_load_idx %arg11[%add3A_170, %broadcast_in_dim3A_1038] : memref<400x128xf32, #tpu.memory_space<vmem>>[vector<16xi32>, vector<16xi32>], vector<16xf32>,
        %add3A_1041 = arith.addf %gather3A_1039, %gather3A_1040 : vector<16xf32>
        tpu.vector_store_idx %arg10[%add3A_147, %broadcast_in_dim3A_1038], %add3A_1041 : memref<400x128xf32, #tpu.memory_space<vmem>>[vector<16xi32>, vector<16xi32>], vector<16xf32>,
        %add3A_1042 = arith.addf %add3A_1034, %add3A_1041 : vector<16xf32>
        %mul3A_1043 = arith.mulf %add3A_1041, %add3A_1041 : vector<16xf32>
        %add3A_1044 = arith.addf %add3A_1036, %mul3A_1043 : vector<16xf32>
        %broadcast_in_dim3A_1045 = arith.constant 109 : i32
        %broadcast_in_dim3A_1046 = vector.broadcast %broadcast_in_dim3A_1045 : i32 to vector<16xi32>
        %gather3A_1047 = tpu.vector_load_idx %arg10[%add3A_147, %broadcast_in_dim3A_1046] : memref<400x128xf32, #tpu.memory_space<vmem>>[vector<16xi32>, vector<16xi32>], vector<16xf32>,
        %gather3A_1048 = tpu.vector_load_idx %arg11[%add3A_170, %broadcast_in_dim3A_1046] : memref<400x128xf32, #tpu.memory_space<vmem>>[vector<16xi32>, vector<16xi32>], vector<16xf32>,
        %add3A_1049 = arith.addf %gather3A_1047, %gather3A_1048 : vector<16xf32>
        tpu.vector_store_idx %arg10[%add3A_147, %broadcast_in_dim3A_1046], %add3A_1049 : memref<400x128xf32, #tpu.memory_space<vmem>>[vector<16xi32>, vector<16xi32>], vector<16xf32>,
        %add3A_1050 = arith.addf %add3A_1042, %add3A_1049 : vector<16xf32>
        %mul3A_1051 = arith.mulf %add3A_1049, %add3A_1049 : vector<16xf32>
        %add3A_1052 = arith.addf %add3A_1044, %mul3A_1051 : vector<16xf32>
        %broadcast_in_dim3A_1053 = arith.constant 110 : i32
        %broadcast_in_dim3A_1054 = vector.broadcast %broadcast_in_dim3A_1053 : i32 to vector<16xi32>
        %gather3A_1055 = tpu.vector_load_idx %arg10[%add3A_147, %broadcast_in_dim3A_1054] : memref<400x128xf32, #tpu.memory_space<vmem>>[vector<16xi32>, vector<16xi32>], vector<16xf32>,
        %gather3A_1056 = tpu.vector_load_idx %arg11[%add3A_170, %broadcast_in_dim3A_1054] : memref<400x128xf32, #tpu.memory_space<vmem>>[vector<16xi32>, vector<16xi32>], vector<16xf32>,
        %add3A_1057 = arith.addf %gather3A_1055, %gather3A_1056 : vector<16xf32>
        tpu.vector_store_idx %arg10[%add3A_147, %broadcast_in_dim3A_1054], %add3A_1057 : memref<400x128xf32, #tpu.memory_space<vmem>>[vector<16xi32>, vector<16xi32>], vector<16xf32>,
        %add3A_1058 = arith.addf %add3A_1050, %add3A_1057 : vector<16xf32>
        %mul3A_1059 = arith.mulf %add3A_1057, %add3A_1057 : vector<16xf32>
        %add3A_1060 = arith.addf %add3A_1052, %mul3A_1059 : vector<16xf32>
        %broadcast_in_dim3A_1061 = arith.constant 111 : i32
        %broadcast_in_dim3A_1062 = vector.broadcast %broadcast_in_dim3A_1061 : i32 to vector<16xi32>
        %gather3A_1063 = tpu.vector_load_idx %arg10[%add3A_147, %broadcast_in_dim3A_1062] : memref<400x128xf32, #tpu.memory_space<vmem>>[vector<16xi32>, vector<16xi32>], vector<16xf32>,
        %gather3A_1064 = tpu.vector_load_idx %arg11[%add3A_170, %broadcast_in_dim3A_1062] : memref<400x128xf32, #tpu.memory_space<vmem>>[vector<16xi32>, vector<16xi32>], vector<16xf32>,
        %add3A_1065 = arith.addf %gather3A_1063, %gather3A_1064 : vector<16xf32>
        tpu.vector_store_idx %arg10[%add3A_147, %broadcast_in_dim3A_1062], %add3A_1065 : memref<400x128xf32, #tpu.memory_space<vmem>>[vector<16xi32>, vector<16xi32>], vector<16xf32>,
        %add3A_1066 = arith.addf %add3A_1058, %add3A_1065 : vector<16xf32>
        %mul3A_1067 = arith.mulf %add3A_1065, %add3A_1065 : vector<16xf32>
        %add3A_1068 = arith.addf %add3A_1060, %mul3A_1067 : vector<16xf32>
        %broadcast_in_dim3A_1069 = arith.constant 112 : i32
        %broadcast_in_dim3A_1070 = vector.broadcast %broadcast_in_dim3A_1069 : i32 to vector<16xi32>
        %gather3A_1071 = tpu.vector_load_idx %arg10[%add3A_147, %broadcast_in_dim3A_1070] : memref<400x128xf32, #tpu.memory_space<vmem>>[vector<16xi32>, vector<16xi32>], vector<16xf32>,
        %gather3A_1072 = tpu.vector_load_idx %arg11[%add3A_170, %broadcast_in_dim3A_1070] : memref<400x128xf32, #tpu.memory_space<vmem>>[vector<16xi32>, vector<16xi32>], vector<16xf32>,
        %add3A_1073 = arith.addf %gather3A_1071, %gather3A_1072 : vector<16xf32>
        tpu.vector_store_idx %arg10[%add3A_147, %broadcast_in_dim3A_1070], %add3A_1073 : memref<400x128xf32, #tpu.memory_space<vmem>>[vector<16xi32>, vector<16xi32>], vector<16xf32>,
        %add3A_1074 = arith.addf %add3A_1066, %add3A_1073 : vector<16xf32>
        %mul3A_1075 = arith.mulf %add3A_1073, %add3A_1073 : vector<16xf32>
        %add3A_1076 = arith.addf %add3A_1068, %mul3A_1075 : vector<16xf32>
        %broadcast_in_dim3A_1077 = arith.constant 113 : i32
        %broadcast_in_dim3A_1078 = vector.broadcast %broadcast_in_dim3A_1077 : i32 to vector<16xi32>
        %gather3A_1079 = tpu.vector_load_idx %arg10[%add3A_147, %broadcast_in_dim3A_1078] : memref<400x128xf32, #tpu.memory_space<vmem>>[vector<16xi32>, vector<16xi32>], vector<16xf32>,
        %gather3A_1080 = tpu.vector_load_idx %arg11[%add3A_170, %broadcast_in_dim3A_1078] : memref<400x128xf32, #tpu.memory_space<vmem>>[vector<16xi32>, vector<16xi32>], vector<16xf32>,
        %add3A_1081 = arith.addf %gather3A_1079, %gather3A_1080 : vector<16xf32>
        tpu.vector_store_idx %arg10[%add3A_147, %broadcast_in_dim3A_1078], %add3A_1081 : memref<400x128xf32, #tpu.memory_space<vmem>>[vector<16xi32>, vector<16xi32>], vector<16xf32>,
        %add3A_1082 = arith.addf %add3A_1074, %add3A_1081 : vector<16xf32>
        %mul3A_1083 = arith.mulf %add3A_1081, %add3A_1081 : vector<16xf32>
        %add3A_1084 = arith.addf %add3A_1076, %mul3A_1083 : vector<16xf32>
        %broadcast_in_dim3A_1085 = arith.constant 114 : i32
        %broadcast_in_dim3A_1086 = vector.broadcast %broadcast_in_dim3A_1085 : i32 to vector<16xi32>
        %gather3A_1087 = tpu.vector_load_idx %arg10[%add3A_147, %broadcast_in_dim3A_1086] : memref<400x128xf32, #tpu.memory_space<vmem>>[vector<16xi32>, vector<16xi32>], vector<16xf32>,
        %gather3A_1088 = tpu.vector_load_idx %arg11[%add3A_170, %broadcast_in_dim3A_1086] : memref<400x128xf32, #tpu.memory_space<vmem>>[vector<16xi32>, vector<16xi32>], vector<16xf32>,
        %add3A_1089 = arith.addf %gather3A_1087, %gather3A_1088 : vector<16xf32>
        tpu.vector_store_idx %arg10[%add3A_147, %broadcast_in_dim3A_1086], %add3A_1089 : memref<400x128xf32, #tpu.memory_space<vmem>>[vector<16xi32>, vector<16xi32>], vector<16xf32>,
        %add3A_1090 = arith.addf %add3A_1082, %add3A_1089 : vector<16xf32>
        %mul3A_1091 = arith.mulf %add3A_1089, %add3A_1089 : vector<16xf32>
        %add3A_1092 = arith.addf %add3A_1084, %mul3A_1091 : vector<16xf32>
        %broadcast_in_dim3A_1093 = arith.constant 115 : i32
        %broadcast_in_dim3A_1094 = vector.broadcast %broadcast_in_dim3A_1093 : i32 to vector<16xi32>
        %gather3A_1095 = tpu.vector_load_idx %arg10[%add3A_147, %broadcast_in_dim3A_1094] : memref<400x128xf32, #tpu.memory_space<vmem>>[vector<16xi32>, vector<16xi32>], vector<16xf32>,
        %gather3A_1096 = tpu.vector_load_idx %arg11[%add3A_170, %broadcast_in_dim3A_1094] : memref<400x128xf32, #tpu.memory_space<vmem>>[vector<16xi32>, vector<16xi32>], vector<16xf32>,
        %add3A_1097 = arith.addf %gather3A_1095, %gather3A_1096 : vector<16xf32>
        tpu.vector_store_idx %arg10[%add3A_147, %broadcast_in_dim3A_1094], %add3A_1097 : memref<400x128xf32, #tpu.memory_space<vmem>>[vector<16xi32>, vector<16xi32>], vector<16xf32>,
        %add3A_1098 = arith.addf %add3A_1090, %add3A_1097 : vector<16xf32>
        %mul3A_1099 = arith.mulf %add3A_1097, %add3A_1097 : vector<16xf32>
        %add3A_1100 = arith.addf %add3A_1092, %mul3A_1099 : vector<16xf32>
        %broadcast_in_dim3A_1101 = arith.constant 116 : i32
        %broadcast_in_dim3A_1102 = vector.broadcast %broadcast_in_dim3A_1101 : i32 to vector<16xi32>
        %gather3A_1103 = tpu.vector_load_idx %arg10[%add3A_147, %broadcast_in_dim3A_1102] : memref<400x128xf32, #tpu.memory_space<vmem>>[vector<16xi32>, vector<16xi32>], vector<16xf32>,
        %gather3A_1104 = tpu.vector_load_idx %arg11[%add3A_170, %broadcast_in_dim3A_1102] : memref<400x128xf32, #tpu.memory_space<vmem>>[vector<16xi32>, vector<16xi32>], vector<16xf32>,
        %add3A_1105 = arith.addf %gather3A_1103, %gather3A_1104 : vector<16xf32>
        tpu.vector_store_idx %arg10[%add3A_147, %broadcast_in_dim3A_1102], %add3A_1105 : memref<400x128xf32, #tpu.memory_space<vmem>>[vector<16xi32>, vector<16xi32>], vector<16xf32>,
        %add3A_1106 = arith.addf %add3A_1098, %add3A_1105 : vector<16xf32>
        %mul3A_1107 = arith.mulf %add3A_1105, %add3A_1105 : vector<16xf32>
        %add3A_1108 = arith.addf %add3A_1100, %mul3A_1107 : vector<16xf32>
        %broadcast_in_dim3A_1109 = arith.constant 117 : i32
        %broadcast_in_dim3A_1110 = vector.broadcast %broadcast_in_dim3A_1109 : i32 to vector<16xi32>
        %gather3A_1111 = tpu.vector_load_idx %arg10[%add3A_147, %broadcast_in_dim3A_1110] : memref<400x128xf32, #tpu.memory_space<vmem>>[vector<16xi32>, vector<16xi32>], vector<16xf32>,
        %gather3A_1112 = tpu.vector_load_idx %arg11[%add3A_170, %broadcast_in_dim3A_1110] : memref<400x128xf32, #tpu.memory_space<vmem>>[vector<16xi32>, vector<16xi32>], vector<16xf32>,
        %add3A_1113 = arith.addf %gather3A_1111, %gather3A_1112 : vector<16xf32>
        tpu.vector_store_idx %arg10[%add3A_147, %broadcast_in_dim3A_1110], %add3A_1113 : memref<400x128xf32, #tpu.memory_space<vmem>>[vector<16xi32>, vector<16xi32>], vector<16xf32>,
        %add3A_1114 = arith.addf %add3A_1106, %add3A_1113 : vector<16xf32>
        %mul3A_1115 = arith.mulf %add3A_1113, %add3A_1113 : vector<16xf32>
        %add3A_1116 = arith.addf %add3A_1108, %mul3A_1115 : vector<16xf32>
        %broadcast_in_dim3A_1117 = arith.constant 118 : i32
        %broadcast_in_dim3A_1118 = vector.broadcast %broadcast_in_dim3A_1117 : i32 to vector<16xi32>
        %gather3A_1119 = tpu.vector_load_idx %arg10[%add3A_147, %broadcast_in_dim3A_1118] : memref<400x128xf32, #tpu.memory_space<vmem>>[vector<16xi32>, vector<16xi32>], vector<16xf32>,
        %gather3A_1120 = tpu.vector_load_idx %arg11[%add3A_170, %broadcast_in_dim3A_1118] : memref<400x128xf32, #tpu.memory_space<vmem>>[vector<16xi32>, vector<16xi32>], vector<16xf32>,
        %add3A_1121 = arith.addf %gather3A_1119, %gather3A_1120 : vector<16xf32>
        tpu.vector_store_idx %arg10[%add3A_147, %broadcast_in_dim3A_1118], %add3A_1121 : memref<400x128xf32, #tpu.memory_space<vmem>>[vector<16xi32>, vector<16xi32>], vector<16xf32>,
        %add3A_1122 = arith.addf %add3A_1114, %add3A_1121 : vector<16xf32>
        %mul3A_1123 = arith.mulf %add3A_1121, %add3A_1121 : vector<16xf32>
        %add3A_1124 = arith.addf %add3A_1116, %mul3A_1123 : vector<16xf32>
        %broadcast_in_dim3A_1125 = arith.constant 119 : i32
        %broadcast_in_dim3A_1126 = vector.broadcast %broadcast_in_dim3A_1125 : i32 to vector<16xi32>
        %gather3A_1127 = tpu.vector_load_idx %arg10[%add3A_147, %broadcast_in_dim3A_1126] : memref<400x128xf32, #tpu.memory_space<vmem>>[vector<16xi32>, vector<16xi32>], vector<16xf32>,
        %gather3A_1128 = tpu.vector_load_idx %arg11[%add3A_170, %broadcast_in_dim3A_1126] : memref<400x128xf32, #tpu.memory_space<vmem>>[vector<16xi32>, vector<16xi32>], vector<16xf32>,
        %add3A_1129 = arith.addf %gather3A_1127, %gather3A_1128 : vector<16xf32>
        tpu.vector_store_idx %arg10[%add3A_147, %broadcast_in_dim3A_1126], %add3A_1129 : memref<400x128xf32, #tpu.memory_space<vmem>>[vector<16xi32>, vector<16xi32>], vector<16xf32>,
        %add3A_1130 = arith.addf %add3A_1122, %add3A_1129 : vector<16xf32>
        %mul3A_1131 = arith.mulf %add3A_1129, %add3A_1129 : vector<16xf32>
        %add3A_1132 = arith.addf %add3A_1124, %mul3A_1131 : vector<16xf32>
        %broadcast_in_dim3A_1133 = arith.constant 120 : i32
        %broadcast_in_dim3A_1134 = vector.broadcast %broadcast_in_dim3A_1133 : i32 to vector<16xi32>
        %gather3A_1135 = tpu.vector_load_idx %arg10[%add3A_147, %broadcast_in_dim3A_1134] : memref<400x128xf32, #tpu.memory_space<vmem>>[vector<16xi32>, vector<16xi32>], vector<16xf32>,
        %gather3A_1136 = tpu.vector_load_idx %arg11[%add3A_170, %broadcast_in_dim3A_1134] : memref<400x128xf32, #tpu.memory_space<vmem>>[vector<16xi32>, vector<16xi32>], vector<16xf32>,
        %add3A_1137 = arith.addf %gather3A_1135, %gather3A_1136 : vector<16xf32>
        tpu.vector_store_idx %arg10[%add3A_147, %broadcast_in_dim3A_1134], %add3A_1137 : memref<400x128xf32, #tpu.memory_space<vmem>>[vector<16xi32>, vector<16xi32>], vector<16xf32>,
        %add3A_1138 = arith.addf %add3A_1130, %add3A_1137 : vector<16xf32>
        %mul3A_1139 = arith.mulf %add3A_1137, %add3A_1137 : vector<16xf32>
        %add3A_1140 = arith.addf %add3A_1132, %mul3A_1139 : vector<16xf32>
        %broadcast_in_dim3A_1141 = arith.constant 121 : i32
        %broadcast_in_dim3A_1142 = vector.broadcast %broadcast_in_dim3A_1141 : i32 to vector<16xi32>
        %gather3A_1143 = tpu.vector_load_idx %arg10[%add3A_147, %broadcast_in_dim3A_1142] : memref<400x128xf32, #tpu.memory_space<vmem>>[vector<16xi32>, vector<16xi32>], vector<16xf32>,
        %gather3A_1144 = tpu.vector_load_idx %arg11[%add3A_170, %broadcast_in_dim3A_1142] : memref<400x128xf32, #tpu.memory_space<vmem>>[vector<16xi32>, vector<16xi32>], vector<16xf32>,
        %add3A_1145 = arith.addf %gather3A_1143, %gather3A_1144 : vector<16xf32>
        tpu.vector_store_idx %arg10[%add3A_147, %broadcast_in_dim3A_1142], %add3A_1145 : memref<400x128xf32, #tpu.memory_space<vmem>>[vector<16xi32>, vector<16xi32>], vector<16xf32>,
        %add3A_1146 = arith.addf %add3A_1138, %add3A_1145 : vector<16xf32>
        %mul3A_1147 = arith.mulf %add3A_1145, %add3A_1145 : vector<16xf32>
        %add3A_1148 = arith.addf %add3A_1140, %mul3A_1147 : vector<16xf32>
        %broadcast_in_dim3A_1149 = arith.constant 122 : i32
        %broadcast_in_dim3A_1150 = vector.broadcast %broadcast_in_dim3A_1149 : i32 to vector<16xi32>
        %gather3A_1151 = tpu.vector_load_idx %arg10[%add3A_147, %broadcast_in_dim3A_1150] : memref<400x128xf32, #tpu.memory_space<vmem>>[vector<16xi32>, vector<16xi32>], vector<16xf32>,
        %gather3A_1152 = tpu.vector_load_idx %arg11[%add3A_170, %broadcast_in_dim3A_1150] : memref<400x128xf32, #tpu.memory_space<vmem>>[vector<16xi32>, vector<16xi32>], vector<16xf32>,
        %add3A_1153 = arith.addf %gather3A_1151, %gather3A_1152 : vector<16xf32>
        tpu.vector_store_idx %arg10[%add3A_147, %broadcast_in_dim3A_1150], %add3A_1153 : memref<400x128xf32, #tpu.memory_space<vmem>>[vector<16xi32>, vector<16xi32>], vector<16xf32>,
        %add3A_1154 = arith.addf %add3A_1146, %add3A_1153 : vector<16xf32>
        %mul3A_1155 = arith.mulf %add3A_1153, %add3A_1153 : vector<16xf32>
        %add3A_1156 = arith.addf %add3A_1148, %mul3A_1155 : vector<16xf32>
        %broadcast_in_dim3A_1157 = arith.constant 123 : i32
        %broadcast_in_dim3A_1158 = vector.broadcast %broadcast_in_dim3A_1157 : i32 to vector<16xi32>
        %gather3A_1159 = tpu.vector_load_idx %arg10[%add3A_147, %broadcast_in_dim3A_1158] : memref<400x128xf32, #tpu.memory_space<vmem>>[vector<16xi32>, vector<16xi32>], vector<16xf32>,
        %gather3A_1160 = tpu.vector_load_idx %arg11[%add3A_170, %broadcast_in_dim3A_1158] : memref<400x128xf32, #tpu.memory_space<vmem>>[vector<16xi32>, vector<16xi32>], vector<16xf32>,
        %add3A_1161 = arith.addf %gather3A_1159, %gather3A_1160 : vector<16xf32>
        tpu.vector_store_idx %arg10[%add3A_147, %broadcast_in_dim3A_1158], %add3A_1161 : memref<400x128xf32, #tpu.memory_space<vmem>>[vector<16xi32>, vector<16xi32>], vector<16xf32>,
        %add3A_1162 = arith.addf %add3A_1154, %add3A_1161 : vector<16xf32>
        %mul3A_1163 = arith.mulf %add3A_1161, %add3A_1161 : vector<16xf32>
        %add3A_1164 = arith.addf %add3A_1156, %mul3A_1163 : vector<16xf32>
        %broadcast_in_dim3A_1165 = arith.constant 124 : i32
        %broadcast_in_dim3A_1166 = vector.broadcast %broadcast_in_dim3A_1165 : i32 to vector<16xi32>
        %gather3A_1167 = tpu.vector_load_idx %arg10[%add3A_147, %broadcast_in_dim3A_1166] : memref<400x128xf32, #tpu.memory_space<vmem>>[vector<16xi32>, vector<16xi32>], vector<16xf32>,
        %gather3A_1168 = tpu.vector_load_idx %arg11[%add3A_170, %broadcast_in_dim3A_1166] : memref<400x128xf32, #tpu.memory_space<vmem>>[vector<16xi32>, vector<16xi32>], vector<16xf32>,
        %add3A_1169 = arith.addf %gather3A_1167, %gather3A_1168 : vector<16xf32>
        tpu.vector_store_idx %arg10[%add3A_147, %broadcast_in_dim3A_1166], %add3A_1169 : memref<400x128xf32, #tpu.memory_space<vmem>>[vector<16xi32>, vector<16xi32>], vector<16xf32>,
        %add3A_1170 = arith.addf %add3A_1162, %add3A_1169 : vector<16xf32>
        %mul3A_1171 = arith.mulf %add3A_1169, %add3A_1169 : vector<16xf32>
        %add3A_1172 = arith.addf %add3A_1164, %mul3A_1171 : vector<16xf32>
        %broadcast_in_dim3A_1173 = arith.constant 125 : i32
        %broadcast_in_dim3A_1174 = vector.broadcast %broadcast_in_dim3A_1173 : i32 to vector<16xi32>
        %gather3A_1175 = tpu.vector_load_idx %arg10[%add3A_147, %broadcast_in_dim3A_1174] : memref<400x128xf32, #tpu.memory_space<vmem>>[vector<16xi32>, vector<16xi32>], vector<16xf32>,
        %gather3A_1176 = tpu.vector_load_idx %arg11[%add3A_170, %broadcast_in_dim3A_1174] : memref<400x128xf32, #tpu.memory_space<vmem>>[vector<16xi32>, vector<16xi32>], vector<16xf32>,
        %add3A_1177 = arith.addf %gather3A_1175, %gather3A_1176 : vector<16xf32>
        tpu.vector_store_idx %arg10[%add3A_147, %broadcast_in_dim3A_1174], %add3A_1177 : memref<400x128xf32, #tpu.memory_space<vmem>>[vector<16xi32>, vector<16xi32>], vector<16xf32>,
        %add3A_1178 = arith.addf %add3A_1170, %add3A_1177 : vector<16xf32>
        %mul3A_1179 = arith.mulf %add3A_1177, %add3A_1177 : vector<16xf32>
        %add3A_1180 = arith.addf %add3A_1172, %mul3A_1179 : vector<16xf32>
        %broadcast_in_dim3A_1181 = arith.constant 126 : i32
        %broadcast_in_dim3A_1182 = vector.broadcast %broadcast_in_dim3A_1181 : i32 to vector<16xi32>
        %gather3A_1183 = tpu.vector_load_idx %arg10[%add3A_147, %broadcast_in_dim3A_1182] : memref<400x128xf32, #tpu.memory_space<vmem>>[vector<16xi32>, vector<16xi32>], vector<16xf32>,
        %gather3A_1184 = tpu.vector_load_idx %arg11[%add3A_170, %broadcast_in_dim3A_1182] : memref<400x128xf32, #tpu.memory_space<vmem>>[vector<16xi32>, vector<16xi32>], vector<16xf32>,
        %add3A_1185 = arith.addf %gather3A_1183, %gather3A_1184 : vector<16xf32>
        tpu.vector_store_idx %arg10[%add3A_147, %broadcast_in_dim3A_1182], %add3A_1185 : memref<400x128xf32, #tpu.memory_space<vmem>>[vector<16xi32>, vector<16xi32>], vector<16xf32>,
        %add3A_1186 = arith.addf %add3A_1178, %add3A_1185 : vector<16xf32>
        %mul3A_1187 = arith.mulf %add3A_1185, %add3A_1185 : vector<16xf32>
        %add3A_1188 = arith.addf %add3A_1180, %mul3A_1187 : vector<16xf32>
        %broadcast_in_dim3A_1189 = arith.constant 127 : i32
        %broadcast_in_dim3A_1190 = vector.broadcast %broadcast_in_dim3A_1189 : i32 to vector<16xi32>
        %gather3A_1191 = tpu.vector_load_idx %arg10[%add3A_147, %broadcast_in_dim3A_1190] : memref<400x128xf32, #tpu.memory_space<vmem>>[vector<16xi32>, vector<16xi32>], vector<16xf32>,
        %gather3A_1192 = tpu.vector_load_idx %arg11[%add3A_170, %broadcast_in_dim3A_1190] : memref<400x128xf32, #tpu.memory_space<vmem>>[vector<16xi32>, vector<16xi32>], vector<16xf32>,
        %add3A_1193 = arith.addf %gather3A_1191, %gather3A_1192 : vector<16xf32>
        tpu.vector_store_idx %arg10[%add3A_147, %broadcast_in_dim3A_1190], %add3A_1193 : memref<400x128xf32, #tpu.memory_space<vmem>>[vector<16xi32>, vector<16xi32>], vector<16xf32>,
        %add3A_1194 = arith.addf %add3A_1186, %add3A_1193 : vector<16xf32>
        %mul3A_1195 = arith.mulf %add3A_1193, %add3A_1193 : vector<16xf32>
        %add3A_1196 = arith.addf %add3A_1188, %mul3A_1195 : vector<16xf32>
        %mul3A_1197 = arith.constant 7.812500e-03 : f32
        %mul3A_1198 = vector.broadcast %mul3A_1197 : f32 to vector<16xf32>
        %mul3A_1199 = arith.mulf %add3A_1194, %mul3A_1198 : vector<16xf32>
        %mul3A_1200 = arith.constant 7.812500e-03 : f32
        %mul3A_1201 = vector.broadcast %mul3A_1200 : f32 to vector<16xf32>
        %mul3A_1202 = arith.mulf %add3A_1196, %mul3A_1201 : vector<16xf32>
        %mul3A_1203 = arith.mulf %mul3A_1199, %mul3A_1199 : vector<16xf32>
        %sub3A = arith.subf %mul3A_1202, %mul3A_1203 : vector<16xf32>
        %add3A_1204 = arith.constant 9.99999974E-6 : f32
        %add3A_1205 = vector.broadcast %add3A_1204 : f32 to vector<16xf32>
        %add3A_1206 = arith.addf %sub3A, %add3A_1205 : vector<16xf32>
        %bitcast3A = vector.bitcast %add3A_1206 : vector<16xf32> to vector<16xi32>
        %shift_right_arithmetic3A = arith.constant 1 : i32
        %shift_right_arithmetic3A_1207 = vector.broadcast %shift_right_arithmetic3A : i32 to vector<16xi32>
        %shift_right_arithmetic3A_1208 = arith.shrsi %bitcast3A, %shift_right_arithmetic3A_1207 : vector<16xi32>
        %sub3A_1209 = arith.constant 1597463007 : i32
        %sub3A_1210 = vector.broadcast %sub3A_1209 : i32 to vector<16xi32>
        %sub3A_1211 = arith.subi %sub3A_1210, %shift_right_arithmetic3A_1208 : vector<16xi32>
        %bitcast3A_1212 = vector.bitcast %sub3A_1211 : vector<16xi32> to vector<16xf32>
        %mul3A_1213 = arith.constant 5.000000e-01 : f32
        %mul3A_1214 = vector.broadcast %mul3A_1213 : f32 to vector<16xf32>
        %mul3A_1215 = arith.mulf %mul3A_1214, %add3A_1206 : vector<16xf32>
        %mul3A_1216 = arith.mulf %mul3A_1215, %bitcast3A_1212 : vector<16xf32>
        %mul3A_1217 = arith.mulf %mul3A_1216, %bitcast3A_1212 : vector<16xf32>
        %sub3A_1218 = arith.constant 1.500000e+00 : f32
        %sub3A_1219 = vector.broadcast %sub3A_1218 : f32 to vector<16xf32>
        %sub3A_1220 = arith.subf %sub3A_1219, %mul3A_1217 : vector<16xf32>
        %mul3A_1221 = arith.mulf %bitcast3A_1212, %sub3A_1220 : vector<16xf32>
        %mul3A_1222 = arith.constant 5.000000e-01 : f32
        %mul3A_1223 = vector.broadcast %mul3A_1222 : f32 to vector<16xf32>
        %mul3A_1224 = arith.mulf %mul3A_1223, %add3A_1206 : vector<16xf32>
        %mul3A_1225 = arith.mulf %mul3A_1224, %mul3A_1221 : vector<16xf32>
        %mul3A_1226 = arith.mulf %mul3A_1225, %mul3A_1221 : vector<16xf32>
        %sub3A_1227 = arith.constant 1.500000e+00 : f32
        %sub3A_1228 = vector.broadcast %sub3A_1227 : f32 to vector<16xf32>
        %sub3A_1229 = arith.subf %sub3A_1228, %mul3A_1226 : vector<16xf32>
        %mul3A_1230 = arith.mulf %mul3A_1221, %sub3A_1229 : vector<16xf32>
        %mul3A_1231 = arith.constant 5.000000e-01 : f32
        %mul3A_1232 = vector.broadcast %mul3A_1231 : f32 to vector<16xf32>
        %mul3A_1233 = arith.mulf %mul3A_1232, %add3A_1206 : vector<16xf32>
        %mul3A_1234 = arith.mulf %mul3A_1233, %mul3A_1230 : vector<16xf32>
        %mul3A_1235 = arith.mulf %mul3A_1234, %mul3A_1230 : vector<16xf32>
        %sub3A_1236 = arith.constant 1.500000e+00 : f32
        %sub3A_1237 = vector.broadcast %sub3A_1236 : f32 to vector<16xf32>
        %sub3A_1238 = arith.subf %sub3A_1237, %mul3A_1235 : vector<16xf32>
        %mul3A_1239 = arith.mulf %mul3A_1230, %sub3A_1238 : vector<16xf32>
        %broadcast_in_dim3A_1240 = arith.constant 0 : i32
        %broadcast_in_dim3A_1241 = vector.broadcast %broadcast_in_dim3A_1240 : i32 to vector<16xi32>
        %gather3A_1242 = tpu.vector_load_idx %arg10[%add3A_147, %broadcast_in_dim3A_1241] : memref<400x128xf32, #tpu.memory_space<vmem>>[vector<16xi32>, vector<16xi32>], vector<16xf32>,
        %slice3A = vector.extract_strided_slice %get3A_5 {offsets = [0], sizes = [1], strides = [1]} : vector<16xf32> to vector<1xf32>
        %squeeze3A = vector.extract %slice3A[0] : f32 from vector<1xf32>
        %slice3A_1243 = vector.extract_strided_slice %get3A_37 {offsets = [0], sizes = [1], strides = [1]} : vector<16xf32> to vector<1xf32>
        %squeeze3A_1244 = vector.extract %slice3A_1243[0] : f32 from vector<1xf32>
        %sub3A_1245 = arith.subf %gather3A_1242, %mul3A_1199 : vector<16xf32>
        %mul3A_1246 = arith.mulf %sub3A_1245, %mul3A_1239 : vector<16xf32>
        %mul3A_1247 = vector.broadcast %squeeze3A : f32 to vector<16xf32>
        %mul3A_1248 = arith.mulf %mul3A_1246, %mul3A_1247 : vector<16xf32>
        %add3A_1249 = vector.broadcast %squeeze3A_1244 : f32 to vector<16xf32>
        %add3A_1250 = arith.addf %mul3A_1248, %add3A_1249 : vector<16xf32>
        tpu.vector_store_idx %arg10[%add3A_147, %broadcast_in_dim3A_1241], %add3A_1250 : memref<400x128xf32, #tpu.memory_space<vmem>>[vector<16xi32>, vector<16xi32>], vector<16xf32>,
        %broadcast_in_dim3A_1251 = arith.constant 1 : i32
        %broadcast_in_dim3A_1252 = vector.broadcast %broadcast_in_dim3A_1251 : i32 to vector<16xi32>
        %gather3A_1253 = tpu.vector_load_idx %arg10[%add3A_147, %broadcast_in_dim3A_1252] : memref<400x128xf32, #tpu.memory_space<vmem>>[vector<16xi32>, vector<16xi32>], vector<16xf32>,
        %slice3A_1254 = vector.extract_strided_slice %get3A_5 {offsets = [1], sizes = [1], strides = [1]} : vector<16xf32> to vector<1xf32>
        %squeeze3A_1255 = vector.extract %slice3A_1254[0] : f32 from vector<1xf32>
        %slice3A_1256 = vector.extract_strided_slice %get3A_37 {offsets = [1], sizes = [1], strides = [1]} : vector<16xf32> to vector<1xf32>
        %squeeze3A_1257 = vector.extract %slice3A_1256[0] : f32 from vector<1xf32>
        %sub3A_1258 = arith.subf %gather3A_1253, %mul3A_1199 : vector<16xf32>
        %mul3A_1259 = arith.mulf %sub3A_1258, %mul3A_1239 : vector<16xf32>
        %mul3A_1260 = vector.broadcast %squeeze3A_1255 : f32 to vector<16xf32>
        %mul3A_1261 = arith.mulf %mul3A_1259, %mul3A_1260 : vector<16xf32>
        %add3A_1262 = vector.broadcast %squeeze3A_1257 : f32 to vector<16xf32>
        %add3A_1263 = arith.addf %mul3A_1261, %add3A_1262 : vector<16xf32>
        tpu.vector_store_idx %arg10[%add3A_147, %broadcast_in_dim3A_1252], %add3A_1263 : memref<400x128xf32, #tpu.memory_space<vmem>>[vector<16xi32>, vector<16xi32>], vector<16xf32>,
        %broadcast_in_dim3A_1264 = arith.constant 2 : i32
        %broadcast_in_dim3A_1265 = vector.broadcast %broadcast_in_dim3A_1264 : i32 to vector<16xi32>
        %gather3A_1266 = tpu.vector_load_idx %arg10[%add3A_147, %broadcast_in_dim3A_1265] : memref<400x128xf32, #tpu.memory_space<vmem>>[vector<16xi32>, vector<16xi32>], vector<16xf32>,
        %slice3A_1267 = vector.extract_strided_slice %get3A_5 {offsets = [2], sizes = [1], strides = [1]} : vector<16xf32> to vector<1xf32>
        %squeeze3A_1268 = vector.extract %slice3A_1267[0] : f32 from vector<1xf32>
        %slice3A_1269 = vector.extract_strided_slice %get3A_37 {offsets = [2], sizes = [1], strides = [1]} : vector<16xf32> to vector<1xf32>
        %squeeze3A_1270 = vector.extract %slice3A_1269[0] : f32 from vector<1xf32>
        %sub3A_1271 = arith.subf %gather3A_1266, %mul3A_1199 : vector<16xf32>
        %mul3A_1272 = arith.mulf %sub3A_1271, %mul3A_1239 : vector<16xf32>
        %mul3A_1273 = vector.broadcast %squeeze3A_1268 : f32 to vector<16xf32>
        %mul3A_1274 = arith.mulf %mul3A_1272, %mul3A_1273 : vector<16xf32>
        %add3A_1275 = vector.broadcast %squeeze3A_1270 : f32 to vector<16xf32>
        %add3A_1276 = arith.addf %mul3A_1274, %add3A_1275 : vector<16xf32>
        tpu.vector_store_idx %arg10[%add3A_147, %broadcast_in_dim3A_1265], %add3A_1276 : memref<400x128xf32, #tpu.memory_space<vmem>>[vector<16xi32>, vector<16xi32>], vector<16xf32>,
        %broadcast_in_dim3A_1277 = arith.constant 3 : i32
        %broadcast_in_dim3A_1278 = vector.broadcast %broadcast_in_dim3A_1277 : i32 to vector<16xi32>
        %gather3A_1279 = tpu.vector_load_idx %arg10[%add3A_147, %broadcast_in_dim3A_1278] : memref<400x128xf32, #tpu.memory_space<vmem>>[vector<16xi32>, vector<16xi32>], vector<16xf32>,
        %slice3A_1280 = vector.extract_strided_slice %get3A_5 {offsets = [3], sizes = [1], strides = [1]} : vector<16xf32> to vector<1xf32>
        %squeeze3A_1281 = vector.extract %slice3A_1280[0] : f32 from vector<1xf32>
        %slice3A_1282 = vector.extract_strided_slice %get3A_37 {offsets = [3], sizes = [1], strides = [1]} : vector<16xf32> to vector<1xf32>
        %squeeze3A_1283 = vector.extract %slice3A_1282[0] : f32 from vector<1xf32>
        %sub3A_1284 = arith.subf %gather3A_1279, %mul3A_1199 : vector<16xf32>
        %mul3A_1285 = arith.mulf %sub3A_1284, %mul3A_1239 : vector<16xf32>
        %mul3A_1286 = vector.broadcast %squeeze3A_1281 : f32 to vector<16xf32>
        %mul3A_1287 = arith.mulf %mul3A_1285, %mul3A_1286 : vector<16xf32>
        %add3A_1288 = vector.broadcast %squeeze3A_1283 : f32 to vector<16xf32>
        %add3A_1289 = arith.addf %mul3A_1287, %add3A_1288 : vector<16xf32>
        tpu.vector_store_idx %arg10[%add3A_147, %broadcast_in_dim3A_1278], %add3A_1289 : memref<400x128xf32, #tpu.memory_space<vmem>>[vector<16xi32>, vector<16xi32>], vector<16xf32>,
        %broadcast_in_dim3A_1290 = arith.constant 4 : i32
        %broadcast_in_dim3A_1291 = vector.broadcast %broadcast_in_dim3A_1290 : i32 to vector<16xi32>
        %gather3A_1292 = tpu.vector_load_idx %arg10[%add3A_147, %broadcast_in_dim3A_1291] : memref<400x128xf32, #tpu.memory_space<vmem>>[vector<16xi32>, vector<16xi32>], vector<16xf32>,
        %slice3A_1293 = vector.extract_strided_slice %get3A_5 {offsets = [4], sizes = [1], strides = [1]} : vector<16xf32> to vector<1xf32>
        %squeeze3A_1294 = vector.extract %slice3A_1293[0] : f32 from vector<1xf32>
        %slice3A_1295 = vector.extract_strided_slice %get3A_37 {offsets = [4], sizes = [1], strides = [1]} : vector<16xf32> to vector<1xf32>
        %squeeze3A_1296 = vector.extract %slice3A_1295[0] : f32 from vector<1xf32>
        %sub3A_1297 = arith.subf %gather3A_1292, %mul3A_1199 : vector<16xf32>
        %mul3A_1298 = arith.mulf %sub3A_1297, %mul3A_1239 : vector<16xf32>
        %mul3A_1299 = vector.broadcast %squeeze3A_1294 : f32 to vector<16xf32>
        %mul3A_1300 = arith.mulf %mul3A_1298, %mul3A_1299 : vector<16xf32>
        %add3A_1301 = vector.broadcast %squeeze3A_1296 : f32 to vector<16xf32>
        %add3A_1302 = arith.addf %mul3A_1300, %add3A_1301 : vector<16xf32>
        tpu.vector_store_idx %arg10[%add3A_147, %broadcast_in_dim3A_1291], %add3A_1302 : memref<400x128xf32, #tpu.memory_space<vmem>>[vector<16xi32>, vector<16xi32>], vector<16xf32>,
        %broadcast_in_dim3A_1303 = arith.constant 5 : i32
        %broadcast_in_dim3A_1304 = vector.broadcast %broadcast_in_dim3A_1303 : i32 to vector<16xi32>
        %gather3A_1305 = tpu.vector_load_idx %arg10[%add3A_147, %broadcast_in_dim3A_1304] : memref<400x128xf32, #tpu.memory_space<vmem>>[vector<16xi32>, vector<16xi32>], vector<16xf32>,
        %slice3A_1306 = vector.extract_strided_slice %get3A_5 {offsets = [5], sizes = [1], strides = [1]} : vector<16xf32> to vector<1xf32>
        %squeeze3A_1307 = vector.extract %slice3A_1306[0] : f32 from vector<1xf32>
        %slice3A_1308 = vector.extract_strided_slice %get3A_37 {offsets = [5], sizes = [1], strides = [1]} : vector<16xf32> to vector<1xf32>
        %squeeze3A_1309 = vector.extract %slice3A_1308[0] : f32 from vector<1xf32>
        %sub3A_1310 = arith.subf %gather3A_1305, %mul3A_1199 : vector<16xf32>
        %mul3A_1311 = arith.mulf %sub3A_1310, %mul3A_1239 : vector<16xf32>
        %mul3A_1312 = vector.broadcast %squeeze3A_1307 : f32 to vector<16xf32>
        %mul3A_1313 = arith.mulf %mul3A_1311, %mul3A_1312 : vector<16xf32>
        %add3A_1314 = vector.broadcast %squeeze3A_1309 : f32 to vector<16xf32>
        %add3A_1315 = arith.addf %mul3A_1313, %add3A_1314 : vector<16xf32>
        tpu.vector_store_idx %arg10[%add3A_147, %broadcast_in_dim3A_1304], %add3A_1315 : memref<400x128xf32, #tpu.memory_space<vmem>>[vector<16xi32>, vector<16xi32>], vector<16xf32>,
        %broadcast_in_dim3A_1316 = arith.constant 6 : i32
        %broadcast_in_dim3A_1317 = vector.broadcast %broadcast_in_dim3A_1316 : i32 to vector<16xi32>
        %gather3A_1318 = tpu.vector_load_idx %arg10[%add3A_147, %broadcast_in_dim3A_1317] : memref<400x128xf32, #tpu.memory_space<vmem>>[vector<16xi32>, vector<16xi32>], vector<16xf32>,
        %slice3A_1319 = vector.extract_strided_slice %get3A_5 {offsets = [6], sizes = [1], strides = [1]} : vector<16xf32> to vector<1xf32>
        %squeeze3A_1320 = vector.extract %slice3A_1319[0] : f32 from vector<1xf32>
        %slice3A_1321 = vector.extract_strided_slice %get3A_37 {offsets = [6], sizes = [1], strides = [1]} : vector<16xf32> to vector<1xf32>
        %squeeze3A_1322 = vector.extract %slice3A_1321[0] : f32 from vector<1xf32>
        %sub3A_1323 = arith.subf %gather3A_1318, %mul3A_1199 : vector<16xf32>
        %mul3A_1324 = arith.mulf %sub3A_1323, %mul3A_1239 : vector<16xf32>
        %mul3A_1325 = vector.broadcast %squeeze3A_1320 : f32 to vector<16xf32>
        %mul3A_1326 = arith.mulf %mul3A_1324, %mul3A_1325 : vector<16xf32>
        %add3A_1327 = vector.broadcast %squeeze3A_1322 : f32 to vector<16xf32>
        %add3A_1328 = arith.addf %mul3A_1326, %add3A_1327 : vector<16xf32>
        tpu.vector_store_idx %arg10[%add3A_147, %broadcast_in_dim3A_1317], %add3A_1328 : memref<400x128xf32, #tpu.memory_space<vmem>>[vector<16xi32>, vector<16xi32>], vector<16xf32>,
        %broadcast_in_dim3A_1329 = arith.constant 7 : i32
        %broadcast_in_dim3A_1330 = vector.broadcast %broadcast_in_dim3A_1329 : i32 to vector<16xi32>
        %gather3A_1331 = tpu.vector_load_idx %arg10[%add3A_147, %broadcast_in_dim3A_1330] : memref<400x128xf32, #tpu.memory_space<vmem>>[vector<16xi32>, vector<16xi32>], vector<16xf32>,
        %slice3A_1332 = vector.extract_strided_slice %get3A_5 {offsets = [7], sizes = [1], strides = [1]} : vector<16xf32> to vector<1xf32>
        %squeeze3A_1333 = vector.extract %slice3A_1332[0] : f32 from vector<1xf32>
        %slice3A_1334 = vector.extract_strided_slice %get3A_37 {offsets = [7], sizes = [1], strides = [1]} : vector<16xf32> to vector<1xf32>
        %squeeze3A_1335 = vector.extract %slice3A_1334[0] : f32 from vector<1xf32>
        %sub3A_1336 = arith.subf %gather3A_1331, %mul3A_1199 : vector<16xf32>
        %mul3A_1337 = arith.mulf %sub3A_1336, %mul3A_1239 : vector<16xf32>
        %mul3A_1338 = vector.broadcast %squeeze3A_1333 : f32 to vector<16xf32>
        %mul3A_1339 = arith.mulf %mul3A_1337, %mul3A_1338 : vector<16xf32>
        %add3A_1340 = vector.broadcast %squeeze3A_1335 : f32 to vector<16xf32>
        %add3A_1341 = arith.addf %mul3A_1339, %add3A_1340 : vector<16xf32>
        tpu.vector_store_idx %arg10[%add3A_147, %broadcast_in_dim3A_1330], %add3A_1341 : memref<400x128xf32, #tpu.memory_space<vmem>>[vector<16xi32>, vector<16xi32>], vector<16xf32>,
        %broadcast_in_dim3A_1342 = arith.constant 8 : i32
        %broadcast_in_dim3A_1343 = vector.broadcast %broadcast_in_dim3A_1342 : i32 to vector<16xi32>
        %gather3A_1344 = tpu.vector_load_idx %arg10[%add3A_147, %broadcast_in_dim3A_1343] : memref<400x128xf32, #tpu.memory_space<vmem>>[vector<16xi32>, vector<16xi32>], vector<16xf32>,
        %slice3A_1345 = vector.extract_strided_slice %get3A_5 {offsets = [8], sizes = [1], strides = [1]} : vector<16xf32> to vector<1xf32>
        %squeeze3A_1346 = vector.extract %slice3A_1345[0] : f32 from vector<1xf32>
        %slice3A_1347 = vector.extract_strided_slice %get3A_37 {offsets = [8], sizes = [1], strides = [1]} : vector<16xf32> to vector<1xf32>
        %squeeze3A_1348 = vector.extract %slice3A_1347[0] : f32 from vector<1xf32>
        %sub3A_1349 = arith.subf %gather3A_1344, %mul3A_1199 : vector<16xf32>
        %mul3A_1350 = arith.mulf %sub3A_1349, %mul3A_1239 : vector<16xf32>
        %mul3A_1351 = vector.broadcast %squeeze3A_1346 : f32 to vector<16xf32>
        %mul3A_1352 = arith.mulf %mul3A_1350, %mul3A_1351 : vector<16xf32>
        %add3A_1353 = vector.broadcast %squeeze3A_1348 : f32 to vector<16xf32>
        %add3A_1354 = arith.addf %mul3A_1352, %add3A_1353 : vector<16xf32>
        tpu.vector_store_idx %arg10[%add3A_147, %broadcast_in_dim3A_1343], %add3A_1354 : memref<400x128xf32, #tpu.memory_space<vmem>>[vector<16xi32>, vector<16xi32>], vector<16xf32>,
        %broadcast_in_dim3A_1355 = arith.constant 9 : i32
        %broadcast_in_dim3A_1356 = vector.broadcast %broadcast_in_dim3A_1355 : i32 to vector<16xi32>
        %gather3A_1357 = tpu.vector_load_idx %arg10[%add3A_147, %broadcast_in_dim3A_1356] : memref<400x128xf32, #tpu.memory_space<vmem>>[vector<16xi32>, vector<16xi32>], vector<16xf32>,
        %slice3A_1358 = vector.extract_strided_slice %get3A_5 {offsets = [9], sizes = [1], strides = [1]} : vector<16xf32> to vector<1xf32>
        %squeeze3A_1359 = vector.extract %slice3A_1358[0] : f32 from vector<1xf32>
        %slice3A_1360 = vector.extract_strided_slice %get3A_37 {offsets = [9], sizes = [1], strides = [1]} : vector<16xf32> to vector<1xf32>
        %squeeze3A_1361 = vector.extract %slice3A_1360[0] : f32 from vector<1xf32>
        %sub3A_1362 = arith.subf %gather3A_1357, %mul3A_1199 : vector<16xf32>
        %mul3A_1363 = arith.mulf %sub3A_1362, %mul3A_1239 : vector<16xf32>
        %mul3A_1364 = vector.broadcast %squeeze3A_1359 : f32 to vector<16xf32>
        %mul3A_1365 = arith.mulf %mul3A_1363, %mul3A_1364 : vector<16xf32>
        %add3A_1366 = vector.broadcast %squeeze3A_1361 : f32 to vector<16xf32>
        %add3A_1367 = arith.addf %mul3A_1365, %add3A_1366 : vector<16xf32>
        tpu.vector_store_idx %arg10[%add3A_147, %broadcast_in_dim3A_1356], %add3A_1367 : memref<400x128xf32, #tpu.memory_space<vmem>>[vector<16xi32>, vector<16xi32>], vector<16xf32>,
        %broadcast_in_dim3A_1368 = arith.constant 10 : i32
        %broadcast_in_dim3A_1369 = vector.broadcast %broadcast_in_dim3A_1368 : i32 to vector<16xi32>
        %gather3A_1370 = tpu.vector_load_idx %arg10[%add3A_147, %broadcast_in_dim3A_1369] : memref<400x128xf32, #tpu.memory_space<vmem>>[vector<16xi32>, vector<16xi32>], vector<16xf32>,
        %slice3A_1371 = vector.extract_strided_slice %get3A_5 {offsets = [10], sizes = [1], strides = [1]} : vector<16xf32> to vector<1xf32>
        %squeeze3A_1372 = vector.extract %slice3A_1371[0] : f32 from vector<1xf32>
        %slice3A_1373 = vector.extract_strided_slice %get3A_37 {offsets = [10], sizes = [1], strides = [1]} : vector<16xf32> to vector<1xf32>
        %squeeze3A_1374 = vector.extract %slice3A_1373[0] : f32 from vector<1xf32>
        %sub3A_1375 = arith.subf %gather3A_1370, %mul3A_1199 : vector<16xf32>
        %mul3A_1376 = arith.mulf %sub3A_1375, %mul3A_1239 : vector<16xf32>
        %mul3A_1377 = vector.broadcast %squeeze3A_1372 : f32 to vector<16xf32>
        %mul3A_1378 = arith.mulf %mul3A_1376, %mul3A_1377 : vector<16xf32>
        %add3A_1379 = vector.broadcast %squeeze3A_1374 : f32 to vector<16xf32>
        %add3A_1380 = arith.addf %mul3A_1378, %add3A_1379 : vector<16xf32>
        tpu.vector_store_idx %arg10[%add3A_147, %broadcast_in_dim3A_1369], %add3A_1380 : memref<400x128xf32, #tpu.memory_space<vmem>>[vector<16xi32>, vector<16xi32>], vector<16xf32>,
        %broadcast_in_dim3A_1381 = arith.constant 11 : i32
        %broadcast_in_dim3A_1382 = vector.broadcast %broadcast_in_dim3A_1381 : i32 to vector<16xi32>
        %gather3A_1383 = tpu.vector_load_idx %arg10[%add3A_147, %broadcast_in_dim3A_1382] : memref<400x128xf32, #tpu.memory_space<vmem>>[vector<16xi32>, vector<16xi32>], vector<16xf32>,
        %slice3A_1384 = vector.extract_strided_slice %get3A_5 {offsets = [11], sizes = [1], strides = [1]} : vector<16xf32> to vector<1xf32>
        %squeeze3A_1385 = vector.extract %slice3A_1384[0] : f32 from vector<1xf32>
        %slice3A_1386 = vector.extract_strided_slice %get3A_37 {offsets = [11], sizes = [1], strides = [1]} : vector<16xf32> to vector<1xf32>
        %squeeze3A_1387 = vector.extract %slice3A_1386[0] : f32 from vector<1xf32>
        %sub3A_1388 = arith.subf %gather3A_1383, %mul3A_1199 : vector<16xf32>
        %mul3A_1389 = arith.mulf %sub3A_1388, %mul3A_1239 : vector<16xf32>
        %mul3A_1390 = vector.broadcast %squeeze3A_1385 : f32 to vector<16xf32>
        %mul3A_1391 = arith.mulf %mul3A_1389, %mul3A_1390 : vector<16xf32>
        %add3A_1392 = vector.broadcast %squeeze3A_1387 : f32 to vector<16xf32>
        %add3A_1393 = arith.addf %mul3A_1391, %add3A_1392 : vector<16xf32>
        tpu.vector_store_idx %arg10[%add3A_147, %broadcast_in_dim3A_1382], %add3A_1393 : memref<400x128xf32, #tpu.memory_space<vmem>>[vector<16xi32>, vector<16xi32>], vector<16xf32>,
        %broadcast_in_dim3A_1394 = arith.constant 12 : i32
        %broadcast_in_dim3A_1395 = vector.broadcast %broadcast_in_dim3A_1394 : i32 to vector<16xi32>
        %gather3A_1396 = tpu.vector_load_idx %arg10[%add3A_147, %broadcast_in_dim3A_1395] : memref<400x128xf32, #tpu.memory_space<vmem>>[vector<16xi32>, vector<16xi32>], vector<16xf32>,
        %slice3A_1397 = vector.extract_strided_slice %get3A_5 {offsets = [12], sizes = [1], strides = [1]} : vector<16xf32> to vector<1xf32>
        %squeeze3A_1398 = vector.extract %slice3A_1397[0] : f32 from vector<1xf32>
        %slice3A_1399 = vector.extract_strided_slice %get3A_37 {offsets = [12], sizes = [1], strides = [1]} : vector<16xf32> to vector<1xf32>
        %squeeze3A_1400 = vector.extract %slice3A_1399[0] : f32 from vector<1xf32>
        %sub3A_1401 = arith.subf %gather3A_1396, %mul3A_1199 : vector<16xf32>
        %mul3A_1402 = arith.mulf %sub3A_1401, %mul3A_1239 : vector<16xf32>
        %mul3A_1403 = vector.broadcast %squeeze3A_1398 : f32 to vector<16xf32>
        %mul3A_1404 = arith.mulf %mul3A_1402, %mul3A_1403 : vector<16xf32>
        %add3A_1405 = vector.broadcast %squeeze3A_1400 : f32 to vector<16xf32>
        %add3A_1406 = arith.addf %mul3A_1404, %add3A_1405 : vector<16xf32>
        tpu.vector_store_idx %arg10[%add3A_147, %broadcast_in_dim3A_1395], %add3A_1406 : memref<400x128xf32, #tpu.memory_space<vmem>>[vector<16xi32>, vector<16xi32>], vector<16xf32>,
        %broadcast_in_dim3A_1407 = arith.constant 13 : i32
        %broadcast_in_dim3A_1408 = vector.broadcast %broadcast_in_dim3A_1407 : i32 to vector<16xi32>
        %gather3A_1409 = tpu.vector_load_idx %arg10[%add3A_147, %broadcast_in_dim3A_1408] : memref<400x128xf32, #tpu.memory_space<vmem>>[vector<16xi32>, vector<16xi32>], vector<16xf32>,
        %slice3A_1410 = vector.extract_strided_slice %get3A_5 {offsets = [13], sizes = [1], strides = [1]} : vector<16xf32> to vector<1xf32>
        %squeeze3A_1411 = vector.extract %slice3A_1410[0] : f32 from vector<1xf32>
        %slice3A_1412 = vector.extract_strided_slice %get3A_37 {offsets = [13], sizes = [1], strides = [1]} : vector<16xf32> to vector<1xf32>
        %squeeze3A_1413 = vector.extract %slice3A_1412[0] : f32 from vector<1xf32>
        %sub3A_1414 = arith.subf %gather3A_1409, %mul3A_1199 : vector<16xf32>
        %mul3A_1415 = arith.mulf %sub3A_1414, %mul3A_1239 : vector<16xf32>
        %mul3A_1416 = vector.broadcast %squeeze3A_1411 : f32 to vector<16xf32>
        %mul3A_1417 = arith.mulf %mul3A_1415, %mul3A_1416 : vector<16xf32>
        %add3A_1418 = vector.broadcast %squeeze3A_1413 : f32 to vector<16xf32>
        %add3A_1419 = arith.addf %mul3A_1417, %add3A_1418 : vector<16xf32>
        tpu.vector_store_idx %arg10[%add3A_147, %broadcast_in_dim3A_1408], %add3A_1419 : memref<400x128xf32, #tpu.memory_space<vmem>>[vector<16xi32>, vector<16xi32>], vector<16xf32>,
        %broadcast_in_dim3A_1420 = arith.constant 14 : i32
        %broadcast_in_dim3A_1421 = vector.broadcast %broadcast_in_dim3A_1420 : i32 to vector<16xi32>
        %gather3A_1422 = tpu.vector_load_idx %arg10[%add3A_147, %broadcast_in_dim3A_1421] : memref<400x128xf32, #tpu.memory_space<vmem>>[vector<16xi32>, vector<16xi32>], vector<16xf32>,
        %slice3A_1423 = vector.extract_strided_slice %get3A_5 {offsets = [14], sizes = [1], strides = [1]} : vector<16xf32> to vector<1xf32>
        %squeeze3A_1424 = vector.extract %slice3A_1423[0] : f32 from vector<1xf32>
        %slice3A_1425 = vector.extract_strided_slice %get3A_37 {offsets = [14], sizes = [1], strides = [1]} : vector<16xf32> to vector<1xf32>
        %squeeze3A_1426 = vector.extract %slice3A_1425[0] : f32 from vector<1xf32>
        %sub3A_1427 = arith.subf %gather3A_1422, %mul3A_1199 : vector<16xf32>
        %mul3A_1428 = arith.mulf %sub3A_1427, %mul3A_1239 : vector<16xf32>
        %mul3A_1429 = vector.broadcast %squeeze3A_1424 : f32 to vector<16xf32>
        %mul3A_1430 = arith.mulf %mul3A_1428, %mul3A_1429 : vector<16xf32>
        %add3A_1431 = vector.broadcast %squeeze3A_1426 : f32 to vector<16xf32>
        %add3A_1432 = arith.addf %mul3A_1430, %add3A_1431 : vector<16xf32>
        tpu.vector_store_idx %arg10[%add3A_147, %broadcast_in_dim3A_1421], %add3A_1432 : memref<400x128xf32, #tpu.memory_space<vmem>>[vector<16xi32>, vector<16xi32>], vector<16xf32>,
        %broadcast_in_dim3A_1433 = arith.constant 15 : i32
        %broadcast_in_dim3A_1434 = vector.broadcast %broadcast_in_dim3A_1433 : i32 to vector<16xi32>
        %gather3A_1435 = tpu.vector_load_idx %arg10[%add3A_147, %broadcast_in_dim3A_1434] : memref<400x128xf32, #tpu.memory_space<vmem>>[vector<16xi32>, vector<16xi32>], vector<16xf32>,
        %slice3A_1436 = vector.extract_strided_slice %get3A_5 {offsets = [15], sizes = [1], strides = [1]} : vector<16xf32> to vector<1xf32>
        %squeeze3A_1437 = vector.extract %slice3A_1436[0] : f32 from vector<1xf32>
        %slice3A_1438 = vector.extract_strided_slice %get3A_37 {offsets = [15], sizes = [1], strides = [1]} : vector<16xf32> to vector<1xf32>
        %squeeze3A_1439 = vector.extract %slice3A_1438[0] : f32 from vector<1xf32>
        %sub3A_1440 = arith.subf %gather3A_1435, %mul3A_1199 : vector<16xf32>
        %mul3A_1441 = arith.mulf %sub3A_1440, %mul3A_1239 : vector<16xf32>
        %mul3A_1442 = vector.broadcast %squeeze3A_1437 : f32 to vector<16xf32>
        %mul3A_1443 = arith.mulf %mul3A_1441, %mul3A_1442 : vector<16xf32>
        %add3A_1444 = vector.broadcast %squeeze3A_1439 : f32 to vector<16xf32>
        %add3A_1445 = arith.addf %mul3A_1443, %add3A_1444 : vector<16xf32>
        tpu.vector_store_idx %arg10[%add3A_147, %broadcast_in_dim3A_1434], %add3A_1445 : memref<400x128xf32, #tpu.memory_space<vmem>>[vector<16xi32>, vector<16xi32>], vector<16xf32>,
        %broadcast_in_dim3A_1446 = arith.constant 16 : i32
        %broadcast_in_dim3A_1447 = vector.broadcast %broadcast_in_dim3A_1446 : i32 to vector<16xi32>
        %gather3A_1448 = tpu.vector_load_idx %arg10[%add3A_147, %broadcast_in_dim3A_1447] : memref<400x128xf32, #tpu.memory_space<vmem>>[vector<16xi32>, vector<16xi32>], vector<16xf32>,
        %slice3A_1449 = vector.extract_strided_slice %get3A_9 {offsets = [0], sizes = [1], strides = [1]} : vector<16xf32> to vector<1xf32>
        %squeeze3A_1450 = vector.extract %slice3A_1449[0] : f32 from vector<1xf32>
        %slice3A_1451 = vector.extract_strided_slice %get3A_41 {offsets = [0], sizes = [1], strides = [1]} : vector<16xf32> to vector<1xf32>
        %squeeze3A_1452 = vector.extract %slice3A_1451[0] : f32 from vector<1xf32>
        %sub3A_1453 = arith.subf %gather3A_1448, %mul3A_1199 : vector<16xf32>
        %mul3A_1454 = arith.mulf %sub3A_1453, %mul3A_1239 : vector<16xf32>
        %mul3A_1455 = vector.broadcast %squeeze3A_1450 : f32 to vector<16xf32>
        %mul3A_1456 = arith.mulf %mul3A_1454, %mul3A_1455 : vector<16xf32>
        %add3A_1457 = vector.broadcast %squeeze3A_1452 : f32 to vector<16xf32>
        %add3A_1458 = arith.addf %mul3A_1456, %add3A_1457 : vector<16xf32>
        tpu.vector_store_idx %arg10[%add3A_147, %broadcast_in_dim3A_1447], %add3A_1458 : memref<400x128xf32, #tpu.memory_space<vmem>>[vector<16xi32>, vector<16xi32>], vector<16xf32>,
        %broadcast_in_dim3A_1459 = arith.constant 17 : i32
        %broadcast_in_dim3A_1460 = vector.broadcast %broadcast_in_dim3A_1459 : i32 to vector<16xi32>
        %gather3A_1461 = tpu.vector_load_idx %arg10[%add3A_147, %broadcast_in_dim3A_1460] : memref<400x128xf32, #tpu.memory_space<vmem>>[vector<16xi32>, vector<16xi32>], vector<16xf32>,
        %slice3A_1462 = vector.extract_strided_slice %get3A_9 {offsets = [1], sizes = [1], strides = [1]} : vector<16xf32> to vector<1xf32>
        %squeeze3A_1463 = vector.extract %slice3A_1462[0] : f32 from vector<1xf32>
        %slice3A_1464 = vector.extract_strided_slice %get3A_41 {offsets = [1], sizes = [1], strides = [1]} : vector<16xf32> to vector<1xf32>
        %squeeze3A_1465 = vector.extract %slice3A_1464[0] : f32 from vector<1xf32>
        %sub3A_1466 = arith.subf %gather3A_1461, %mul3A_1199 : vector<16xf32>
        %mul3A_1467 = arith.mulf %sub3A_1466, %mul3A_1239 : vector<16xf32>
        %mul3A_1468 = vector.broadcast %squeeze3A_1463 : f32 to vector<16xf32>
        %mul3A_1469 = arith.mulf %mul3A_1467, %mul3A_1468 : vector<16xf32>
        %add3A_1470 = vector.broadcast %squeeze3A_1465 : f32 to vector<16xf32>
        %add3A_1471 = arith.addf %mul3A_1469, %add3A_1470 : vector<16xf32>
        tpu.vector_store_idx %arg10[%add3A_147, %broadcast_in_dim3A_1460], %add3A_1471 : memref<400x128xf32, #tpu.memory_space<vmem>>[vector<16xi32>, vector<16xi32>], vector<16xf32>,
        %broadcast_in_dim3A_1472 = arith.constant 18 : i32
        %broadcast_in_dim3A_1473 = vector.broadcast %broadcast_in_dim3A_1472 : i32 to vector<16xi32>
        %gather3A_1474 = tpu.vector_load_idx %arg10[%add3A_147, %broadcast_in_dim3A_1473] : memref<400x128xf32, #tpu.memory_space<vmem>>[vector<16xi32>, vector<16xi32>], vector<16xf32>,
        %slice3A_1475 = vector.extract_strided_slice %get3A_9 {offsets = [2], sizes = [1], strides = [1]} : vector<16xf32> to vector<1xf32>
        %squeeze3A_1476 = vector.extract %slice3A_1475[0] : f32 from vector<1xf32>
        %slice3A_1477 = vector.extract_strided_slice %get3A_41 {offsets = [2], sizes = [1], strides = [1]} : vector<16xf32> to vector<1xf32>
        %squeeze3A_1478 = vector.extract %slice3A_1477[0] : f32 from vector<1xf32>
        %sub3A_1479 = arith.subf %gather3A_1474, %mul3A_1199 : vector<16xf32>
        %mul3A_1480 = arith.mulf %sub3A_1479, %mul3A_1239 : vector<16xf32>
        %mul3A_1481 = vector.broadcast %squeeze3A_1476 : f32 to vector<16xf32>
        %mul3A_1482 = arith.mulf %mul3A_1480, %mul3A_1481 : vector<16xf32>
        %add3A_1483 = vector.broadcast %squeeze3A_1478 : f32 to vector<16xf32>
        %add3A_1484 = arith.addf %mul3A_1482, %add3A_1483 : vector<16xf32>
        tpu.vector_store_idx %arg10[%add3A_147, %broadcast_in_dim3A_1473], %add3A_1484 : memref<400x128xf32, #tpu.memory_space<vmem>>[vector<16xi32>, vector<16xi32>], vector<16xf32>,
        %broadcast_in_dim3A_1485 = arith.constant 19 : i32
        %broadcast_in_dim3A_1486 = vector.broadcast %broadcast_in_dim3A_1485 : i32 to vector<16xi32>
        %gather3A_1487 = tpu.vector_load_idx %arg10[%add3A_147, %broadcast_in_dim3A_1486] : memref<400x128xf32, #tpu.memory_space<vmem>>[vector<16xi32>, vector<16xi32>], vector<16xf32>,
        %slice3A_1488 = vector.extract_strided_slice %get3A_9 {offsets = [3], sizes = [1], strides = [1]} : vector<16xf32> to vector<1xf32>
        %squeeze3A_1489 = vector.extract %slice3A_1488[0] : f32 from vector<1xf32>
        %slice3A_1490 = vector.extract_strided_slice %get3A_41 {offsets = [3], sizes = [1], strides = [1]} : vector<16xf32> to vector<1xf32>
        %squeeze3A_1491 = vector.extract %slice3A_1490[0] : f32 from vector<1xf32>
        %sub3A_1492 = arith.subf %gather3A_1487, %mul3A_1199 : vector<16xf32>
        %mul3A_1493 = arith.mulf %sub3A_1492, %mul3A_1239 : vector<16xf32>
        %mul3A_1494 = vector.broadcast %squeeze3A_1489 : f32 to vector<16xf32>
        %mul3A_1495 = arith.mulf %mul3A_1493, %mul3A_1494 : vector<16xf32>
        %add3A_1496 = vector.broadcast %squeeze3A_1491 : f32 to vector<16xf32>
        %add3A_1497 = arith.addf %mul3A_1495, %add3A_1496 : vector<16xf32>
        tpu.vector_store_idx %arg10[%add3A_147, %broadcast_in_dim3A_1486], %add3A_1497 : memref<400x128xf32, #tpu.memory_space<vmem>>[vector<16xi32>, vector<16xi32>], vector<16xf32>,
        %broadcast_in_dim3A_1498 = arith.constant 20 : i32
        %broadcast_in_dim3A_1499 = vector.broadcast %broadcast_in_dim3A_1498 : i32 to vector<16xi32>
        %gather3A_1500 = tpu.vector_load_idx %arg10[%add3A_147, %broadcast_in_dim3A_1499] : memref<400x128xf32, #tpu.memory_space<vmem>>[vector<16xi32>, vector<16xi32>], vector<16xf32>,
        %slice3A_1501 = vector.extract_strided_slice %get3A_9 {offsets = [4], sizes = [1], strides = [1]} : vector<16xf32> to vector<1xf32>
        %squeeze3A_1502 = vector.extract %slice3A_1501[0] : f32 from vector<1xf32>
        %slice3A_1503 = vector.extract_strided_slice %get3A_41 {offsets = [4], sizes = [1], strides = [1]} : vector<16xf32> to vector<1xf32>
        %squeeze3A_1504 = vector.extract %slice3A_1503[0] : f32 from vector<1xf32>
        %sub3A_1505 = arith.subf %gather3A_1500, %mul3A_1199 : vector<16xf32>
        %mul3A_1506 = arith.mulf %sub3A_1505, %mul3A_1239 : vector<16xf32>
        %mul3A_1507 = vector.broadcast %squeeze3A_1502 : f32 to vector<16xf32>
        %mul3A_1508 = arith.mulf %mul3A_1506, %mul3A_1507 : vector<16xf32>
        %add3A_1509 = vector.broadcast %squeeze3A_1504 : f32 to vector<16xf32>
        %add3A_1510 = arith.addf %mul3A_1508, %add3A_1509 : vector<16xf32>
        tpu.vector_store_idx %arg10[%add3A_147, %broadcast_in_dim3A_1499], %add3A_1510 : memref<400x128xf32, #tpu.memory_space<vmem>>[vector<16xi32>, vector<16xi32>], vector<16xf32>,
        %broadcast_in_dim3A_1511 = arith.constant 21 : i32
        %broadcast_in_dim3A_1512 = vector.broadcast %broadcast_in_dim3A_1511 : i32 to vector<16xi32>
        %gather3A_1513 = tpu.vector_load_idx %arg10[%add3A_147, %broadcast_in_dim3A_1512] : memref<400x128xf32, #tpu.memory_space<vmem>>[vector<16xi32>, vector<16xi32>], vector<16xf32>,
        %slice3A_1514 = vector.extract_strided_slice %get3A_9 {offsets = [5], sizes = [1], strides = [1]} : vector<16xf32> to vector<1xf32>
        %squeeze3A_1515 = vector.extract %slice3A_1514[0] : f32 from vector<1xf32>
        %slice3A_1516 = vector.extract_strided_slice %get3A_41 {offsets = [5], sizes = [1], strides = [1]} : vector<16xf32> to vector<1xf32>
        %squeeze3A_1517 = vector.extract %slice3A_1516[0] : f32 from vector<1xf32>
        %sub3A_1518 = arith.subf %gather3A_1513, %mul3A_1199 : vector<16xf32>
        %mul3A_1519 = arith.mulf %sub3A_1518, %mul3A_1239 : vector<16xf32>
        %mul3A_1520 = vector.broadcast %squeeze3A_1515 : f32 to vector<16xf32>
        %mul3A_1521 = arith.mulf %mul3A_1519, %mul3A_1520 : vector<16xf32>
        %add3A_1522 = vector.broadcast %squeeze3A_1517 : f32 to vector<16xf32>
        %add3A_1523 = arith.addf %mul3A_1521, %add3A_1522 : vector<16xf32>
        tpu.vector_store_idx %arg10[%add3A_147, %broadcast_in_dim3A_1512], %add3A_1523 : memref<400x128xf32, #tpu.memory_space<vmem>>[vector<16xi32>, vector<16xi32>], vector<16xf32>,
        %broadcast_in_dim3A_1524 = arith.constant 22 : i32
        %broadcast_in_dim3A_1525 = vector.broadcast %broadcast_in_dim3A_1524 : i32 to vector<16xi32>
        %gather3A_1526 = tpu.vector_load_idx %arg10[%add3A_147, %broadcast_in_dim3A_1525] : memref<400x128xf32, #tpu.memory_space<vmem>>[vector<16xi32>, vector<16xi32>], vector<16xf32>,
        %slice3A_1527 = vector.extract_strided_slice %get3A_9 {offsets = [6], sizes = [1], strides = [1]} : vector<16xf32> to vector<1xf32>
        %squeeze3A_1528 = vector.extract %slice3A_1527[0] : f32 from vector<1xf32>
        %slice3A_1529 = vector.extract_strided_slice %get3A_41 {offsets = [6], sizes = [1], strides = [1]} : vector<16xf32> to vector<1xf32>
        %squeeze3A_1530 = vector.extract %slice3A_1529[0] : f32 from vector<1xf32>
        %sub3A_1531 = arith.subf %gather3A_1526, %mul3A_1199 : vector<16xf32>
        %mul3A_1532 = arith.mulf %sub3A_1531, %mul3A_1239 : vector<16xf32>
        %mul3A_1533 = vector.broadcast %squeeze3A_1528 : f32 to vector<16xf32>
        %mul3A_1534 = arith.mulf %mul3A_1532, %mul3A_1533 : vector<16xf32>
        %add3A_1535 = vector.broadcast %squeeze3A_1530 : f32 to vector<16xf32>
        %add3A_1536 = arith.addf %mul3A_1534, %add3A_1535 : vector<16xf32>
        tpu.vector_store_idx %arg10[%add3A_147, %broadcast_in_dim3A_1525], %add3A_1536 : memref<400x128xf32, #tpu.memory_space<vmem>>[vector<16xi32>, vector<16xi32>], vector<16xf32>,
        %broadcast_in_dim3A_1537 = arith.constant 23 : i32
        %broadcast_in_dim3A_1538 = vector.broadcast %broadcast_in_dim3A_1537 : i32 to vector<16xi32>
        %gather3A_1539 = tpu.vector_load_idx %arg10[%add3A_147, %broadcast_in_dim3A_1538] : memref<400x128xf32, #tpu.memory_space<vmem>>[vector<16xi32>, vector<16xi32>], vector<16xf32>,
        %slice3A_1540 = vector.extract_strided_slice %get3A_9 {offsets = [7], sizes = [1], strides = [1]} : vector<16xf32> to vector<1xf32>
        %squeeze3A_1541 = vector.extract %slice3A_1540[0] : f32 from vector<1xf32>
        %slice3A_1542 = vector.extract_strided_slice %get3A_41 {offsets = [7], sizes = [1], strides = [1]} : vector<16xf32> to vector<1xf32>
        %squeeze3A_1543 = vector.extract %slice3A_1542[0] : f32 from vector<1xf32>
        %sub3A_1544 = arith.subf %gather3A_1539, %mul3A_1199 : vector<16xf32>
        %mul3A_1545 = arith.mulf %sub3A_1544, %mul3A_1239 : vector<16xf32>
        %mul3A_1546 = vector.broadcast %squeeze3A_1541 : f32 to vector<16xf32>
        %mul3A_1547 = arith.mulf %mul3A_1545, %mul3A_1546 : vector<16xf32>
        %add3A_1548 = vector.broadcast %squeeze3A_1543 : f32 to vector<16xf32>
        %add3A_1549 = arith.addf %mul3A_1547, %add3A_1548 : vector<16xf32>
        tpu.vector_store_idx %arg10[%add3A_147, %broadcast_in_dim3A_1538], %add3A_1549 : memref<400x128xf32, #tpu.memory_space<vmem>>[vector<16xi32>, vector<16xi32>], vector<16xf32>,
        %broadcast_in_dim3A_1550 = arith.constant 24 : i32
        %broadcast_in_dim3A_1551 = vector.broadcast %broadcast_in_dim3A_1550 : i32 to vector<16xi32>
        %gather3A_1552 = tpu.vector_load_idx %arg10[%add3A_147, %broadcast_in_dim3A_1551] : memref<400x128xf32, #tpu.memory_space<vmem>>[vector<16xi32>, vector<16xi32>], vector<16xf32>,
        %slice3A_1553 = vector.extract_strided_slice %get3A_9 {offsets = [8], sizes = [1], strides = [1]} : vector<16xf32> to vector<1xf32>
        %squeeze3A_1554 = vector.extract %slice3A_1553[0] : f32 from vector<1xf32>
        %slice3A_1555 = vector.extract_strided_slice %get3A_41 {offsets = [8], sizes = [1], strides = [1]} : vector<16xf32> to vector<1xf32>
        %squeeze3A_1556 = vector.extract %slice3A_1555[0] : f32 from vector<1xf32>
        %sub3A_1557 = arith.subf %gather3A_1552, %mul3A_1199 : vector<16xf32>
        %mul3A_1558 = arith.mulf %sub3A_1557, %mul3A_1239 : vector<16xf32>
        %mul3A_1559 = vector.broadcast %squeeze3A_1554 : f32 to vector<16xf32>
        %mul3A_1560 = arith.mulf %mul3A_1558, %mul3A_1559 : vector<16xf32>
        %add3A_1561 = vector.broadcast %squeeze3A_1556 : f32 to vector<16xf32>
        %add3A_1562 = arith.addf %mul3A_1560, %add3A_1561 : vector<16xf32>
        tpu.vector_store_idx %arg10[%add3A_147, %broadcast_in_dim3A_1551], %add3A_1562 : memref<400x128xf32, #tpu.memory_space<vmem>>[vector<16xi32>, vector<16xi32>], vector<16xf32>,
        %broadcast_in_dim3A_1563 = arith.constant 25 : i32
        %broadcast_in_dim3A_1564 = vector.broadcast %broadcast_in_dim3A_1563 : i32 to vector<16xi32>
        %gather3A_1565 = tpu.vector_load_idx %arg10[%add3A_147, %broadcast_in_dim3A_1564] : memref<400x128xf32, #tpu.memory_space<vmem>>[vector<16xi32>, vector<16xi32>], vector<16xf32>,
        %slice3A_1566 = vector.extract_strided_slice %get3A_9 {offsets = [9], sizes = [1], strides = [1]} : vector<16xf32> to vector<1xf32>
        %squeeze3A_1567 = vector.extract %slice3A_1566[0] : f32 from vector<1xf32>
        %slice3A_1568 = vector.extract_strided_slice %get3A_41 {offsets = [9], sizes = [1], strides = [1]} : vector<16xf32> to vector<1xf32>
        %squeeze3A_1569 = vector.extract %slice3A_1568[0] : f32 from vector<1xf32>
        %sub3A_1570 = arith.subf %gather3A_1565, %mul3A_1199 : vector<16xf32>
        %mul3A_1571 = arith.mulf %sub3A_1570, %mul3A_1239 : vector<16xf32>
        %mul3A_1572 = vector.broadcast %squeeze3A_1567 : f32 to vector<16xf32>
        %mul3A_1573 = arith.mulf %mul3A_1571, %mul3A_1572 : vector<16xf32>
        %add3A_1574 = vector.broadcast %squeeze3A_1569 : f32 to vector<16xf32>
        %add3A_1575 = arith.addf %mul3A_1573, %add3A_1574 : vector<16xf32>
        tpu.vector_store_idx %arg10[%add3A_147, %broadcast_in_dim3A_1564], %add3A_1575 : memref<400x128xf32, #tpu.memory_space<vmem>>[vector<16xi32>, vector<16xi32>], vector<16xf32>,
        %broadcast_in_dim3A_1576 = arith.constant 26 : i32
        %broadcast_in_dim3A_1577 = vector.broadcast %broadcast_in_dim3A_1576 : i32 to vector<16xi32>
        %gather3A_1578 = tpu.vector_load_idx %arg10[%add3A_147, %broadcast_in_dim3A_1577] : memref<400x128xf32, #tpu.memory_space<vmem>>[vector<16xi32>, vector<16xi32>], vector<16xf32>,
        %slice3A_1579 = vector.extract_strided_slice %get3A_9 {offsets = [10], sizes = [1], strides = [1]} : vector<16xf32> to vector<1xf32>
        %squeeze3A_1580 = vector.extract %slice3A_1579[0] : f32 from vector<1xf32>
        %slice3A_1581 = vector.extract_strided_slice %get3A_41 {offsets = [10], sizes = [1], strides = [1]} : vector<16xf32> to vector<1xf32>
        %squeeze3A_1582 = vector.extract %slice3A_1581[0] : f32 from vector<1xf32>
        %sub3A_1583 = arith.subf %gather3A_1578, %mul3A_1199 : vector<16xf32>
        %mul3A_1584 = arith.mulf %sub3A_1583, %mul3A_1239 : vector<16xf32>
        %mul3A_1585 = vector.broadcast %squeeze3A_1580 : f32 to vector<16xf32>
        %mul3A_1586 = arith.mulf %mul3A_1584, %mul3A_1585 : vector<16xf32>
        %add3A_1587 = vector.broadcast %squeeze3A_1582 : f32 to vector<16xf32>
        %add3A_1588 = arith.addf %mul3A_1586, %add3A_1587 : vector<16xf32>
        tpu.vector_store_idx %arg10[%add3A_147, %broadcast_in_dim3A_1577], %add3A_1588 : memref<400x128xf32, #tpu.memory_space<vmem>>[vector<16xi32>, vector<16xi32>], vector<16xf32>,
        %broadcast_in_dim3A_1589 = arith.constant 27 : i32
        %broadcast_in_dim3A_1590 = vector.broadcast %broadcast_in_dim3A_1589 : i32 to vector<16xi32>
        %gather3A_1591 = tpu.vector_load_idx %arg10[%add3A_147, %broadcast_in_dim3A_1590] : memref<400x128xf32, #tpu.memory_space<vmem>>[vector<16xi32>, vector<16xi32>], vector<16xf32>,
        %slice3A_1592 = vector.extract_strided_slice %get3A_9 {offsets = [11], sizes = [1], strides = [1]} : vector<16xf32> to vector<1xf32>
        %squeeze3A_1593 = vector.extract %slice3A_1592[0] : f32 from vector<1xf32>
        %slice3A_1594 = vector.extract_strided_slice %get3A_41 {offsets = [11], sizes = [1], strides = [1]} : vector<16xf32> to vector<1xf32>
        %squeeze3A_1595 = vector.extract %slice3A_1594[0] : f32 from vector<1xf32>
        %sub3A_1596 = arith.subf %gather3A_1591, %mul3A_1199 : vector<16xf32>
        %mul3A_1597 = arith.mulf %sub3A_1596, %mul3A_1239 : vector<16xf32>
        %mul3A_1598 = vector.broadcast %squeeze3A_1593 : f32 to vector<16xf32>
        %mul3A_1599 = arith.mulf %mul3A_1597, %mul3A_1598 : vector<16xf32>
        %add3A_1600 = vector.broadcast %squeeze3A_1595 : f32 to vector<16xf32>
        %add3A_1601 = arith.addf %mul3A_1599, %add3A_1600 : vector<16xf32>
        tpu.vector_store_idx %arg10[%add3A_147, %broadcast_in_dim3A_1590], %add3A_1601 : memref<400x128xf32, #tpu.memory_space<vmem>>[vector<16xi32>, vector<16xi32>], vector<16xf32>,
        %broadcast_in_dim3A_1602 = arith.constant 28 : i32
        %broadcast_in_dim3A_1603 = vector.broadcast %broadcast_in_dim3A_1602 : i32 to vector<16xi32>
        %gather3A_1604 = tpu.vector_load_idx %arg10[%add3A_147, %broadcast_in_dim3A_1603] : memref<400x128xf32, #tpu.memory_space<vmem>>[vector<16xi32>, vector<16xi32>], vector<16xf32>,
        %slice3A_1605 = vector.extract_strided_slice %get3A_9 {offsets = [12], sizes = [1], strides = [1]} : vector<16xf32> to vector<1xf32>
        %squeeze3A_1606 = vector.extract %slice3A_1605[0] : f32 from vector<1xf32>
        %slice3A_1607 = vector.extract_strided_slice %get3A_41 {offsets = [12], sizes = [1], strides = [1]} : vector<16xf32> to vector<1xf32>
        %squeeze3A_1608 = vector.extract %slice3A_1607[0] : f32 from vector<1xf32>
        %sub3A_1609 = arith.subf %gather3A_1604, %mul3A_1199 : vector<16xf32>
        %mul3A_1610 = arith.mulf %sub3A_1609, %mul3A_1239 : vector<16xf32>
        %mul3A_1611 = vector.broadcast %squeeze3A_1606 : f32 to vector<16xf32>
        %mul3A_1612 = arith.mulf %mul3A_1610, %mul3A_1611 : vector<16xf32>
        %add3A_1613 = vector.broadcast %squeeze3A_1608 : f32 to vector<16xf32>
        %add3A_1614 = arith.addf %mul3A_1612, %add3A_1613 : vector<16xf32>
        tpu.vector_store_idx %arg10[%add3A_147, %broadcast_in_dim3A_1603], %add3A_1614 : memref<400x128xf32, #tpu.memory_space<vmem>>[vector<16xi32>, vector<16xi32>], vector<16xf32>,
        %broadcast_in_dim3A_1615 = arith.constant 29 : i32
        %broadcast_in_dim3A_1616 = vector.broadcast %broadcast_in_dim3A_1615 : i32 to vector<16xi32>
        %gather3A_1617 = tpu.vector_load_idx %arg10[%add3A_147, %broadcast_in_dim3A_1616] : memref<400x128xf32, #tpu.memory_space<vmem>>[vector<16xi32>, vector<16xi32>], vector<16xf32>,
        %slice3A_1618 = vector.extract_strided_slice %get3A_9 {offsets = [13], sizes = [1], strides = [1]} : vector<16xf32> to vector<1xf32>
        %squeeze3A_1619 = vector.extract %slice3A_1618[0] : f32 from vector<1xf32>
        %slice3A_1620 = vector.extract_strided_slice %get3A_41 {offsets = [13], sizes = [1], strides = [1]} : vector<16xf32> to vector<1xf32>
        %squeeze3A_1621 = vector.extract %slice3A_1620[0] : f32 from vector<1xf32>
        %sub3A_1622 = arith.subf %gather3A_1617, %mul3A_1199 : vector<16xf32>
        %mul3A_1623 = arith.mulf %sub3A_1622, %mul3A_1239 : vector<16xf32>
        %mul3A_1624 = vector.broadcast %squeeze3A_1619 : f32 to vector<16xf32>
        %mul3A_1625 = arith.mulf %mul3A_1623, %mul3A_1624 : vector<16xf32>
        %add3A_1626 = vector.broadcast %squeeze3A_1621 : f32 to vector<16xf32>
        %add3A_1627 = arith.addf %mul3A_1625, %add3A_1626 : vector<16xf32>
        tpu.vector_store_idx %arg10[%add3A_147, %broadcast_in_dim3A_1616], %add3A_1627 : memref<400x128xf32, #tpu.memory_space<vmem>>[vector<16xi32>, vector<16xi32>], vector<16xf32>,
        %broadcast_in_dim3A_1628 = arith.constant 30 : i32
        %broadcast_in_dim3A_1629 = vector.broadcast %broadcast_in_dim3A_1628 : i32 to vector<16xi32>
        %gather3A_1630 = tpu.vector_load_idx %arg10[%add3A_147, %broadcast_in_dim3A_1629] : memref<400x128xf32, #tpu.memory_space<vmem>>[vector<16xi32>, vector<16xi32>], vector<16xf32>,
        %slice3A_1631 = vector.extract_strided_slice %get3A_9 {offsets = [14], sizes = [1], strides = [1]} : vector<16xf32> to vector<1xf32>
        %squeeze3A_1632 = vector.extract %slice3A_1631[0] : f32 from vector<1xf32>
        %slice3A_1633 = vector.extract_strided_slice %get3A_41 {offsets = [14], sizes = [1], strides = [1]} : vector<16xf32> to vector<1xf32>
        %squeeze3A_1634 = vector.extract %slice3A_1633[0] : f32 from vector<1xf32>
        %sub3A_1635 = arith.subf %gather3A_1630, %mul3A_1199 : vector<16xf32>
        %mul3A_1636 = arith.mulf %sub3A_1635, %mul3A_1239 : vector<16xf32>
        %mul3A_1637 = vector.broadcast %squeeze3A_1632 : f32 to vector<16xf32>
        %mul3A_1638 = arith.mulf %mul3A_1636, %mul3A_1637 : vector<16xf32>
        %add3A_1639 = vector.broadcast %squeeze3A_1634 : f32 to vector<16xf32>
        %add3A_1640 = arith.addf %mul3A_1638, %add3A_1639 : vector<16xf32>
        tpu.vector_store_idx %arg10[%add3A_147, %broadcast_in_dim3A_1629], %add3A_1640 : memref<400x128xf32, #tpu.memory_space<vmem>>[vector<16xi32>, vector<16xi32>], vector<16xf32>,
        %broadcast_in_dim3A_1641 = arith.constant 31 : i32
        %broadcast_in_dim3A_1642 = vector.broadcast %broadcast_in_dim3A_1641 : i32 to vector<16xi32>
        %gather3A_1643 = tpu.vector_load_idx %arg10[%add3A_147, %broadcast_in_dim3A_1642] : memref<400x128xf32, #tpu.memory_space<vmem>>[vector<16xi32>, vector<16xi32>], vector<16xf32>,
        %slice3A_1644 = vector.extract_strided_slice %get3A_9 {offsets = [15], sizes = [1], strides = [1]} : vector<16xf32> to vector<1xf32>
        %squeeze3A_1645 = vector.extract %slice3A_1644[0] : f32 from vector<1xf32>
        %slice3A_1646 = vector.extract_strided_slice %get3A_41 {offsets = [15], sizes = [1], strides = [1]} : vector<16xf32> to vector<1xf32>
        %squeeze3A_1647 = vector.extract %slice3A_1646[0] : f32 from vector<1xf32>
        %sub3A_1648 = arith.subf %gather3A_1643, %mul3A_1199 : vector<16xf32>
        %mul3A_1649 = arith.mulf %sub3A_1648, %mul3A_1239 : vector<16xf32>
        %mul3A_1650 = vector.broadcast %squeeze3A_1645 : f32 to vector<16xf32>
        %mul3A_1651 = arith.mulf %mul3A_1649, %mul3A_1650 : vector<16xf32>
        %add3A_1652 = vector.broadcast %squeeze3A_1647 : f32 to vector<16xf32>
        %add3A_1653 = arith.addf %mul3A_1651, %add3A_1652 : vector<16xf32>
        tpu.vector_store_idx %arg10[%add3A_147, %broadcast_in_dim3A_1642], %add3A_1653 : memref<400x128xf32, #tpu.memory_space<vmem>>[vector<16xi32>, vector<16xi32>], vector<16xf32>,
        %broadcast_in_dim3A_1654 = arith.constant 32 : i32
        %broadcast_in_dim3A_1655 = vector.broadcast %broadcast_in_dim3A_1654 : i32 to vector<16xi32>
        %gather3A_1656 = tpu.vector_load_idx %arg10[%add3A_147, %broadcast_in_dim3A_1655] : memref<400x128xf32, #tpu.memory_space<vmem>>[vector<16xi32>, vector<16xi32>], vector<16xf32>,
        %slice3A_1657 = vector.extract_strided_slice %get3A_13 {offsets = [0], sizes = [1], strides = [1]} : vector<16xf32> to vector<1xf32>
        %squeeze3A_1658 = vector.extract %slice3A_1657[0] : f32 from vector<1xf32>
        %slice3A_1659 = vector.extract_strided_slice %get3A_45 {offsets = [0], sizes = [1], strides = [1]} : vector<16xf32> to vector<1xf32>
        %squeeze3A_1660 = vector.extract %slice3A_1659[0] : f32 from vector<1xf32>
        %sub3A_1661 = arith.subf %gather3A_1656, %mul3A_1199 : vector<16xf32>
        %mul3A_1662 = arith.mulf %sub3A_1661, %mul3A_1239 : vector<16xf32>
        %mul3A_1663 = vector.broadcast %squeeze3A_1658 : f32 to vector<16xf32>
        %mul3A_1664 = arith.mulf %mul3A_1662, %mul3A_1663 : vector<16xf32>
        %add3A_1665 = vector.broadcast %squeeze3A_1660 : f32 to vector<16xf32>
        %add3A_1666 = arith.addf %mul3A_1664, %add3A_1665 : vector<16xf32>
        tpu.vector_store_idx %arg10[%add3A_147, %broadcast_in_dim3A_1655], %add3A_1666 : memref<400x128xf32, #tpu.memory_space<vmem>>[vector<16xi32>, vector<16xi32>], vector<16xf32>,
        %broadcast_in_dim3A_1667 = arith.constant 33 : i32
        %broadcast_in_dim3A_1668 = vector.broadcast %broadcast_in_dim3A_1667 : i32 to vector<16xi32>
        %gather3A_1669 = tpu.vector_load_idx %arg10[%add3A_147, %broadcast_in_dim3A_1668] : memref<400x128xf32, #tpu.memory_space<vmem>>[vector<16xi32>, vector<16xi32>], vector<16xf32>,
        %slice3A_1670 = vector.extract_strided_slice %get3A_13 {offsets = [1], sizes = [1], strides = [1]} : vector<16xf32> to vector<1xf32>
        %squeeze3A_1671 = vector.extract %slice3A_1670[0] : f32 from vector<1xf32>
        %slice3A_1672 = vector.extract_strided_slice %get3A_45 {offsets = [1], sizes = [1], strides = [1]} : vector<16xf32> to vector<1xf32>
        %squeeze3A_1673 = vector.extract %slice3A_1672[0] : f32 from vector<1xf32>
        %sub3A_1674 = arith.subf %gather3A_1669, %mul3A_1199 : vector<16xf32>
        %mul3A_1675 = arith.mulf %sub3A_1674, %mul3A_1239 : vector<16xf32>
        %mul3A_1676 = vector.broadcast %squeeze3A_1671 : f32 to vector<16xf32>
        %mul3A_1677 = arith.mulf %mul3A_1675, %mul3A_1676 : vector<16xf32>
        %add3A_1678 = vector.broadcast %squeeze3A_1673 : f32 to vector<16xf32>
        %add3A_1679 = arith.addf %mul3A_1677, %add3A_1678 : vector<16xf32>
        tpu.vector_store_idx %arg10[%add3A_147, %broadcast_in_dim3A_1668], %add3A_1679 : memref<400x128xf32, #tpu.memory_space<vmem>>[vector<16xi32>, vector<16xi32>], vector<16xf32>,
        %broadcast_in_dim3A_1680 = arith.constant 34 : i32
        %broadcast_in_dim3A_1681 = vector.broadcast %broadcast_in_dim3A_1680 : i32 to vector<16xi32>
        %gather3A_1682 = tpu.vector_load_idx %arg10[%add3A_147, %broadcast_in_dim3A_1681] : memref<400x128xf32, #tpu.memory_space<vmem>>[vector<16xi32>, vector<16xi32>], vector<16xf32>,
        %slice3A_1683 = vector.extract_strided_slice %get3A_13 {offsets = [2], sizes = [1], strides = [1]} : vector<16xf32> to vector<1xf32>
        %squeeze3A_1684 = vector.extract %slice3A_1683[0] : f32 from vector<1xf32>
        %slice3A_1685 = vector.extract_strided_slice %get3A_45 {offsets = [2], sizes = [1], strides = [1]} : vector<16xf32> to vector<1xf32>
        %squeeze3A_1686 = vector.extract %slice3A_1685[0] : f32 from vector<1xf32>
        %sub3A_1687 = arith.subf %gather3A_1682, %mul3A_1199 : vector<16xf32>
        %mul3A_1688 = arith.mulf %sub3A_1687, %mul3A_1239 : vector<16xf32>
        %mul3A_1689 = vector.broadcast %squeeze3A_1684 : f32 to vector<16xf32>
        %mul3A_1690 = arith.mulf %mul3A_1688, %mul3A_1689 : vector<16xf32>
        %add3A_1691 = vector.broadcast %squeeze3A_1686 : f32 to vector<16xf32>
        %add3A_1692 = arith.addf %mul3A_1690, %add3A_1691 : vector<16xf32>
        tpu.vector_store_idx %arg10[%add3A_147, %broadcast_in_dim3A_1681], %add3A_1692 : memref<400x128xf32, #tpu.memory_space<vmem>>[vector<16xi32>, vector<16xi32>], vector<16xf32>,
        %broadcast_in_dim3A_1693 = arith.constant 35 : i32
        %broadcast_in_dim3A_1694 = vector.broadcast %broadcast_in_dim3A_1693 : i32 to vector<16xi32>
        %gather3A_1695 = tpu.vector_load_idx %arg10[%add3A_147, %broadcast_in_dim3A_1694] : memref<400x128xf32, #tpu.memory_space<vmem>>[vector<16xi32>, vector<16xi32>], vector<16xf32>,
        %slice3A_1696 = vector.extract_strided_slice %get3A_13 {offsets = [3], sizes = [1], strides = [1]} : vector<16xf32> to vector<1xf32>
        %squeeze3A_1697 = vector.extract %slice3A_1696[0] : f32 from vector<1xf32>
        %slice3A_1698 = vector.extract_strided_slice %get3A_45 {offsets = [3], sizes = [1], strides = [1]} : vector<16xf32> to vector<1xf32>
        %squeeze3A_1699 = vector.extract %slice3A_1698[0] : f32 from vector<1xf32>
        %sub3A_1700 = arith.subf %gather3A_1695, %mul3A_1199 : vector<16xf32>
        %mul3A_1701 = arith.mulf %sub3A_1700, %mul3A_1239 : vector<16xf32>
        %mul3A_1702 = vector.broadcast %squeeze3A_1697 : f32 to vector<16xf32>
        %mul3A_1703 = arith.mulf %mul3A_1701, %mul3A_1702 : vector<16xf32>
        %add3A_1704 = vector.broadcast %squeeze3A_1699 : f32 to vector<16xf32>
        %add3A_1705 = arith.addf %mul3A_1703, %add3A_1704 : vector<16xf32>
        tpu.vector_store_idx %arg10[%add3A_147, %broadcast_in_dim3A_1694], %add3A_1705 : memref<400x128xf32, #tpu.memory_space<vmem>>[vector<16xi32>, vector<16xi32>], vector<16xf32>,
        %broadcast_in_dim3A_1706 = arith.constant 36 : i32
        %broadcast_in_dim3A_1707 = vector.broadcast %broadcast_in_dim3A_1706 : i32 to vector<16xi32>
        %gather3A_1708 = tpu.vector_load_idx %arg10[%add3A_147, %broadcast_in_dim3A_1707] : memref<400x128xf32, #tpu.memory_space<vmem>>[vector<16xi32>, vector<16xi32>], vector<16xf32>,
        %slice3A_1709 = vector.extract_strided_slice %get3A_13 {offsets = [4], sizes = [1], strides = [1]} : vector<16xf32> to vector<1xf32>
        %squeeze3A_1710 = vector.extract %slice3A_1709[0] : f32 from vector<1xf32>
        %slice3A_1711 = vector.extract_strided_slice %get3A_45 {offsets = [4], sizes = [1], strides = [1]} : vector<16xf32> to vector<1xf32>
        %squeeze3A_1712 = vector.extract %slice3A_1711[0] : f32 from vector<1xf32>
        %sub3A_1713 = arith.subf %gather3A_1708, %mul3A_1199 : vector<16xf32>
        %mul3A_1714 = arith.mulf %sub3A_1713, %mul3A_1239 : vector<16xf32>
        %mul3A_1715 = vector.broadcast %squeeze3A_1710 : f32 to vector<16xf32>
        %mul3A_1716 = arith.mulf %mul3A_1714, %mul3A_1715 : vector<16xf32>
        %add3A_1717 = vector.broadcast %squeeze3A_1712 : f32 to vector<16xf32>
        %add3A_1718 = arith.addf %mul3A_1716, %add3A_1717 : vector<16xf32>
        tpu.vector_store_idx %arg10[%add3A_147, %broadcast_in_dim3A_1707], %add3A_1718 : memref<400x128xf32, #tpu.memory_space<vmem>>[vector<16xi32>, vector<16xi32>], vector<16xf32>,
        %broadcast_in_dim3A_1719 = arith.constant 37 : i32
        %broadcast_in_dim3A_1720 = vector.broadcast %broadcast_in_dim3A_1719 : i32 to vector<16xi32>
        %gather3A_1721 = tpu.vector_load_idx %arg10[%add3A_147, %broadcast_in_dim3A_1720] : memref<400x128xf32, #tpu.memory_space<vmem>>[vector<16xi32>, vector<16xi32>], vector<16xf32>,
        %slice3A_1722 = vector.extract_strided_slice %get3A_13 {offsets = [5], sizes = [1], strides = [1]} : vector<16xf32> to vector<1xf32>
        %squeeze3A_1723 = vector.extract %slice3A_1722[0] : f32 from vector<1xf32>
        %slice3A_1724 = vector.extract_strided_slice %get3A_45 {offsets = [5], sizes = [1], strides = [1]} : vector<16xf32> to vector<1xf32>
        %squeeze3A_1725 = vector.extract %slice3A_1724[0] : f32 from vector<1xf32>
        %sub3A_1726 = arith.subf %gather3A_1721, %mul3A_1199 : vector<16xf32>
        %mul3A_1727 = arith.mulf %sub3A_1726, %mul3A_1239 : vector<16xf32>
        %mul3A_1728 = vector.broadcast %squeeze3A_1723 : f32 to vector<16xf32>
        %mul3A_1729 = arith.mulf %mul3A_1727, %mul3A_1728 : vector<16xf32>
        %add3A_1730 = vector.broadcast %squeeze3A_1725 : f32 to vector<16xf32>
        %add3A_1731 = arith.addf %mul3A_1729, %add3A_1730 : vector<16xf32>
        tpu.vector_store_idx %arg10[%add3A_147, %broadcast_in_dim3A_1720], %add3A_1731 : memref<400x128xf32, #tpu.memory_space<vmem>>[vector<16xi32>, vector<16xi32>], vector<16xf32>,
        %broadcast_in_dim3A_1732 = arith.constant 38 : i32
        %broadcast_in_dim3A_1733 = vector.broadcast %broadcast_in_dim3A_1732 : i32 to vector<16xi32>
        %gather3A_1734 = tpu.vector_load_idx %arg10[%add3A_147, %broadcast_in_dim3A_1733] : memref<400x128xf32, #tpu.memory_space<vmem>>[vector<16xi32>, vector<16xi32>], vector<16xf32>,
        %slice3A_1735 = vector.extract_strided_slice %get3A_13 {offsets = [6], sizes = [1], strides = [1]} : vector<16xf32> to vector<1xf32>
        %squeeze3A_1736 = vector.extract %slice3A_1735[0] : f32 from vector<1xf32>
        %slice3A_1737 = vector.extract_strided_slice %get3A_45 {offsets = [6], sizes = [1], strides = [1]} : vector<16xf32> to vector<1xf32>
        %squeeze3A_1738 = vector.extract %slice3A_1737[0] : f32 from vector<1xf32>
        %sub3A_1739 = arith.subf %gather3A_1734, %mul3A_1199 : vector<16xf32>
        %mul3A_1740 = arith.mulf %sub3A_1739, %mul3A_1239 : vector<16xf32>
        %mul3A_1741 = vector.broadcast %squeeze3A_1736 : f32 to vector<16xf32>
        %mul3A_1742 = arith.mulf %mul3A_1740, %mul3A_1741 : vector<16xf32>
        %add3A_1743 = vector.broadcast %squeeze3A_1738 : f32 to vector<16xf32>
        %add3A_1744 = arith.addf %mul3A_1742, %add3A_1743 : vector<16xf32>
        tpu.vector_store_idx %arg10[%add3A_147, %broadcast_in_dim3A_1733], %add3A_1744 : memref<400x128xf32, #tpu.memory_space<vmem>>[vector<16xi32>, vector<16xi32>], vector<16xf32>,
        %broadcast_in_dim3A_1745 = arith.constant 39 : i32
        %broadcast_in_dim3A_1746 = vector.broadcast %broadcast_in_dim3A_1745 : i32 to vector<16xi32>
        %gather3A_1747 = tpu.vector_load_idx %arg10[%add3A_147, %broadcast_in_dim3A_1746] : memref<400x128xf32, #tpu.memory_space<vmem>>[vector<16xi32>, vector<16xi32>], vector<16xf32>,
        %slice3A_1748 = vector.extract_strided_slice %get3A_13 {offsets = [7], sizes = [1], strides = [1]} : vector<16xf32> to vector<1xf32>
        %squeeze3A_1749 = vector.extract %slice3A_1748[0] : f32 from vector<1xf32>
        %slice3A_1750 = vector.extract_strided_slice %get3A_45 {offsets = [7], sizes = [1], strides = [1]} : vector<16xf32> to vector<1xf32>
        %squeeze3A_1751 = vector.extract %slice3A_1750[0] : f32 from vector<1xf32>
        %sub3A_1752 = arith.subf %gather3A_1747, %mul3A_1199 : vector<16xf32>
        %mul3A_1753 = arith.mulf %sub3A_1752, %mul3A_1239 : vector<16xf32>
        %mul3A_1754 = vector.broadcast %squeeze3A_1749 : f32 to vector<16xf32>
        %mul3A_1755 = arith.mulf %mul3A_1753, %mul3A_1754 : vector<16xf32>
        %add3A_1756 = vector.broadcast %squeeze3A_1751 : f32 to vector<16xf32>
        %add3A_1757 = arith.addf %mul3A_1755, %add3A_1756 : vector<16xf32>
        tpu.vector_store_idx %arg10[%add3A_147, %broadcast_in_dim3A_1746], %add3A_1757 : memref<400x128xf32, #tpu.memory_space<vmem>>[vector<16xi32>, vector<16xi32>], vector<16xf32>,
        %broadcast_in_dim3A_1758 = arith.constant 40 : i32
        %broadcast_in_dim3A_1759 = vector.broadcast %broadcast_in_dim3A_1758 : i32 to vector<16xi32>
        %gather3A_1760 = tpu.vector_load_idx %arg10[%add3A_147, %broadcast_in_dim3A_1759] : memref<400x128xf32, #tpu.memory_space<vmem>>[vector<16xi32>, vector<16xi32>], vector<16xf32>,
        %slice3A_1761 = vector.extract_strided_slice %get3A_13 {offsets = [8], sizes = [1], strides = [1]} : vector<16xf32> to vector<1xf32>
        %squeeze3A_1762 = vector.extract %slice3A_1761[0] : f32 from vector<1xf32>
        %slice3A_1763 = vector.extract_strided_slice %get3A_45 {offsets = [8], sizes = [1], strides = [1]} : vector<16xf32> to vector<1xf32>
        %squeeze3A_1764 = vector.extract %slice3A_1763[0] : f32 from vector<1xf32>
        %sub3A_1765 = arith.subf %gather3A_1760, %mul3A_1199 : vector<16xf32>
        %mul3A_1766 = arith.mulf %sub3A_1765, %mul3A_1239 : vector<16xf32>
        %mul3A_1767 = vector.broadcast %squeeze3A_1762 : f32 to vector<16xf32>
        %mul3A_1768 = arith.mulf %mul3A_1766, %mul3A_1767 : vector<16xf32>
        %add3A_1769 = vector.broadcast %squeeze3A_1764 : f32 to vector<16xf32>
        %add3A_1770 = arith.addf %mul3A_1768, %add3A_1769 : vector<16xf32>
        tpu.vector_store_idx %arg10[%add3A_147, %broadcast_in_dim3A_1759], %add3A_1770 : memref<400x128xf32, #tpu.memory_space<vmem>>[vector<16xi32>, vector<16xi32>], vector<16xf32>,
        %broadcast_in_dim3A_1771 = arith.constant 41 : i32
        %broadcast_in_dim3A_1772 = vector.broadcast %broadcast_in_dim3A_1771 : i32 to vector<16xi32>
        %gather3A_1773 = tpu.vector_load_idx %arg10[%add3A_147, %broadcast_in_dim3A_1772] : memref<400x128xf32, #tpu.memory_space<vmem>>[vector<16xi32>, vector<16xi32>], vector<16xf32>,
        %slice3A_1774 = vector.extract_strided_slice %get3A_13 {offsets = [9], sizes = [1], strides = [1]} : vector<16xf32> to vector<1xf32>
        %squeeze3A_1775 = vector.extract %slice3A_1774[0] : f32 from vector<1xf32>
        %slice3A_1776 = vector.extract_strided_slice %get3A_45 {offsets = [9], sizes = [1], strides = [1]} : vector<16xf32> to vector<1xf32>
        %squeeze3A_1777 = vector.extract %slice3A_1776[0] : f32 from vector<1xf32>
        %sub3A_1778 = arith.subf %gather3A_1773, %mul3A_1199 : vector<16xf32>
        %mul3A_1779 = arith.mulf %sub3A_1778, %mul3A_1239 : vector<16xf32>
        %mul3A_1780 = vector.broadcast %squeeze3A_1775 : f32 to vector<16xf32>
        %mul3A_1781 = arith.mulf %mul3A_1779, %mul3A_1780 : vector<16xf32>
        %add3A_1782 = vector.broadcast %squeeze3A_1777 : f32 to vector<16xf32>
        %add3A_1783 = arith.addf %mul3A_1781, %add3A_1782 : vector<16xf32>
        tpu.vector_store_idx %arg10[%add3A_147, %broadcast_in_dim3A_1772], %add3A_1783 : memref<400x128xf32, #tpu.memory_space<vmem>>[vector<16xi32>, vector<16xi32>], vector<16xf32>,
        %broadcast_in_dim3A_1784 = arith.constant 42 : i32
        %broadcast_in_dim3A_1785 = vector.broadcast %broadcast_in_dim3A_1784 : i32 to vector<16xi32>
        %gather3A_1786 = tpu.vector_load_idx %arg10[%add3A_147, %broadcast_in_dim3A_1785] : memref<400x128xf32, #tpu.memory_space<vmem>>[vector<16xi32>, vector<16xi32>], vector<16xf32>,
        %slice3A_1787 = vector.extract_strided_slice %get3A_13 {offsets = [10], sizes = [1], strides = [1]} : vector<16xf32> to vector<1xf32>
        %squeeze3A_1788 = vector.extract %slice3A_1787[0] : f32 from vector<1xf32>
        %slice3A_1789 = vector.extract_strided_slice %get3A_45 {offsets = [10], sizes = [1], strides = [1]} : vector<16xf32> to vector<1xf32>
        %squeeze3A_1790 = vector.extract %slice3A_1789[0] : f32 from vector<1xf32>
        %sub3A_1791 = arith.subf %gather3A_1786, %mul3A_1199 : vector<16xf32>
        %mul3A_1792 = arith.mulf %sub3A_1791, %mul3A_1239 : vector<16xf32>
        %mul3A_1793 = vector.broadcast %squeeze3A_1788 : f32 to vector<16xf32>
        %mul3A_1794 = arith.mulf %mul3A_1792, %mul3A_1793 : vector<16xf32>
        %add3A_1795 = vector.broadcast %squeeze3A_1790 : f32 to vector<16xf32>
        %add3A_1796 = arith.addf %mul3A_1794, %add3A_1795 : vector<16xf32>
        tpu.vector_store_idx %arg10[%add3A_147, %broadcast_in_dim3A_1785], %add3A_1796 : memref<400x128xf32, #tpu.memory_space<vmem>>[vector<16xi32>, vector<16xi32>], vector<16xf32>,
        %broadcast_in_dim3A_1797 = arith.constant 43 : i32
        %broadcast_in_dim3A_1798 = vector.broadcast %broadcast_in_dim3A_1797 : i32 to vector<16xi32>
        %gather3A_1799 = tpu.vector_load_idx %arg10[%add3A_147, %broadcast_in_dim3A_1798] : memref<400x128xf32, #tpu.memory_space<vmem>>[vector<16xi32>, vector<16xi32>], vector<16xf32>,
        %slice3A_1800 = vector.extract_strided_slice %get3A_13 {offsets = [11], sizes = [1], strides = [1]} : vector<16xf32> to vector<1xf32>
        %squeeze3A_1801 = vector.extract %slice3A_1800[0] : f32 from vector<1xf32>
        %slice3A_1802 = vector.extract_strided_slice %get3A_45 {offsets = [11], sizes = [1], strides = [1]} : vector<16xf32> to vector<1xf32>
        %squeeze3A_1803 = vector.extract %slice3A_1802[0] : f32 from vector<1xf32>
        %sub3A_1804 = arith.subf %gather3A_1799, %mul3A_1199 : vector<16xf32>
        %mul3A_1805 = arith.mulf %sub3A_1804, %mul3A_1239 : vector<16xf32>
        %mul3A_1806 = vector.broadcast %squeeze3A_1801 : f32 to vector<16xf32>
        %mul3A_1807 = arith.mulf %mul3A_1805, %mul3A_1806 : vector<16xf32>
        %add3A_1808 = vector.broadcast %squeeze3A_1803 : f32 to vector<16xf32>
        %add3A_1809 = arith.addf %mul3A_1807, %add3A_1808 : vector<16xf32>
        tpu.vector_store_idx %arg10[%add3A_147, %broadcast_in_dim3A_1798], %add3A_1809 : memref<400x128xf32, #tpu.memory_space<vmem>>[vector<16xi32>, vector<16xi32>], vector<16xf32>,
        %broadcast_in_dim3A_1810 = arith.constant 44 : i32
        %broadcast_in_dim3A_1811 = vector.broadcast %broadcast_in_dim3A_1810 : i32 to vector<16xi32>
        %gather3A_1812 = tpu.vector_load_idx %arg10[%add3A_147, %broadcast_in_dim3A_1811] : memref<400x128xf32, #tpu.memory_space<vmem>>[vector<16xi32>, vector<16xi32>], vector<16xf32>,
        %slice3A_1813 = vector.extract_strided_slice %get3A_13 {offsets = [12], sizes = [1], strides = [1]} : vector<16xf32> to vector<1xf32>
        %squeeze3A_1814 = vector.extract %slice3A_1813[0] : f32 from vector<1xf32>
        %slice3A_1815 = vector.extract_strided_slice %get3A_45 {offsets = [12], sizes = [1], strides = [1]} : vector<16xf32> to vector<1xf32>
        %squeeze3A_1816 = vector.extract %slice3A_1815[0] : f32 from vector<1xf32>
        %sub3A_1817 = arith.subf %gather3A_1812, %mul3A_1199 : vector<16xf32>
        %mul3A_1818 = arith.mulf %sub3A_1817, %mul3A_1239 : vector<16xf32>
        %mul3A_1819 = vector.broadcast %squeeze3A_1814 : f32 to vector<16xf32>
        %mul3A_1820 = arith.mulf %mul3A_1818, %mul3A_1819 : vector<16xf32>
        %add3A_1821 = vector.broadcast %squeeze3A_1816 : f32 to vector<16xf32>
        %add3A_1822 = arith.addf %mul3A_1820, %add3A_1821 : vector<16xf32>
        tpu.vector_store_idx %arg10[%add3A_147, %broadcast_in_dim3A_1811], %add3A_1822 : memref<400x128xf32, #tpu.memory_space<vmem>>[vector<16xi32>, vector<16xi32>], vector<16xf32>,
        %broadcast_in_dim3A_1823 = arith.constant 45 : i32
        %broadcast_in_dim3A_1824 = vector.broadcast %broadcast_in_dim3A_1823 : i32 to vector<16xi32>
        %gather3A_1825 = tpu.vector_load_idx %arg10[%add3A_147, %broadcast_in_dim3A_1824] : memref<400x128xf32, #tpu.memory_space<vmem>>[vector<16xi32>, vector<16xi32>], vector<16xf32>,
        %slice3A_1826 = vector.extract_strided_slice %get3A_13 {offsets = [13], sizes = [1], strides = [1]} : vector<16xf32> to vector<1xf32>
        %squeeze3A_1827 = vector.extract %slice3A_1826[0] : f32 from vector<1xf32>
        %slice3A_1828 = vector.extract_strided_slice %get3A_45 {offsets = [13], sizes = [1], strides = [1]} : vector<16xf32> to vector<1xf32>
        %squeeze3A_1829 = vector.extract %slice3A_1828[0] : f32 from vector<1xf32>
        %sub3A_1830 = arith.subf %gather3A_1825, %mul3A_1199 : vector<16xf32>
        %mul3A_1831 = arith.mulf %sub3A_1830, %mul3A_1239 : vector<16xf32>
        %mul3A_1832 = vector.broadcast %squeeze3A_1827 : f32 to vector<16xf32>
        %mul3A_1833 = arith.mulf %mul3A_1831, %mul3A_1832 : vector<16xf32>
        %add3A_1834 = vector.broadcast %squeeze3A_1829 : f32 to vector<16xf32>
        %add3A_1835 = arith.addf %mul3A_1833, %add3A_1834 : vector<16xf32>
        tpu.vector_store_idx %arg10[%add3A_147, %broadcast_in_dim3A_1824], %add3A_1835 : memref<400x128xf32, #tpu.memory_space<vmem>>[vector<16xi32>, vector<16xi32>], vector<16xf32>,
        %broadcast_in_dim3A_1836 = arith.constant 46 : i32
        %broadcast_in_dim3A_1837 = vector.broadcast %broadcast_in_dim3A_1836 : i32 to vector<16xi32>
        %gather3A_1838 = tpu.vector_load_idx %arg10[%add3A_147, %broadcast_in_dim3A_1837] : memref<400x128xf32, #tpu.memory_space<vmem>>[vector<16xi32>, vector<16xi32>], vector<16xf32>,
        %slice3A_1839 = vector.extract_strided_slice %get3A_13 {offsets = [14], sizes = [1], strides = [1]} : vector<16xf32> to vector<1xf32>
        %squeeze3A_1840 = vector.extract %slice3A_1839[0] : f32 from vector<1xf32>
        %slice3A_1841 = vector.extract_strided_slice %get3A_45 {offsets = [14], sizes = [1], strides = [1]} : vector<16xf32> to vector<1xf32>
        %squeeze3A_1842 = vector.extract %slice3A_1841[0] : f32 from vector<1xf32>
        %sub3A_1843 = arith.subf %gather3A_1838, %mul3A_1199 : vector<16xf32>
        %mul3A_1844 = arith.mulf %sub3A_1843, %mul3A_1239 : vector<16xf32>
        %mul3A_1845 = vector.broadcast %squeeze3A_1840 : f32 to vector<16xf32>
        %mul3A_1846 = arith.mulf %mul3A_1844, %mul3A_1845 : vector<16xf32>
        %add3A_1847 = vector.broadcast %squeeze3A_1842 : f32 to vector<16xf32>
        %add3A_1848 = arith.addf %mul3A_1846, %add3A_1847 : vector<16xf32>
        tpu.vector_store_idx %arg10[%add3A_147, %broadcast_in_dim3A_1837], %add3A_1848 : memref<400x128xf32, #tpu.memory_space<vmem>>[vector<16xi32>, vector<16xi32>], vector<16xf32>,
        %broadcast_in_dim3A_1849 = arith.constant 47 : i32
        %broadcast_in_dim3A_1850 = vector.broadcast %broadcast_in_dim3A_1849 : i32 to vector<16xi32>
        %gather3A_1851 = tpu.vector_load_idx %arg10[%add3A_147, %broadcast_in_dim3A_1850] : memref<400x128xf32, #tpu.memory_space<vmem>>[vector<16xi32>, vector<16xi32>], vector<16xf32>,
        %slice3A_1852 = vector.extract_strided_slice %get3A_13 {offsets = [15], sizes = [1], strides = [1]} : vector<16xf32> to vector<1xf32>
        %squeeze3A_1853 = vector.extract %slice3A_1852[0] : f32 from vector<1xf32>
        %slice3A_1854 = vector.extract_strided_slice %get3A_45 {offsets = [15], sizes = [1], strides = [1]} : vector<16xf32> to vector<1xf32>
        %squeeze3A_1855 = vector.extract %slice3A_1854[0] : f32 from vector<1xf32>
        %sub3A_1856 = arith.subf %gather3A_1851, %mul3A_1199 : vector<16xf32>
        %mul3A_1857 = arith.mulf %sub3A_1856, %mul3A_1239 : vector<16xf32>
        %mul3A_1858 = vector.broadcast %squeeze3A_1853 : f32 to vector<16xf32>
        %mul3A_1859 = arith.mulf %mul3A_1857, %mul3A_1858 : vector<16xf32>
        %add3A_1860 = vector.broadcast %squeeze3A_1855 : f32 to vector<16xf32>
        %add3A_1861 = arith.addf %mul3A_1859, %add3A_1860 : vector<16xf32>
        tpu.vector_store_idx %arg10[%add3A_147, %broadcast_in_dim3A_1850], %add3A_1861 : memref<400x128xf32, #tpu.memory_space<vmem>>[vector<16xi32>, vector<16xi32>], vector<16xf32>,
        %broadcast_in_dim3A_1862 = arith.constant 48 : i32
        %broadcast_in_dim3A_1863 = vector.broadcast %broadcast_in_dim3A_1862 : i32 to vector<16xi32>
        %gather3A_1864 = tpu.vector_load_idx %arg10[%add3A_147, %broadcast_in_dim3A_1863] : memref<400x128xf32, #tpu.memory_space<vmem>>[vector<16xi32>, vector<16xi32>], vector<16xf32>,
        %slice3A_1865 = vector.extract_strided_slice %get3A_17 {offsets = [0], sizes = [1], strides = [1]} : vector<16xf32> to vector<1xf32>
        %squeeze3A_1866 = vector.extract %slice3A_1865[0] : f32 from vector<1xf32>
        %slice3A_1867 = vector.extract_strided_slice %get3A_49 {offsets = [0], sizes = [1], strides = [1]} : vector<16xf32> to vector<1xf32>
        %squeeze3A_1868 = vector.extract %slice3A_1867[0] : f32 from vector<1xf32>
        %sub3A_1869 = arith.subf %gather3A_1864, %mul3A_1199 : vector<16xf32>
        %mul3A_1870 = arith.mulf %sub3A_1869, %mul3A_1239 : vector<16xf32>
        %mul3A_1871 = vector.broadcast %squeeze3A_1866 : f32 to vector<16xf32>
        %mul3A_1872 = arith.mulf %mul3A_1870, %mul3A_1871 : vector<16xf32>
        %add3A_1873 = vector.broadcast %squeeze3A_1868 : f32 to vector<16xf32>
        %add3A_1874 = arith.addf %mul3A_1872, %add3A_1873 : vector<16xf32>
        tpu.vector_store_idx %arg10[%add3A_147, %broadcast_in_dim3A_1863], %add3A_1874 : memref<400x128xf32, #tpu.memory_space<vmem>>[vector<16xi32>, vector<16xi32>], vector<16xf32>,
        %broadcast_in_dim3A_1875 = arith.constant 49 : i32
        %broadcast_in_dim3A_1876 = vector.broadcast %broadcast_in_dim3A_1875 : i32 to vector<16xi32>
        %gather3A_1877 = tpu.vector_load_idx %arg10[%add3A_147, %broadcast_in_dim3A_1876] : memref<400x128xf32, #tpu.memory_space<vmem>>[vector<16xi32>, vector<16xi32>], vector<16xf32>,
        %slice3A_1878 = vector.extract_strided_slice %get3A_17 {offsets = [1], sizes = [1], strides = [1]} : vector<16xf32> to vector<1xf32>
        %squeeze3A_1879 = vector.extract %slice3A_1878[0] : f32 from vector<1xf32>
        %slice3A_1880 = vector.extract_strided_slice %get3A_49 {offsets = [1], sizes = [1], strides = [1]} : vector<16xf32> to vector<1xf32>
        %squeeze3A_1881 = vector.extract %slice3A_1880[0] : f32 from vector<1xf32>
        %sub3A_1882 = arith.subf %gather3A_1877, %mul3A_1199 : vector<16xf32>
        %mul3A_1883 = arith.mulf %sub3A_1882, %mul3A_1239 : vector<16xf32>
        %mul3A_1884 = vector.broadcast %squeeze3A_1879 : f32 to vector<16xf32>
        %mul3A_1885 = arith.mulf %mul3A_1883, %mul3A_1884 : vector<16xf32>
        %add3A_1886 = vector.broadcast %squeeze3A_1881 : f32 to vector<16xf32>
        %add3A_1887 = arith.addf %mul3A_1885, %add3A_1886 : vector<16xf32>
        tpu.vector_store_idx %arg10[%add3A_147, %broadcast_in_dim3A_1876], %add3A_1887 : memref<400x128xf32, #tpu.memory_space<vmem>>[vector<16xi32>, vector<16xi32>], vector<16xf32>,
        %broadcast_in_dim3A_1888 = arith.constant 50 : i32
        %broadcast_in_dim3A_1889 = vector.broadcast %broadcast_in_dim3A_1888 : i32 to vector<16xi32>
        %gather3A_1890 = tpu.vector_load_idx %arg10[%add3A_147, %broadcast_in_dim3A_1889] : memref<400x128xf32, #tpu.memory_space<vmem>>[vector<16xi32>, vector<16xi32>], vector<16xf32>,
        %slice3A_1891 = vector.extract_strided_slice %get3A_17 {offsets = [2], sizes = [1], strides = [1]} : vector<16xf32> to vector<1xf32>
        %squeeze3A_1892 = vector.extract %slice3A_1891[0] : f32 from vector<1xf32>
        %slice3A_1893 = vector.extract_strided_slice %get3A_49 {offsets = [2], sizes = [1], strides = [1]} : vector<16xf32> to vector<1xf32>
        %squeeze3A_1894 = vector.extract %slice3A_1893[0] : f32 from vector<1xf32>
        %sub3A_1895 = arith.subf %gather3A_1890, %mul3A_1199 : vector<16xf32>
        %mul3A_1896 = arith.mulf %sub3A_1895, %mul3A_1239 : vector<16xf32>
        %mul3A_1897 = vector.broadcast %squeeze3A_1892 : f32 to vector<16xf32>
        %mul3A_1898 = arith.mulf %mul3A_1896, %mul3A_1897 : vector<16xf32>
        %add3A_1899 = vector.broadcast %squeeze3A_1894 : f32 to vector<16xf32>
        %add3A_1900 = arith.addf %mul3A_1898, %add3A_1899 : vector<16xf32>
        tpu.vector_store_idx %arg10[%add3A_147, %broadcast_in_dim3A_1889], %add3A_1900 : memref<400x128xf32, #tpu.memory_space<vmem>>[vector<16xi32>, vector<16xi32>], vector<16xf32>,
        %broadcast_in_dim3A_1901 = arith.constant 51 : i32
        %broadcast_in_dim3A_1902 = vector.broadcast %broadcast_in_dim3A_1901 : i32 to vector<16xi32>
        %gather3A_1903 = tpu.vector_load_idx %arg10[%add3A_147, %broadcast_in_dim3A_1902] : memref<400x128xf32, #tpu.memory_space<vmem>>[vector<16xi32>, vector<16xi32>], vector<16xf32>,
        %slice3A_1904 = vector.extract_strided_slice %get3A_17 {offsets = [3], sizes = [1], strides = [1]} : vector<16xf32> to vector<1xf32>
        %squeeze3A_1905 = vector.extract %slice3A_1904[0] : f32 from vector<1xf32>
        %slice3A_1906 = vector.extract_strided_slice %get3A_49 {offsets = [3], sizes = [1], strides = [1]} : vector<16xf32> to vector<1xf32>
        %squeeze3A_1907 = vector.extract %slice3A_1906[0] : f32 from vector<1xf32>
        %sub3A_1908 = arith.subf %gather3A_1903, %mul3A_1199 : vector<16xf32>
        %mul3A_1909 = arith.mulf %sub3A_1908, %mul3A_1239 : vector<16xf32>
        %mul3A_1910 = vector.broadcast %squeeze3A_1905 : f32 to vector<16xf32>
        %mul3A_1911 = arith.mulf %mul3A_1909, %mul3A_1910 : vector<16xf32>
        %add3A_1912 = vector.broadcast %squeeze3A_1907 : f32 to vector<16xf32>
        %add3A_1913 = arith.addf %mul3A_1911, %add3A_1912 : vector<16xf32>
        tpu.vector_store_idx %arg10[%add3A_147, %broadcast_in_dim3A_1902], %add3A_1913 : memref<400x128xf32, #tpu.memory_space<vmem>>[vector<16xi32>, vector<16xi32>], vector<16xf32>,
        %broadcast_in_dim3A_1914 = arith.constant 52 : i32
        %broadcast_in_dim3A_1915 = vector.broadcast %broadcast_in_dim3A_1914 : i32 to vector<16xi32>
        %gather3A_1916 = tpu.vector_load_idx %arg10[%add3A_147, %broadcast_in_dim3A_1915] : memref<400x128xf32, #tpu.memory_space<vmem>>[vector<16xi32>, vector<16xi32>], vector<16xf32>,
        %slice3A_1917 = vector.extract_strided_slice %get3A_17 {offsets = [4], sizes = [1], strides = [1]} : vector<16xf32> to vector<1xf32>
        %squeeze3A_1918 = vector.extract %slice3A_1917[0] : f32 from vector<1xf32>
        %slice3A_1919 = vector.extract_strided_slice %get3A_49 {offsets = [4], sizes = [1], strides = [1]} : vector<16xf32> to vector<1xf32>
        %squeeze3A_1920 = vector.extract %slice3A_1919[0] : f32 from vector<1xf32>
        %sub3A_1921 = arith.subf %gather3A_1916, %mul3A_1199 : vector<16xf32>
        %mul3A_1922 = arith.mulf %sub3A_1921, %mul3A_1239 : vector<16xf32>
        %mul3A_1923 = vector.broadcast %squeeze3A_1918 : f32 to vector<16xf32>
        %mul3A_1924 = arith.mulf %mul3A_1922, %mul3A_1923 : vector<16xf32>
        %add3A_1925 = vector.broadcast %squeeze3A_1920 : f32 to vector<16xf32>
        %add3A_1926 = arith.addf %mul3A_1924, %add3A_1925 : vector<16xf32>
        tpu.vector_store_idx %arg10[%add3A_147, %broadcast_in_dim3A_1915], %add3A_1926 : memref<400x128xf32, #tpu.memory_space<vmem>>[vector<16xi32>, vector<16xi32>], vector<16xf32>,
        %broadcast_in_dim3A_1927 = arith.constant 53 : i32
        %broadcast_in_dim3A_1928 = vector.broadcast %broadcast_in_dim3A_1927 : i32 to vector<16xi32>
        %gather3A_1929 = tpu.vector_load_idx %arg10[%add3A_147, %broadcast_in_dim3A_1928] : memref<400x128xf32, #tpu.memory_space<vmem>>[vector<16xi32>, vector<16xi32>], vector<16xf32>,
        %slice3A_1930 = vector.extract_strided_slice %get3A_17 {offsets = [5], sizes = [1], strides = [1]} : vector<16xf32> to vector<1xf32>
        %squeeze3A_1931 = vector.extract %slice3A_1930[0] : f32 from vector<1xf32>
        %slice3A_1932 = vector.extract_strided_slice %get3A_49 {offsets = [5], sizes = [1], strides = [1]} : vector<16xf32> to vector<1xf32>
        %squeeze3A_1933 = vector.extract %slice3A_1932[0] : f32 from vector<1xf32>
        %sub3A_1934 = arith.subf %gather3A_1929, %mul3A_1199 : vector<16xf32>
        %mul3A_1935 = arith.mulf %sub3A_1934, %mul3A_1239 : vector<16xf32>
        %mul3A_1936 = vector.broadcast %squeeze3A_1931 : f32 to vector<16xf32>
        %mul3A_1937 = arith.mulf %mul3A_1935, %mul3A_1936 : vector<16xf32>
        %add3A_1938 = vector.broadcast %squeeze3A_1933 : f32 to vector<16xf32>
        %add3A_1939 = arith.addf %mul3A_1937, %add3A_1938 : vector<16xf32>
        tpu.vector_store_idx %arg10[%add3A_147, %broadcast_in_dim3A_1928], %add3A_1939 : memref<400x128xf32, #tpu.memory_space<vmem>>[vector<16xi32>, vector<16xi32>], vector<16xf32>,
        %broadcast_in_dim3A_1940 = arith.constant 54 : i32
        %broadcast_in_dim3A_1941 = vector.broadcast %broadcast_in_dim3A_1940 : i32 to vector<16xi32>
        %gather3A_1942 = tpu.vector_load_idx %arg10[%add3A_147, %broadcast_in_dim3A_1941] : memref<400x128xf32, #tpu.memory_space<vmem>>[vector<16xi32>, vector<16xi32>], vector<16xf32>,
        %slice3A_1943 = vector.extract_strided_slice %get3A_17 {offsets = [6], sizes = [1], strides = [1]} : vector<16xf32> to vector<1xf32>
        %squeeze3A_1944 = vector.extract %slice3A_1943[0] : f32 from vector<1xf32>
        %slice3A_1945 = vector.extract_strided_slice %get3A_49 {offsets = [6], sizes = [1], strides = [1]} : vector<16xf32> to vector<1xf32>
        %squeeze3A_1946 = vector.extract %slice3A_1945[0] : f32 from vector<1xf32>
        %sub3A_1947 = arith.subf %gather3A_1942, %mul3A_1199 : vector<16xf32>
        %mul3A_1948 = arith.mulf %sub3A_1947, %mul3A_1239 : vector<16xf32>
        %mul3A_1949 = vector.broadcast %squeeze3A_1944 : f32 to vector<16xf32>
        %mul3A_1950 = arith.mulf %mul3A_1948, %mul3A_1949 : vector<16xf32>
        %add3A_1951 = vector.broadcast %squeeze3A_1946 : f32 to vector<16xf32>
        %add3A_1952 = arith.addf %mul3A_1950, %add3A_1951 : vector<16xf32>
        tpu.vector_store_idx %arg10[%add3A_147, %broadcast_in_dim3A_1941], %add3A_1952 : memref<400x128xf32, #tpu.memory_space<vmem>>[vector<16xi32>, vector<16xi32>], vector<16xf32>,
        %broadcast_in_dim3A_1953 = arith.constant 55 : i32
        %broadcast_in_dim3A_1954 = vector.broadcast %broadcast_in_dim3A_1953 : i32 to vector<16xi32>
        %gather3A_1955 = tpu.vector_load_idx %arg10[%add3A_147, %broadcast_in_dim3A_1954] : memref<400x128xf32, #tpu.memory_space<vmem>>[vector<16xi32>, vector<16xi32>], vector<16xf32>,
        %slice3A_1956 = vector.extract_strided_slice %get3A_17 {offsets = [7], sizes = [1], strides = [1]} : vector<16xf32> to vector<1xf32>
        %squeeze3A_1957 = vector.extract %slice3A_1956[0] : f32 from vector<1xf32>
        %slice3A_1958 = vector.extract_strided_slice %get3A_49 {offsets = [7], sizes = [1], strides = [1]} : vector<16xf32> to vector<1xf32>
        %squeeze3A_1959 = vector.extract %slice3A_1958[0] : f32 from vector<1xf32>
        %sub3A_1960 = arith.subf %gather3A_1955, %mul3A_1199 : vector<16xf32>
        %mul3A_1961 = arith.mulf %sub3A_1960, %mul3A_1239 : vector<16xf32>
        %mul3A_1962 = vector.broadcast %squeeze3A_1957 : f32 to vector<16xf32>
        %mul3A_1963 = arith.mulf %mul3A_1961, %mul3A_1962 : vector<16xf32>
        %add3A_1964 = vector.broadcast %squeeze3A_1959 : f32 to vector<16xf32>
        %add3A_1965 = arith.addf %mul3A_1963, %add3A_1964 : vector<16xf32>
        tpu.vector_store_idx %arg10[%add3A_147, %broadcast_in_dim3A_1954], %add3A_1965 : memref<400x128xf32, #tpu.memory_space<vmem>>[vector<16xi32>, vector<16xi32>], vector<16xf32>,
        %broadcast_in_dim3A_1966 = arith.constant 56 : i32
        %broadcast_in_dim3A_1967 = vector.broadcast %broadcast_in_dim3A_1966 : i32 to vector<16xi32>
        %gather3A_1968 = tpu.vector_load_idx %arg10[%add3A_147, %broadcast_in_dim3A_1967] : memref<400x128xf32, #tpu.memory_space<vmem>>[vector<16xi32>, vector<16xi32>], vector<16xf32>,
        %slice3A_1969 = vector.extract_strided_slice %get3A_17 {offsets = [8], sizes = [1], strides = [1]} : vector<16xf32> to vector<1xf32>
        %squeeze3A_1970 = vector.extract %slice3A_1969[0] : f32 from vector<1xf32>
        %slice3A_1971 = vector.extract_strided_slice %get3A_49 {offsets = [8], sizes = [1], strides = [1]} : vector<16xf32> to vector<1xf32>
        %squeeze3A_1972 = vector.extract %slice3A_1971[0] : f32 from vector<1xf32>
        %sub3A_1973 = arith.subf %gather3A_1968, %mul3A_1199 : vector<16xf32>
        %mul3A_1974 = arith.mulf %sub3A_1973, %mul3A_1239 : vector<16xf32>
        %mul3A_1975 = vector.broadcast %squeeze3A_1970 : f32 to vector<16xf32>
        %mul3A_1976 = arith.mulf %mul3A_1974, %mul3A_1975 : vector<16xf32>
        %add3A_1977 = vector.broadcast %squeeze3A_1972 : f32 to vector<16xf32>
        %add3A_1978 = arith.addf %mul3A_1976, %add3A_1977 : vector<16xf32>
        tpu.vector_store_idx %arg10[%add3A_147, %broadcast_in_dim3A_1967], %add3A_1978 : memref<400x128xf32, #tpu.memory_space<vmem>>[vector<16xi32>, vector<16xi32>], vector<16xf32>,
        %broadcast_in_dim3A_1979 = arith.constant 57 : i32
        %broadcast_in_dim3A_1980 = vector.broadcast %broadcast_in_dim3A_1979 : i32 to vector<16xi32>
        %gather3A_1981 = tpu.vector_load_idx %arg10[%add3A_147, %broadcast_in_dim3A_1980] : memref<400x128xf32, #tpu.memory_space<vmem>>[vector<16xi32>, vector<16xi32>], vector<16xf32>,
        %slice3A_1982 = vector.extract_strided_slice %get3A_17 {offsets = [9], sizes = [1], strides = [1]} : vector<16xf32> to vector<1xf32>
        %squeeze3A_1983 = vector.extract %slice3A_1982[0] : f32 from vector<1xf32>
        %slice3A_1984 = vector.extract_strided_slice %get3A_49 {offsets = [9], sizes = [1], strides = [1]} : vector<16xf32> to vector<1xf32>
        %squeeze3A_1985 = vector.extract %slice3A_1984[0] : f32 from vector<1xf32>
        %sub3A_1986 = arith.subf %gather3A_1981, %mul3A_1199 : vector<16xf32>
        %mul3A_1987 = arith.mulf %sub3A_1986, %mul3A_1239 : vector<16xf32>
        %mul3A_1988 = vector.broadcast %squeeze3A_1983 : f32 to vector<16xf32>
        %mul3A_1989 = arith.mulf %mul3A_1987, %mul3A_1988 : vector<16xf32>
        %add3A_1990 = vector.broadcast %squeeze3A_1985 : f32 to vector<16xf32>
        %add3A_1991 = arith.addf %mul3A_1989, %add3A_1990 : vector<16xf32>
        tpu.vector_store_idx %arg10[%add3A_147, %broadcast_in_dim3A_1980], %add3A_1991 : memref<400x128xf32, #tpu.memory_space<vmem>>[vector<16xi32>, vector<16xi32>], vector<16xf32>,
        %broadcast_in_dim3A_1992 = arith.constant 58 : i32
        %broadcast_in_dim3A_1993 = vector.broadcast %broadcast_in_dim3A_1992 : i32 to vector<16xi32>
        %gather3A_1994 = tpu.vector_load_idx %arg10[%add3A_147, %broadcast_in_dim3A_1993] : memref<400x128xf32, #tpu.memory_space<vmem>>[vector<16xi32>, vector<16xi32>], vector<16xf32>,
        %slice3A_1995 = vector.extract_strided_slice %get3A_17 {offsets = [10], sizes = [1], strides = [1]} : vector<16xf32> to vector<1xf32>
        %squeeze3A_1996 = vector.extract %slice3A_1995[0] : f32 from vector<1xf32>
        %slice3A_1997 = vector.extract_strided_slice %get3A_49 {offsets = [10], sizes = [1], strides = [1]} : vector<16xf32> to vector<1xf32>
        %squeeze3A_1998 = vector.extract %slice3A_1997[0] : f32 from vector<1xf32>
        %sub3A_1999 = arith.subf %gather3A_1994, %mul3A_1199 : vector<16xf32>
        %mul3A_2000 = arith.mulf %sub3A_1999, %mul3A_1239 : vector<16xf32>
        %mul3A_2001 = vector.broadcast %squeeze3A_1996 : f32 to vector<16xf32>
        %mul3A_2002 = arith.mulf %mul3A_2000, %mul3A_2001 : vector<16xf32>
        %add3A_2003 = vector.broadcast %squeeze3A_1998 : f32 to vector<16xf32>
        %add3A_2004 = arith.addf %mul3A_2002, %add3A_2003 : vector<16xf32>
        tpu.vector_store_idx %arg10[%add3A_147, %broadcast_in_dim3A_1993], %add3A_2004 : memref<400x128xf32, #tpu.memory_space<vmem>>[vector<16xi32>, vector<16xi32>], vector<16xf32>,
        %broadcast_in_dim3A_2005 = arith.constant 59 : i32
        %broadcast_in_dim3A_2006 = vector.broadcast %broadcast_in_dim3A_2005 : i32 to vector<16xi32>
        %gather3A_2007 = tpu.vector_load_idx %arg10[%add3A_147, %broadcast_in_dim3A_2006] : memref<400x128xf32, #tpu.memory_space<vmem>>[vector<16xi32>, vector<16xi32>], vector<16xf32>,
        %slice3A_2008 = vector.extract_strided_slice %get3A_17 {offsets = [11], sizes = [1], strides = [1]} : vector<16xf32> to vector<1xf32>
        %squeeze3A_2009 = vector.extract %slice3A_2008[0] : f32 from vector<1xf32>
        %slice3A_2010 = vector.extract_strided_slice %get3A_49 {offsets = [11], sizes = [1], strides = [1]} : vector<16xf32> to vector<1xf32>
        %squeeze3A_2011 = vector.extract %slice3A_2010[0] : f32 from vector<1xf32>
        %sub3A_2012 = arith.subf %gather3A_2007, %mul3A_1199 : vector<16xf32>
        %mul3A_2013 = arith.mulf %sub3A_2012, %mul3A_1239 : vector<16xf32>
        %mul3A_2014 = vector.broadcast %squeeze3A_2009 : f32 to vector<16xf32>
        %mul3A_2015 = arith.mulf %mul3A_2013, %mul3A_2014 : vector<16xf32>
        %add3A_2016 = vector.broadcast %squeeze3A_2011 : f32 to vector<16xf32>
        %add3A_2017 = arith.addf %mul3A_2015, %add3A_2016 : vector<16xf32>
        tpu.vector_store_idx %arg10[%add3A_147, %broadcast_in_dim3A_2006], %add3A_2017 : memref<400x128xf32, #tpu.memory_space<vmem>>[vector<16xi32>, vector<16xi32>], vector<16xf32>,
        %broadcast_in_dim3A_2018 = arith.constant 60 : i32
        %broadcast_in_dim3A_2019 = vector.broadcast %broadcast_in_dim3A_2018 : i32 to vector<16xi32>
        %gather3A_2020 = tpu.vector_load_idx %arg10[%add3A_147, %broadcast_in_dim3A_2019] : memref<400x128xf32, #tpu.memory_space<vmem>>[vector<16xi32>, vector<16xi32>], vector<16xf32>,
        %slice3A_2021 = vector.extract_strided_slice %get3A_17 {offsets = [12], sizes = [1], strides = [1]} : vector<16xf32> to vector<1xf32>
        %squeeze3A_2022 = vector.extract %slice3A_2021[0] : f32 from vector<1xf32>
        %slice3A_2023 = vector.extract_strided_slice %get3A_49 {offsets = [12], sizes = [1], strides = [1]} : vector<16xf32> to vector<1xf32>
        %squeeze3A_2024 = vector.extract %slice3A_2023[0] : f32 from vector<1xf32>
        %sub3A_2025 = arith.subf %gather3A_2020, %mul3A_1199 : vector<16xf32>
        %mul3A_2026 = arith.mulf %sub3A_2025, %mul3A_1239 : vector<16xf32>
        %mul3A_2027 = vector.broadcast %squeeze3A_2022 : f32 to vector<16xf32>
        %mul3A_2028 = arith.mulf %mul3A_2026, %mul3A_2027 : vector<16xf32>
        %add3A_2029 = vector.broadcast %squeeze3A_2024 : f32 to vector<16xf32>
        %add3A_2030 = arith.addf %mul3A_2028, %add3A_2029 : vector<16xf32>
        tpu.vector_store_idx %arg10[%add3A_147, %broadcast_in_dim3A_2019], %add3A_2030 : memref<400x128xf32, #tpu.memory_space<vmem>>[vector<16xi32>, vector<16xi32>], vector<16xf32>,
        %broadcast_in_dim3A_2031 = arith.constant 61 : i32
        %broadcast_in_dim3A_2032 = vector.broadcast %broadcast_in_dim3A_2031 : i32 to vector<16xi32>
        %gather3A_2033 = tpu.vector_load_idx %arg10[%add3A_147, %broadcast_in_dim3A_2032] : memref<400x128xf32, #tpu.memory_space<vmem>>[vector<16xi32>, vector<16xi32>], vector<16xf32>,
        %slice3A_2034 = vector.extract_strided_slice %get3A_17 {offsets = [13], sizes = [1], strides = [1]} : vector<16xf32> to vector<1xf32>
        %squeeze3A_2035 = vector.extract %slice3A_2034[0] : f32 from vector<1xf32>
        %slice3A_2036 = vector.extract_strided_slice %get3A_49 {offsets = [13], sizes = [1], strides = [1]} : vector<16xf32> to vector<1xf32>
        %squeeze3A_2037 = vector.extract %slice3A_2036[0] : f32 from vector<1xf32>
        %sub3A_2038 = arith.subf %gather3A_2033, %mul3A_1199 : vector<16xf32>
        %mul3A_2039 = arith.mulf %sub3A_2038, %mul3A_1239 : vector<16xf32>
        %mul3A_2040 = vector.broadcast %squeeze3A_2035 : f32 to vector<16xf32>
        %mul3A_2041 = arith.mulf %mul3A_2039, %mul3A_2040 : vector<16xf32>
        %add3A_2042 = vector.broadcast %squeeze3A_2037 : f32 to vector<16xf32>
        %add3A_2043 = arith.addf %mul3A_2041, %add3A_2042 : vector<16xf32>
        tpu.vector_store_idx %arg10[%add3A_147, %broadcast_in_dim3A_2032], %add3A_2043 : memref<400x128xf32, #tpu.memory_space<vmem>>[vector<16xi32>, vector<16xi32>], vector<16xf32>,
        %broadcast_in_dim3A_2044 = arith.constant 62 : i32
        %broadcast_in_dim3A_2045 = vector.broadcast %broadcast_in_dim3A_2044 : i32 to vector<16xi32>
        %gather3A_2046 = tpu.vector_load_idx %arg10[%add3A_147, %broadcast_in_dim3A_2045] : memref<400x128xf32, #tpu.memory_space<vmem>>[vector<16xi32>, vector<16xi32>], vector<16xf32>,
        %slice3A_2047 = vector.extract_strided_slice %get3A_17 {offsets = [14], sizes = [1], strides = [1]} : vector<16xf32> to vector<1xf32>
        %squeeze3A_2048 = vector.extract %slice3A_2047[0] : f32 from vector<1xf32>
        %slice3A_2049 = vector.extract_strided_slice %get3A_49 {offsets = [14], sizes = [1], strides = [1]} : vector<16xf32> to vector<1xf32>
        %squeeze3A_2050 = vector.extract %slice3A_2049[0] : f32 from vector<1xf32>
        %sub3A_2051 = arith.subf %gather3A_2046, %mul3A_1199 : vector<16xf32>
        %mul3A_2052 = arith.mulf %sub3A_2051, %mul3A_1239 : vector<16xf32>
        %mul3A_2053 = vector.broadcast %squeeze3A_2048 : f32 to vector<16xf32>
        %mul3A_2054 = arith.mulf %mul3A_2052, %mul3A_2053 : vector<16xf32>
        %add3A_2055 = vector.broadcast %squeeze3A_2050 : f32 to vector<16xf32>
        %add3A_2056 = arith.addf %mul3A_2054, %add3A_2055 : vector<16xf32>
        tpu.vector_store_idx %arg10[%add3A_147, %broadcast_in_dim3A_2045], %add3A_2056 : memref<400x128xf32, #tpu.memory_space<vmem>>[vector<16xi32>, vector<16xi32>], vector<16xf32>,
        %broadcast_in_dim3A_2057 = arith.constant 63 : i32
        %broadcast_in_dim3A_2058 = vector.broadcast %broadcast_in_dim3A_2057 : i32 to vector<16xi32>
        %gather3A_2059 = tpu.vector_load_idx %arg10[%add3A_147, %broadcast_in_dim3A_2058] : memref<400x128xf32, #tpu.memory_space<vmem>>[vector<16xi32>, vector<16xi32>], vector<16xf32>,
        %slice3A_2060 = vector.extract_strided_slice %get3A_17 {offsets = [15], sizes = [1], strides = [1]} : vector<16xf32> to vector<1xf32>
        %squeeze3A_2061 = vector.extract %slice3A_2060[0] : f32 from vector<1xf32>
        %slice3A_2062 = vector.extract_strided_slice %get3A_49 {offsets = [15], sizes = [1], strides = [1]} : vector<16xf32> to vector<1xf32>
        %squeeze3A_2063 = vector.extract %slice3A_2062[0] : f32 from vector<1xf32>
        %sub3A_2064 = arith.subf %gather3A_2059, %mul3A_1199 : vector<16xf32>
        %mul3A_2065 = arith.mulf %sub3A_2064, %mul3A_1239 : vector<16xf32>
        %mul3A_2066 = vector.broadcast %squeeze3A_2061 : f32 to vector<16xf32>
        %mul3A_2067 = arith.mulf %mul3A_2065, %mul3A_2066 : vector<16xf32>
        %add3A_2068 = vector.broadcast %squeeze3A_2063 : f32 to vector<16xf32>
        %add3A_2069 = arith.addf %mul3A_2067, %add3A_2068 : vector<16xf32>
        tpu.vector_store_idx %arg10[%add3A_147, %broadcast_in_dim3A_2058], %add3A_2069 : memref<400x128xf32, #tpu.memory_space<vmem>>[vector<16xi32>, vector<16xi32>], vector<16xf32>,
        %broadcast_in_dim3A_2070 = arith.constant 64 : i32
        %broadcast_in_dim3A_2071 = vector.broadcast %broadcast_in_dim3A_2070 : i32 to vector<16xi32>
        %gather3A_2072 = tpu.vector_load_idx %arg10[%add3A_147, %broadcast_in_dim3A_2071] : memref<400x128xf32, #tpu.memory_space<vmem>>[vector<16xi32>, vector<16xi32>], vector<16xf32>,
        %slice3A_2073 = vector.extract_strided_slice %get3A_21 {offsets = [0], sizes = [1], strides = [1]} : vector<16xf32> to vector<1xf32>
        %squeeze3A_2074 = vector.extract %slice3A_2073[0] : f32 from vector<1xf32>
        %slice3A_2075 = vector.extract_strided_slice %get3A_53 {offsets = [0], sizes = [1], strides = [1]} : vector<16xf32> to vector<1xf32>
        %squeeze3A_2076 = vector.extract %slice3A_2075[0] : f32 from vector<1xf32>
        %sub3A_2077 = arith.subf %gather3A_2072, %mul3A_1199 : vector<16xf32>
        %mul3A_2078 = arith.mulf %sub3A_2077, %mul3A_1239 : vector<16xf32>
        %mul3A_2079 = vector.broadcast %squeeze3A_2074 : f32 to vector<16xf32>
        %mul3A_2080 = arith.mulf %mul3A_2078, %mul3A_2079 : vector<16xf32>
        %add3A_2081 = vector.broadcast %squeeze3A_2076 : f32 to vector<16xf32>
        %add3A_2082 = arith.addf %mul3A_2080, %add3A_2081 : vector<16xf32>
        tpu.vector_store_idx %arg10[%add3A_147, %broadcast_in_dim3A_2071], %add3A_2082 : memref<400x128xf32, #tpu.memory_space<vmem>>[vector<16xi32>, vector<16xi32>], vector<16xf32>,
        %broadcast_in_dim3A_2083 = arith.constant 65 : i32
        %broadcast_in_dim3A_2084 = vector.broadcast %broadcast_in_dim3A_2083 : i32 to vector<16xi32>
        %gather3A_2085 = tpu.vector_load_idx %arg10[%add3A_147, %broadcast_in_dim3A_2084] : memref<400x128xf32, #tpu.memory_space<vmem>>[vector<16xi32>, vector<16xi32>], vector<16xf32>,
        %slice3A_2086 = vector.extract_strided_slice %get3A_21 {offsets = [1], sizes = [1], strides = [1]} : vector<16xf32> to vector<1xf32>
        %squeeze3A_2087 = vector.extract %slice3A_2086[0] : f32 from vector<1xf32>
        %slice3A_2088 = vector.extract_strided_slice %get3A_53 {offsets = [1], sizes = [1], strides = [1]} : vector<16xf32> to vector<1xf32>
        %squeeze3A_2089 = vector.extract %slice3A_2088[0] : f32 from vector<1xf32>
        %sub3A_2090 = arith.subf %gather3A_2085, %mul3A_1199 : vector<16xf32>
        %mul3A_2091 = arith.mulf %sub3A_2090, %mul3A_1239 : vector<16xf32>
        %mul3A_2092 = vector.broadcast %squeeze3A_2087 : f32 to vector<16xf32>
        %mul3A_2093 = arith.mulf %mul3A_2091, %mul3A_2092 : vector<16xf32>
        %add3A_2094 = vector.broadcast %squeeze3A_2089 : f32 to vector<16xf32>
        %add3A_2095 = arith.addf %mul3A_2093, %add3A_2094 : vector<16xf32>
        tpu.vector_store_idx %arg10[%add3A_147, %broadcast_in_dim3A_2084], %add3A_2095 : memref<400x128xf32, #tpu.memory_space<vmem>>[vector<16xi32>, vector<16xi32>], vector<16xf32>,
        %broadcast_in_dim3A_2096 = arith.constant 66 : i32
        %broadcast_in_dim3A_2097 = vector.broadcast %broadcast_in_dim3A_2096 : i32 to vector<16xi32>
        %gather3A_2098 = tpu.vector_load_idx %arg10[%add3A_147, %broadcast_in_dim3A_2097] : memref<400x128xf32, #tpu.memory_space<vmem>>[vector<16xi32>, vector<16xi32>], vector<16xf32>,
        %slice3A_2099 = vector.extract_strided_slice %get3A_21 {offsets = [2], sizes = [1], strides = [1]} : vector<16xf32> to vector<1xf32>
        %squeeze3A_2100 = vector.extract %slice3A_2099[0] : f32 from vector<1xf32>
        %slice3A_2101 = vector.extract_strided_slice %get3A_53 {offsets = [2], sizes = [1], strides = [1]} : vector<16xf32> to vector<1xf32>
        %squeeze3A_2102 = vector.extract %slice3A_2101[0] : f32 from vector<1xf32>
        %sub3A_2103 = arith.subf %gather3A_2098, %mul3A_1199 : vector<16xf32>
        %mul3A_2104 = arith.mulf %sub3A_2103, %mul3A_1239 : vector<16xf32>
        %mul3A_2105 = vector.broadcast %squeeze3A_2100 : f32 to vector<16xf32>
        %mul3A_2106 = arith.mulf %mul3A_2104, %mul3A_2105 : vector<16xf32>
        %add3A_2107 = vector.broadcast %squeeze3A_2102 : f32 to vector<16xf32>
        %add3A_2108 = arith.addf %mul3A_2106, %add3A_2107 : vector<16xf32>
        tpu.vector_store_idx %arg10[%add3A_147, %broadcast_in_dim3A_2097], %add3A_2108 : memref<400x128xf32, #tpu.memory_space<vmem>>[vector<16xi32>, vector<16xi32>], vector<16xf32>,
        %broadcast_in_dim3A_2109 = arith.constant 67 : i32
        %broadcast_in_dim3A_2110 = vector.broadcast %broadcast_in_dim3A_2109 : i32 to vector<16xi32>
        %gather3A_2111 = tpu.vector_load_idx %arg10[%add3A_147, %broadcast_in_dim3A_2110] : memref<400x128xf32, #tpu.memory_space<vmem>>[vector<16xi32>, vector<16xi32>], vector<16xf32>,
        %slice3A_2112 = vector.extract_strided_slice %get3A_21 {offsets = [3], sizes = [1], strides = [1]} : vector<16xf32> to vector<1xf32>
        %squeeze3A_2113 = vector.extract %slice3A_2112[0] : f32 from vector<1xf32>
        %slice3A_2114 = vector.extract_strided_slice %get3A_53 {offsets = [3], sizes = [1], strides = [1]} : vector<16xf32> to vector<1xf32>
        %squeeze3A_2115 = vector.extract %slice3A_2114[0] : f32 from vector<1xf32>
        %sub3A_2116 = arith.subf %gather3A_2111, %mul3A_1199 : vector<16xf32>
        %mul3A_2117 = arith.mulf %sub3A_2116, %mul3A_1239 : vector<16xf32>
        %mul3A_2118 = vector.broadcast %squeeze3A_2113 : f32 to vector<16xf32>
        %mul3A_2119 = arith.mulf %mul3A_2117, %mul3A_2118 : vector<16xf32>
        %add3A_2120 = vector.broadcast %squeeze3A_2115 : f32 to vector<16xf32>
        %add3A_2121 = arith.addf %mul3A_2119, %add3A_2120 : vector<16xf32>
        tpu.vector_store_idx %arg10[%add3A_147, %broadcast_in_dim3A_2110], %add3A_2121 : memref<400x128xf32, #tpu.memory_space<vmem>>[vector<16xi32>, vector<16xi32>], vector<16xf32>,
        %broadcast_in_dim3A_2122 = arith.constant 68 : i32
        %broadcast_in_dim3A_2123 = vector.broadcast %broadcast_in_dim3A_2122 : i32 to vector<16xi32>
        %gather3A_2124 = tpu.vector_load_idx %arg10[%add3A_147, %broadcast_in_dim3A_2123] : memref<400x128xf32, #tpu.memory_space<vmem>>[vector<16xi32>, vector<16xi32>], vector<16xf32>,
        %slice3A_2125 = vector.extract_strided_slice %get3A_21 {offsets = [4], sizes = [1], strides = [1]} : vector<16xf32> to vector<1xf32>
        %squeeze3A_2126 = vector.extract %slice3A_2125[0] : f32 from vector<1xf32>
        %slice3A_2127 = vector.extract_strided_slice %get3A_53 {offsets = [4], sizes = [1], strides = [1]} : vector<16xf32> to vector<1xf32>
        %squeeze3A_2128 = vector.extract %slice3A_2127[0] : f32 from vector<1xf32>
        %sub3A_2129 = arith.subf %gather3A_2124, %mul3A_1199 : vector<16xf32>
        %mul3A_2130 = arith.mulf %sub3A_2129, %mul3A_1239 : vector<16xf32>
        %mul3A_2131 = vector.broadcast %squeeze3A_2126 : f32 to vector<16xf32>
        %mul3A_2132 = arith.mulf %mul3A_2130, %mul3A_2131 : vector<16xf32>
        %add3A_2133 = vector.broadcast %squeeze3A_2128 : f32 to vector<16xf32>
        %add3A_2134 = arith.addf %mul3A_2132, %add3A_2133 : vector<16xf32>
        tpu.vector_store_idx %arg10[%add3A_147, %broadcast_in_dim3A_2123], %add3A_2134 : memref<400x128xf32, #tpu.memory_space<vmem>>[vector<16xi32>, vector<16xi32>], vector<16xf32>,
        %broadcast_in_dim3A_2135 = arith.constant 69 : i32
        %broadcast_in_dim3A_2136 = vector.broadcast %broadcast_in_dim3A_2135 : i32 to vector<16xi32>
        %gather3A_2137 = tpu.vector_load_idx %arg10[%add3A_147, %broadcast_in_dim3A_2136] : memref<400x128xf32, #tpu.memory_space<vmem>>[vector<16xi32>, vector<16xi32>], vector<16xf32>,
        %slice3A_2138 = vector.extract_strided_slice %get3A_21 {offsets = [5], sizes = [1], strides = [1]} : vector<16xf32> to vector<1xf32>
        %squeeze3A_2139 = vector.extract %slice3A_2138[0] : f32 from vector<1xf32>
        %slice3A_2140 = vector.extract_strided_slice %get3A_53 {offsets = [5], sizes = [1], strides = [1]} : vector<16xf32> to vector<1xf32>
        %squeeze3A_2141 = vector.extract %slice3A_2140[0] : f32 from vector<1xf32>
        %sub3A_2142 = arith.subf %gather3A_2137, %mul3A_1199 : vector<16xf32>
        %mul3A_2143 = arith.mulf %sub3A_2142, %mul3A_1239 : vector<16xf32>
        %mul3A_2144 = vector.broadcast %squeeze3A_2139 : f32 to vector<16xf32>
        %mul3A_2145 = arith.mulf %mul3A_2143, %mul3A_2144 : vector<16xf32>
        %add3A_2146 = vector.broadcast %squeeze3A_2141 : f32 to vector<16xf32>
        %add3A_2147 = arith.addf %mul3A_2145, %add3A_2146 : vector<16xf32>
        tpu.vector_store_idx %arg10[%add3A_147, %broadcast_in_dim3A_2136], %add3A_2147 : memref<400x128xf32, #tpu.memory_space<vmem>>[vector<16xi32>, vector<16xi32>], vector<16xf32>,
        %broadcast_in_dim3A_2148 = arith.constant 70 : i32
        %broadcast_in_dim3A_2149 = vector.broadcast %broadcast_in_dim3A_2148 : i32 to vector<16xi32>
        %gather3A_2150 = tpu.vector_load_idx %arg10[%add3A_147, %broadcast_in_dim3A_2149] : memref<400x128xf32, #tpu.memory_space<vmem>>[vector<16xi32>, vector<16xi32>], vector<16xf32>,
        %slice3A_2151 = vector.extract_strided_slice %get3A_21 {offsets = [6], sizes = [1], strides = [1]} : vector<16xf32> to vector<1xf32>
        %squeeze3A_2152 = vector.extract %slice3A_2151[0] : f32 from vector<1xf32>
        %slice3A_2153 = vector.extract_strided_slice %get3A_53 {offsets = [6], sizes = [1], strides = [1]} : vector<16xf32> to vector<1xf32>
        %squeeze3A_2154 = vector.extract %slice3A_2153[0] : f32 from vector<1xf32>
        %sub3A_2155 = arith.subf %gather3A_2150, %mul3A_1199 : vector<16xf32>
        %mul3A_2156 = arith.mulf %sub3A_2155, %mul3A_1239 : vector<16xf32>
        %mul3A_2157 = vector.broadcast %squeeze3A_2152 : f32 to vector<16xf32>
        %mul3A_2158 = arith.mulf %mul3A_2156, %mul3A_2157 : vector<16xf32>
        %add3A_2159 = vector.broadcast %squeeze3A_2154 : f32 to vector<16xf32>
        %add3A_2160 = arith.addf %mul3A_2158, %add3A_2159 : vector<16xf32>
        tpu.vector_store_idx %arg10[%add3A_147, %broadcast_in_dim3A_2149], %add3A_2160 : memref<400x128xf32, #tpu.memory_space<vmem>>[vector<16xi32>, vector<16xi32>], vector<16xf32>,
        %broadcast_in_dim3A_2161 = arith.constant 71 : i32
        %broadcast_in_dim3A_2162 = vector.broadcast %broadcast_in_dim3A_2161 : i32 to vector<16xi32>
        %gather3A_2163 = tpu.vector_load_idx %arg10[%add3A_147, %broadcast_in_dim3A_2162] : memref<400x128xf32, #tpu.memory_space<vmem>>[vector<16xi32>, vector<16xi32>], vector<16xf32>,
        %slice3A_2164 = vector.extract_strided_slice %get3A_21 {offsets = [7], sizes = [1], strides = [1]} : vector<16xf32> to vector<1xf32>
        %squeeze3A_2165 = vector.extract %slice3A_2164[0] : f32 from vector<1xf32>
        %slice3A_2166 = vector.extract_strided_slice %get3A_53 {offsets = [7], sizes = [1], strides = [1]} : vector<16xf32> to vector<1xf32>
        %squeeze3A_2167 = vector.extract %slice3A_2166[0] : f32 from vector<1xf32>
        %sub3A_2168 = arith.subf %gather3A_2163, %mul3A_1199 : vector<16xf32>
        %mul3A_2169 = arith.mulf %sub3A_2168, %mul3A_1239 : vector<16xf32>
        %mul3A_2170 = vector.broadcast %squeeze3A_2165 : f32 to vector<16xf32>
        %mul3A_2171 = arith.mulf %mul3A_2169, %mul3A_2170 : vector<16xf32>
        %add3A_2172 = vector.broadcast %squeeze3A_2167 : f32 to vector<16xf32>
        %add3A_2173 = arith.addf %mul3A_2171, %add3A_2172 : vector<16xf32>
        tpu.vector_store_idx %arg10[%add3A_147, %broadcast_in_dim3A_2162], %add3A_2173 : memref<400x128xf32, #tpu.memory_space<vmem>>[vector<16xi32>, vector<16xi32>], vector<16xf32>,
        %broadcast_in_dim3A_2174 = arith.constant 72 : i32
        %broadcast_in_dim3A_2175 = vector.broadcast %broadcast_in_dim3A_2174 : i32 to vector<16xi32>
        %gather3A_2176 = tpu.vector_load_idx %arg10[%add3A_147, %broadcast_in_dim3A_2175] : memref<400x128xf32, #tpu.memory_space<vmem>>[vector<16xi32>, vector<16xi32>], vector<16xf32>,
        %slice3A_2177 = vector.extract_strided_slice %get3A_21 {offsets = [8], sizes = [1], strides = [1]} : vector<16xf32> to vector<1xf32>
        %squeeze3A_2178 = vector.extract %slice3A_2177[0] : f32 from vector<1xf32>
        %slice3A_2179 = vector.extract_strided_slice %get3A_53 {offsets = [8], sizes = [1], strides = [1]} : vector<16xf32> to vector<1xf32>
        %squeeze3A_2180 = vector.extract %slice3A_2179[0] : f32 from vector<1xf32>
        %sub3A_2181 = arith.subf %gather3A_2176, %mul3A_1199 : vector<16xf32>
        %mul3A_2182 = arith.mulf %sub3A_2181, %mul3A_1239 : vector<16xf32>
        %mul3A_2183 = vector.broadcast %squeeze3A_2178 : f32 to vector<16xf32>
        %mul3A_2184 = arith.mulf %mul3A_2182, %mul3A_2183 : vector<16xf32>
        %add3A_2185 = vector.broadcast %squeeze3A_2180 : f32 to vector<16xf32>
        %add3A_2186 = arith.addf %mul3A_2184, %add3A_2185 : vector<16xf32>
        tpu.vector_store_idx %arg10[%add3A_147, %broadcast_in_dim3A_2175], %add3A_2186 : memref<400x128xf32, #tpu.memory_space<vmem>>[vector<16xi32>, vector<16xi32>], vector<16xf32>,
        %broadcast_in_dim3A_2187 = arith.constant 73 : i32
        %broadcast_in_dim3A_2188 = vector.broadcast %broadcast_in_dim3A_2187 : i32 to vector<16xi32>
        %gather3A_2189 = tpu.vector_load_idx %arg10[%add3A_147, %broadcast_in_dim3A_2188] : memref<400x128xf32, #tpu.memory_space<vmem>>[vector<16xi32>, vector<16xi32>], vector<16xf32>,
        %slice3A_2190 = vector.extract_strided_slice %get3A_21 {offsets = [9], sizes = [1], strides = [1]} : vector<16xf32> to vector<1xf32>
        %squeeze3A_2191 = vector.extract %slice3A_2190[0] : f32 from vector<1xf32>
        %slice3A_2192 = vector.extract_strided_slice %get3A_53 {offsets = [9], sizes = [1], strides = [1]} : vector<16xf32> to vector<1xf32>
        %squeeze3A_2193 = vector.extract %slice3A_2192[0] : f32 from vector<1xf32>
        %sub3A_2194 = arith.subf %gather3A_2189, %mul3A_1199 : vector<16xf32>
        %mul3A_2195 = arith.mulf %sub3A_2194, %mul3A_1239 : vector<16xf32>
        %mul3A_2196 = vector.broadcast %squeeze3A_2191 : f32 to vector<16xf32>
        %mul3A_2197 = arith.mulf %mul3A_2195, %mul3A_2196 : vector<16xf32>
        %add3A_2198 = vector.broadcast %squeeze3A_2193 : f32 to vector<16xf32>
        %add3A_2199 = arith.addf %mul3A_2197, %add3A_2198 : vector<16xf32>
        tpu.vector_store_idx %arg10[%add3A_147, %broadcast_in_dim3A_2188], %add3A_2199 : memref<400x128xf32, #tpu.memory_space<vmem>>[vector<16xi32>, vector<16xi32>], vector<16xf32>,
        %broadcast_in_dim3A_2200 = arith.constant 74 : i32
        %broadcast_in_dim3A_2201 = vector.broadcast %broadcast_in_dim3A_2200 : i32 to vector<16xi32>
        %gather3A_2202 = tpu.vector_load_idx %arg10[%add3A_147, %broadcast_in_dim3A_2201] : memref<400x128xf32, #tpu.memory_space<vmem>>[vector<16xi32>, vector<16xi32>], vector<16xf32>,
        %slice3A_2203 = vector.extract_strided_slice %get3A_21 {offsets = [10], sizes = [1], strides = [1]} : vector<16xf32> to vector<1xf32>
        %squeeze3A_2204 = vector.extract %slice3A_2203[0] : f32 from vector<1xf32>
        %slice3A_2205 = vector.extract_strided_slice %get3A_53 {offsets = [10], sizes = [1], strides = [1]} : vector<16xf32> to vector<1xf32>
        %squeeze3A_2206 = vector.extract %slice3A_2205[0] : f32 from vector<1xf32>
        %sub3A_2207 = arith.subf %gather3A_2202, %mul3A_1199 : vector<16xf32>
        %mul3A_2208 = arith.mulf %sub3A_2207, %mul3A_1239 : vector<16xf32>
        %mul3A_2209 = vector.broadcast %squeeze3A_2204 : f32 to vector<16xf32>
        %mul3A_2210 = arith.mulf %mul3A_2208, %mul3A_2209 : vector<16xf32>
        %add3A_2211 = vector.broadcast %squeeze3A_2206 : f32 to vector<16xf32>
        %add3A_2212 = arith.addf %mul3A_2210, %add3A_2211 : vector<16xf32>
        tpu.vector_store_idx %arg10[%add3A_147, %broadcast_in_dim3A_2201], %add3A_2212 : memref<400x128xf32, #tpu.memory_space<vmem>>[vector<16xi32>, vector<16xi32>], vector<16xf32>,
        %broadcast_in_dim3A_2213 = arith.constant 75 : i32
        %broadcast_in_dim3A_2214 = vector.broadcast %broadcast_in_dim3A_2213 : i32 to vector<16xi32>
        %gather3A_2215 = tpu.vector_load_idx %arg10[%add3A_147, %broadcast_in_dim3A_2214] : memref<400x128xf32, #tpu.memory_space<vmem>>[vector<16xi32>, vector<16xi32>], vector<16xf32>,
        %slice3A_2216 = vector.extract_strided_slice %get3A_21 {offsets = [11], sizes = [1], strides = [1]} : vector<16xf32> to vector<1xf32>
        %squeeze3A_2217 = vector.extract %slice3A_2216[0] : f32 from vector<1xf32>
        %slice3A_2218 = vector.extract_strided_slice %get3A_53 {offsets = [11], sizes = [1], strides = [1]} : vector<16xf32> to vector<1xf32>
        %squeeze3A_2219 = vector.extract %slice3A_2218[0] : f32 from vector<1xf32>
        %sub3A_2220 = arith.subf %gather3A_2215, %mul3A_1199 : vector<16xf32>
        %mul3A_2221 = arith.mulf %sub3A_2220, %mul3A_1239 : vector<16xf32>
        %mul3A_2222 = vector.broadcast %squeeze3A_2217 : f32 to vector<16xf32>
        %mul3A_2223 = arith.mulf %mul3A_2221, %mul3A_2222 : vector<16xf32>
        %add3A_2224 = vector.broadcast %squeeze3A_2219 : f32 to vector<16xf32>
        %add3A_2225 = arith.addf %mul3A_2223, %add3A_2224 : vector<16xf32>
        tpu.vector_store_idx %arg10[%add3A_147, %broadcast_in_dim3A_2214], %add3A_2225 : memref<400x128xf32, #tpu.memory_space<vmem>>[vector<16xi32>, vector<16xi32>], vector<16xf32>,
        %broadcast_in_dim3A_2226 = arith.constant 76 : i32
        %broadcast_in_dim3A_2227 = vector.broadcast %broadcast_in_dim3A_2226 : i32 to vector<16xi32>
        %gather3A_2228 = tpu.vector_load_idx %arg10[%add3A_147, %broadcast_in_dim3A_2227] : memref<400x128xf32, #tpu.memory_space<vmem>>[vector<16xi32>, vector<16xi32>], vector<16xf32>,
        %slice3A_2229 = vector.extract_strided_slice %get3A_21 {offsets = [12], sizes = [1], strides = [1]} : vector<16xf32> to vector<1xf32>
        %squeeze3A_2230 = vector.extract %slice3A_2229[0] : f32 from vector<1xf32>
        %slice3A_2231 = vector.extract_strided_slice %get3A_53 {offsets = [12], sizes = [1], strides = [1]} : vector<16xf32> to vector<1xf32>
        %squeeze3A_2232 = vector.extract %slice3A_2231[0] : f32 from vector<1xf32>
        %sub3A_2233 = arith.subf %gather3A_2228, %mul3A_1199 : vector<16xf32>
        %mul3A_2234 = arith.mulf %sub3A_2233, %mul3A_1239 : vector<16xf32>
        %mul3A_2235 = vector.broadcast %squeeze3A_2230 : f32 to vector<16xf32>
        %mul3A_2236 = arith.mulf %mul3A_2234, %mul3A_2235 : vector<16xf32>
        %add3A_2237 = vector.broadcast %squeeze3A_2232 : f32 to vector<16xf32>
        %add3A_2238 = arith.addf %mul3A_2236, %add3A_2237 : vector<16xf32>
        tpu.vector_store_idx %arg10[%add3A_147, %broadcast_in_dim3A_2227], %add3A_2238 : memref<400x128xf32, #tpu.memory_space<vmem>>[vector<16xi32>, vector<16xi32>], vector<16xf32>,
        %broadcast_in_dim3A_2239 = arith.constant 77 : i32
        %broadcast_in_dim3A_2240 = vector.broadcast %broadcast_in_dim3A_2239 : i32 to vector<16xi32>
        %gather3A_2241 = tpu.vector_load_idx %arg10[%add3A_147, %broadcast_in_dim3A_2240] : memref<400x128xf32, #tpu.memory_space<vmem>>[vector<16xi32>, vector<16xi32>], vector<16xf32>,
        %slice3A_2242 = vector.extract_strided_slice %get3A_21 {offsets = [13], sizes = [1], strides = [1]} : vector<16xf32> to vector<1xf32>
        %squeeze3A_2243 = vector.extract %slice3A_2242[0] : f32 from vector<1xf32>
        %slice3A_2244 = vector.extract_strided_slice %get3A_53 {offsets = [13], sizes = [1], strides = [1]} : vector<16xf32> to vector<1xf32>
        %squeeze3A_2245 = vector.extract %slice3A_2244[0] : f32 from vector<1xf32>
        %sub3A_2246 = arith.subf %gather3A_2241, %mul3A_1199 : vector<16xf32>
        %mul3A_2247 = arith.mulf %sub3A_2246, %mul3A_1239 : vector<16xf32>
        %mul3A_2248 = vector.broadcast %squeeze3A_2243 : f32 to vector<16xf32>
        %mul3A_2249 = arith.mulf %mul3A_2247, %mul3A_2248 : vector<16xf32>
        %add3A_2250 = vector.broadcast %squeeze3A_2245 : f32 to vector<16xf32>
        %add3A_2251 = arith.addf %mul3A_2249, %add3A_2250 : vector<16xf32>
        tpu.vector_store_idx %arg10[%add3A_147, %broadcast_in_dim3A_2240], %add3A_2251 : memref<400x128xf32, #tpu.memory_space<vmem>>[vector<16xi32>, vector<16xi32>], vector<16xf32>,
        %broadcast_in_dim3A_2252 = arith.constant 78 : i32
        %broadcast_in_dim3A_2253 = vector.broadcast %broadcast_in_dim3A_2252 : i32 to vector<16xi32>
        %gather3A_2254 = tpu.vector_load_idx %arg10[%add3A_147, %broadcast_in_dim3A_2253] : memref<400x128xf32, #tpu.memory_space<vmem>>[vector<16xi32>, vector<16xi32>], vector<16xf32>,
        %slice3A_2255 = vector.extract_strided_slice %get3A_21 {offsets = [14], sizes = [1], strides = [1]} : vector<16xf32> to vector<1xf32>
        %squeeze3A_2256 = vector.extract %slice3A_2255[0] : f32 from vector<1xf32>
        %slice3A_2257 = vector.extract_strided_slice %get3A_53 {offsets = [14], sizes = [1], strides = [1]} : vector<16xf32> to vector<1xf32>
        %squeeze3A_2258 = vector.extract %slice3A_2257[0] : f32 from vector<1xf32>
        %sub3A_2259 = arith.subf %gather3A_2254, %mul3A_1199 : vector<16xf32>
        %mul3A_2260 = arith.mulf %sub3A_2259, %mul3A_1239 : vector<16xf32>
        %mul3A_2261 = vector.broadcast %squeeze3A_2256 : f32 to vector<16xf32>
        %mul3A_2262 = arith.mulf %mul3A_2260, %mul3A_2261 : vector<16xf32>
        %add3A_2263 = vector.broadcast %squeeze3A_2258 : f32 to vector<16xf32>
        %add3A_2264 = arith.addf %mul3A_2262, %add3A_2263 : vector<16xf32>
        tpu.vector_store_idx %arg10[%add3A_147, %broadcast_in_dim3A_2253], %add3A_2264 : memref<400x128xf32, #tpu.memory_space<vmem>>[vector<16xi32>, vector<16xi32>], vector<16xf32>,
        %broadcast_in_dim3A_2265 = arith.constant 79 : i32
        %broadcast_in_dim3A_2266 = vector.broadcast %broadcast_in_dim3A_2265 : i32 to vector<16xi32>
        %gather3A_2267 = tpu.vector_load_idx %arg10[%add3A_147, %broadcast_in_dim3A_2266] : memref<400x128xf32, #tpu.memory_space<vmem>>[vector<16xi32>, vector<16xi32>], vector<16xf32>,
        %slice3A_2268 = vector.extract_strided_slice %get3A_21 {offsets = [15], sizes = [1], strides = [1]} : vector<16xf32> to vector<1xf32>
        %squeeze3A_2269 = vector.extract %slice3A_2268[0] : f32 from vector<1xf32>
        %slice3A_2270 = vector.extract_strided_slice %get3A_53 {offsets = [15], sizes = [1], strides = [1]} : vector<16xf32> to vector<1xf32>
        %squeeze3A_2271 = vector.extract %slice3A_2270[0] : f32 from vector<1xf32>
        %sub3A_2272 = arith.subf %gather3A_2267, %mul3A_1199 : vector<16xf32>
        %mul3A_2273 = arith.mulf %sub3A_2272, %mul3A_1239 : vector<16xf32>
        %mul3A_2274 = vector.broadcast %squeeze3A_2269 : f32 to vector<16xf32>
        %mul3A_2275 = arith.mulf %mul3A_2273, %mul3A_2274 : vector<16xf32>
        %add3A_2276 = vector.broadcast %squeeze3A_2271 : f32 to vector<16xf32>
        %add3A_2277 = arith.addf %mul3A_2275, %add3A_2276 : vector<16xf32>
        tpu.vector_store_idx %arg10[%add3A_147, %broadcast_in_dim3A_2266], %add3A_2277 : memref<400x128xf32, #tpu.memory_space<vmem>>[vector<16xi32>, vector<16xi32>], vector<16xf32>,
        %broadcast_in_dim3A_2278 = arith.constant 80 : i32
        %broadcast_in_dim3A_2279 = vector.broadcast %broadcast_in_dim3A_2278 : i32 to vector<16xi32>
        %gather3A_2280 = tpu.vector_load_idx %arg10[%add3A_147, %broadcast_in_dim3A_2279] : memref<400x128xf32, #tpu.memory_space<vmem>>[vector<16xi32>, vector<16xi32>], vector<16xf32>,
        %slice3A_2281 = vector.extract_strided_slice %get3A_25 {offsets = [0], sizes = [1], strides = [1]} : vector<16xf32> to vector<1xf32>
        %squeeze3A_2282 = vector.extract %slice3A_2281[0] : f32 from vector<1xf32>
        %slice3A_2283 = vector.extract_strided_slice %get3A_57 {offsets = [0], sizes = [1], strides = [1]} : vector<16xf32> to vector<1xf32>
        %squeeze3A_2284 = vector.extract %slice3A_2283[0] : f32 from vector<1xf32>
        %sub3A_2285 = arith.subf %gather3A_2280, %mul3A_1199 : vector<16xf32>
        %mul3A_2286 = arith.mulf %sub3A_2285, %mul3A_1239 : vector<16xf32>
        %mul3A_2287 = vector.broadcast %squeeze3A_2282 : f32 to vector<16xf32>
        %mul3A_2288 = arith.mulf %mul3A_2286, %mul3A_2287 : vector<16xf32>
        %add3A_2289 = vector.broadcast %squeeze3A_2284 : f32 to vector<16xf32>
        %add3A_2290 = arith.addf %mul3A_2288, %add3A_2289 : vector<16xf32>
        tpu.vector_store_idx %arg10[%add3A_147, %broadcast_in_dim3A_2279], %add3A_2290 : memref<400x128xf32, #tpu.memory_space<vmem>>[vector<16xi32>, vector<16xi32>], vector<16xf32>,
        %broadcast_in_dim3A_2291 = arith.constant 81 : i32
        %broadcast_in_dim3A_2292 = vector.broadcast %broadcast_in_dim3A_2291 : i32 to vector<16xi32>
        %gather3A_2293 = tpu.vector_load_idx %arg10[%add3A_147, %broadcast_in_dim3A_2292] : memref<400x128xf32, #tpu.memory_space<vmem>>[vector<16xi32>, vector<16xi32>], vector<16xf32>,
        %slice3A_2294 = vector.extract_strided_slice %get3A_25 {offsets = [1], sizes = [1], strides = [1]} : vector<16xf32> to vector<1xf32>
        %squeeze3A_2295 = vector.extract %slice3A_2294[0] : f32 from vector<1xf32>
        %slice3A_2296 = vector.extract_strided_slice %get3A_57 {offsets = [1], sizes = [1], strides = [1]} : vector<16xf32> to vector<1xf32>
        %squeeze3A_2297 = vector.extract %slice3A_2296[0] : f32 from vector<1xf32>
        %sub3A_2298 = arith.subf %gather3A_2293, %mul3A_1199 : vector<16xf32>
        %mul3A_2299 = arith.mulf %sub3A_2298, %mul3A_1239 : vector<16xf32>
        %mul3A_2300 = vector.broadcast %squeeze3A_2295 : f32 to vector<16xf32>
        %mul3A_2301 = arith.mulf %mul3A_2299, %mul3A_2300 : vector<16xf32>
        %add3A_2302 = vector.broadcast %squeeze3A_2297 : f32 to vector<16xf32>
        %add3A_2303 = arith.addf %mul3A_2301, %add3A_2302 : vector<16xf32>
        tpu.vector_store_idx %arg10[%add3A_147, %broadcast_in_dim3A_2292], %add3A_2303 : memref<400x128xf32, #tpu.memory_space<vmem>>[vector<16xi32>, vector<16xi32>], vector<16xf32>,
        %broadcast_in_dim3A_2304 = arith.constant 82 : i32
        %broadcast_in_dim3A_2305 = vector.broadcast %broadcast_in_dim3A_2304 : i32 to vector<16xi32>
        %gather3A_2306 = tpu.vector_load_idx %arg10[%add3A_147, %broadcast_in_dim3A_2305] : memref<400x128xf32, #tpu.memory_space<vmem>>[vector<16xi32>, vector<16xi32>], vector<16xf32>,
        %slice3A_2307 = vector.extract_strided_slice %get3A_25 {offsets = [2], sizes = [1], strides = [1]} : vector<16xf32> to vector<1xf32>
        %squeeze3A_2308 = vector.extract %slice3A_2307[0] : f32 from vector<1xf32>
        %slice3A_2309 = vector.extract_strided_slice %get3A_57 {offsets = [2], sizes = [1], strides = [1]} : vector<16xf32> to vector<1xf32>
        %squeeze3A_2310 = vector.extract %slice3A_2309[0] : f32 from vector<1xf32>
        %sub3A_2311 = arith.subf %gather3A_2306, %mul3A_1199 : vector<16xf32>
        %mul3A_2312 = arith.mulf %sub3A_2311, %mul3A_1239 : vector<16xf32>
        %mul3A_2313 = vector.broadcast %squeeze3A_2308 : f32 to vector<16xf32>
        %mul3A_2314 = arith.mulf %mul3A_2312, %mul3A_2313 : vector<16xf32>
        %add3A_2315 = vector.broadcast %squeeze3A_2310 : f32 to vector<16xf32>
        %add3A_2316 = arith.addf %mul3A_2314, %add3A_2315 : vector<16xf32>
        tpu.vector_store_idx %arg10[%add3A_147, %broadcast_in_dim3A_2305], %add3A_2316 : memref<400x128xf32, #tpu.memory_space<vmem>>[vector<16xi32>, vector<16xi32>], vector<16xf32>,
        %broadcast_in_dim3A_2317 = arith.constant 83 : i32
        %broadcast_in_dim3A_2318 = vector.broadcast %broadcast_in_dim3A_2317 : i32 to vector<16xi32>
        %gather3A_2319 = tpu.vector_load_idx %arg10[%add3A_147, %broadcast_in_dim3A_2318] : memref<400x128xf32, #tpu.memory_space<vmem>>[vector<16xi32>, vector<16xi32>], vector<16xf32>,
        %slice3A_2320 = vector.extract_strided_slice %get3A_25 {offsets = [3], sizes = [1], strides = [1]} : vector<16xf32> to vector<1xf32>
        %squeeze3A_2321 = vector.extract %slice3A_2320[0] : f32 from vector<1xf32>
        %slice3A_2322 = vector.extract_strided_slice %get3A_57 {offsets = [3], sizes = [1], strides = [1]} : vector<16xf32> to vector<1xf32>
        %squeeze3A_2323 = vector.extract %slice3A_2322[0] : f32 from vector<1xf32>
        %sub3A_2324 = arith.subf %gather3A_2319, %mul3A_1199 : vector<16xf32>
        %mul3A_2325 = arith.mulf %sub3A_2324, %mul3A_1239 : vector<16xf32>
        %mul3A_2326 = vector.broadcast %squeeze3A_2321 : f32 to vector<16xf32>
        %mul3A_2327 = arith.mulf %mul3A_2325, %mul3A_2326 : vector<16xf32>
        %add3A_2328 = vector.broadcast %squeeze3A_2323 : f32 to vector<16xf32>
        %add3A_2329 = arith.addf %mul3A_2327, %add3A_2328 : vector<16xf32>
        tpu.vector_store_idx %arg10[%add3A_147, %broadcast_in_dim3A_2318], %add3A_2329 : memref<400x128xf32, #tpu.memory_space<vmem>>[vector<16xi32>, vector<16xi32>], vector<16xf32>,
        %broadcast_in_dim3A_2330 = arith.constant 84 : i32
        %broadcast_in_dim3A_2331 = vector.broadcast %broadcast_in_dim3A_2330 : i32 to vector<16xi32>
        %gather3A_2332 = tpu.vector_load_idx %arg10[%add3A_147, %broadcast_in_dim3A_2331] : memref<400x128xf32, #tpu.memory_space<vmem>>[vector<16xi32>, vector<16xi32>], vector<16xf32>,
        %slice3A_2333 = vector.extract_strided_slice %get3A_25 {offsets = [4], sizes = [1], strides = [1]} : vector<16xf32> to vector<1xf32>
        %squeeze3A_2334 = vector.extract %slice3A_2333[0] : f32 from vector<1xf32>
        %slice3A_2335 = vector.extract_strided_slice %get3A_57 {offsets = [4], sizes = [1], strides = [1]} : vector<16xf32> to vector<1xf32>
        %squeeze3A_2336 = vector.extract %slice3A_2335[0] : f32 from vector<1xf32>
        %sub3A_2337 = arith.subf %gather3A_2332, %mul3A_1199 : vector<16xf32>
        %mul3A_2338 = arith.mulf %sub3A_2337, %mul3A_1239 : vector<16xf32>
        %mul3A_2339 = vector.broadcast %squeeze3A_2334 : f32 to vector<16xf32>
        %mul3A_2340 = arith.mulf %mul3A_2338, %mul3A_2339 : vector<16xf32>
        %add3A_2341 = vector.broadcast %squeeze3A_2336 : f32 to vector<16xf32>
        %add3A_2342 = arith.addf %mul3A_2340, %add3A_2341 : vector<16xf32>
        tpu.vector_store_idx %arg10[%add3A_147, %broadcast_in_dim3A_2331], %add3A_2342 : memref<400x128xf32, #tpu.memory_space<vmem>>[vector<16xi32>, vector<16xi32>], vector<16xf32>,
        %broadcast_in_dim3A_2343 = arith.constant 85 : i32
        %broadcast_in_dim3A_2344 = vector.broadcast %broadcast_in_dim3A_2343 : i32 to vector<16xi32>
        %gather3A_2345 = tpu.vector_load_idx %arg10[%add3A_147, %broadcast_in_dim3A_2344] : memref<400x128xf32, #tpu.memory_space<vmem>>[vector<16xi32>, vector<16xi32>], vector<16xf32>,
        %slice3A_2346 = vector.extract_strided_slice %get3A_25 {offsets = [5], sizes = [1], strides = [1]} : vector<16xf32> to vector<1xf32>
        %squeeze3A_2347 = vector.extract %slice3A_2346[0] : f32 from vector<1xf32>
        %slice3A_2348 = vector.extract_strided_slice %get3A_57 {offsets = [5], sizes = [1], strides = [1]} : vector<16xf32> to vector<1xf32>
        %squeeze3A_2349 = vector.extract %slice3A_2348[0] : f32 from vector<1xf32>
        %sub3A_2350 = arith.subf %gather3A_2345, %mul3A_1199 : vector<16xf32>
        %mul3A_2351 = arith.mulf %sub3A_2350, %mul3A_1239 : vector<16xf32>
        %mul3A_2352 = vector.broadcast %squeeze3A_2347 : f32 to vector<16xf32>
        %mul3A_2353 = arith.mulf %mul3A_2351, %mul3A_2352 : vector<16xf32>
        %add3A_2354 = vector.broadcast %squeeze3A_2349 : f32 to vector<16xf32>
        %add3A_2355 = arith.addf %mul3A_2353, %add3A_2354 : vector<16xf32>
        tpu.vector_store_idx %arg10[%add3A_147, %broadcast_in_dim3A_2344], %add3A_2355 : memref<400x128xf32, #tpu.memory_space<vmem>>[vector<16xi32>, vector<16xi32>], vector<16xf32>,
        %broadcast_in_dim3A_2356 = arith.constant 86 : i32
        %broadcast_in_dim3A_2357 = vector.broadcast %broadcast_in_dim3A_2356 : i32 to vector<16xi32>
        %gather3A_2358 = tpu.vector_load_idx %arg10[%add3A_147, %broadcast_in_dim3A_2357] : memref<400x128xf32, #tpu.memory_space<vmem>>[vector<16xi32>, vector<16xi32>], vector<16xf32>,
        %slice3A_2359 = vector.extract_strided_slice %get3A_25 {offsets = [6], sizes = [1], strides = [1]} : vector<16xf32> to vector<1xf32>
        %squeeze3A_2360 = vector.extract %slice3A_2359[0] : f32 from vector<1xf32>
        %slice3A_2361 = vector.extract_strided_slice %get3A_57 {offsets = [6], sizes = [1], strides = [1]} : vector<16xf32> to vector<1xf32>
        %squeeze3A_2362 = vector.extract %slice3A_2361[0] : f32 from vector<1xf32>
        %sub3A_2363 = arith.subf %gather3A_2358, %mul3A_1199 : vector<16xf32>
        %mul3A_2364 = arith.mulf %sub3A_2363, %mul3A_1239 : vector<16xf32>
        %mul3A_2365 = vector.broadcast %squeeze3A_2360 : f32 to vector<16xf32>
        %mul3A_2366 = arith.mulf %mul3A_2364, %mul3A_2365 : vector<16xf32>
        %add3A_2367 = vector.broadcast %squeeze3A_2362 : f32 to vector<16xf32>
        %add3A_2368 = arith.addf %mul3A_2366, %add3A_2367 : vector<16xf32>
        tpu.vector_store_idx %arg10[%add3A_147, %broadcast_in_dim3A_2357], %add3A_2368 : memref<400x128xf32, #tpu.memory_space<vmem>>[vector<16xi32>, vector<16xi32>], vector<16xf32>,
        %broadcast_in_dim3A_2369 = arith.constant 87 : i32
        %broadcast_in_dim3A_2370 = vector.broadcast %broadcast_in_dim3A_2369 : i32 to vector<16xi32>
        %gather3A_2371 = tpu.vector_load_idx %arg10[%add3A_147, %broadcast_in_dim3A_2370] : memref<400x128xf32, #tpu.memory_space<vmem>>[vector<16xi32>, vector<16xi32>], vector<16xf32>,
        %slice3A_2372 = vector.extract_strided_slice %get3A_25 {offsets = [7], sizes = [1], strides = [1]} : vector<16xf32> to vector<1xf32>
        %squeeze3A_2373 = vector.extract %slice3A_2372[0] : f32 from vector<1xf32>
        %slice3A_2374 = vector.extract_strided_slice %get3A_57 {offsets = [7], sizes = [1], strides = [1]} : vector<16xf32> to vector<1xf32>
        %squeeze3A_2375 = vector.extract %slice3A_2374[0] : f32 from vector<1xf32>
        %sub3A_2376 = arith.subf %gather3A_2371, %mul3A_1199 : vector<16xf32>
        %mul3A_2377 = arith.mulf %sub3A_2376, %mul3A_1239 : vector<16xf32>
        %mul3A_2378 = vector.broadcast %squeeze3A_2373 : f32 to vector<16xf32>
        %mul3A_2379 = arith.mulf %mul3A_2377, %mul3A_2378 : vector<16xf32>
        %add3A_2380 = vector.broadcast %squeeze3A_2375 : f32 to vector<16xf32>
        %add3A_2381 = arith.addf %mul3A_2379, %add3A_2380 : vector<16xf32>
        tpu.vector_store_idx %arg10[%add3A_147, %broadcast_in_dim3A_2370], %add3A_2381 : memref<400x128xf32, #tpu.memory_space<vmem>>[vector<16xi32>, vector<16xi32>], vector<16xf32>,
        %broadcast_in_dim3A_2382 = arith.constant 88 : i32
        %broadcast_in_dim3A_2383 = vector.broadcast %broadcast_in_dim3A_2382 : i32 to vector<16xi32>
        %gather3A_2384 = tpu.vector_load_idx %arg10[%add3A_147, %broadcast_in_dim3A_2383] : memref<400x128xf32, #tpu.memory_space<vmem>>[vector<16xi32>, vector<16xi32>], vector<16xf32>,
        %slice3A_2385 = vector.extract_strided_slice %get3A_25 {offsets = [8], sizes = [1], strides = [1]} : vector<16xf32> to vector<1xf32>
        %squeeze3A_2386 = vector.extract %slice3A_2385[0] : f32 from vector<1xf32>
        %slice3A_2387 = vector.extract_strided_slice %get3A_57 {offsets = [8], sizes = [1], strides = [1]} : vector<16xf32> to vector<1xf32>
        %squeeze3A_2388 = vector.extract %slice3A_2387[0] : f32 from vector<1xf32>
        %sub3A_2389 = arith.subf %gather3A_2384, %mul3A_1199 : vector<16xf32>
        %mul3A_2390 = arith.mulf %sub3A_2389, %mul3A_1239 : vector<16xf32>
        %mul3A_2391 = vector.broadcast %squeeze3A_2386 : f32 to vector<16xf32>
        %mul3A_2392 = arith.mulf %mul3A_2390, %mul3A_2391 : vector<16xf32>
        %add3A_2393 = vector.broadcast %squeeze3A_2388 : f32 to vector<16xf32>
        %add3A_2394 = arith.addf %mul3A_2392, %add3A_2393 : vector<16xf32>
        tpu.vector_store_idx %arg10[%add3A_147, %broadcast_in_dim3A_2383], %add3A_2394 : memref<400x128xf32, #tpu.memory_space<vmem>>[vector<16xi32>, vector<16xi32>], vector<16xf32>,
        %broadcast_in_dim3A_2395 = arith.constant 89 : i32
        %broadcast_in_dim3A_2396 = vector.broadcast %broadcast_in_dim3A_2395 : i32 to vector<16xi32>
        %gather3A_2397 = tpu.vector_load_idx %arg10[%add3A_147, %broadcast_in_dim3A_2396] : memref<400x128xf32, #tpu.memory_space<vmem>>[vector<16xi32>, vector<16xi32>], vector<16xf32>,
        %slice3A_2398 = vector.extract_strided_slice %get3A_25 {offsets = [9], sizes = [1], strides = [1]} : vector<16xf32> to vector<1xf32>
        %squeeze3A_2399 = vector.extract %slice3A_2398[0] : f32 from vector<1xf32>
        %slice3A_2400 = vector.extract_strided_slice %get3A_57 {offsets = [9], sizes = [1], strides = [1]} : vector<16xf32> to vector<1xf32>
        %squeeze3A_2401 = vector.extract %slice3A_2400[0] : f32 from vector<1xf32>
        %sub3A_2402 = arith.subf %gather3A_2397, %mul3A_1199 : vector<16xf32>
        %mul3A_2403 = arith.mulf %sub3A_2402, %mul3A_1239 : vector<16xf32>
        %mul3A_2404 = vector.broadcast %squeeze3A_2399 : f32 to vector<16xf32>
        %mul3A_2405 = arith.mulf %mul3A_2403, %mul3A_2404 : vector<16xf32>
        %add3A_2406 = vector.broadcast %squeeze3A_2401 : f32 to vector<16xf32>
        %add3A_2407 = arith.addf %mul3A_2405, %add3A_2406 : vector<16xf32>
        tpu.vector_store_idx %arg10[%add3A_147, %broadcast_in_dim3A_2396], %add3A_2407 : memref<400x128xf32, #tpu.memory_space<vmem>>[vector<16xi32>, vector<16xi32>], vector<16xf32>,
        %broadcast_in_dim3A_2408 = arith.constant 90 : i32
        %broadcast_in_dim3A_2409 = vector.broadcast %broadcast_in_dim3A_2408 : i32 to vector<16xi32>
        %gather3A_2410 = tpu.vector_load_idx %arg10[%add3A_147, %broadcast_in_dim3A_2409] : memref<400x128xf32, #tpu.memory_space<vmem>>[vector<16xi32>, vector<16xi32>], vector<16xf32>,
        %slice3A_2411 = vector.extract_strided_slice %get3A_25 {offsets = [10], sizes = [1], strides = [1]} : vector<16xf32> to vector<1xf32>
        %squeeze3A_2412 = vector.extract %slice3A_2411[0] : f32 from vector<1xf32>
        %slice3A_2413 = vector.extract_strided_slice %get3A_57 {offsets = [10], sizes = [1], strides = [1]} : vector<16xf32> to vector<1xf32>
        %squeeze3A_2414 = vector.extract %slice3A_2413[0] : f32 from vector<1xf32>
        %sub3A_2415 = arith.subf %gather3A_2410, %mul3A_1199 : vector<16xf32>
        %mul3A_2416 = arith.mulf %sub3A_2415, %mul3A_1239 : vector<16xf32>
        %mul3A_2417 = vector.broadcast %squeeze3A_2412 : f32 to vector<16xf32>
        %mul3A_2418 = arith.mulf %mul3A_2416, %mul3A_2417 : vector<16xf32>
        %add3A_2419 = vector.broadcast %squeeze3A_2414 : f32 to vector<16xf32>
        %add3A_2420 = arith.addf %mul3A_2418, %add3A_2419 : vector<16xf32>
        tpu.vector_store_idx %arg10[%add3A_147, %broadcast_in_dim3A_2409], %add3A_2420 : memref<400x128xf32, #tpu.memory_space<vmem>>[vector<16xi32>, vector<16xi32>], vector<16xf32>,
        %broadcast_in_dim3A_2421 = arith.constant 91 : i32
        %broadcast_in_dim3A_2422 = vector.broadcast %broadcast_in_dim3A_2421 : i32 to vector<16xi32>
        %gather3A_2423 = tpu.vector_load_idx %arg10[%add3A_147, %broadcast_in_dim3A_2422] : memref<400x128xf32, #tpu.memory_space<vmem>>[vector<16xi32>, vector<16xi32>], vector<16xf32>,
        %slice3A_2424 = vector.extract_strided_slice %get3A_25 {offsets = [11], sizes = [1], strides = [1]} : vector<16xf32> to vector<1xf32>
        %squeeze3A_2425 = vector.extract %slice3A_2424[0] : f32 from vector<1xf32>
        %slice3A_2426 = vector.extract_strided_slice %get3A_57 {offsets = [11], sizes = [1], strides = [1]} : vector<16xf32> to vector<1xf32>
        %squeeze3A_2427 = vector.extract %slice3A_2426[0] : f32 from vector<1xf32>
        %sub3A_2428 = arith.subf %gather3A_2423, %mul3A_1199 : vector<16xf32>
        %mul3A_2429 = arith.mulf %sub3A_2428, %mul3A_1239 : vector<16xf32>
        %mul3A_2430 = vector.broadcast %squeeze3A_2425 : f32 to vector<16xf32>
        %mul3A_2431 = arith.mulf %mul3A_2429, %mul3A_2430 : vector<16xf32>
        %add3A_2432 = vector.broadcast %squeeze3A_2427 : f32 to vector<16xf32>
        %add3A_2433 = arith.addf %mul3A_2431, %add3A_2432 : vector<16xf32>
        tpu.vector_store_idx %arg10[%add3A_147, %broadcast_in_dim3A_2422], %add3A_2433 : memref<400x128xf32, #tpu.memory_space<vmem>>[vector<16xi32>, vector<16xi32>], vector<16xf32>,
        %broadcast_in_dim3A_2434 = arith.constant 92 : i32
        %broadcast_in_dim3A_2435 = vector.broadcast %broadcast_in_dim3A_2434 : i32 to vector<16xi32>
        %gather3A_2436 = tpu.vector_load_idx %arg10[%add3A_147, %broadcast_in_dim3A_2435] : memref<400x128xf32, #tpu.memory_space<vmem>>[vector<16xi32>, vector<16xi32>], vector<16xf32>,
        %slice3A_2437 = vector.extract_strided_slice %get3A_25 {offsets = [12], sizes = [1], strides = [1]} : vector<16xf32> to vector<1xf32>
        %squeeze3A_2438 = vector.extract %slice3A_2437[0] : f32 from vector<1xf32>
        %slice3A_2439 = vector.extract_strided_slice %get3A_57 {offsets = [12], sizes = [1], strides = [1]} : vector<16xf32> to vector<1xf32>
        %squeeze3A_2440 = vector.extract %slice3A_2439[0] : f32 from vector<1xf32>
        %sub3A_2441 = arith.subf %gather3A_2436, %mul3A_1199 : vector<16xf32>
        %mul3A_2442 = arith.mulf %sub3A_2441, %mul3A_1239 : vector<16xf32>
        %mul3A_2443 = vector.broadcast %squeeze3A_2438 : f32 to vector<16xf32>
        %mul3A_2444 = arith.mulf %mul3A_2442, %mul3A_2443 : vector<16xf32>
        %add3A_2445 = vector.broadcast %squeeze3A_2440 : f32 to vector<16xf32>
        %add3A_2446 = arith.addf %mul3A_2444, %add3A_2445 : vector<16xf32>
        tpu.vector_store_idx %arg10[%add3A_147, %broadcast_in_dim3A_2435], %add3A_2446 : memref<400x128xf32, #tpu.memory_space<vmem>>[vector<16xi32>, vector<16xi32>], vector<16xf32>,
        %broadcast_in_dim3A_2447 = arith.constant 93 : i32
        %broadcast_in_dim3A_2448 = vector.broadcast %broadcast_in_dim3A_2447 : i32 to vector<16xi32>
        %gather3A_2449 = tpu.vector_load_idx %arg10[%add3A_147, %broadcast_in_dim3A_2448] : memref<400x128xf32, #tpu.memory_space<vmem>>[vector<16xi32>, vector<16xi32>], vector<16xf32>,
        %slice3A_2450 = vector.extract_strided_slice %get3A_25 {offsets = [13], sizes = [1], strides = [1]} : vector<16xf32> to vector<1xf32>
        %squeeze3A_2451 = vector.extract %slice3A_2450[0] : f32 from vector<1xf32>
        %slice3A_2452 = vector.extract_strided_slice %get3A_57 {offsets = [13], sizes = [1], strides = [1]} : vector<16xf32> to vector<1xf32>
        %squeeze3A_2453 = vector.extract %slice3A_2452[0] : f32 from vector<1xf32>
        %sub3A_2454 = arith.subf %gather3A_2449, %mul3A_1199 : vector<16xf32>
        %mul3A_2455 = arith.mulf %sub3A_2454, %mul3A_1239 : vector<16xf32>
        %mul3A_2456 = vector.broadcast %squeeze3A_2451 : f32 to vector<16xf32>
        %mul3A_2457 = arith.mulf %mul3A_2455, %mul3A_2456 : vector<16xf32>
        %add3A_2458 = vector.broadcast %squeeze3A_2453 : f32 to vector<16xf32>
        %add3A_2459 = arith.addf %mul3A_2457, %add3A_2458 : vector<16xf32>
        tpu.vector_store_idx %arg10[%add3A_147, %broadcast_in_dim3A_2448], %add3A_2459 : memref<400x128xf32, #tpu.memory_space<vmem>>[vector<16xi32>, vector<16xi32>], vector<16xf32>,
        %broadcast_in_dim3A_2460 = arith.constant 94 : i32
        %broadcast_in_dim3A_2461 = vector.broadcast %broadcast_in_dim3A_2460 : i32 to vector<16xi32>
        %gather3A_2462 = tpu.vector_load_idx %arg10[%add3A_147, %broadcast_in_dim3A_2461] : memref<400x128xf32, #tpu.memory_space<vmem>>[vector<16xi32>, vector<16xi32>], vector<16xf32>,
        %slice3A_2463 = vector.extract_strided_slice %get3A_25 {offsets = [14], sizes = [1], strides = [1]} : vector<16xf32> to vector<1xf32>
        %squeeze3A_2464 = vector.extract %slice3A_2463[0] : f32 from vector<1xf32>
        %slice3A_2465 = vector.extract_strided_slice %get3A_57 {offsets = [14], sizes = [1], strides = [1]} : vector<16xf32> to vector<1xf32>
        %squeeze3A_2466 = vector.extract %slice3A_2465[0] : f32 from vector<1xf32>
        %sub3A_2467 = arith.subf %gather3A_2462, %mul3A_1199 : vector<16xf32>
        %mul3A_2468 = arith.mulf %sub3A_2467, %mul3A_1239 : vector<16xf32>
        %mul3A_2469 = vector.broadcast %squeeze3A_2464 : f32 to vector<16xf32>
        %mul3A_2470 = arith.mulf %mul3A_2468, %mul3A_2469 : vector<16xf32>
        %add3A_2471 = vector.broadcast %squeeze3A_2466 : f32 to vector<16xf32>
        %add3A_2472 = arith.addf %mul3A_2470, %add3A_2471 : vector<16xf32>
        tpu.vector_store_idx %arg10[%add3A_147, %broadcast_in_dim3A_2461], %add3A_2472 : memref<400x128xf32, #tpu.memory_space<vmem>>[vector<16xi32>, vector<16xi32>], vector<16xf32>,
        %broadcast_in_dim3A_2473 = arith.constant 95 : i32
        %broadcast_in_dim3A_2474 = vector.broadcast %broadcast_in_dim3A_2473 : i32 to vector<16xi32>
        %gather3A_2475 = tpu.vector_load_idx %arg10[%add3A_147, %broadcast_in_dim3A_2474] : memref<400x128xf32, #tpu.memory_space<vmem>>[vector<16xi32>, vector<16xi32>], vector<16xf32>,
        %slice3A_2476 = vector.extract_strided_slice %get3A_25 {offsets = [15], sizes = [1], strides = [1]} : vector<16xf32> to vector<1xf32>
        %squeeze3A_2477 = vector.extract %slice3A_2476[0] : f32 from vector<1xf32>
        %slice3A_2478 = vector.extract_strided_slice %get3A_57 {offsets = [15], sizes = [1], strides = [1]} : vector<16xf32> to vector<1xf32>
        %squeeze3A_2479 = vector.extract %slice3A_2478[0] : f32 from vector<1xf32>
        %sub3A_2480 = arith.subf %gather3A_2475, %mul3A_1199 : vector<16xf32>
        %mul3A_2481 = arith.mulf %sub3A_2480, %mul3A_1239 : vector<16xf32>
        %mul3A_2482 = vector.broadcast %squeeze3A_2477 : f32 to vector<16xf32>
        %mul3A_2483 = arith.mulf %mul3A_2481, %mul3A_2482 : vector<16xf32>
        %add3A_2484 = vector.broadcast %squeeze3A_2479 : f32 to vector<16xf32>
        %add3A_2485 = arith.addf %mul3A_2483, %add3A_2484 : vector<16xf32>
        tpu.vector_store_idx %arg10[%add3A_147, %broadcast_in_dim3A_2474], %add3A_2485 : memref<400x128xf32, #tpu.memory_space<vmem>>[vector<16xi32>, vector<16xi32>], vector<16xf32>,
        %broadcast_in_dim3A_2486 = arith.constant 96 : i32
        %broadcast_in_dim3A_2487 = vector.broadcast %broadcast_in_dim3A_2486 : i32 to vector<16xi32>
        %gather3A_2488 = tpu.vector_load_idx %arg10[%add3A_147, %broadcast_in_dim3A_2487] : memref<400x128xf32, #tpu.memory_space<vmem>>[vector<16xi32>, vector<16xi32>], vector<16xf32>,
        %slice3A_2489 = vector.extract_strided_slice %get3A_29 {offsets = [0], sizes = [1], strides = [1]} : vector<16xf32> to vector<1xf32>
        %squeeze3A_2490 = vector.extract %slice3A_2489[0] : f32 from vector<1xf32>
        %slice3A_2491 = vector.extract_strided_slice %get3A_61 {offsets = [0], sizes = [1], strides = [1]} : vector<16xf32> to vector<1xf32>
        %squeeze3A_2492 = vector.extract %slice3A_2491[0] : f32 from vector<1xf32>
        %sub3A_2493 = arith.subf %gather3A_2488, %mul3A_1199 : vector<16xf32>
        %mul3A_2494 = arith.mulf %sub3A_2493, %mul3A_1239 : vector<16xf32>
        %mul3A_2495 = vector.broadcast %squeeze3A_2490 : f32 to vector<16xf32>
        %mul3A_2496 = arith.mulf %mul3A_2494, %mul3A_2495 : vector<16xf32>
        %add3A_2497 = vector.broadcast %squeeze3A_2492 : f32 to vector<16xf32>
        %add3A_2498 = arith.addf %mul3A_2496, %add3A_2497 : vector<16xf32>
        tpu.vector_store_idx %arg10[%add3A_147, %broadcast_in_dim3A_2487], %add3A_2498 : memref<400x128xf32, #tpu.memory_space<vmem>>[vector<16xi32>, vector<16xi32>], vector<16xf32>,
        %broadcast_in_dim3A_2499 = arith.constant 97 : i32
        %broadcast_in_dim3A_2500 = vector.broadcast %broadcast_in_dim3A_2499 : i32 to vector<16xi32>
        %gather3A_2501 = tpu.vector_load_idx %arg10[%add3A_147, %broadcast_in_dim3A_2500] : memref<400x128xf32, #tpu.memory_space<vmem>>[vector<16xi32>, vector<16xi32>], vector<16xf32>,
        %slice3A_2502 = vector.extract_strided_slice %get3A_29 {offsets = [1], sizes = [1], strides = [1]} : vector<16xf32> to vector<1xf32>
        %squeeze3A_2503 = vector.extract %slice3A_2502[0] : f32 from vector<1xf32>
        %slice3A_2504 = vector.extract_strided_slice %get3A_61 {offsets = [1], sizes = [1], strides = [1]} : vector<16xf32> to vector<1xf32>
        %squeeze3A_2505 = vector.extract %slice3A_2504[0] : f32 from vector<1xf32>
        %sub3A_2506 = arith.subf %gather3A_2501, %mul3A_1199 : vector<16xf32>
        %mul3A_2507 = arith.mulf %sub3A_2506, %mul3A_1239 : vector<16xf32>
        %mul3A_2508 = vector.broadcast %squeeze3A_2503 : f32 to vector<16xf32>
        %mul3A_2509 = arith.mulf %mul3A_2507, %mul3A_2508 : vector<16xf32>
        %add3A_2510 = vector.broadcast %squeeze3A_2505 : f32 to vector<16xf32>
        %add3A_2511 = arith.addf %mul3A_2509, %add3A_2510 : vector<16xf32>
        tpu.vector_store_idx %arg10[%add3A_147, %broadcast_in_dim3A_2500], %add3A_2511 : memref<400x128xf32, #tpu.memory_space<vmem>>[vector<16xi32>, vector<16xi32>], vector<16xf32>,
        %broadcast_in_dim3A_2512 = arith.constant 98 : i32
        %broadcast_in_dim3A_2513 = vector.broadcast %broadcast_in_dim3A_2512 : i32 to vector<16xi32>
        %gather3A_2514 = tpu.vector_load_idx %arg10[%add3A_147, %broadcast_in_dim3A_2513] : memref<400x128xf32, #tpu.memory_space<vmem>>[vector<16xi32>, vector<16xi32>], vector<16xf32>,
        %slice3A_2515 = vector.extract_strided_slice %get3A_29 {offsets = [2], sizes = [1], strides = [1]} : vector<16xf32> to vector<1xf32>
        %squeeze3A_2516 = vector.extract %slice3A_2515[0] : f32 from vector<1xf32>
        %slice3A_2517 = vector.extract_strided_slice %get3A_61 {offsets = [2], sizes = [1], strides = [1]} : vector<16xf32> to vector<1xf32>
        %squeeze3A_2518 = vector.extract %slice3A_2517[0] : f32 from vector<1xf32>
        %sub3A_2519 = arith.subf %gather3A_2514, %mul3A_1199 : vector<16xf32>
        %mul3A_2520 = arith.mulf %sub3A_2519, %mul3A_1239 : vector<16xf32>
        %mul3A_2521 = vector.broadcast %squeeze3A_2516 : f32 to vector<16xf32>
        %mul3A_2522 = arith.mulf %mul3A_2520, %mul3A_2521 : vector<16xf32>
        %add3A_2523 = vector.broadcast %squeeze3A_2518 : f32 to vector<16xf32>
        %add3A_2524 = arith.addf %mul3A_2522, %add3A_2523 : vector<16xf32>
        tpu.vector_store_idx %arg10[%add3A_147, %broadcast_in_dim3A_2513], %add3A_2524 : memref<400x128xf32, #tpu.memory_space<vmem>>[vector<16xi32>, vector<16xi32>], vector<16xf32>,
        %broadcast_in_dim3A_2525 = arith.constant 99 : i32
        %broadcast_in_dim3A_2526 = vector.broadcast %broadcast_in_dim3A_2525 : i32 to vector<16xi32>
        %gather3A_2527 = tpu.vector_load_idx %arg10[%add3A_147, %broadcast_in_dim3A_2526] : memref<400x128xf32, #tpu.memory_space<vmem>>[vector<16xi32>, vector<16xi32>], vector<16xf32>,
        %slice3A_2528 = vector.extract_strided_slice %get3A_29 {offsets = [3], sizes = [1], strides = [1]} : vector<16xf32> to vector<1xf32>
        %squeeze3A_2529 = vector.extract %slice3A_2528[0] : f32 from vector<1xf32>
        %slice3A_2530 = vector.extract_strided_slice %get3A_61 {offsets = [3], sizes = [1], strides = [1]} : vector<16xf32> to vector<1xf32>
        %squeeze3A_2531 = vector.extract %slice3A_2530[0] : f32 from vector<1xf32>
        %sub3A_2532 = arith.subf %gather3A_2527, %mul3A_1199 : vector<16xf32>
        %mul3A_2533 = arith.mulf %sub3A_2532, %mul3A_1239 : vector<16xf32>
        %mul3A_2534 = vector.broadcast %squeeze3A_2529 : f32 to vector<16xf32>
        %mul3A_2535 = arith.mulf %mul3A_2533, %mul3A_2534 : vector<16xf32>
        %add3A_2536 = vector.broadcast %squeeze3A_2531 : f32 to vector<16xf32>
        %add3A_2537 = arith.addf %mul3A_2535, %add3A_2536 : vector<16xf32>
        tpu.vector_store_idx %arg10[%add3A_147, %broadcast_in_dim3A_2526], %add3A_2537 : memref<400x128xf32, #tpu.memory_space<vmem>>[vector<16xi32>, vector<16xi32>], vector<16xf32>,
        %broadcast_in_dim3A_2538 = arith.constant 100 : i32
        %broadcast_in_dim3A_2539 = vector.broadcast %broadcast_in_dim3A_2538 : i32 to vector<16xi32>
        %gather3A_2540 = tpu.vector_load_idx %arg10[%add3A_147, %broadcast_in_dim3A_2539] : memref<400x128xf32, #tpu.memory_space<vmem>>[vector<16xi32>, vector<16xi32>], vector<16xf32>,
        %slice3A_2541 = vector.extract_strided_slice %get3A_29 {offsets = [4], sizes = [1], strides = [1]} : vector<16xf32> to vector<1xf32>
        %squeeze3A_2542 = vector.extract %slice3A_2541[0] : f32 from vector<1xf32>
        %slice3A_2543 = vector.extract_strided_slice %get3A_61 {offsets = [4], sizes = [1], strides = [1]} : vector<16xf32> to vector<1xf32>
        %squeeze3A_2544 = vector.extract %slice3A_2543[0] : f32 from vector<1xf32>
        %sub3A_2545 = arith.subf %gather3A_2540, %mul3A_1199 : vector<16xf32>
        %mul3A_2546 = arith.mulf %sub3A_2545, %mul3A_1239 : vector<16xf32>
        %mul3A_2547 = vector.broadcast %squeeze3A_2542 : f32 to vector<16xf32>
        %mul3A_2548 = arith.mulf %mul3A_2546, %mul3A_2547 : vector<16xf32>
        %add3A_2549 = vector.broadcast %squeeze3A_2544 : f32 to vector<16xf32>
        %add3A_2550 = arith.addf %mul3A_2548, %add3A_2549 : vector<16xf32>
        tpu.vector_store_idx %arg10[%add3A_147, %broadcast_in_dim3A_2539], %add3A_2550 : memref<400x128xf32, #tpu.memory_space<vmem>>[vector<16xi32>, vector<16xi32>], vector<16xf32>,
        %broadcast_in_dim3A_2551 = arith.constant 101 : i32
        %broadcast_in_dim3A_2552 = vector.broadcast %broadcast_in_dim3A_2551 : i32 to vector<16xi32>
        %gather3A_2553 = tpu.vector_load_idx %arg10[%add3A_147, %broadcast_in_dim3A_2552] : memref<400x128xf32, #tpu.memory_space<vmem>>[vector<16xi32>, vector<16xi32>], vector<16xf32>,
        %slice3A_2554 = vector.extract_strided_slice %get3A_29 {offsets = [5], sizes = [1], strides = [1]} : vector<16xf32> to vector<1xf32>
        %squeeze3A_2555 = vector.extract %slice3A_2554[0] : f32 from vector<1xf32>
        %slice3A_2556 = vector.extract_strided_slice %get3A_61 {offsets = [5], sizes = [1], strides = [1]} : vector<16xf32> to vector<1xf32>
        %squeeze3A_2557 = vector.extract %slice3A_2556[0] : f32 from vector<1xf32>
        %sub3A_2558 = arith.subf %gather3A_2553, %mul3A_1199 : vector<16xf32>
        %mul3A_2559 = arith.mulf %sub3A_2558, %mul3A_1239 : vector<16xf32>
        %mul3A_2560 = vector.broadcast %squeeze3A_2555 : f32 to vector<16xf32>
        %mul3A_2561 = arith.mulf %mul3A_2559, %mul3A_2560 : vector<16xf32>
        %add3A_2562 = vector.broadcast %squeeze3A_2557 : f32 to vector<16xf32>
        %add3A_2563 = arith.addf %mul3A_2561, %add3A_2562 : vector<16xf32>
        tpu.vector_store_idx %arg10[%add3A_147, %broadcast_in_dim3A_2552], %add3A_2563 : memref<400x128xf32, #tpu.memory_space<vmem>>[vector<16xi32>, vector<16xi32>], vector<16xf32>,
        %broadcast_in_dim3A_2564 = arith.constant 102 : i32
        %broadcast_in_dim3A_2565 = vector.broadcast %broadcast_in_dim3A_2564 : i32 to vector<16xi32>
        %gather3A_2566 = tpu.vector_load_idx %arg10[%add3A_147, %broadcast_in_dim3A_2565] : memref<400x128xf32, #tpu.memory_space<vmem>>[vector<16xi32>, vector<16xi32>], vector<16xf32>,
        %slice3A_2567 = vector.extract_strided_slice %get3A_29 {offsets = [6], sizes = [1], strides = [1]} : vector<16xf32> to vector<1xf32>
        %squeeze3A_2568 = vector.extract %slice3A_2567[0] : f32 from vector<1xf32>
        %slice3A_2569 = vector.extract_strided_slice %get3A_61 {offsets = [6], sizes = [1], strides = [1]} : vector<16xf32> to vector<1xf32>
        %squeeze3A_2570 = vector.extract %slice3A_2569[0] : f32 from vector<1xf32>
        %sub3A_2571 = arith.subf %gather3A_2566, %mul3A_1199 : vector<16xf32>
        %mul3A_2572 = arith.mulf %sub3A_2571, %mul3A_1239 : vector<16xf32>
        %mul3A_2573 = vector.broadcast %squeeze3A_2568 : f32 to vector<16xf32>
        %mul3A_2574 = arith.mulf %mul3A_2572, %mul3A_2573 : vector<16xf32>
        %add3A_2575 = vector.broadcast %squeeze3A_2570 : f32 to vector<16xf32>
        %add3A_2576 = arith.addf %mul3A_2574, %add3A_2575 : vector<16xf32>
        tpu.vector_store_idx %arg10[%add3A_147, %broadcast_in_dim3A_2565], %add3A_2576 : memref<400x128xf32, #tpu.memory_space<vmem>>[vector<16xi32>, vector<16xi32>], vector<16xf32>,
        %broadcast_in_dim3A_2577 = arith.constant 103 : i32
        %broadcast_in_dim3A_2578 = vector.broadcast %broadcast_in_dim3A_2577 : i32 to vector<16xi32>
        %gather3A_2579 = tpu.vector_load_idx %arg10[%add3A_147, %broadcast_in_dim3A_2578] : memref<400x128xf32, #tpu.memory_space<vmem>>[vector<16xi32>, vector<16xi32>], vector<16xf32>,
        %slice3A_2580 = vector.extract_strided_slice %get3A_29 {offsets = [7], sizes = [1], strides = [1]} : vector<16xf32> to vector<1xf32>
        %squeeze3A_2581 = vector.extract %slice3A_2580[0] : f32 from vector<1xf32>
        %slice3A_2582 = vector.extract_strided_slice %get3A_61 {offsets = [7], sizes = [1], strides = [1]} : vector<16xf32> to vector<1xf32>
        %squeeze3A_2583 = vector.extract %slice3A_2582[0] : f32 from vector<1xf32>
        %sub3A_2584 = arith.subf %gather3A_2579, %mul3A_1199 : vector<16xf32>
        %mul3A_2585 = arith.mulf %sub3A_2584, %mul3A_1239 : vector<16xf32>
        %mul3A_2586 = vector.broadcast %squeeze3A_2581 : f32 to vector<16xf32>
        %mul3A_2587 = arith.mulf %mul3A_2585, %mul3A_2586 : vector<16xf32>
        %add3A_2588 = vector.broadcast %squeeze3A_2583 : f32 to vector<16xf32>
        %add3A_2589 = arith.addf %mul3A_2587, %add3A_2588 : vector<16xf32>
        tpu.vector_store_idx %arg10[%add3A_147, %broadcast_in_dim3A_2578], %add3A_2589 : memref<400x128xf32, #tpu.memory_space<vmem>>[vector<16xi32>, vector<16xi32>], vector<16xf32>,
        %broadcast_in_dim3A_2590 = arith.constant 104 : i32
        %broadcast_in_dim3A_2591 = vector.broadcast %broadcast_in_dim3A_2590 : i32 to vector<16xi32>
        %gather3A_2592 = tpu.vector_load_idx %arg10[%add3A_147, %broadcast_in_dim3A_2591] : memref<400x128xf32, #tpu.memory_space<vmem>>[vector<16xi32>, vector<16xi32>], vector<16xf32>,
        %slice3A_2593 = vector.extract_strided_slice %get3A_29 {offsets = [8], sizes = [1], strides = [1]} : vector<16xf32> to vector<1xf32>
        %squeeze3A_2594 = vector.extract %slice3A_2593[0] : f32 from vector<1xf32>
        %slice3A_2595 = vector.extract_strided_slice %get3A_61 {offsets = [8], sizes = [1], strides = [1]} : vector<16xf32> to vector<1xf32>
        %squeeze3A_2596 = vector.extract %slice3A_2595[0] : f32 from vector<1xf32>
        %sub3A_2597 = arith.subf %gather3A_2592, %mul3A_1199 : vector<16xf32>
        %mul3A_2598 = arith.mulf %sub3A_2597, %mul3A_1239 : vector<16xf32>
        %mul3A_2599 = vector.broadcast %squeeze3A_2594 : f32 to vector<16xf32>
        %mul3A_2600 = arith.mulf %mul3A_2598, %mul3A_2599 : vector<16xf32>
        %add3A_2601 = vector.broadcast %squeeze3A_2596 : f32 to vector<16xf32>
        %add3A_2602 = arith.addf %mul3A_2600, %add3A_2601 : vector<16xf32>
        tpu.vector_store_idx %arg10[%add3A_147, %broadcast_in_dim3A_2591], %add3A_2602 : memref<400x128xf32, #tpu.memory_space<vmem>>[vector<16xi32>, vector<16xi32>], vector<16xf32>,
        %broadcast_in_dim3A_2603 = arith.constant 105 : i32
        %broadcast_in_dim3A_2604 = vector.broadcast %broadcast_in_dim3A_2603 : i32 to vector<16xi32>
        %gather3A_2605 = tpu.vector_load_idx %arg10[%add3A_147, %broadcast_in_dim3A_2604] : memref<400x128xf32, #tpu.memory_space<vmem>>[vector<16xi32>, vector<16xi32>], vector<16xf32>,
        %slice3A_2606 = vector.extract_strided_slice %get3A_29 {offsets = [9], sizes = [1], strides = [1]} : vector<16xf32> to vector<1xf32>
        %squeeze3A_2607 = vector.extract %slice3A_2606[0] : f32 from vector<1xf32>
        %slice3A_2608 = vector.extract_strided_slice %get3A_61 {offsets = [9], sizes = [1], strides = [1]} : vector<16xf32> to vector<1xf32>
        %squeeze3A_2609 = vector.extract %slice3A_2608[0] : f32 from vector<1xf32>
        %sub3A_2610 = arith.subf %gather3A_2605, %mul3A_1199 : vector<16xf32>
        %mul3A_2611 = arith.mulf %sub3A_2610, %mul3A_1239 : vector<16xf32>
        %mul3A_2612 = vector.broadcast %squeeze3A_2607 : f32 to vector<16xf32>
        %mul3A_2613 = arith.mulf %mul3A_2611, %mul3A_2612 : vector<16xf32>
        %add3A_2614 = vector.broadcast %squeeze3A_2609 : f32 to vector<16xf32>
        %add3A_2615 = arith.addf %mul3A_2613, %add3A_2614 : vector<16xf32>
        tpu.vector_store_idx %arg10[%add3A_147, %broadcast_in_dim3A_2604], %add3A_2615 : memref<400x128xf32, #tpu.memory_space<vmem>>[vector<16xi32>, vector<16xi32>], vector<16xf32>,
        %broadcast_in_dim3A_2616 = arith.constant 106 : i32
        %broadcast_in_dim3A_2617 = vector.broadcast %broadcast_in_dim3A_2616 : i32 to vector<16xi32>
        %gather3A_2618 = tpu.vector_load_idx %arg10[%add3A_147, %broadcast_in_dim3A_2617] : memref<400x128xf32, #tpu.memory_space<vmem>>[vector<16xi32>, vector<16xi32>], vector<16xf32>,
        %slice3A_2619 = vector.extract_strided_slice %get3A_29 {offsets = [10], sizes = [1], strides = [1]} : vector<16xf32> to vector<1xf32>
        %squeeze3A_2620 = vector.extract %slice3A_2619[0] : f32 from vector<1xf32>
        %slice3A_2621 = vector.extract_strided_slice %get3A_61 {offsets = [10], sizes = [1], strides = [1]} : vector<16xf32> to vector<1xf32>
        %squeeze3A_2622 = vector.extract %slice3A_2621[0] : f32 from vector<1xf32>
        %sub3A_2623 = arith.subf %gather3A_2618, %mul3A_1199 : vector<16xf32>
        %mul3A_2624 = arith.mulf %sub3A_2623, %mul3A_1239 : vector<16xf32>
        %mul3A_2625 = vector.broadcast %squeeze3A_2620 : f32 to vector<16xf32>
        %mul3A_2626 = arith.mulf %mul3A_2624, %mul3A_2625 : vector<16xf32>
        %add3A_2627 = vector.broadcast %squeeze3A_2622 : f32 to vector<16xf32>
        %add3A_2628 = arith.addf %mul3A_2626, %add3A_2627 : vector<16xf32>
        tpu.vector_store_idx %arg10[%add3A_147, %broadcast_in_dim3A_2617], %add3A_2628 : memref<400x128xf32, #tpu.memory_space<vmem>>[vector<16xi32>, vector<16xi32>], vector<16xf32>,
        %broadcast_in_dim3A_2629 = arith.constant 107 : i32
        %broadcast_in_dim3A_2630 = vector.broadcast %broadcast_in_dim3A_2629 : i32 to vector<16xi32>
        %gather3A_2631 = tpu.vector_load_idx %arg10[%add3A_147, %broadcast_in_dim3A_2630] : memref<400x128xf32, #tpu.memory_space<vmem>>[vector<16xi32>, vector<16xi32>], vector<16xf32>,
        %slice3A_2632 = vector.extract_strided_slice %get3A_29 {offsets = [11], sizes = [1], strides = [1]} : vector<16xf32> to vector<1xf32>
        %squeeze3A_2633 = vector.extract %slice3A_2632[0] : f32 from vector<1xf32>
        %slice3A_2634 = vector.extract_strided_slice %get3A_61 {offsets = [11], sizes = [1], strides = [1]} : vector<16xf32> to vector<1xf32>
        %squeeze3A_2635 = vector.extract %slice3A_2634[0] : f32 from vector<1xf32>
        %sub3A_2636 = arith.subf %gather3A_2631, %mul3A_1199 : vector<16xf32>
        %mul3A_2637 = arith.mulf %sub3A_2636, %mul3A_1239 : vector<16xf32>
        %mul3A_2638 = vector.broadcast %squeeze3A_2633 : f32 to vector<16xf32>
        %mul3A_2639 = arith.mulf %mul3A_2637, %mul3A_2638 : vector<16xf32>
        %add3A_2640 = vector.broadcast %squeeze3A_2635 : f32 to vector<16xf32>
        %add3A_2641 = arith.addf %mul3A_2639, %add3A_2640 : vector<16xf32>
        tpu.vector_store_idx %arg10[%add3A_147, %broadcast_in_dim3A_2630], %add3A_2641 : memref<400x128xf32, #tpu.memory_space<vmem>>[vector<16xi32>, vector<16xi32>], vector<16xf32>,
        %broadcast_in_dim3A_2642 = arith.constant 108 : i32
        %broadcast_in_dim3A_2643 = vector.broadcast %broadcast_in_dim3A_2642 : i32 to vector<16xi32>
        %gather3A_2644 = tpu.vector_load_idx %arg10[%add3A_147, %broadcast_in_dim3A_2643] : memref<400x128xf32, #tpu.memory_space<vmem>>[vector<16xi32>, vector<16xi32>], vector<16xf32>,
        %slice3A_2645 = vector.extract_strided_slice %get3A_29 {offsets = [12], sizes = [1], strides = [1]} : vector<16xf32> to vector<1xf32>
        %squeeze3A_2646 = vector.extract %slice3A_2645[0] : f32 from vector<1xf32>
        %slice3A_2647 = vector.extract_strided_slice %get3A_61 {offsets = [12], sizes = [1], strides = [1]} : vector<16xf32> to vector<1xf32>
        %squeeze3A_2648 = vector.extract %slice3A_2647[0] : f32 from vector<1xf32>
        %sub3A_2649 = arith.subf %gather3A_2644, %mul3A_1199 : vector<16xf32>
        %mul3A_2650 = arith.mulf %sub3A_2649, %mul3A_1239 : vector<16xf32>
        %mul3A_2651 = vector.broadcast %squeeze3A_2646 : f32 to vector<16xf32>
        %mul3A_2652 = arith.mulf %mul3A_2650, %mul3A_2651 : vector<16xf32>
        %add3A_2653 = vector.broadcast %squeeze3A_2648 : f32 to vector<16xf32>
        %add3A_2654 = arith.addf %mul3A_2652, %add3A_2653 : vector<16xf32>
        tpu.vector_store_idx %arg10[%add3A_147, %broadcast_in_dim3A_2643], %add3A_2654 : memref<400x128xf32, #tpu.memory_space<vmem>>[vector<16xi32>, vector<16xi32>], vector<16xf32>,
        %broadcast_in_dim3A_2655 = arith.constant 109 : i32
        %broadcast_in_dim3A_2656 = vector.broadcast %broadcast_in_dim3A_2655 : i32 to vector<16xi32>
        %gather3A_2657 = tpu.vector_load_idx %arg10[%add3A_147, %broadcast_in_dim3A_2656] : memref<400x128xf32, #tpu.memory_space<vmem>>[vector<16xi32>, vector<16xi32>], vector<16xf32>,
        %slice3A_2658 = vector.extract_strided_slice %get3A_29 {offsets = [13], sizes = [1], strides = [1]} : vector<16xf32> to vector<1xf32>
        %squeeze3A_2659 = vector.extract %slice3A_2658[0] : f32 from vector<1xf32>
        %slice3A_2660 = vector.extract_strided_slice %get3A_61 {offsets = [13], sizes = [1], strides = [1]} : vector<16xf32> to vector<1xf32>
        %squeeze3A_2661 = vector.extract %slice3A_2660[0] : f32 from vector<1xf32>
        %sub3A_2662 = arith.subf %gather3A_2657, %mul3A_1199 : vector<16xf32>
        %mul3A_2663 = arith.mulf %sub3A_2662, %mul3A_1239 : vector<16xf32>
        %mul3A_2664 = vector.broadcast %squeeze3A_2659 : f32 to vector<16xf32>
        %mul3A_2665 = arith.mulf %mul3A_2663, %mul3A_2664 : vector<16xf32>
        %add3A_2666 = vector.broadcast %squeeze3A_2661 : f32 to vector<16xf32>
        %add3A_2667 = arith.addf %mul3A_2665, %add3A_2666 : vector<16xf32>
        tpu.vector_store_idx %arg10[%add3A_147, %broadcast_in_dim3A_2656], %add3A_2667 : memref<400x128xf32, #tpu.memory_space<vmem>>[vector<16xi32>, vector<16xi32>], vector<16xf32>,
        %broadcast_in_dim3A_2668 = arith.constant 110 : i32
        %broadcast_in_dim3A_2669 = vector.broadcast %broadcast_in_dim3A_2668 : i32 to vector<16xi32>
        %gather3A_2670 = tpu.vector_load_idx %arg10[%add3A_147, %broadcast_in_dim3A_2669] : memref<400x128xf32, #tpu.memory_space<vmem>>[vector<16xi32>, vector<16xi32>], vector<16xf32>,
        %slice3A_2671 = vector.extract_strided_slice %get3A_29 {offsets = [14], sizes = [1], strides = [1]} : vector<16xf32> to vector<1xf32>
        %squeeze3A_2672 = vector.extract %slice3A_2671[0] : f32 from vector<1xf32>
        %slice3A_2673 = vector.extract_strided_slice %get3A_61 {offsets = [14], sizes = [1], strides = [1]} : vector<16xf32> to vector<1xf32>
        %squeeze3A_2674 = vector.extract %slice3A_2673[0] : f32 from vector<1xf32>
        %sub3A_2675 = arith.subf %gather3A_2670, %mul3A_1199 : vector<16xf32>
        %mul3A_2676 = arith.mulf %sub3A_2675, %mul3A_1239 : vector<16xf32>
        %mul3A_2677 = vector.broadcast %squeeze3A_2672 : f32 to vector<16xf32>
        %mul3A_2678 = arith.mulf %mul3A_2676, %mul3A_2677 : vector<16xf32>
        %add3A_2679 = vector.broadcast %squeeze3A_2674 : f32 to vector<16xf32>
        %add3A_2680 = arith.addf %mul3A_2678, %add3A_2679 : vector<16xf32>
        tpu.vector_store_idx %arg10[%add3A_147, %broadcast_in_dim3A_2669], %add3A_2680 : memref<400x128xf32, #tpu.memory_space<vmem>>[vector<16xi32>, vector<16xi32>], vector<16xf32>,
        %broadcast_in_dim3A_2681 = arith.constant 111 : i32
        %broadcast_in_dim3A_2682 = vector.broadcast %broadcast_in_dim3A_2681 : i32 to vector<16xi32>
        %gather3A_2683 = tpu.vector_load_idx %arg10[%add3A_147, %broadcast_in_dim3A_2682] : memref<400x128xf32, #tpu.memory_space<vmem>>[vector<16xi32>, vector<16xi32>], vector<16xf32>,
        %slice3A_2684 = vector.extract_strided_slice %get3A_29 {offsets = [15], sizes = [1], strides = [1]} : vector<16xf32> to vector<1xf32>
        %squeeze3A_2685 = vector.extract %slice3A_2684[0] : f32 from vector<1xf32>
        %slice3A_2686 = vector.extract_strided_slice %get3A_61 {offsets = [15], sizes = [1], strides = [1]} : vector<16xf32> to vector<1xf32>
        %squeeze3A_2687 = vector.extract %slice3A_2686[0] : f32 from vector<1xf32>
        %sub3A_2688 = arith.subf %gather3A_2683, %mul3A_1199 : vector<16xf32>
        %mul3A_2689 = arith.mulf %sub3A_2688, %mul3A_1239 : vector<16xf32>
        %mul3A_2690 = vector.broadcast %squeeze3A_2685 : f32 to vector<16xf32>
        %mul3A_2691 = arith.mulf %mul3A_2689, %mul3A_2690 : vector<16xf32>
        %add3A_2692 = vector.broadcast %squeeze3A_2687 : f32 to vector<16xf32>
        %add3A_2693 = arith.addf %mul3A_2691, %add3A_2692 : vector<16xf32>
        tpu.vector_store_idx %arg10[%add3A_147, %broadcast_in_dim3A_2682], %add3A_2693 : memref<400x128xf32, #tpu.memory_space<vmem>>[vector<16xi32>, vector<16xi32>], vector<16xf32>,
        %broadcast_in_dim3A_2694 = arith.constant 112 : i32
        %broadcast_in_dim3A_2695 = vector.broadcast %broadcast_in_dim3A_2694 : i32 to vector<16xi32>
        %gather3A_2696 = tpu.vector_load_idx %arg10[%add3A_147, %broadcast_in_dim3A_2695] : memref<400x128xf32, #tpu.memory_space<vmem>>[vector<16xi32>, vector<16xi32>], vector<16xf32>,
        %slice3A_2697 = vector.extract_strided_slice %get3A_33 {offsets = [0], sizes = [1], strides = [1]} : vector<16xf32> to vector<1xf32>
        %squeeze3A_2698 = vector.extract %slice3A_2697[0] : f32 from vector<1xf32>
        %slice3A_2699 = vector.extract_strided_slice %get3A_65 {offsets = [0], sizes = [1], strides = [1]} : vector<16xf32> to vector<1xf32>
        %squeeze3A_2700 = vector.extract %slice3A_2699[0] : f32 from vector<1xf32>
        %sub3A_2701 = arith.subf %gather3A_2696, %mul3A_1199 : vector<16xf32>
        %mul3A_2702 = arith.mulf %sub3A_2701, %mul3A_1239 : vector<16xf32>
        %mul3A_2703 = vector.broadcast %squeeze3A_2698 : f32 to vector<16xf32>
        %mul3A_2704 = arith.mulf %mul3A_2702, %mul3A_2703 : vector<16xf32>
        %add3A_2705 = vector.broadcast %squeeze3A_2700 : f32 to vector<16xf32>
        %add3A_2706 = arith.addf %mul3A_2704, %add3A_2705 : vector<16xf32>
        tpu.vector_store_idx %arg10[%add3A_147, %broadcast_in_dim3A_2695], %add3A_2706 : memref<400x128xf32, #tpu.memory_space<vmem>>[vector<16xi32>, vector<16xi32>], vector<16xf32>,
        %broadcast_in_dim3A_2707 = arith.constant 113 : i32
        %broadcast_in_dim3A_2708 = vector.broadcast %broadcast_in_dim3A_2707 : i32 to vector<16xi32>
        %gather3A_2709 = tpu.vector_load_idx %arg10[%add3A_147, %broadcast_in_dim3A_2708] : memref<400x128xf32, #tpu.memory_space<vmem>>[vector<16xi32>, vector<16xi32>], vector<16xf32>,
        %slice3A_2710 = vector.extract_strided_slice %get3A_33 {offsets = [1], sizes = [1], strides = [1]} : vector<16xf32> to vector<1xf32>
        %squeeze3A_2711 = vector.extract %slice3A_2710[0] : f32 from vector<1xf32>
        %slice3A_2712 = vector.extract_strided_slice %get3A_65 {offsets = [1], sizes = [1], strides = [1]} : vector<16xf32> to vector<1xf32>
        %squeeze3A_2713 = vector.extract %slice3A_2712[0] : f32 from vector<1xf32>
        %sub3A_2714 = arith.subf %gather3A_2709, %mul3A_1199 : vector<16xf32>
        %mul3A_2715 = arith.mulf %sub3A_2714, %mul3A_1239 : vector<16xf32>
        %mul3A_2716 = vector.broadcast %squeeze3A_2711 : f32 to vector<16xf32>
        %mul3A_2717 = arith.mulf %mul3A_2715, %mul3A_2716 : vector<16xf32>
        %add3A_2718 = vector.broadcast %squeeze3A_2713 : f32 to vector<16xf32>
        %add3A_2719 = arith.addf %mul3A_2717, %add3A_2718 : vector<16xf32>
        tpu.vector_store_idx %arg10[%add3A_147, %broadcast_in_dim3A_2708], %add3A_2719 : memref<400x128xf32, #tpu.memory_space<vmem>>[vector<16xi32>, vector<16xi32>], vector<16xf32>,
        %broadcast_in_dim3A_2720 = arith.constant 114 : i32
        %broadcast_in_dim3A_2721 = vector.broadcast %broadcast_in_dim3A_2720 : i32 to vector<16xi32>
        %gather3A_2722 = tpu.vector_load_idx %arg10[%add3A_147, %broadcast_in_dim3A_2721] : memref<400x128xf32, #tpu.memory_space<vmem>>[vector<16xi32>, vector<16xi32>], vector<16xf32>,
        %slice3A_2723 = vector.extract_strided_slice %get3A_33 {offsets = [2], sizes = [1], strides = [1]} : vector<16xf32> to vector<1xf32>
        %squeeze3A_2724 = vector.extract %slice3A_2723[0] : f32 from vector<1xf32>
        %slice3A_2725 = vector.extract_strided_slice %get3A_65 {offsets = [2], sizes = [1], strides = [1]} : vector<16xf32> to vector<1xf32>
        %squeeze3A_2726 = vector.extract %slice3A_2725[0] : f32 from vector<1xf32>
        %sub3A_2727 = arith.subf %gather3A_2722, %mul3A_1199 : vector<16xf32>
        %mul3A_2728 = arith.mulf %sub3A_2727, %mul3A_1239 : vector<16xf32>
        %mul3A_2729 = vector.broadcast %squeeze3A_2724 : f32 to vector<16xf32>
        %mul3A_2730 = arith.mulf %mul3A_2728, %mul3A_2729 : vector<16xf32>
        %add3A_2731 = vector.broadcast %squeeze3A_2726 : f32 to vector<16xf32>
        %add3A_2732 = arith.addf %mul3A_2730, %add3A_2731 : vector<16xf32>
        tpu.vector_store_idx %arg10[%add3A_147, %broadcast_in_dim3A_2721], %add3A_2732 : memref<400x128xf32, #tpu.memory_space<vmem>>[vector<16xi32>, vector<16xi32>], vector<16xf32>,
        %broadcast_in_dim3A_2733 = arith.constant 115 : i32
        %broadcast_in_dim3A_2734 = vector.broadcast %broadcast_in_dim3A_2733 : i32 to vector<16xi32>
        %gather3A_2735 = tpu.vector_load_idx %arg10[%add3A_147, %broadcast_in_dim3A_2734] : memref<400x128xf32, #tpu.memory_space<vmem>>[vector<16xi32>, vector<16xi32>], vector<16xf32>,
        %slice3A_2736 = vector.extract_strided_slice %get3A_33 {offsets = [3], sizes = [1], strides = [1]} : vector<16xf32> to vector<1xf32>
        %squeeze3A_2737 = vector.extract %slice3A_2736[0] : f32 from vector<1xf32>
        %slice3A_2738 = vector.extract_strided_slice %get3A_65 {offsets = [3], sizes = [1], strides = [1]} : vector<16xf32> to vector<1xf32>
        %squeeze3A_2739 = vector.extract %slice3A_2738[0] : f32 from vector<1xf32>
        %sub3A_2740 = arith.subf %gather3A_2735, %mul3A_1199 : vector<16xf32>
        %mul3A_2741 = arith.mulf %sub3A_2740, %mul3A_1239 : vector<16xf32>
        %mul3A_2742 = vector.broadcast %squeeze3A_2737 : f32 to vector<16xf32>
        %mul3A_2743 = arith.mulf %mul3A_2741, %mul3A_2742 : vector<16xf32>
        %add3A_2744 = vector.broadcast %squeeze3A_2739 : f32 to vector<16xf32>
        %add3A_2745 = arith.addf %mul3A_2743, %add3A_2744 : vector<16xf32>
        tpu.vector_store_idx %arg10[%add3A_147, %broadcast_in_dim3A_2734], %add3A_2745 : memref<400x128xf32, #tpu.memory_space<vmem>>[vector<16xi32>, vector<16xi32>], vector<16xf32>,
        %broadcast_in_dim3A_2746 = arith.constant 116 : i32
        %broadcast_in_dim3A_2747 = vector.broadcast %broadcast_in_dim3A_2746 : i32 to vector<16xi32>
        %gather3A_2748 = tpu.vector_load_idx %arg10[%add3A_147, %broadcast_in_dim3A_2747] : memref<400x128xf32, #tpu.memory_space<vmem>>[vector<16xi32>, vector<16xi32>], vector<16xf32>,
        %slice3A_2749 = vector.extract_strided_slice %get3A_33 {offsets = [4], sizes = [1], strides = [1]} : vector<16xf32> to vector<1xf32>
        %squeeze3A_2750 = vector.extract %slice3A_2749[0] : f32 from vector<1xf32>
        %slice3A_2751 = vector.extract_strided_slice %get3A_65 {offsets = [4], sizes = [1], strides = [1]} : vector<16xf32> to vector<1xf32>
        %squeeze3A_2752 = vector.extract %slice3A_2751[0] : f32 from vector<1xf32>
        %sub3A_2753 = arith.subf %gather3A_2748, %mul3A_1199 : vector<16xf32>
        %mul3A_2754 = arith.mulf %sub3A_2753, %mul3A_1239 : vector<16xf32>
        %mul3A_2755 = vector.broadcast %squeeze3A_2750 : f32 to vector<16xf32>
        %mul3A_2756 = arith.mulf %mul3A_2754, %mul3A_2755 : vector<16xf32>
        %add3A_2757 = vector.broadcast %squeeze3A_2752 : f32 to vector<16xf32>
        %add3A_2758 = arith.addf %mul3A_2756, %add3A_2757 : vector<16xf32>
        tpu.vector_store_idx %arg10[%add3A_147, %broadcast_in_dim3A_2747], %add3A_2758 : memref<400x128xf32, #tpu.memory_space<vmem>>[vector<16xi32>, vector<16xi32>], vector<16xf32>,
        %broadcast_in_dim3A_2759 = arith.constant 117 : i32
        %broadcast_in_dim3A_2760 = vector.broadcast %broadcast_in_dim3A_2759 : i32 to vector<16xi32>
        %gather3A_2761 = tpu.vector_load_idx %arg10[%add3A_147, %broadcast_in_dim3A_2760] : memref<400x128xf32, #tpu.memory_space<vmem>>[vector<16xi32>, vector<16xi32>], vector<16xf32>,
        %slice3A_2762 = vector.extract_strided_slice %get3A_33 {offsets = [5], sizes = [1], strides = [1]} : vector<16xf32> to vector<1xf32>
        %squeeze3A_2763 = vector.extract %slice3A_2762[0] : f32 from vector<1xf32>
        %slice3A_2764 = vector.extract_strided_slice %get3A_65 {offsets = [5], sizes = [1], strides = [1]} : vector<16xf32> to vector<1xf32>
        %squeeze3A_2765 = vector.extract %slice3A_2764[0] : f32 from vector<1xf32>
        %sub3A_2766 = arith.subf %gather3A_2761, %mul3A_1199 : vector<16xf32>
        %mul3A_2767 = arith.mulf %sub3A_2766, %mul3A_1239 : vector<16xf32>
        %mul3A_2768 = vector.broadcast %squeeze3A_2763 : f32 to vector<16xf32>
        %mul3A_2769 = arith.mulf %mul3A_2767, %mul3A_2768 : vector<16xf32>
        %add3A_2770 = vector.broadcast %squeeze3A_2765 : f32 to vector<16xf32>
        %add3A_2771 = arith.addf %mul3A_2769, %add3A_2770 : vector<16xf32>
        tpu.vector_store_idx %arg10[%add3A_147, %broadcast_in_dim3A_2760], %add3A_2771 : memref<400x128xf32, #tpu.memory_space<vmem>>[vector<16xi32>, vector<16xi32>], vector<16xf32>,
        %broadcast_in_dim3A_2772 = arith.constant 118 : i32
        %broadcast_in_dim3A_2773 = vector.broadcast %broadcast_in_dim3A_2772 : i32 to vector<16xi32>
        %gather3A_2774 = tpu.vector_load_idx %arg10[%add3A_147, %broadcast_in_dim3A_2773] : memref<400x128xf32, #tpu.memory_space<vmem>>[vector<16xi32>, vector<16xi32>], vector<16xf32>,
        %slice3A_2775 = vector.extract_strided_slice %get3A_33 {offsets = [6], sizes = [1], strides = [1]} : vector<16xf32> to vector<1xf32>
        %squeeze3A_2776 = vector.extract %slice3A_2775[0] : f32 from vector<1xf32>
        %slice3A_2777 = vector.extract_strided_slice %get3A_65 {offsets = [6], sizes = [1], strides = [1]} : vector<16xf32> to vector<1xf32>
        %squeeze3A_2778 = vector.extract %slice3A_2777[0] : f32 from vector<1xf32>
        %sub3A_2779 = arith.subf %gather3A_2774, %mul3A_1199 : vector<16xf32>
        %mul3A_2780 = arith.mulf %sub3A_2779, %mul3A_1239 : vector<16xf32>
        %mul3A_2781 = vector.broadcast %squeeze3A_2776 : f32 to vector<16xf32>
        %mul3A_2782 = arith.mulf %mul3A_2780, %mul3A_2781 : vector<16xf32>
        %add3A_2783 = vector.broadcast %squeeze3A_2778 : f32 to vector<16xf32>
        %add3A_2784 = arith.addf %mul3A_2782, %add3A_2783 : vector<16xf32>
        tpu.vector_store_idx %arg10[%add3A_147, %broadcast_in_dim3A_2773], %add3A_2784 : memref<400x128xf32, #tpu.memory_space<vmem>>[vector<16xi32>, vector<16xi32>], vector<16xf32>,
        %broadcast_in_dim3A_2785 = arith.constant 119 : i32
        %broadcast_in_dim3A_2786 = vector.broadcast %broadcast_in_dim3A_2785 : i32 to vector<16xi32>
        %gather3A_2787 = tpu.vector_load_idx %arg10[%add3A_147, %broadcast_in_dim3A_2786] : memref<400x128xf32, #tpu.memory_space<vmem>>[vector<16xi32>, vector<16xi32>], vector<16xf32>,
        %slice3A_2788 = vector.extract_strided_slice %get3A_33 {offsets = [7], sizes = [1], strides = [1]} : vector<16xf32> to vector<1xf32>
        %squeeze3A_2789 = vector.extract %slice3A_2788[0] : f32 from vector<1xf32>
        %slice3A_2790 = vector.extract_strided_slice %get3A_65 {offsets = [7], sizes = [1], strides = [1]} : vector<16xf32> to vector<1xf32>
        %squeeze3A_2791 = vector.extract %slice3A_2790[0] : f32 from vector<1xf32>
        %sub3A_2792 = arith.subf %gather3A_2787, %mul3A_1199 : vector<16xf32>
        %mul3A_2793 = arith.mulf %sub3A_2792, %mul3A_1239 : vector<16xf32>
        %mul3A_2794 = vector.broadcast %squeeze3A_2789 : f32 to vector<16xf32>
        %mul3A_2795 = arith.mulf %mul3A_2793, %mul3A_2794 : vector<16xf32>
        %add3A_2796 = vector.broadcast %squeeze3A_2791 : f32 to vector<16xf32>
        %add3A_2797 = arith.addf %mul3A_2795, %add3A_2796 : vector<16xf32>
        tpu.vector_store_idx %arg10[%add3A_147, %broadcast_in_dim3A_2786], %add3A_2797 : memref<400x128xf32, #tpu.memory_space<vmem>>[vector<16xi32>, vector<16xi32>], vector<16xf32>,
        %broadcast_in_dim3A_2798 = arith.constant 120 : i32
        %broadcast_in_dim3A_2799 = vector.broadcast %broadcast_in_dim3A_2798 : i32 to vector<16xi32>
        %gather3A_2800 = tpu.vector_load_idx %arg10[%add3A_147, %broadcast_in_dim3A_2799] : memref<400x128xf32, #tpu.memory_space<vmem>>[vector<16xi32>, vector<16xi32>], vector<16xf32>,
        %slice3A_2801 = vector.extract_strided_slice %get3A_33 {offsets = [8], sizes = [1], strides = [1]} : vector<16xf32> to vector<1xf32>
        %squeeze3A_2802 = vector.extract %slice3A_2801[0] : f32 from vector<1xf32>
        %slice3A_2803 = vector.extract_strided_slice %get3A_65 {offsets = [8], sizes = [1], strides = [1]} : vector<16xf32> to vector<1xf32>
        %squeeze3A_2804 = vector.extract %slice3A_2803[0] : f32 from vector<1xf32>
        %sub3A_2805 = arith.subf %gather3A_2800, %mul3A_1199 : vector<16xf32>
        %mul3A_2806 = arith.mulf %sub3A_2805, %mul3A_1239 : vector<16xf32>
        %mul3A_2807 = vector.broadcast %squeeze3A_2802 : f32 to vector<16xf32>
        %mul3A_2808 = arith.mulf %mul3A_2806, %mul3A_2807 : vector<16xf32>
        %add3A_2809 = vector.broadcast %squeeze3A_2804 : f32 to vector<16xf32>
        %add3A_2810 = arith.addf %mul3A_2808, %add3A_2809 : vector<16xf32>
        tpu.vector_store_idx %arg10[%add3A_147, %broadcast_in_dim3A_2799], %add3A_2810 : memref<400x128xf32, #tpu.memory_space<vmem>>[vector<16xi32>, vector<16xi32>], vector<16xf32>,
        %broadcast_in_dim3A_2811 = arith.constant 121 : i32
        %broadcast_in_dim3A_2812 = vector.broadcast %broadcast_in_dim3A_2811 : i32 to vector<16xi32>
        %gather3A_2813 = tpu.vector_load_idx %arg10[%add3A_147, %broadcast_in_dim3A_2812] : memref<400x128xf32, #tpu.memory_space<vmem>>[vector<16xi32>, vector<16xi32>], vector<16xf32>,
        %slice3A_2814 = vector.extract_strided_slice %get3A_33 {offsets = [9], sizes = [1], strides = [1]} : vector<16xf32> to vector<1xf32>
        %squeeze3A_2815 = vector.extract %slice3A_2814[0] : f32 from vector<1xf32>
        %slice3A_2816 = vector.extract_strided_slice %get3A_65 {offsets = [9], sizes = [1], strides = [1]} : vector<16xf32> to vector<1xf32>
        %squeeze3A_2817 = vector.extract %slice3A_2816[0] : f32 from vector<1xf32>
        %sub3A_2818 = arith.subf %gather3A_2813, %mul3A_1199 : vector<16xf32>
        %mul3A_2819 = arith.mulf %sub3A_2818, %mul3A_1239 : vector<16xf32>
        %mul3A_2820 = vector.broadcast %squeeze3A_2815 : f32 to vector<16xf32>
        %mul3A_2821 = arith.mulf %mul3A_2819, %mul3A_2820 : vector<16xf32>
        %add3A_2822 = vector.broadcast %squeeze3A_2817 : f32 to vector<16xf32>
        %add3A_2823 = arith.addf %mul3A_2821, %add3A_2822 : vector<16xf32>
        tpu.vector_store_idx %arg10[%add3A_147, %broadcast_in_dim3A_2812], %add3A_2823 : memref<400x128xf32, #tpu.memory_space<vmem>>[vector<16xi32>, vector<16xi32>], vector<16xf32>,
        %broadcast_in_dim3A_2824 = arith.constant 122 : i32
        %broadcast_in_dim3A_2825 = vector.broadcast %broadcast_in_dim3A_2824 : i32 to vector<16xi32>
        %gather3A_2826 = tpu.vector_load_idx %arg10[%add3A_147, %broadcast_in_dim3A_2825] : memref<400x128xf32, #tpu.memory_space<vmem>>[vector<16xi32>, vector<16xi32>], vector<16xf32>,
        %slice3A_2827 = vector.extract_strided_slice %get3A_33 {offsets = [10], sizes = [1], strides = [1]} : vector<16xf32> to vector<1xf32>
        %squeeze3A_2828 = vector.extract %slice3A_2827[0] : f32 from vector<1xf32>
        %slice3A_2829 = vector.extract_strided_slice %get3A_65 {offsets = [10], sizes = [1], strides = [1]} : vector<16xf32> to vector<1xf32>
        %squeeze3A_2830 = vector.extract %slice3A_2829[0] : f32 from vector<1xf32>
        %sub3A_2831 = arith.subf %gather3A_2826, %mul3A_1199 : vector<16xf32>
        %mul3A_2832 = arith.mulf %sub3A_2831, %mul3A_1239 : vector<16xf32>
        %mul3A_2833 = vector.broadcast %squeeze3A_2828 : f32 to vector<16xf32>
        %mul3A_2834 = arith.mulf %mul3A_2832, %mul3A_2833 : vector<16xf32>
        %add3A_2835 = vector.broadcast %squeeze3A_2830 : f32 to vector<16xf32>
        %add3A_2836 = arith.addf %mul3A_2834, %add3A_2835 : vector<16xf32>
        tpu.vector_store_idx %arg10[%add3A_147, %broadcast_in_dim3A_2825], %add3A_2836 : memref<400x128xf32, #tpu.memory_space<vmem>>[vector<16xi32>, vector<16xi32>], vector<16xf32>,
        %broadcast_in_dim3A_2837 = arith.constant 123 : i32
        %broadcast_in_dim3A_2838 = vector.broadcast %broadcast_in_dim3A_2837 : i32 to vector<16xi32>
        %gather3A_2839 = tpu.vector_load_idx %arg10[%add3A_147, %broadcast_in_dim3A_2838] : memref<400x128xf32, #tpu.memory_space<vmem>>[vector<16xi32>, vector<16xi32>], vector<16xf32>,
        %slice3A_2840 = vector.extract_strided_slice %get3A_33 {offsets = [11], sizes = [1], strides = [1]} : vector<16xf32> to vector<1xf32>
        %squeeze3A_2841 = vector.extract %slice3A_2840[0] : f32 from vector<1xf32>
        %slice3A_2842 = vector.extract_strided_slice %get3A_65 {offsets = [11], sizes = [1], strides = [1]} : vector<16xf32> to vector<1xf32>
        %squeeze3A_2843 = vector.extract %slice3A_2842[0] : f32 from vector<1xf32>
        %sub3A_2844 = arith.subf %gather3A_2839, %mul3A_1199 : vector<16xf32>
        %mul3A_2845 = arith.mulf %sub3A_2844, %mul3A_1239 : vector<16xf32>
        %mul3A_2846 = vector.broadcast %squeeze3A_2841 : f32 to vector<16xf32>
        %mul3A_2847 = arith.mulf %mul3A_2845, %mul3A_2846 : vector<16xf32>
        %add3A_2848 = vector.broadcast %squeeze3A_2843 : f32 to vector<16xf32>
        %add3A_2849 = arith.addf %mul3A_2847, %add3A_2848 : vector<16xf32>
        tpu.vector_store_idx %arg10[%add3A_147, %broadcast_in_dim3A_2838], %add3A_2849 : memref<400x128xf32, #tpu.memory_space<vmem>>[vector<16xi32>, vector<16xi32>], vector<16xf32>,
        %broadcast_in_dim3A_2850 = arith.constant 124 : i32
        %broadcast_in_dim3A_2851 = vector.broadcast %broadcast_in_dim3A_2850 : i32 to vector<16xi32>
        %gather3A_2852 = tpu.vector_load_idx %arg10[%add3A_147, %broadcast_in_dim3A_2851] : memref<400x128xf32, #tpu.memory_space<vmem>>[vector<16xi32>, vector<16xi32>], vector<16xf32>,
        %slice3A_2853 = vector.extract_strided_slice %get3A_33 {offsets = [12], sizes = [1], strides = [1]} : vector<16xf32> to vector<1xf32>
        %squeeze3A_2854 = vector.extract %slice3A_2853[0] : f32 from vector<1xf32>
        %slice3A_2855 = vector.extract_strided_slice %get3A_65 {offsets = [12], sizes = [1], strides = [1]} : vector<16xf32> to vector<1xf32>
        %squeeze3A_2856 = vector.extract %slice3A_2855[0] : f32 from vector<1xf32>
        %sub3A_2857 = arith.subf %gather3A_2852, %mul3A_1199 : vector<16xf32>
        %mul3A_2858 = arith.mulf %sub3A_2857, %mul3A_1239 : vector<16xf32>
        %mul3A_2859 = vector.broadcast %squeeze3A_2854 : f32 to vector<16xf32>
        %mul3A_2860 = arith.mulf %mul3A_2858, %mul3A_2859 : vector<16xf32>
        %add3A_2861 = vector.broadcast %squeeze3A_2856 : f32 to vector<16xf32>
        %add3A_2862 = arith.addf %mul3A_2860, %add3A_2861 : vector<16xf32>
        tpu.vector_store_idx %arg10[%add3A_147, %broadcast_in_dim3A_2851], %add3A_2862 : memref<400x128xf32, #tpu.memory_space<vmem>>[vector<16xi32>, vector<16xi32>], vector<16xf32>,
        %broadcast_in_dim3A_2863 = arith.constant 125 : i32
        %broadcast_in_dim3A_2864 = vector.broadcast %broadcast_in_dim3A_2863 : i32 to vector<16xi32>
        %gather3A_2865 = tpu.vector_load_idx %arg10[%add3A_147, %broadcast_in_dim3A_2864] : memref<400x128xf32, #tpu.memory_space<vmem>>[vector<16xi32>, vector<16xi32>], vector<16xf32>,
        %slice3A_2866 = vector.extract_strided_slice %get3A_33 {offsets = [13], sizes = [1], strides = [1]} : vector<16xf32> to vector<1xf32>
        %squeeze3A_2867 = vector.extract %slice3A_2866[0] : f32 from vector<1xf32>
        %slice3A_2868 = vector.extract_strided_slice %get3A_65 {offsets = [13], sizes = [1], strides = [1]} : vector<16xf32> to vector<1xf32>
        %squeeze3A_2869 = vector.extract %slice3A_2868[0] : f32 from vector<1xf32>
        %sub3A_2870 = arith.subf %gather3A_2865, %mul3A_1199 : vector<16xf32>
        %mul3A_2871 = arith.mulf %sub3A_2870, %mul3A_1239 : vector<16xf32>
        %mul3A_2872 = vector.broadcast %squeeze3A_2867 : f32 to vector<16xf32>
        %mul3A_2873 = arith.mulf %mul3A_2871, %mul3A_2872 : vector<16xf32>
        %add3A_2874 = vector.broadcast %squeeze3A_2869 : f32 to vector<16xf32>
        %add3A_2875 = arith.addf %mul3A_2873, %add3A_2874 : vector<16xf32>
        tpu.vector_store_idx %arg10[%add3A_147, %broadcast_in_dim3A_2864], %add3A_2875 : memref<400x128xf32, #tpu.memory_space<vmem>>[vector<16xi32>, vector<16xi32>], vector<16xf32>,
        %broadcast_in_dim3A_2876 = arith.constant 126 : i32
        %broadcast_in_dim3A_2877 = vector.broadcast %broadcast_in_dim3A_2876 : i32 to vector<16xi32>
        %gather3A_2878 = tpu.vector_load_idx %arg10[%add3A_147, %broadcast_in_dim3A_2877] : memref<400x128xf32, #tpu.memory_space<vmem>>[vector<16xi32>, vector<16xi32>], vector<16xf32>,
        %slice3A_2879 = vector.extract_strided_slice %get3A_33 {offsets = [14], sizes = [1], strides = [1]} : vector<16xf32> to vector<1xf32>
        %squeeze3A_2880 = vector.extract %slice3A_2879[0] : f32 from vector<1xf32>
        %slice3A_2881 = vector.extract_strided_slice %get3A_65 {offsets = [14], sizes = [1], strides = [1]} : vector<16xf32> to vector<1xf32>
        %squeeze3A_2882 = vector.extract %slice3A_2881[0] : f32 from vector<1xf32>
        %sub3A_2883 = arith.subf %gather3A_2878, %mul3A_1199 : vector<16xf32>
        %mul3A_2884 = arith.mulf %sub3A_2883, %mul3A_1239 : vector<16xf32>
        %mul3A_2885 = vector.broadcast %squeeze3A_2880 : f32 to vector<16xf32>
        %mul3A_2886 = arith.mulf %mul3A_2884, %mul3A_2885 : vector<16xf32>
        %add3A_2887 = vector.broadcast %squeeze3A_2882 : f32 to vector<16xf32>
        %add3A_2888 = arith.addf %mul3A_2886, %add3A_2887 : vector<16xf32>
        tpu.vector_store_idx %arg10[%add3A_147, %broadcast_in_dim3A_2877], %add3A_2888 : memref<400x128xf32, #tpu.memory_space<vmem>>[vector<16xi32>, vector<16xi32>], vector<16xf32>,
        %broadcast_in_dim3A_2889 = arith.constant 127 : i32
        %broadcast_in_dim3A_2890 = vector.broadcast %broadcast_in_dim3A_2889 : i32 to vector<16xi32>
        %gather3A_2891 = tpu.vector_load_idx %arg10[%add3A_147, %broadcast_in_dim3A_2890] : memref<400x128xf32, #tpu.memory_space<vmem>>[vector<16xi32>, vector<16xi32>], vector<16xf32>,
        %slice3A_2892 = vector.extract_strided_slice %get3A_33 {offsets = [15], sizes = [1], strides = [1]} : vector<16xf32> to vector<1xf32>
        %squeeze3A_2893 = vector.extract %slice3A_2892[0] : f32 from vector<1xf32>
        %slice3A_2894 = vector.extract_strided_slice %get3A_65 {offsets = [15], sizes = [1], strides = [1]} : vector<16xf32> to vector<1xf32>
        %squeeze3A_2895 = vector.extract %slice3A_2894[0] : f32 from vector<1xf32>
        %sub3A_2896 = arith.subf %gather3A_2891, %mul3A_1199 : vector<16xf32>
        %mul3A_2897 = arith.mulf %sub3A_2896, %mul3A_1239 : vector<16xf32>
        %mul3A_2898 = vector.broadcast %squeeze3A_2893 : f32 to vector<16xf32>
        %mul3A_2899 = arith.mulf %mul3A_2897, %mul3A_2898 : vector<16xf32>
        %add3A_2900 = vector.broadcast %squeeze3A_2895 : f32 to vector<16xf32>
        %add3A_2901 = arith.addf %mul3A_2899, %add3A_2900 : vector<16xf32>
        tpu.vector_store_idx %arg10[%add3A_147, %broadcast_in_dim3A_2890], %add3A_2901 : memref<400x128xf32, #tpu.memory_space<vmem>>[vector<16xi32>, vector<16xi32>], vector<16xf32>,
      }
      %scan3A_142 = arith.constant 25 : i32
      "tpu.region"() ({
        %run_scoped3A = tpu.sem_alloc : memref<!tpu.dma_semaphore, #tpu.memory_space<semaphore_mem>>
        %dma_start3A_143 = arith.constant 0 : i32
        %dma_start3A_144 = tpu.memref_slice %arg7[%add3A_74, %dma_start3A_143] : memref<204800x128xf32, #tpu.memory_space<hbm>> -> memref<400x128xf32, #tpu.memory_space<hbm>>
        %dma_start3A_145 = arith.constant 0 : i32
        %dma_start3A_146 = tpu.memref_slice %arg7[%add3A_74, %dma_start3A_145] : memref<204800x128xf32, #tpu.memory_space<hbm>> -> memref<400x128xf32, #tpu.memory_space<hbm>>
        tpu.enqueue_dma source(%arg10 : memref<400x128xf32, #tpu.memory_space<vmem>>) target(%dma_start3A_146 : memref<400x128xf32, #tpu.memory_space<hbm>>) target_semaphore(%run_scoped3A : memref<!tpu.dma_semaphore, #tpu.memory_space<semaphore_mem>>)
        %dma_wait3A_147 = arith.constant 0 : i32
        %dma_wait3A_148 = tpu.memref_slice %arg7[%add3A_74, %dma_wait3A_147] : memref<204800x128xf32, #tpu.memory_space<hbm>> -> memref<400x128xf32, #tpu.memory_space<hbm>>
        %dma_wait3A_149 = arith.constant 0 : i32
        %dma_wait3A_150 = tpu.memref_slice %arg7[%add3A_74, %dma_wait3A_149] : memref<204800x128xf32, #tpu.memory_space<hbm>> -> memref<400x128xf32, #tpu.memory_space<hbm>>
        tpu.wait_dma2 semaphore(%run_scoped3A : memref<!tpu.dma_semaphore, #tpu.memory_space<semaphore_mem>>) src(%arg10 : memref<400x128xf32, #tpu.memory_space<vmem>>) dst(%dma_wait3A_150 : memref<400x128xf32, #tpu.memory_space<hbm>>)
        tpu.yield
      }) : () -> ()
    }
    %scan3A_70 = arith.constant 16 : i32
    return
  }
}

</mosaic_0001>

<sc_bundles>
// kernel: kernel.3.cloned.1.call-start
scs
__scs_entry_jumppad:
0x0: {  	(pc) =	sbr.rel $0x88, $3  }
0x1: {  	(tag) =	ssettag $0x0;
	lr =	simm.s32 $0x1  }
0x2: {  	[smem:$0x3F9A] =	sst lr;
	_ =	strace $0xD0000000  }
0x3: {  	_ = 	snop  }
0x4: {  	_ = 	snop  }
0x5: {  	_ = 	snop  }
0x6: {  	_ = 	snop  }
0x7: {  	_ = 	snop  }
__scs_overlays_trampoline_lowered:
0x8: {  	[smem:$0x3FA9] =	sst s0  }
0x9: {  	[smem:$0x3FAA] =	sst s1  }
0xa: {  	[smem:$0x3FAB] =	sst s2  }
0xb: {  	[smem:$0x3FAC] =	sst s3  }
0xc: {  	[smem:$0x3FAD] =	sst s4  }
0xd: {  	[smem:$0x3FAE] =	sst s5  }
0xe: {  	[smem:$0x3FAF] =	sst s6  }
0xf: {  	[smem:$0x3FB0] =	sst s7  }
0x10: {  	[smem:$0x3FB1] =	sst s8  }
0x11: {  	[smem:$0x3FB2] =	sst s9;
	s0 =	simm.s32 @!p0 $0x0  }
0x12: {  	s1 =	sld [smem:$0x3F98];
	s0 =	simm.s32 @p0 $0x1  }
0x13: {  	[smem:$0x3FB3] =	sst s0;
	s0 =	simm.s32 @!p1 $0x0  }
0x14: {  	s2 =	sld [smem:$0x3F97];
	s0 =	simm.s32 @p1 $0x1  }
0x15: {  	[smem:$0x3FB4] =	sst s0;
	s0 =	simm.s32 @!p2 $0x0  }
0x16: {  	s3 =	sld [smem:$0x3FDB];
	s0 =	simm.s32 @p2 $0x1  }
0x17: {  	s4 =	simm.s32 $0x1BF5;
	[smem:$0x3FB6] =	sst s0  }
0x18: {  	s0 =	sld [smem:$0x3F99];
	_ =	swait.ge [sflag:s4], $0x0  }
0x19: {  	s7 =	sld [smem:$0x3F9A]  }
0x1a: {  	s8 =	sadd.s32 $0xFFFFE003, lr  }
0x1b: {  	s9 =	sadd.s32 $0xFFFFFEF7, lr;
	s5 =	simm.s32 $0xFFFFFFFF;
	p2 =	slt.u32 s8, $0xFFFFF086  }
0x1c: {  	p1 =	slt.u32 s9, $0xF7A;
	s5 =	simm.s32 @!p2 $0x0  }
0x1d: {  	s5 =	simm.s32 @p1 $0x1;
	p0 =	seq.s32 s7, s2  }
0x1e: {  	s7 =	smul.u32 @!p0 $0xF7A, s2;
	p2 =	seq.s32 @!p0 s5, $0x0  }
0x1f: {  	s9 =	smul.u32 $0xF7A, s1;
	s8 =	simm.s32 @!p0 $0x1BF5;
	p2 =	por !p2, p0  }
0x20: {  	[sflag:s8] =	ssyncset.s32 @!p0 $0xFFFFF086;
	s6 =	sadd.s32 @!p0 s3, s7;
	s7 =	simm.s32 @!p0 $0x108  }
0x21: {  	s3 =	sadd.s32 s3, s9;
	s6 =	sadd.s32 @!p0 $0x88, s6;
	s7 =	simm.s32 @p2 $0x1082  }
0x22: {  	[simem:s7], [sflag:s8] =	dma.local @!p0 [hbm:s6], $0xF7A  }
0x23: {  	s9 =	sor.u32 $0xD0000000, s2;
	s6 =	simm.s32 $0x108;
	_ =	swait.ge @!p0 [sflag:s8], $0x0  }
0x24: {  	s3 =	sadd.s32 $0x88, s3;
	s6 =	simm.s32 @!p1 $0x1082;
	[sflag:s4] =	ssyncset.s32 $0xFFFFF086  }
0x25: {  	[simem:s6], [sflag:s4] =	dma.local [hbm:s3], $0xF7A  }
0x26: {  	[smem:$0x3F9A] =	sst s1;
	(tag) =	ssettag s2;
	_ =	strace s9  }
0x27: {  	s1 =	sld [smem:$0x3FAA]  }
0x28: {  	s2 =	sld [smem:$0x3FAB]  }
0x29: {  	s4 =	sld [smem:$0x3FAD]  }
0x2a: {  	p0 =	seq.s32 s5, $0x0;
	s5 =	sld [smem:$0x3FAE]  }
0x2b: {  	s6 =	sld [smem:$0x3FAF]  }
0x2c: {  	s7 =	sld [smem:$0x3FB0]  }
0x2d: {  	s3 =	simm.s32 $0x108;
	s8 =	sld [smem:$0x3FB1]  }
0x2e: {  	s3 =	simm.s32 @!p0 $0x1082;
	s9 =	sld [smem:$0x3FB2]  }
0x2f: {  	lr =	sadd.s32 s0, s3;
	s0 =	sld [smem:$0x3FA9]  }
0x30: {  	s3 =	sld [smem:$0x3FAC]  }
0x31: {  	[smem:$0x3FB5] =	sst s10  }
0x32: {  	s10 =	sld [smem:$0x3FB3];
	_ =	sdelay $0x3  }
0x33: {  	p0 =	seq.s32 s10, $0x1;
	s10 =	sld [smem:$0x3FB5];
	_ =	sdelay $0x3  }
0x34: {  	[smem:$0x3FB5] =	sst s10  }
0x35: {  	s10 =	sld [smem:$0x3FB4];
	_ =	sdelay $0x3  }
0x36: {  	p1 =	seq.s32 s10, $0x1;
	s10 =	sld [smem:$0x3FB5];
	_ =	sdelay $0x3  }
0x37: {  	[smem:$0x3FB5] =	sst s10  }
0x38: {  	s10 =	sld [smem:$0x3FB6]  }
0x39: {  	_ = 	snop;
	(pc) =	sbr.ind lr, $3  }
0x3a: {  	_ = 	snop  }
0x3b: {  	_ = 	snop  }
0x3c: {  	p2 =	seq.s32 s10, $0x1;
	s10 =	sld [smem:$0x3FB5]  }
0x3d: {  	_ =	shalt  }
0x3e: {  	_ =	shalt  }
0x3f: {  	_ =	shalt  }
0x40: {  	_ =	shalt  }
0x41: {  	_ =	shalt  }
0x42: {  	_ =	shalt  }
0x43: {  	_ =	shalt  }
0x44: {  	_ =	shalt  }
0x45: {  	_ =	shalt  }
0x46: {  	_ =	shalt  }
0x47: {  	_ =	shalt  }
0x48: {  	_ =	shalt  }
0x49: {  	_ =	shalt  }
0x4a: {  	_ =	shalt  }
0x4b: {  	_ =	shalt  }
0x4c: {  	_ =	shalt  }
0x4d: {  	_ =	shalt  }
0x4e: {  	_ =	shalt  }
0x4f: {  	_ =	shalt  }
0x50: {  	_ =	shalt  }
0x51: {  	_ =	shalt  }
0x52: {  	_ =	shalt  }
0x53: {  	_ =	shalt  }
0x54: {  	_ =	shalt  }
0x55: {  	_ =	shalt  }
0x56: {  	_ =	shalt  }
0x57: {  	_ =	shalt  }
0x58: {  	_ =	shalt  }
0x59: {  	_ =	shalt  }
0x5a: {  	_ =	shalt  }
0x5b: {  	_ =	shalt  }
0x5c: {  	_ =	shalt  }
0x5d: {  	_ =	shalt  }
0x5e: {  	_ =	shalt  }
0x5f: {  	_ =	shalt  }
0x60: {  	_ =	shalt  }
0x61: {  	_ =	shalt  }
0x62: {  	_ =	shalt  }
0x63: {  	_ =	shalt  }
0x64: {  	_ =	shalt  }
0x65: {  	_ =	shalt  }
0x66: {  	_ =	shalt  }
0x67: {  	_ =	shalt  }
0x68: {  	_ =	shalt  }
0x69: {  	_ =	shalt  }
0x6a: {  	_ =	shalt  }
0x6b: {  	_ =	shalt  }
0x6c: {  	_ =	shalt  }
0x6d: {  	_ =	shalt  }
0x6e: {  	_ =	shalt  }
0x6f: {  	_ =	shalt  }
0x70: {  	_ =	shalt  }
0x71: {  	_ =	shalt  }
0x72: {  	_ =	shalt  }
0x73: {  	_ =	shalt  }
0x74: {  	_ =	shalt  }
0x75: {  	_ =	shalt  }
0x76: {  	_ =	shalt  }
0x77: {  	_ =	shalt  }
0x78: {  	_ =	shalt  }
0x79: {  	_ =	shalt  }
0x7a: {  	_ =	shalt  }
0x7b: {  	_ =	shalt  }
0x7c: {  	_ =	shalt  }
0x7d: {  	_ =	shalt  }
0x7e: {  	_ =	shalt  }
0x7f: {  	_ =	shalt  }
0x80: {  	_ =	shalt  }
0x81: {  	_ =	shalt  }
0x82: {  	_ =	shalt  }
0x83: {  	_ =	shalt  }
0x84: {  	_ =	shalt  }
0x85: {  	_ =	shalt  }
0x86: {  	_ =	shalt  }
0x87: {  	_ =	shalt  }
.Lfunc_end0:
.L_simem_size_0:
called_computation_lowered:
.L_overlay_start_0:
0x88: {  	s2 =	sld [smem:$0x3FD9]  }
0x89: {  	s3 =	sld [smem:$0x3FFE];
	_ =	sdelay $0x1  }
0x8a: {  	s1 =	srdreg.scid  }
0x8b: {  	s0 =	sand.u32 $0x1, s1  }
0x8c: {  	s17 =	sshll.u32 s0, $0xA;
	s2 =	sadd.s32 s3, s2  }
0x8d: {  	s2 =	sadd.s32 s2, s17  }
0x8e: {  	[smem:$0x3FC1] =	sst s2  }
0x8f: {  	_ = 	snop  }
0x90: {  	s2 =	sld [smem:$0x3FC7]  }
0x91: {  	s18 =	sld [smem:$0x3FD0];
	(tm) =	ssettm $0x1  }
0x92: {  	s4 =	sld [smem:$0x3FFB];
	_ =	sdelay $0x3  }
0x93: {  	_ =	strace s4  }
0x94: {  	s4 =	sld [smem:$0x3FFC];
	_ =	sdelay $0x3  }
0x95: {  	_ =	strace s4  }
0x96: {  	s4 =	sld [smem:$0x3FFD];
	_ =	sdelay $0x3  }
0x97: {  	_ =	strace s4  }
0x98: {  	_ =	strace $0x8FFFFFFF  }
0x99: {  	s19 =	sld [smem:$0x3FDB];
	_ =	sdelay $0x1  }
0x9a: {  	s5 =	simm.s32 $_scs_section_size  }
0x9b: {  	s6 =	simm.s32 $_size__tile_overlayer_lowered;
	s7 =	simm.s32 $_tile_overlayer_lowered  }
0x9c: {  	s22 =	simm.s32 $0x1BFF;
	s21 =	sshll.u32 s7, $0x1;
	s4 =	sadd.s32 s5, s19  }
0x9d: {  	s8 =	simm.s32 $0x0;
	s20 =	sshll.u32 s6, $0x1;
	s6 =	sadd.s32 s21, s4  }
0x9e: {  	[timem:s8], [sflag:s22] =	dma.local [hbm:s6], s20  }
0x9f: {  	_ =	swait.ge [sflag:s22], s20  }
0xa0: {  	s5 =	ssub.s32 $0x0, s20;
	[sflag:s22] =	ssyncset.done $0x0  }
0xa1: {  	[sflag:s22] =	ssyncadd.s32 s5;
	_ =	sdelay $0x1  }
0xa2: {  	s23 =	simm.s32 $0x1B8B  }
0xa3: {  	_ =	swait.ge [sflag:s23], $0x1  }
0xa4: {  	[sflag:s23] =	ssyncset.done $0x0  }
0xa5: {  	s25 =	simm.s32 $0x1B8E;
	s24 =	sld [smem:$0x3FFE];
	[sflag:s23] =	ssyncadd.s32 $0xFFFFFFFF  }
0xa6: {  	s26 =	simm.s32 $execute0_lowered;
	[smem:$0x3FD2] =	sst s25  }
0xa7: {  	s6 =	sshll.u32 s26, $0x1;
	_ =	strace $0x80000046;
	[dreg:$0x1] =	wrdreg $0xFFFFFFFF  }
0xa8: {  	s28 =	simm.s32 $_size_execute0_lowered;
	s4 =	sadd.s32 s4, s6;
	[dreg:$0x0] =	wrdreg $0x0  }
0xa9: {  	s6 =	sshll.u32 s28, $0x1;
	[dreg:$0x2] =	wrdreg s4  }
0xaa: {  	[dreg:$0x3] =	wrdreg s6  }
0xab: {  	[dreg:$0x4] =	wrdreg $0xC0  }
0xac: {  	_ =	task [dreg:s8], $0x5FFFF  }
0xad: {  	[dreg:$0x1] =	wrdreg $0xFFFFFFFF  }
0xae: {  	[dreg:$0x0] =	wrdreg $0x60  }
0xaf: {  	[dreg:$0x2] =	wrdreg s24  }
0xb0: {  	[dreg:$0x3] =	wrdreg s2  }
0xb1: {  	[dreg:$0x4] =	wrdreg s18  }
0xb2: {  	[dreg:$0x5] =	wrdreg $0x9  }
0xb3: {  	_ =	task.clear_ibuf [dreg:s8], $0x6FFFF;
	_ =	strace $0x90000046  }
0xb4: {  	s29 =	simm.s32 $0x9;
	_ =	strace $0x80000048  }
0xb5: {  	_ =	swait.ge [sflag:s29], $0x1  }
0xb6: {  	[sflag:s29] =	ssyncadd.s32 $0xFFFFFFFF  }
0xb7: {  	_ =	strace $0x90000048  }
0xb8: {  	_ =	sfence  }
0xb9: {  	s30 =	sld [smem:$0x0];
	_ =	sdelay $0x2  }
0xba: {  	s31 =	sshll.u32 s1, $0xD;
	s1 =	sshrl.u32 s1, $0x2  }
0xbb: {  	s3 =	sand.u32 $0x4000, s31;
	s1 =	sadd.s32 s1, s30  }
0xbc: {  	s0 =	sor.u32 s3, s0;
	s1 =	sshll.u32 s1, $0x11  }
0xbd: {  	s0 =	sor.u32 s1, s0  }
0xbe: {  	s0 =	sadd.s32 $0x8F2B, s0  }
0xbf: {  	[sflag:s0] =	ssyncadd.remote.s32 $0x1  }
0xc0: {  	_ =	sfence.sel $0xFFFF  }
0xc1: {  	[dreg:$0x0] =	wrdreg $0xFFFFFFFF;
	(pc) =	sbr.abs _section_cstart, $3  }
0xc2: {  	[dreg:$0x1] =	wrdreg $0xFFFFFFFF  }
0xc3: {  	_ =	task.clear_ibuf [dreg:s8], $0x2FFFF;
	_ =	strace $0x9FFFFFFF  }
0xc4: {  	(tm) =	ssettm $0x7FFFFFFF  }
0xc5: {  	_ =	shalt  }
tec
execute0_lowered:
.L_overlay_start_1:
0x0: {  	(tag) =	ssettag $0x1  }
0x1: {  	s8 =	rddreg [dreg:$0x0]  }
0x2: {  	s1 =	rddreg [dreg:$0x1]  }
0x3: {  	s2 =	rddreg [dreg:$0x2]  }
0x4: {  	s0 =	rddreg [dreg:$0x3]  }
0x5: {  	s3 =	simm.s32 $0x0;
	s4 =	srdreg.scid;
	s13 =	simm.s32 $0x19400  }
0x6: {  	s14 =	simm.s32 $0x80;
	s15 =	simm.s32 $0x400;
	s16 =	simm.s32 $0x4400  }
0x7: {  	s17 =	simm.s32 $0x100;
	s18 =	simm.s32 $0x8400;
	s19 =	simm.s32 $0x10  }
0x8: {  	s20 =	simm.s32 $0x180;
	s21 =	simm.s32 $0xC400;
	s22 =	simm.s32 $0x1  }
0x9: {  	s23 =	simm.s32 $0x0;
	[smem:$0x7FF] =	sst s3;
	s5 =	sadd.s32 $0x400, s8  }
0xa: {  	s9 =	sand.u32 $0x1, s4;
	s6 =	sadd.s32 $0x6800, s8;
	s4 =	stileid.u32  }
0xb: {  	s7 =	sadd.s32 $0xCE00, s8;
	s8 =	sadd.s32 $0xCC00, s8;
	s10 =	ssub.s32 $0x2, s9  }
0xc: {  	_ =	strace $0x80000047;
	s12 =	sshll.u32 s4, $0x1;
	s11 =	sshrl.u32 s10, $0x1  }
0xd: {  	s9 =	sor.u32 s9, s12;
	s12 =	simm.s32 $0x2;
	s10 =	ssub.s32 s10, s11  }
0xe: {  	v4 =	vlaneseq.u32;
	s9 =	smul.u32 $0x1900, s9;
	s11 =	simm.s32 $0xCC00;
	s10 =	smax.u32 s10, $0x1  }
.LBB2_1:
0xf: {  	[tilespmem:s11], [sflag:$0x2] =	stream.linear.gather [hbm4b:s7+s3], $0xC800, $0x38;
	[tilespmem:$0x19500] =	vst v63  }
0x10: {  	_ =	swait.ge [sflag:s12], $0xC800  }
0x11: {  	[sflag:s12] =	ssyncset.done $0x0  }
0x12: {  	[sflag:s12] =	ssyncadd.s32 $0xFFFF3800  }
0x13: {  	[tilespmem:s13], [sflag:$0x2] =	stream.linear.gather [hbm4b:s8+s3], $0x100, $0x38;
	[tilespmem:$0x19500] =	vst v63  }
0x14: {  	_ =	swait.ge [sflag:s12], $0x100  }
0x15: {  	[sflag:s12] =	ssyncset.done $0x0  }
0x16: {  	[sflag:s12] =	ssyncadd.s32 $0xFFFFFF00  }
0x17: {  	v0 =	vld [tilespmem:$0x19400]  }
0x18: {  	v1 =	vld [tilespmem:$0x19480];
	_ =	sdelay $0x3  }
0x19: {  	v2 =	vbroadcast v0, $0x0  }
0x1a: {  	v26 =	vbroadcast v1, $0x0  }
0x1b: {  	v27 =	vbroadcast v0, $0x1;
	[tilespmem:$0x1F000] =	vst v2  }
0x1c: {  	v28 =	vbroadcast v1, $0x1;
	[tilespmem:$0x1F010] =	vst v26  }
0x1d: {  	v29 =	vbroadcast v0, $0x2;
	[tilespmem:$0x1F020] =	vst v27  }
0x1e: {  	v30 =	vbroadcast v1, $0x2;
	[tilespmem:$0x1F030] =	vst v28  }
0x1f: {  	v31 =	vbroadcast v0, $0x3;
	[tilespmem:$0x1F040] =	vst v29  }
0x20: {  	v32 =	vbroadcast v1, $0x3;
	[tilespmem:$0x1F050] =	vst v30  }
0x21: {  	v33 =	vbroadcast v0, $0x4;
	[tilespmem:$0x1F060] =	vst v31  }
0x22: {  	v34 =	vbroadcast v1, $0x4;
	[tilespmem:$0x1F070] =	vst v32  }
0x23: {  	v35 =	vbroadcast v0, $0x5;
	[tilespmem:$0x1F080] =	vst v33  }
0x24: {  	v36 =	vbroadcast v1, $0x5;
	[tilespmem:$0x1F090] =	vst v34  }
0x25: {  	v37 =	vbroadcast v0, $0x6;
	[tilespmem:$0x1F0A0] =	vst v35  }
0x26: {  	v43 =	vld [tilespmem:$0x19410];
	v38 =	vbroadcast v1, $0x6;
	[tilespmem:$0x1F0B0] =	vst v36  }
0x27: {  	v3 =	vld [tilespmem:$0x19490];
	v39 =	vbroadcast v0, $0x7;
	[tilespmem:$0x1F0C0] =	vst v37  }
0x28: {  	v40 =	vbroadcast v1, $0x7;
	[tilespmem:$0x1F0D0] =	vst v38  }
0x29: {  	v41 =	vbroadcast v0, $0x8;
	[tilespmem:$0x1F0E0] =	vst v39  }
0x2a: {  	v42 =	vbroadcast v1, $0x8;
	[tilespmem:$0x1F0F0] =	vst v40  }
0x2b: {  	v44 =	vbroadcast v43, $0x7;
	[tilespmem:$0x1F100] =	vst v41  }
0x2c: {  	v46 =	vbroadcast v3, $0x7;
	[tilespmem:$0x1F110] =	vst v42  }
0x2d: {  	v47 =	vbroadcast v43, $0x8;
	[tilespmem:$0x1F120] =	vst v44  }
0x2e: {  	v49 =	vbroadcast v3, $0x8;
	[tilespmem:$0x1F130] =	vst v46  }
0x2f: {  	v50 =	vbroadcast v43, $0x9;
	[tilespmem:$0x1F140] =	vst v47  }
0x30: {  	v51 =	vbroadcast v3, $0x9;
	[tilespmem:$0x1F150] =	vst v49  }
0x31: {  	v52 =	vbroadcast v43, $0xA;
	[tilespmem:$0x1F160] =	vst v50  }
0x32: {  	v53 =	vbroadcast v3, $0xA;
	[tilespmem:$0x1F170] =	vst v51  }
0x33: {  	v60 =	vbroadcast v43, $0xB;
	[tilespmem:$0x1F180] =	vst v52  }
0x34: {  	v55 =	vld [tilespmem:$0x19420];
	v61 =	vbroadcast v3, $0xB;
	[tilespmem:$0x1F190] =	vst v53  }
0x35: {  	v62 =	vbroadcast v43, $0xC;
	[tilespmem:$0x1F1A0] =	vst v60  }
0x36: {  	v8 =	vbroadcast v3, $0xC;
	[tilespmem:$0x1F1B0] =	vst v61  }
0x37: {  	v19 =	vbroadcast v43, $0xD;
	[tilespmem:$0x1F1C0] =	vst v62  }
0x38: {  	v23 =	vbroadcast v3, $0xD;
	[tilespmem:$0x1F1D0] =	vst v8  }
0x39: {  	v56 =	vbroadcast v55, $0x6;
	[tilespmem:$0x1F1E0] =	vst v19  }
0x3a: {  	v58 =	vbroadcast v55, $0x7;
	[tilespmem:$0x1F1F0] =	vst v23  }
0x3b: {  	v59 =	vbroadcast v55, $0x8;
	[tilespmem:$0x1F2A0] =	vst v56  }
0x3c: {  	v9 =	vbroadcast v1, $0x9;
	[tilespmem:$0x1F2B0] =	vst v58  }
0x3d: {  	v16 =	vbroadcast v0, $0xA;
	[tilespmem:$0x1F2C0] =	vst v59  }
0x3e: {  	v15 =	vbroadcast v1, $0xA;
	[tilespmem:$0x1FD60] =	vst v9  }
0x3f: {  	v45 =	vbroadcast v1, $0xB;
	[tilespmem:$0x1FD70] =	vst v16  }
0x40: {  	v22 =	vbroadcast v0, $0xD;
	[tilespmem:$0x1FD80] =	vst v15  }
0x41: {  	v13 =	vbroadcast v1, $0xD;
	[tilespmem:$0x1FDA0] =	vst v45  }
0x42: {  	v21 =	vbroadcast v1, $0xE;
	[tilespmem:$0x1FDD0] =	vst v22  }
0x43: {  	v20 =	vbroadcast v0, $0xF;
	[tilespmem:$0x1FDE0] =	vst v13  }
0x44: {  	v12 =	vbroadcast v43, $0x0;
	[tilespmem:$0x1FE00] =	vst v21  }
0x45: {  	v48 =	vbroadcast v3, $0x0;
	[tilespmem:$0x1FE10] =	vst v20  }
0x46: {  	v10 =	vbroadcast v43, $0x1;
	[tilespmem:$0x1FE30] =	vst v12  }
0x47: {  	v25 =	vbroadcast v43, $0x2;
	[tilespmem:$0x1FE40] =	vst v48  }
0x48: {  	v14 =	vbroadcast v3, $0x2;
	[tilespmem:$0x1FE50] =	vst v10  }
0x49: {  	v54 =	vbroadcast v43, $0x3;
	[tilespmem:$0x1FE70] =	vst v25  }
0x4a: {  	v18 =	vbroadcast v3, $0x3;
	[tilespmem:$0x1FE80] =	vst v14  }
0x4b: {  	v57 =	vbroadcast v43, $0x4;
	[tilespmem:$0x1FE90] =	vst v54  }
0x4c: {  	v17 =	vbroadcast v3, $0x4;
	[tilespmem:$0x1FEA0] =	vst v18  }
0x4d: {  	v11 =	vbroadcast v3, $0x5;
	[tilespmem:$0x1FEB0] =	vst v57  }
0x4e: {  	v24 =	vbroadcast v43, $0x6;
	[tilespmem:$0x1FEC0] =	vst v17  }
0x4f: {  	v63 =	vbroadcast v3, $0x6;
	[tilespmem:$0x1FEE0] =	vst v11  }
0x50: {  	v29 =	vbroadcast v43, $0xE;
	[tilespmem:$0x1FEF0] =	vst v24  }
0x51: {  	v31 =	vbroadcast v43, $0xF;
	[tilespmem:$0x1FF00] =	vst v63  }
0x52: {  	v32 =	vbroadcast v3, $0xE;
	[tilespmem:$0x1F200] =	vst v29  }
0x53: {  	v34 =	vbroadcast v3, $0xF;
	[tilespmem:$0x1F210] =	vst v31  }
0x54: {  	v37 =	vbroadcast v55, $0x0;
	[tilespmem:$0x1F220] =	vst v32  }
0x55: {  	v38 =	vbroadcast v55, $0x1;
	[tilespmem:$0x1F230] =	vst v34  }
0x56: {  	v40 =	vbroadcast v55, $0x2;
	[tilespmem:$0x1F240] =	vst v37  }
0x57: {  	v41 =	vbroadcast v55, $0x3;
	[tilespmem:$0x1F250] =	vst v38  }
0x58: {  	v42 =	vbroadcast v55, $0x4;
	[tilespmem:$0x1F260] =	vst v40  }
0x59: {  	v30 =	vbroadcast v43, $0x5;
	v43 =	vbroadcast v55, $0x5;
	[tilespmem:$0x1F270] =	vst v41  }
0x5a: {  	v60 =	vbroadcast v55, $0x9;
	[tilespmem:$0x1F280] =	vst v42  }
0x5b: {  	v61 =	vbroadcast v55, $0xA;
	[tilespmem:$0x1F290] =	vst v43  }
0x5c: {  	v62 =	vbroadcast v55, $0xB;
	[tilespmem:$0x1F2D0] =	vst v60  }
0x5d: {  	v27 =	vbroadcast v0, $0x9;
	v8 =	vbroadcast v55, $0xC;
	[tilespmem:$0x1F2E0] =	vst v61  }
0x5e: {  	v35 =	vbroadcast v0, $0xB;
	v19 =	vbroadcast v55, $0xD;
	[tilespmem:$0x1F2F0] =	vst v62  }
0x5f: {  	v33 =	vbroadcast v0, $0xC;
	v23 =	vbroadcast v55, $0xE;
	[tilespmem:$0x1F300] =	vst v8  }
0x60: {  	v39 =	vbroadcast v0, $0xE;
	v0 =	vbroadcast v55, $0xF;
	[tilespmem:$0x1F310] =	vst v19  }
0x61: {  	[tilespmem:$0x1F320] =	vst v23  }
0x62: {  	[tilespmem:$0x1F330] =	vst v0  }
0x63: {  	[tilespmem:$0x1FD50] =	vst v27  }
0x64: {  	v28 =	vbroadcast v1, $0xC;
	v44 =	vld [tilespmem:$0x194A0];
	[tilespmem:$0x1FD90] =	vst v35  }
0x65: {  	[tilespmem:$0x1FDB0] =	vst v33  }
0x66: {  	v26 =	vbroadcast v1, $0xF;
	[tilespmem:$0x1FDC0] =	vst v28  }
0x67: {  	v36 =	vbroadcast v3, $0x1;
	[tilespmem:$0x1FDF0] =	vst v39  }
0x68: {  	[tilespmem:$0x1FE20] =	vst v26  }
0x69: {  	[tilespmem:$0x1FE60] =	vst v36;
	v29 =	vbroadcast v44, $0x0  }
0x6a: {  	[tilespmem:$0x1FED0] =	vst v30;
	v31 =	vbroadcast v44, $0x1  }
0x6b: {  	v32 =	vbroadcast v44, $0x2;
	[tilespmem:$0x1F340] =	vst v29  }
0x6c: {  	v34 =	vbroadcast v44, $0x3;
	[tilespmem:$0x1F350] =	vst v31  }
0x6d: {  	v37 =	vbroadcast v44, $0x4;
	[tilespmem:$0x1F360] =	vst v32  }
0x6e: {  	v38 =	vbroadcast v44, $0x5;
	[tilespmem:$0x1F370] =	vst v34  }
0x6f: {  	v46 =	vbroadcast v44, $0x6;
	[tilespmem:$0x1F380] =	vst v37  }
0x70: {  	v47 =	vbroadcast v44, $0x7;
	[tilespmem:$0x1F390] =	vst v38  }
0x71: {  	v49 =	vbroadcast v44, $0x8;
	[tilespmem:$0x1F3A0] =	vst v46  }
0x72: {  	v50 =	vbroadcast v44, $0x9;
	[tilespmem:$0x1F3B0] =	vst v47  }
0x73: {  	v51 =	vbroadcast v44, $0xA;
	[tilespmem:$0x1F3C0] =	vst v49  }
0x74: {  	v40 =	vld [tilespmem:$0x19430];
	v52 =	vbroadcast v44, $0xB;
	[tilespmem:$0x1F3D0] =	vst v50  }
0x75: {  	v53 =	vbroadcast v44, $0xC;
	[tilespmem:$0x1F3E0] =	vst v51  }
0x76: {  	v55 =	vbroadcast v44, $0xD;
	[tilespmem:$0x1F3F0] =	vst v52  }
0x77: {  	v56 =	vbroadcast v44, $0xE;
	[tilespmem:$0x1F400] =	vst v53  }
0x78: {  	v1 =	vbroadcast v44, $0xF;
	[tilespmem:$0x1F410] =	vst v55  }
0x79: {  	[tilespmem:$0x1F420] =	vst v56;
	v58 =	vbroadcast v40, $0x0  }
0x7a: {  	[tilespmem:$0x1F430] =	vst v1;
	v59 =	vbroadcast v40, $0x1  }
0x7b: {  	v60 =	vbroadcast v40, $0x2;
	[tilespmem:$0x1F440] =	vst v58  }
0x7c: {  	v61 =	vbroadcast v40, $0x3;
	[tilespmem:$0x1F450] =	vst v59  }
0x7d: {  	v62 =	vbroadcast v40, $0x4;
	[tilespmem:$0x1F460] =	vst v60  }
0x7e: {  	v8 =	vbroadcast v40, $0x5;
	[tilespmem:$0x1F470] =	vst v61  }
0x7f: {  	v41 =	vbroadcast v40, $0x6;
	[tilespmem:$0x1F480] =	vst v62  }
0x80: {  	v42 =	vbroadcast v40, $0x7;
	[tilespmem:$0x1F490] =	vst v8  }
0x81: {  	v43 =	vbroadcast v40, $0x8;
	[tilespmem:$0x1F4A0] =	vst v41  }
0x82: {  	v44 =	vbroadcast v40, $0x9;
	[tilespmem:$0x1F4B0] =	vst v42  }
0x83: {  	v46 =	vbroadcast v40, $0xA;
	[tilespmem:$0x1F4C0] =	vst v43  }
0x84: {  	v19 =	vld [tilespmem:$0x194B0];
	v47 =	vbroadcast v40, $0xB;
	[tilespmem:$0x1F4D0] =	vst v44  }
0x85: {  	v49 =	vbroadcast v40, $0xC;
	[tilespmem:$0x1F4E0] =	vst v46  }
0x86: {  	v50 =	vbroadcast v40, $0xD;
	[tilespmem:$0x1F4F0] =	vst v47  }
0x87: {  	v51 =	vbroadcast v40, $0xE;
	[tilespmem:$0x1F500] =	vst v49  }
0x88: {  	v0 =	vbroadcast v40, $0xF;
	[tilespmem:$0x1F510] =	vst v50  }
0x89: {  	v52 =	vbroadcast v19, $0x0;
	[tilespmem:$0x1F520] =	vst v51  }
0x8a: {  	v53 =	vbroadcast v19, $0x1;
	[tilespmem:$0x1F530] =	vst v0  }
0x8b: {  	v55 =	vbroadcast v19, $0x2;
	[tilespmem:$0x1F540] =	vst v52  }
0x8c: {  	v56 =	vbroadcast v19, $0x3;
	[tilespmem:$0x1F550] =	vst v53  }
0x8d: {  	v23 =	vbroadcast v19, $0x6;
	[tilespmem:$0x1F560] =	vst v55  }
0x8e: {  	v29 =	vbroadcast v19, $0x7;
	[tilespmem:$0x1F570] =	vst v56  }
0x8f: {  	v31 =	vbroadcast v19, $0x8;
	[tilespmem:$0x1F5A0] =	vst v23  }
0x90: {  	v32 =	vbroadcast v19, $0x9;
	[tilespmem:$0x1F5B0] =	vst v29  }
0x91: {  	v34 =	vbroadcast v19, $0xA;
	[tilespmem:$0x1F5C0] =	vst v31  }
0x92: {  	v37 =	vbroadcast v19, $0xB;
	[tilespmem:$0x1F5D0] =	vst v32  }
0x93: {  	v38 =	vbroadcast v19, $0xC;
	[tilespmem:$0x1F5E0] =	vst v34  }
0x94: {  	v40 =	vbroadcast v19, $0xD;
	v60 =	vld [tilespmem:$0x19440];
	[tilespmem:$0x1F5F0] =	vst v37  }
0x95: {  	v1 =	vbroadcast v19, $0xF;
	[tilespmem:$0x1F600] =	vst v38  }
0x96: {  	v58 =	vbroadcast v19, $0x4;
	[tilespmem:$0x1F610] =	vst v40  }
0x97: {  	v59 =	vbroadcast v19, $0x5;
	[tilespmem:$0x1F630] =	vst v1  }
0x98: {  	v41 =	vbroadcast v19, $0xE;
	[tilespmem:$0x1F580] =	vst v58  }
0x99: {  	[tilespmem:$0x1F590] =	vst v59;
	v42 =	vbroadcast v60, $0x0  }
0x9a: {  	[tilespmem:$0x1F620] =	vst v41;
	v43 =	vbroadcast v60, $0x1  }
0x9b: {  	v44 =	vbroadcast v60, $0x2;
	[tilespmem:$0x1F640] =	vst v42  }
0x9c: {  	v46 =	vbroadcast v60, $0x3;
	[tilespmem:$0x1F650] =	vst v43  }
0x9d: {  	v47 =	vbroadcast v60, $0x4;
	[tilespmem:$0x1F660] =	vst v44  }
0x9e: {  	v49 =	vbroadcast v60, $0x5;
	[tilespmem:$0x1F670] =	vst v46  }
0x9f: {  	v61 =	vbroadcast v60, $0x6;
	[tilespmem:$0x1F680] =	vst v47  }
0xa0: {  	v62 =	vbroadcast v60, $0x7;
	[tilespmem:$0x1F690] =	vst v49  }
0xa1: {  	v8 =	vbroadcast v60, $0x8;
	[tilespmem:$0x1F6A0] =	vst v61  }
0xa2: {  	v19 =	vbroadcast v60, $0x9;
	[tilespmem:$0x1F6B0] =	vst v62  }
0xa3: {  	v23 =	vbroadcast v60, $0xA;
	[tilespmem:$0x1F6C0] =	vst v8  }
0xa4: {  	v50 =	vld [tilespmem:$0x194C0];
	v29 =	vbroadcast v60, $0xB;
	[tilespmem:$0x1F6D0] =	vst v19  }
0xa5: {  	v31 =	vbroadcast v60, $0xC;
	[tilespmem:$0x1F6E0] =	vst v23  }
0xa6: {  	v32 =	vbroadcast v60, $0xD;
	[tilespmem:$0x1F6F0] =	vst v29  }
0xa7: {  	v34 =	vbroadcast v60, $0xE;
	[tilespmem:$0x1F700] =	vst v31  }
0xa8: {  	v0 =	vbroadcast v60, $0xF;
	[tilespmem:$0x1F710] =	vst v32  }
0xa9: {  	v37 =	vbroadcast v50, $0x0;
	[tilespmem:$0x1F720] =	vst v34  }
0xaa: {  	v38 =	vbroadcast v50, $0x1;
	[tilespmem:$0x1F730] =	vst v0  }
0xab: {  	v40 =	vbroadcast v50, $0x2;
	[tilespmem:$0x1F740] =	vst v37  }
0xac: {  	v41 =	vbroadcast v50, $0x3;
	[tilespmem:$0x1F750] =	vst v38  }
0xad: {  	v51 =	vbroadcast v50, $0x6;
	[tilespmem:$0x1F760] =	vst v40  }
0xae: {  	v52 =	vbroadcast v50, $0x7;
	[tilespmem:$0x1F770] =	vst v41  }
0xaf: {  	v53 =	vbroadcast v50, $0x8;
	[tilespmem:$0x1F7A0] =	vst v51  }
0xb0: {  	v55 =	vbroadcast v50, $0x9;
	[tilespmem:$0x1F7B0] =	vst v52  }
0xb1: {  	v56 =	vbroadcast v50, $0xA;
	[tilespmem:$0x1F7C0] =	vst v53  }
0xb2: {  	v58 =	vbroadcast v50, $0xB;
	[tilespmem:$0x1F7D0] =	vst v55  }
0xb3: {  	v59 =	vbroadcast v50, $0xC;
	[tilespmem:$0x1F7E0] =	vst v56  }
0xb4: {  	v60 =	vbroadcast v50, $0xD;
	v44 =	vld [tilespmem:$0x19450];
	[tilespmem:$0x1F7F0] =	vst v58  }
0xb5: {  	v1 =	vbroadcast v50, $0xF;
	[tilespmem:$0x1F800] =	vst v59  }
0xb6: {  	v42 =	vbroadcast v50, $0x4;
	[tilespmem:$0x1F810] =	vst v60  }
0xb7: {  	v43 =	vbroadcast v50, $0x5;
	[tilespmem:$0x1F830] =	vst v1  }
0xb8: {  	v61 =	vbroadcast v50, $0xE;
	[tilespmem:$0x1F780] =	vst v42  }
0xb9: {  	[tilespmem:$0x1F790] =	vst v43;
	v62 =	vbroadcast v44, $0x0  }
0xba: {  	[tilespmem:$0x1F820] =	vst v61;
	v8 =	vbroadcast v44, $0x1  }
0xbb: {  	v19 =	vbroadcast v44, $0x2;
	[tilespmem:$0x1F840] =	vst v62  }
0xbc: {  	v23 =	vbroadcast v44, $0x3;
	[tilespmem:$0x1F850] =	vst v8  }
0xbd: {  	v29 =	vbroadcast v44, $0x4;
	[tilespmem:$0x1F860] =	vst v19  }
0xbe: {  	v31 =	vbroadcast v44, $0x5;
	[tilespmem:$0x1F870] =	vst v23  }
0xbf: {  	v46 =	vbroadcast v44, $0x6;
	[tilespmem:$0x1F880] =	vst v29  }
0xc0: {  	v47 =	vbroadcast v44, $0x7;
	[tilespmem:$0x1F890] =	vst v31  }
0xc1: {  	v49 =	vbroadcast v44, $0x8;
	[tilespmem:$0x1F8A0] =	vst v46  }
0xc2: {  	v50 =	vbroadcast v44, $0x9;
	[tilespmem:$0x1F8B0] =	vst v47  }
0xc3: {  	v51 =	vbroadcast v44, $0xA;
	[tilespmem:$0x1F8C0] =	vst v49  }
0xc4: {  	v32 =	vld [tilespmem:$0x194D0];
	v52 =	vbroadcast v44, $0xB;
	[tilespmem:$0x1F8D0] =	vst v50  }
0xc5: {  	v53 =	vbroadcast v44, $0xC;
	[tilespmem:$0x1F8E0] =	vst v51  }
0xc6: {  	v55 =	vbroadcast v44, $0xD;
	[tilespmem:$0x1F8F0] =	vst v52  }
0xc7: {  	v56 =	vbroadcast v44, $0xE;
	[tilespmem:$0x1F900] =	vst v53  }
0xc8: {  	v0 =	vbroadcast v44, $0xF;
	[tilespmem:$0x1F910] =	vst v55  }
0xc9: {  	v58 =	vbroadcast v32, $0x0;
	[tilespmem:$0x1F920] =	vst v56  }
0xca: {  	v59 =	vbroadcast v32, $0x1;
	[tilespmem:$0x1F930] =	vst v0  }
0xcb: {  	v60 =	vbroadcast v32, $0x2;
	[tilespmem:$0x1F940] =	vst v58  }
0xcc: {  	v61 =	vbroadcast v32, $0x3;
	[tilespmem:$0x1F950] =	vst v59  }
0xcd: {  	v34 =	vbroadcast v32, $0x6;
	[tilespmem:$0x1F960] =	vst v60  }
0xce: {  	v37 =	vbroadcast v32, $0x7;
	[tilespmem:$0x1F970] =	vst v61  }
0xcf: {  	v38 =	vbroadcast v32, $0x8;
	[tilespmem:$0x1F9A0] =	vst v34  }
0xd0: {  	v40 =	vbroadcast v32, $0x9;
	[tilespmem:$0x1F9B0] =	vst v37  }
0xd1: {  	v41 =	vbroadcast v32, $0xA;
	[tilespmem:$0x1F9C0] =	vst v38  }
0xd2: {  	v42 =	vbroadcast v32, $0xB;
	[tilespmem:$0x1F9D0] =	vst v40  }
0xd3: {  	v43 =	vbroadcast v32, $0xC;
	[tilespmem:$0x1F9E0] =	vst v41  }
0xd4: {  	v44 =	vbroadcast v32, $0xD;
	v19 =	vld [tilespmem:$0x19460];
	[tilespmem:$0x1F9F0] =	vst v42  }
0xd5: {  	v1 =	vbroadcast v32, $0xF;
	[tilespmem:$0x1FA00] =	vst v43  }
0xd6: {  	v62 =	vbroadcast v32, $0x4;
	[tilespmem:$0x1FA10] =	vst v44  }
0xd7: {  	v8 =	vbroadcast v32, $0x5;
	[tilespmem:$0x1FA30] =	vst v1  }
0xd8: {  	v46 =	vbroadcast v32, $0xE;
	[tilespmem:$0x1F980] =	vst v62  }
0xd9: {  	[tilespmem:$0x1F990] =	vst v8;
	v47 =	vbroadcast v19, $0x0  }
0xda: {  	[tilespmem:$0x1FA20] =	vst v46;
	v49 =	vbroadcast v19, $0x1  }
0xdb: {  	v50 =	vbroadcast v19, $0x2;
	[tilespmem:$0x1FA40] =	vst v47  }
0xdc: {  	v51 =	vbroadcast v19, $0x3;
	[tilespmem:$0x1FA50] =	vst v49  }
0xdd: {  	v52 =	vbroadcast v19, $0x4;
	[tilespmem:$0x1FA60] =	vst v50  }
0xde: {  	v53 =	vbroadcast v19, $0x5;
	[tilespmem:$0x1FA70] =	vst v51  }
0xdf: {  	v23 =	vbroadcast v19, $0x6;
	[tilespmem:$0x1FA80] =	vst v52  }
0xe0: {  	v29 =	vbroadcast v19, $0x7;
	[tilespmem:$0x1FA90] =	vst v53  }
0xe1: {  	v31 =	vbroadcast v19, $0x8;
	[tilespmem:$0x1FAA0] =	vst v23  }
0xe2: {  	v32 =	vbroadcast v19, $0x9;
	[tilespmem:$0x1FAB0] =	vst v29  }
0xe3: {  	v34 =	vbroadcast v19, $0xA;
	[tilespmem:$0x1FAC0] =	vst v31  }
0xe4: {  	v55 =	vld [tilespmem:$0x194E0];
	v37 =	vbroadcast v19, $0xB;
	[tilespmem:$0x1FAD0] =	vst v32  }
0xe5: {  	v38 =	vbroadcast v19, $0xC;
	[tilespmem:$0x1FAE0] =	vst v34  }
0xe6: {  	v40 =	vbroadcast v19, $0xD;
	[tilespmem:$0x1FAF0] =	vst v37  }
0xe7: {  	v41 =	vbroadcast v19, $0xE;
	[tilespmem:$0x1FB00] =	vst v38  }
0xe8: {  	v0 =	vbroadcast v19, $0xF;
	[tilespmem:$0x1FB10] =	vst v40  }
0xe9: {  	v42 =	vbroadcast v55, $0x0;
	[tilespmem:$0x1FB20] =	vst v41  }
0xea: {  	v43 =	vbroadcast v55, $0x1;
	[tilespmem:$0x1FB30] =	vst v0  }
0xeb: {  	v44 =	vbroadcast v55, $0x2;
	[tilespmem:$0x1FB40] =	vst v42  }
0xec: {  	v46 =	vbroadcast v55, $0x3;
	[tilespmem:$0x1FB50] =	vst v43  }
0xed: {  	v56 =	vbroadcast v55, $0x6;
	[tilespmem:$0x1FB60] =	vst v44  }
0xee: {  	v58 =	vbroadcast v55, $0x7;
	[tilespmem:$0x1FB70] =	vst v46  }
0xef: {  	v59 =	vbroadcast v55, $0x8;
	[tilespmem:$0x1FBA0] =	vst v56  }
0xf0: {  	v60 =	vbroadcast v55, $0x9;
	[tilespmem:$0x1FBB0] =	vst v58  }
0xf1: {  	v61 =	vbroadcast v55, $0xA;
	[tilespmem:$0x1FBC0] =	vst v59  }
0xf2: {  	v62 =	vbroadcast v55, $0xB;
	[tilespmem:$0x1FBD0] =	vst v60  }
0xf3: {  	v8 =	vbroadcast v55, $0xC;
	[tilespmem:$0x1FBE0] =	vst v61  }
0xf4: {  	v1 =	vbroadcast v55, $0xF;
	v50 =	vld [tilespmem:$0x19470];
	[tilespmem:$0x1FBF0] =	vst v62  }
0xf5: {  	v19 =	vbroadcast v55, $0xD;
	[tilespmem:$0x1FC00] =	vst v8  }
0xf6: {  	v47 =	vbroadcast v55, $0x4;
	[tilespmem:$0x1FC30] =	vst v1;
	v1 =	vld [tilespmem:$0x194F0]  }
0xf7: {  	v49 =	vbroadcast v55, $0x5;
	[tilespmem:$0x1FC10] =	vst v19  }
0xf8: {  	v23 =	vbroadcast v55, $0xE;
	[tilespmem:$0x1FB80] =	vst v47  }
0xf9: {  	[tilespmem:$0x1FB90] =	vst v49;
	v29 =	vbroadcast v50, $0x0  }
0xfa: {  	[tilespmem:$0x1FC20] =	vst v23;
	v31 =	vbroadcast v50, $0x1  }
0xfb: {  	v37 =	vbroadcast v1, $0x0;
	[tilespmem:$0x1FC40] =	vst v29  }
0xfc: {  	v40 =	vbroadcast v1, $0x1;
	[tilespmem:$0x1FC50] =	vst v31  }
0xfd: {  	v41 =	vbroadcast v1, $0x2;
	[tilespmem:$0x1FC60] =	vst v37  }
0xfe: {  	v42 =	vbroadcast v1, $0x3;
	[tilespmem:$0x1FC70] =	vst v40  }
0xff: {  	v44 =	vbroadcast v1, $0x4;
	[tilespmem:$0x1FC80] =	vst v41  }
0x100: {  	v46 =	vbroadcast v1, $0x5;
	[tilespmem:$0x1FC90] =	vst v42  }
0x101: {  	v49 =	vbroadcast v1, $0x6;
	[tilespmem:$0x1FCA0] =	vst v44  }
0x102: {  	v51 =	vbroadcast v1, $0x8;
	[tilespmem:$0x1FCB0] =	vst v46  }
0x103: {  	v53 =	vbroadcast v1, $0x9;
	[tilespmem:$0x1FCC0] =	vst v49  }
0x104: {  	v55 =	vbroadcast v1, $0xA;
	[tilespmem:$0x1FCE0] =	vst v51  }
0x105: {  	v58 =	vbroadcast v1, $0xB;
	[tilespmem:$0x1FCF0] =	vst v53  }
0x106: {  	v59 =	vbroadcast v1, $0xC;
	[tilespmem:$0x1FD00] =	vst v55  }
0x107: {  	v60 =	vbroadcast v1, $0xD;
	[tilespmem:$0x1FD10] =	vst v58  }
0x108: {  	v62 =	vbroadcast v1, $0xE;
	[tilespmem:$0x1FD20] =	vst v59  }
0x109: {  	v61 =	vbroadcast v50, $0x2;
	[tilespmem:$0x1FD30] =	vst v60  }
0x10a: {  	v56 =	vbroadcast v50, $0x3;
	[tilespmem:$0x1FD40] =	vst v62  }
0x10b: {  	v52 =	vbroadcast v50, $0x4;
	[tilespmem:$0x1FF10] =	vst v61  }
0x10c: {  	v47 =	vbroadcast v50, $0x5;
	[tilespmem:$0x1FF20] =	vst v56  }
0x10d: {  	v43 =	vbroadcast v50, $0x6;
	[tilespmem:$0x1FF30] =	vst v52  }
0x10e: {  	v38 =	vbroadcast v50, $0x7;
	[tilespmem:$0x1FF40] =	vst v47  }
0x10f: {  	v34 =	vbroadcast v50, $0x8;
	[tilespmem:$0x1FF50] =	vst v43  }
0x110: {  	v23 =	vbroadcast v50, $0xA;
	[tilespmem:$0x1FF60] =	vst v38  }
0x111: {  	v19 =	vbroadcast v50, $0xB;
	[tilespmem:$0x1FF70] =	vst v34  }
0x112: {  	v7 =	vbroadcast v50, $0xC;
	[tilespmem:$0x1FF90] =	vst v23  }
0x113: {  	v6 =	vbroadcast v50, $0xD;
	[tilespmem:$0x1FFA0] =	vst v19  }
0x114: {  	v5 =	vbroadcast v50, $0xE;
	[tilespmem:$0x1FFB0] =	vst v7  }
0x115: {  	v32 =	vbroadcast v50, $0xF;
	[tilespmem:$0x1FFC0] =	vst v6  }
0x116: {  	v29 =	vbroadcast v50, $0x9;
	v50 =	vbroadcast v1, $0x7;
	[tilespmem:$0x1FFD0] =	vst v5  }
0x117: {  	[tilespmem:$0x1FFE0] =	vst v32  }
0x118: {  	v1 =	vbroadcast v1, $0xF;
	[tilespmem:$0x1FCD0] =	vst v50  }
0x119: {  	[tilespmem:$0x1FF80] =	vst v29  }
0x11a: {  	s24 =	simm.s32 $0x0;
	[tilespmem:$0x1FFF0] =	vst v1  }
.LBB2_2:
0x11b: {  	s25 =	smul.u32 $0x190, s24;
	_ =	sdelay $0x1  }
0x11c: {  	s25 =	sadd.s32 s9, s25  }
0x11d: {  	s28 =	sshrl.u32 s25, $0x3  }
0x11e: {  	s26 =	simm.s32 $0x0;
	s29 =	sadd.s32 s5, s28  }
0x11f: {  	[tilespmem:s26], [sflag:$0x2] =	stream.linear.gather [hbm4b:s29+s26], $0x190, $0x38;
	[tilespmem:$0x19500] =	vst v63  }
0x120: {  	_ =	swait.ge [sflag:s12], $0x190  }
0x121: {  	[sflag:s12] =	ssyncset.done $0x0  }
0x122: {  	s31 =	sadd.s32 s6, s28;
	s28 =	simm.s32 $0x200;
	[sflag:s12] =	ssyncadd.s32 $0xFFFFFE70  }
0x123: {  	[tilespmem:s28], [sflag:$0x2] =	stream.linear.gather [hbm4b:s31+s26], $0x190, $0x38;
	[tilespmem:$0x19500] =	vst v63  }
0x124: {  	_ =	swait.ge [sflag:s12], $0x190  }
0x125: {  	[sflag:s12] =	ssyncset.done $0x0  }
0x126: {  	[sflag:s12] =	ssyncadd.s32 $0xFFFFFE70  }
0x127: {  	[tilespmem:s15], [sflag:$0x1] =	stream.indirect.gather [hbm4b:s1+s14], $0x80, s26, s14, $0xb8;
	[tilespmem:$0x19500] =	vst v63  }
0x128: {  	_ = 	snop  }
0x129: {  	[tilespmem:s16], [sflag:$0x1] =	stream.indirect.gather [hbm4b:s1+s14], $0x80, s14, s14, $0xb8;
	[tilespmem:$0x19500] =	vst v63  }
0x12a: {  	_ = 	snop  }
0x12b: {  	[tilespmem:s18], [sflag:$0x1] =	stream.indirect.gather [hbm4b:s1+s14], $0x80, s17, s14, $0xb8;
	[tilespmem:$0x19500] =	vst v63  }
0x12c: {  	_ = 	snop  }
0x12d: {  	[tilespmem:s21], [sflag:$0x1] =	stream.indirect.gather [hbm4b:s1+s19], $0x80, s20, s19, $0xb8;
	[tilespmem:$0x19500] =	vst v63  }
0x12e: {  	_ =	swait.ge [sflag:s22], $0x4000  }
0x12f: {  	[sflag:s22] =	ssyncset.done $0x0  }
0x130: {  	[sflag:s22] =	ssyncadd.s32 $0xFFFFC000  }
0x131: {  	_ =	swait.ge [sflag:s22], $0x4000  }
0x132: {  	[sflag:s22] =	ssyncset.done $0x0  }
0x133: {  	[sflag:s22] =	ssyncadd.s32 $0xFFFFC000  }
0x134: {  	_ =	swait.ge [sflag:s22], $0x4000  }
0x135: {  	[sflag:s22] =	ssyncset.done $0x0  }
0x136: {  	[sflag:s22] =	ssyncadd.s32 $0xFFFFC000  }
0x137: {  	_ =	swait.ge [sflag:s22], $0x800  }
0x138: {  	[sflag:s22] =	ssyncset.done $0x0  }
0x139: {  	[sflag:s22] =	ssyncadd.s32 $0xFFFFF800  }
.LBB2_3:
0x13a: {  	v0 =	vor.u32 s26, v4  }
0x13b: {  	v1 =	vmulhi.u32 $0x51EB851F, v0  }
0x13c: {  	v3 =	vld [tilespmem:s28+$0x0]  }
0x13d: {  	v1 =	vshrl.u32 v1, $0x6  }
0x13e: {  	v1 =	vmul.u32 $0xC8, v1;
	_ =	sdelay $0x1  }
0x13f: {  	v1 =	vsub.s32 v0, v1  }
0x140: {  	v2 =	vshll.u32 v0, $0x7;
	v23 =	vshll.u32 v3, $0x7;
	v22 =	vshll.u32 v1, $0x8  }
0x141: {  	v0 =	vadd.s32 v22, v23;
	_ =	sdelay $0x3  }
0x142: {  	v24 =	vld.idx.msk [tilespmem:v2+s15+$0x0], $0xffff  }
0x143: {  	v3 =	vld.idx.msk [tilespmem:v0+s11+$0x0], $0xffff;
	_ =	sdelay $0x2  }
0x144: {  	v5 =	vor.u32 $0x1, v2  }
0x145: {  	v4 =	vor.u32 $0x1, v0  }
0x146: {  	v8 =	vadd.f32 v3, v24;
	_ =	sdelay $0x1  }
0x147: {  	[tilespmem:v2+s15+$0x0] =	vst.idx.msk $0xffff, v8  }
0x148: {  	v25 =	vld.idx.msk [tilespmem:v5+s15+$0x0], $0xffff  }
0x149: {  	v3 =	vld.idx.msk [tilespmem:v4+s11+$0x0], $0xffff;
	_ =	sdelay $0x2  }
0x14a: {  	v6 =	vor.u32 $0x2, v2  }
0x14b: {  	v4 =	vor.u32 $0x2, v0  }
0x14c: {  	v9 =	vadd.f32 v3, v25;
	_ =	sdelay $0x1  }
0x14d: {  	[tilespmem:v5+s15+$0x0] =	vst.idx.msk $0xffff, v9  }
0x14e: {  	v26 =	vld.idx.msk [tilespmem:v6+s15+$0x0], $0xffff  }
0x14f: {  	v3 =	vld.idx.msk [tilespmem:v4+s11+$0x0], $0xffff;
	_ =	sdelay $0x2  }
0x150: {  	[tilespmem:$0x1E8B0] =	vst v5;
	v5 =	vor.u32 $0x3, v2  }
0x151: {  	v4 =	vor.u32 $0x3, v0  }
0x152: {  	v10 =	vadd.f32 v3, v26;
	_ =	sdelay $0x1  }
0x153: {  	[tilespmem:v6+s15+$0x0] =	vst.idx.msk $0xffff, v10  }
0x154: {  	v27 =	vld.idx.msk [tilespmem:v5+s15+$0x0], $0xffff  }
0x155: {  	v3 =	vld.idx.msk [tilespmem:v4+s11+$0x0], $0xffff;
	_ =	sdelay $0x2  }
0x156: {  	[tilespmem:$0x1E8C0] =	vst v6;
	v6 =	vor.u32 $0x4, v2  }
0x157: {  	v4 =	vor.u32 $0x4, v0  }
0x158: {  	v11 =	vadd.f32 v3, v27;
	_ =	sdelay $0x1  }
0x159: {  	[tilespmem:v5+s15+$0x0] =	vst.idx.msk $0xffff, v11  }
0x15a: {  	v28 =	vld.idx.msk [tilespmem:v6+s15+$0x0], $0xffff  }
0x15b: {  	v3 =	vld.idx.msk [tilespmem:v4+s11+$0x0], $0xffff;
	_ =	sdelay $0x2  }
0x15c: {  	[tilespmem:$0x1E8D0] =	vst v5;
	v5 =	vor.u32 $0x5, v2  }
0x15d: {  	v4 =	vor.u32 $0x5, v0  }
0x15e: {  	v12 =	vadd.f32 v3, v28;
	_ =	sdelay $0x1  }
0x15f: {  	[tilespmem:v6+s15+$0x0] =	vst.idx.msk $0xffff, v12  }
0x160: {  	v29 =	vld.idx.msk [tilespmem:v5+s15+$0x0], $0xffff  }
0x161: {  	v3 =	vld.idx.msk [tilespmem:v4+s11+$0x0], $0xffff;
	_ =	sdelay $0x2  }
0x162: {  	[tilespmem:$0x1E8E0] =	vst v6;
	v6 =	vor.u32 $0x6, v2  }
0x163: {  	v4 =	vor.u32 $0x6, v0  }
0x164: {  	v13 =	vadd.f32 v3, v29;
	_ =	sdelay $0x1  }
0x165: {  	[tilespmem:v5+s15+$0x0] =	vst.idx.msk $0xffff, v13  }
0x166: {  	v30 =	vld.idx.msk [tilespmem:v6+s15+$0x0], $0xffff  }
0x167: {  	v3 =	vld.idx.msk [tilespmem:v4+s11+$0x0], $0xffff;
	_ =	sdelay $0x2  }
0x168: {  	[tilespmem:$0x1E8F0] =	vst v5;
	v5 =	vor.u32 $0x7, v2  }
0x169: {  	v4 =	vor.u32 $0x7, v0  }
0x16a: {  	v14 =	vadd.f32 v3, v30;
	_ =	sdelay $0x1  }
0x16b: {  	[tilespmem:v6+s15+$0x0] =	vst.idx.msk $0xffff, v14  }
0x16c: {  	v31 =	vld.idx.msk [tilespmem:v5+s15+$0x0], $0xffff  }
0x16d: {  	v3 =	vld.idx.msk [tilespmem:v4+s11+$0x0], $0xffff;
	_ =	sdelay $0x2  }
0x16e: {  	[tilespmem:$0x1E900] =	vst v6;
	v6 =	vor.u32 $0x8, v2  }
0x16f: {  	v4 =	vor.u32 $0x8, v0  }
0x170: {  	v15 =	vadd.f32 v3, v31;
	_ =	sdelay $0x1  }
0x171: {  	[tilespmem:v5+s15+$0x0] =	vst.idx.msk $0xffff, v15  }
0x172: {  	v32 =	vld.idx.msk [tilespmem:v6+s15+$0x0], $0xffff  }
0x173: {  	v3 =	vld.idx.msk [tilespmem:v4+s11+$0x0], $0xffff;
	_ =	sdelay $0x2  }
0x174: {  	[tilespmem:$0x1E910] =	vst v5;
	v5 =	vor.u32 $0x9, v2  }
0x175: {  	v4 =	vor.u32 $0x9, v0  }
0x176: {  	v17 =	vadd.f32 v3, v32;
	_ =	sdelay $0x1  }
0x177: {  	[tilespmem:v6+s15+$0x0] =	vst.idx.msk $0xffff, v17  }
0x178: {  	v33 =	vld.idx.msk [tilespmem:v5+s15+$0x0], $0xffff  }
0x179: {  	v3 =	vld.idx.msk [tilespmem:v4+s11+$0x0], $0xffff;
	_ =	sdelay $0x2  }
0x17a: {  	[tilespmem:$0x1E920] =	vst v6;
	v6 =	vor.u32 $0xA, v2  }
0x17b: {  	v4 =	vor.u32 $0xA, v0  }
0x17c: {  	v19 =	vadd.f32 v3, v33;
	_ =	sdelay $0x1  }
0x17d: {  	[tilespmem:v5+s15+$0x0] =	vst.idx.msk $0xffff, v19  }
0x17e: {  	v34 =	vld.idx.msk [tilespmem:v6+s15+$0x0], $0xffff  }
0x17f: {  	v3 =	vld.idx.msk [tilespmem:v4+s11+$0x0], $0xffff;
	_ =	sdelay $0x2  }
0x180: {  	[tilespmem:$0x1E930] =	vst v5;
	v5 =	vor.u32 $0xB, v2  }
0x181: {  	v4 =	vor.u32 $0xB, v0  }
0x182: {  	v1 =	vadd.f32 v3, v34;
	_ =	sdelay $0x1  }
0x183: {  	[tilespmem:v6+s15+$0x0] =	vst.idx.msk $0xffff, v1  }
0x184: {  	[tilespmem:$0x1E5D0] =	vst v1;
	v1 =	vld.idx.msk [tilespmem:v5+s15+$0x0], $0xffff  }
0x185: {  	v3 =	vld.idx.msk [tilespmem:v4+s11+$0x0], $0xffff;
	_ =	sdelay $0x2  }
0x186: {  	[tilespmem:$0x1E940] =	vst v6;
	v6 =	vor.u32 $0xC, v2  }
0x187: {  	v4 =	vor.u32 $0xC, v0  }
0x188: {  	v1 =	vadd.f32 v3, v1;
	_ =	sdelay $0x1  }
0x189: {  	[tilespmem:v5+s15+$0x0] =	vst.idx.msk $0xffff, v1  }
0x18a: {  	[tilespmem:$0x1E5E0] =	vst v1;
	v1 =	vld.idx.msk [tilespmem:v6+s15+$0x0], $0xffff  }
0x18b: {  	v3 =	vld.idx.msk [tilespmem:v4+s11+$0x0], $0xffff;
	_ =	sdelay $0x2  }
0x18c: {  	[tilespmem:$0x1E950] =	vst v5;
	v5 =	vor.u32 $0xD, v2  }
0x18d: {  	v4 =	vor.u32 $0xD, v0  }
0x18e: {  	v1 =	vadd.f32 v3, v1;
	_ =	sdelay $0x1  }
0x18f: {  	[tilespmem:v6+s15+$0x0] =	vst.idx.msk $0xffff, v1  }
0x190: {  	[tilespmem:$0x1E5F0] =	vst v1;
	v1 =	vld.idx.msk [tilespmem:v5+s15+$0x0], $0xffff  }
0x191: {  	v3 =	vld.idx.msk [tilespmem:v4+s11+$0x0], $0xffff;
	_ =	sdelay $0x2  }
0x192: {  	[tilespmem:$0x1E960] =	vst v6;
	v6 =	vor.u32 $0xE, v2  }
0x193: {  	v4 =	vor.u32 $0xE, v0  }
0x194: {  	v1 =	vadd.f32 v3, v1;
	_ =	sdelay $0x1  }
0x195: {  	[tilespmem:v5+s15+$0x0] =	vst.idx.msk $0xffff, v1  }
0x196: {  	[tilespmem:$0x1E600] =	vst v1;
	v1 =	vld.idx.msk [tilespmem:v6+s15+$0x0], $0xffff  }
0x197: {  	v3 =	vld.idx.msk [tilespmem:v4+s11+$0x0], $0xffff;
	_ =	sdelay $0x2  }
0x198: {  	[tilespmem:$0x1E970] =	vst v5;
	v5 =	vor.u32 $0xF, v2  }
0x199: {  	v4 =	vor.u32 $0xF, v0  }
0x19a: {  	v1 =	vadd.f32 v3, v1;
	_ =	sdelay $0x1  }
0x19b: {  	[tilespmem:v6+s15+$0x0] =	vst.idx.msk $0xffff, v1  }
0x19c: {  	[tilespmem:$0x1E610] =	vst v1;
	v1 =	vld.idx.msk [tilespmem:v5+s15+$0x0], $0xffff  }
0x19d: {  	v3 =	vld.idx.msk [tilespmem:v4+s11+$0x0], $0xffff;
	_ =	sdelay $0x2  }
0x19e: {  	[tilespmem:$0x1E980] =	vst v6;
	v6 =	vor.u32 $0x10, v2  }
0x19f: {  	v4 =	vor.u32 $0x10, v0  }
0x1a0: {  	v1 =	vadd.f32 v3, v1;
	_ =	sdelay $0x1  }
0x1a1: {  	[tilespmem:v5+s15+$0x0] =	vst.idx.msk $0xffff, v1  }
0x1a2: {  	[tilespmem:$0x1E620] =	vst v1;
	v1 =	vld.idx.msk [tilespmem:v6+s15+$0x0], $0xffff  }
0x1a3: {  	v3 =	vld.idx.msk [tilespmem:v4+s11+$0x0], $0xffff;
	_ =	sdelay $0x2  }
0x1a4: {  	[tilespmem:$0x1E990] =	vst v5;
	v5 =	vor.u32 $0x11, v2  }
0x1a5: {  	v4 =	vor.u32 $0x11, v0  }
0x1a6: {  	v1 =	vadd.f32 v3, v1;
	_ =	sdelay $0x1  }
0x1a7: {  	[tilespmem:v6+s15+$0x0] =	vst.idx.msk $0xffff, v1  }
0x1a8: {  	[tilespmem:$0x1E630] =	vst v1;
	v1 =	vld.idx.msk [tilespmem:v5+s15+$0x0], $0xffff  }
0x1a9: {  	v3 =	vld.idx.msk [tilespmem:v4+s11+$0x0], $0xffff;
	_ =	sdelay $0x2  }
0x1aa: {  	[tilespmem:$0x1E9A0] =	vst v6;
	v6 =	vor.u32 $0x12, v2  }
0x1ab: {  	v4 =	vor.u32 $0x12, v0  }
0x1ac: {  	v1 =	vadd.f32 v3, v1;
	_ =	sdelay $0x1  }
0x1ad: {  	[tilespmem:v5+s15+$0x0] =	vst.idx.msk $0xffff, v1  }
0x1ae: {  	[tilespmem:$0x1E640] =	vst v1;
	v1 =	vld.idx.msk [tilespmem:v6+s15+$0x0], $0xffff  }
0x1af: {  	v3 =	vld.idx.msk [tilespmem:v4+s11+$0x0], $0xffff;
	_ =	sdelay $0x2  }
0x1b0: {  	[tilespmem:$0x1E9B0] =	vst v5;
	v5 =	vor.u32 $0x13, v2  }
0x1b1: {  	v4 =	vor.u32 $0x13, v0  }
0x1b2: {  	v1 =	vadd.f32 v3, v1;
	_ =	sdelay $0x1  }
0x1b3: {  	[tilespmem:v6+s15+$0x0] =	vst.idx.msk $0xffff, v1  }
0x1b4: {  	[tilespmem:$0x1E650] =	vst v1;
	v1 =	vld.idx.msk [tilespmem:v5+s15+$0x0], $0xffff  }
0x1b5: {  	v3 =	vld.idx.msk [tilespmem:v4+s11+$0x0], $0xffff;
	_ =	sdelay $0x2  }
0x1b6: {  	[tilespmem:$0x1E9C0] =	vst v6;
	v6 =	vor.u32 $0x14, v2  }
0x1b7: {  	v4 =	vor.u32 $0x14, v0  }
0x1b8: {  	v1 =	vadd.f32 v3, v1;
	_ =	sdelay $0x1  }
0x1b9: {  	[tilespmem:v5+s15+$0x0] =	vst.idx.msk $0xffff, v1  }
0x1ba: {  	[tilespmem:$0x1E660] =	vst v1;
	v1 =	vld.idx.msk [tilespmem:v6+s15+$0x0], $0xffff  }
0x1bb: {  	v3 =	vld.idx.msk [tilespmem:v4+s11+$0x0], $0xffff;
	_ =	sdelay $0x2  }
0x1bc: {  	[tilespmem:$0x1E9D0] =	vst v5;
	v5 =	vor.u32 $0x15, v2  }
0x1bd: {  	v4 =	vor.u32 $0x15, v0  }
0x1be: {  	v1 =	vadd.f32 v3, v1;
	_ =	sdelay $0x1  }
0x1bf: {  	[tilespmem:v6+s15+$0x0] =	vst.idx.msk $0xffff, v1  }
0x1c0: {  	[tilespmem:$0x1E670] =	vst v1;
	v1 =	vld.idx.msk [tilespmem:v5+s15+$0x0], $0xffff  }
0x1c1: {  	v3 =	vld.idx.msk [tilespmem:v4+s11+$0x0], $0xffff;
	_ =	sdelay $0x2  }
0x1c2: {  	[tilespmem:$0x1E9E0] =	vst v6;
	v6 =	vor.u32 $0x16, v2  }
0x1c3: {  	v4 =	vor.u32 $0x16, v0  }
0x1c4: {  	v1 =	vadd.f32 v3, v1;
	_ =	sdelay $0x1  }
0x1c5: {  	[tilespmem:v5+s15+$0x0] =	vst.idx.msk $0xffff, v1  }
0x1c6: {  	[tilespmem:$0x1E680] =	vst v1;
	v1 =	vld.idx.msk [tilespmem:v6+s15+$0x0], $0xffff  }
0x1c7: {  	v3 =	vld.idx.msk [tilespmem:v4+s11+$0x0], $0xffff;
	_ =	sdelay $0x2  }
0x1c8: {  	[tilespmem:$0x1E9F0] =	vst v5;
	v5 =	vor.u32 $0x17, v2  }
0x1c9: {  	v4 =	vor.u32 $0x17, v0  }
0x1ca: {  	v1 =	vadd.f32 v3, v1;
	_ =	sdelay $0x1  }
0x1cb: {  	[tilespmem:v6+s15+$0x0] =	vst.idx.msk $0xffff, v1  }
0x1cc: {  	[tilespmem:$0x1E690] =	vst v1;
	v1 =	vld.idx.msk [tilespmem:v5+s15+$0x0], $0xffff  }
0x1cd: {  	v3 =	vld.idx.msk [tilespmem:v4+s11+$0x0], $0xffff;
	_ =	sdelay $0x2  }
0x1ce: {  	[tilespmem:$0x1EA00] =	vst v6;
	v6 =	vor.u32 $0x18, v2  }
0x1cf: {  	v4 =	vor.u32 $0x18, v0  }
0x1d0: {  	v1 =	vadd.f32 v3, v1;
	_ =	sdelay $0x1  }
0x1d1: {  	[tilespmem:v5+s15+$0x0] =	vst.idx.msk $0xffff, v1  }
0x1d2: {  	[tilespmem:$0x1E6A0] =	vst v1;
	v1 =	vld.idx.msk [tilespmem:v6+s15+$0x0], $0xffff  }
0x1d3: {  	v3 =	vld.idx.msk [tilespmem:v4+s11+$0x0], $0xffff;
	_ =	sdelay $0x2  }
0x1d4: {  	[tilespmem:$0x1EA10] =	vst v5;
	v5 =	vor.u32 $0x19, v2  }
0x1d5: {  	v4 =	vor.u32 $0x19, v0  }
0x1d6: {  	v1 =	vadd.f32 v3, v1;
	_ =	sdelay $0x1  }
0x1d7: {  	[tilespmem:v6+s15+$0x0] =	vst.idx.msk $0xffff, v1  }
0x1d8: {  	[tilespmem:$0x1E6B0] =	vst v1;
	v1 =	vld.idx.msk [tilespmem:v5+s15+$0x0], $0xffff  }
0x1d9: {  	v3 =	vld.idx.msk [tilespmem:v4+s11+$0x0], $0xffff;
	_ =	sdelay $0x2  }
0x1da: {  	[tilespmem:$0x1EA20] =	vst v6;
	v6 =	vor.u32 $0x1A, v2  }
0x1db: {  	v4 =	vor.u32 $0x1A, v0  }
0x1dc: {  	v1 =	vadd.f32 v3, v1;
	_ =	sdelay $0x1  }
0x1dd: {  	[tilespmem:v5+s15+$0x0] =	vst.idx.msk $0xffff, v1  }
0x1de: {  	[tilespmem:$0x1E6C0] =	vst v1;
	v1 =	vld.idx.msk [tilespmem:v6+s15+$0x0], $0xffff  }
0x1df: {  	v3 =	vld.idx.msk [tilespmem:v4+s11+$0x0], $0xffff;
	_ =	sdelay $0x2  }
0x1e0: {  	[tilespmem:$0x1EA30] =	vst v5;
	v5 =	vor.u32 $0x1B, v2  }
0x1e1: {  	v4 =	vor.u32 $0x1B, v0  }
0x1e2: {  	v1 =	vadd.f32 v3, v1;
	_ =	sdelay $0x1  }
0x1e3: {  	[tilespmem:v6+s15+$0x0] =	vst.idx.msk $0xffff, v1  }
0x1e4: {  	[tilespmem:$0x1E6D0] =	vst v1;
	v1 =	vld.idx.msk [tilespmem:v5+s15+$0x0], $0xffff  }
0x1e5: {  	v3 =	vld.idx.msk [tilespmem:v4+s11+$0x0], $0xffff;
	_ =	sdelay $0x2  }
0x1e6: {  	[tilespmem:$0x1EA40] =	vst v6;
	v6 =	vor.u32 $0x1C, v2  }
0x1e7: {  	v4 =	vor.u32 $0x1C, v0  }
0x1e8: {  	v1 =	vadd.f32 v3, v1;
	_ =	sdelay $0x1  }
0x1e9: {  	[tilespmem:v5+s15+$0x0] =	vst.idx.msk $0xffff, v1  }
0x1ea: {  	[tilespmem:$0x1E6E0] =	vst v1;
	v1 =	vld.idx.msk [tilespmem:v6+s15+$0x0], $0xffff  }
0x1eb: {  	v3 =	vld.idx.msk [tilespmem:v4+s11+$0x0], $0xffff;
	_ =	sdelay $0x2  }
0x1ec: {  	[tilespmem:$0x1EA50] =	vst v5;
	v5 =	vor.u32 $0x1D, v2  }
0x1ed: {  	v4 =	vor.u32 $0x1D, v0  }
0x1ee: {  	v1 =	vadd.f32 v3, v1;
	_ =	sdelay $0x1  }
0x1ef: {  	[tilespmem:v6+s15+$0x0] =	vst.idx.msk $0xffff, v1  }
0x1f0: {  	[tilespmem:$0x1E6F0] =	vst v1;
	v1 =	vld.idx.msk [tilespmem:v5+s15+$0x0], $0xffff  }
0x1f1: {  	v3 =	vld.idx.msk [tilespmem:v4+s11+$0x0], $0xffff;
	_ =	sdelay $0x2  }
0x1f2: {  	[tilespmem:$0x1EA60] =	vst v6;
	v6 =	vor.u32 $0x1E, v2  }
0x1f3: {  	v4 =	vor.u32 $0x1E, v0  }
0x1f4: {  	v1 =	vadd.f32 v3, v1;
	_ =	sdelay $0x1  }
0x1f5: {  	[tilespmem:v5+s15+$0x0] =	vst.idx.msk $0xffff, v1  }
0x1f6: {  	[tilespmem:$0x1E700] =	vst v1;
	v1 =	vld.idx.msk [tilespmem:v6+s15+$0x0], $0xffff  }
0x1f7: {  	v3 =	vld.idx.msk [tilespmem:v4+s11+$0x0], $0xffff;
	_ =	sdelay $0x2  }
0x1f8: {  	v4 =	vor.u32 $0x1F, v0  }
0x1f9: {  	[tilespmem:$0x1EA70] =	vst v5;
	v5 =	vor.u32 $0x1F, v2  }
0x1fa: {  	v1 =	vadd.f32 v3, v1;
	_ =	sdelay $0x1  }
0x1fb: {  	[tilespmem:v6+s15+$0x0] =	vst.idx.msk $0xffff, v1  }
0x1fc: {  	[tilespmem:$0x1E710] =	vst v1;
	v1 =	vld.idx.msk [tilespmem:v4+s11+$0x0], $0xffff  }
0x1fd: {  	v3 =	vld.idx.msk [tilespmem:v5+s15+$0x0], $0xffff;
	_ =	sdelay $0x2  }
0x1fe: {  	v4 =	vor.u32 $0x20, v0  }
0x1ff: {  	[tilespmem:$0x1EA80] =	vst v6;
	v6 =	vor.u32 $0x20, v2  }
0x200: {  	v1 =	vadd.f32 v1, v3;
	_ =	sdelay $0x1  }
0x201: {  	[tilespmem:v5+s15+$0x0] =	vst.idx.msk $0xffff, v1  }
0x202: {  	[tilespmem:$0x1E720] =	vst v1;
	v1 =	vld.idx.msk [tilespmem:v4+s11+$0x0], $0xffff  }
0x203: {  	v3 =	vld.idx.msk [tilespmem:v6+s15+$0x0], $0xffff;
	_ =	sdelay $0x2  }
0x204: {  	v4 =	vor.u32 $0x21, v0  }
0x205: {  	[tilespmem:$0x1EA90] =	vst v5;
	v5 =	vor.u32 $0x21, v2  }
0x206: {  	v1 =	vadd.f32 v1, v3;
	_ =	sdelay $0x1  }
0x207: {  	[tilespmem:v6+s15+$0x0] =	vst.idx.msk $0xffff, v1  }
0x208: {  	[tilespmem:$0x1E730] =	vst v1;
	v1 =	vld.idx.msk [tilespmem:v4+s11+$0x0], $0xffff  }
0x209: {  	v3 =	vld.idx.msk [tilespmem:v5+s15+$0x0], $0xffff;
	_ =	sdelay $0x2  }
0x20a: {  	v4 =	vor.u32 $0x22, v0  }
0x20b: {  	[tilespmem:$0x1EAA0] =	vst v6;
	v6 =	vor.u32 $0x22, v2  }
0x20c: {  	v1 =	vadd.f32 v1, v3;
	_ =	sdelay $0x1  }
0x20d: {  	[tilespmem:v5+s15+$0x0] =	vst.idx.msk $0xffff, v1  }
0x20e: {  	[tilespmem:$0x1E740] =	vst v1;
	v1 =	vld.idx.msk [tilespmem:v4+s11+$0x0], $0xffff  }
0x20f: {  	v3 =	vld.idx.msk [tilespmem:v6+s15+$0x0], $0xffff;
	_ =	sdelay $0x2  }
0x210: {  	v4 =	vor.u32 $0x23, v0  }
0x211: {  	[tilespmem:$0x1EAB0] =	vst v5;
	v5 =	vor.u32 $0x23, v2  }
0x212: {  	v1 =	vadd.f32 v1, v3;
	_ =	sdelay $0x1  }
0x213: {  	[tilespmem:v6+s15+$0x0] =	vst.idx.msk $0xffff, v1  }
0x214: {  	[tilespmem:$0x1E750] =	vst v1;
	v1 =	vld.idx.msk [tilespmem:v4+s11+$0x0], $0xffff  }
0x215: {  	v3 =	vld.idx.msk [tilespmem:v5+s15+$0x0], $0xffff;
	_ =	sdelay $0x2  }
0x216: {  	v4 =	vor.u32 $0x24, v0  }
0x217: {  	[tilespmem:$0x1EAC0] =	vst v6;
	v6 =	vor.u32 $0x24, v2  }
0x218: {  	v1 =	vadd.f32 v1, v3;
	_ =	sdelay $0x1  }
0x219: {  	[tilespmem:v5+s15+$0x0] =	vst.idx.msk $0xffff, v1  }
0x21a: {  	[tilespmem:$0x1E760] =	vst v1;
	v1 =	vld.idx.msk [tilespmem:v4+s11+$0x0], $0xffff  }
0x21b: {  	v3 =	vld.idx.msk [tilespmem:v6+s15+$0x0], $0xffff;
	_ =	sdelay $0x2  }
0x21c: {  	v4 =	vor.u32 $0x25, v0  }
0x21d: {  	[tilespmem:$0x1EAD0] =	vst v5;
	v5 =	vor.u32 $0x25, v2  }
0x21e: {  	v1 =	vadd.f32 v1, v3;
	_ =	sdelay $0x1  }
0x21f: {  	[tilespmem:v6+s15+$0x0] =	vst.idx.msk $0xffff, v1  }
0x220: {  	[tilespmem:$0x1E770] =	vst v1;
	v1 =	vld.idx.msk [tilespmem:v4+s11+$0x0], $0xffff  }
0x221: {  	v3 =	vld.idx.msk [tilespmem:v5+s15+$0x0], $0xffff;
	_ =	sdelay $0x2  }
0x222: {  	v4 =	vor.u32 $0x26, v0  }
0x223: {  	[tilespmem:$0x1EAE0] =	vst v6;
	v6 =	vor.u32 $0x26, v2  }
0x224: {  	v1 =	vadd.f32 v1, v3;
	_ =	sdelay $0x1  }
0x225: {  	[tilespmem:v5+s15+$0x0] =	vst.idx.msk $0xffff, v1  }
0x226: {  	[tilespmem:$0x1E780] =	vst v1;
	v1 =	vld.idx.msk [tilespmem:v4+s11+$0x0], $0xffff  }
0x227: {  	v3 =	vld.idx.msk [tilespmem:v6+s15+$0x0], $0xffff;
	_ =	sdelay $0x2  }
0x228: {  	v4 =	vor.u32 $0x27, v0  }
0x229: {  	[tilespmem:$0x1EAF0] =	vst v5;
	v5 =	vor.u32 $0x27, v2  }
0x22a: {  	v1 =	vadd.f32 v1, v3;
	_ =	sdelay $0x1  }
0x22b: {  	[tilespmem:v6+s15+$0x0] =	vst.idx.msk $0xffff, v1  }
0x22c: {  	[tilespmem:$0x1E790] =	vst v1;
	v1 =	vld.idx.msk [tilespmem:v4+s11+$0x0], $0xffff  }
0x22d: {  	v3 =	vld.idx.msk [tilespmem:v5+s15+$0x0], $0xffff;
	_ =	sdelay $0x2  }
0x22e: {  	v4 =	vor.u32 $0x28, v0  }
0x22f: {  	[tilespmem:$0x1EB00] =	vst v6;
	v6 =	vor.u32 $0x28, v2  }
0x230: {  	v1 =	vadd.f32 v1, v3;
	_ =	sdelay $0x1  }
0x231: {  	[tilespmem:v5+s15+$0x0] =	vst.idx.msk $0xffff, v1  }
0x232: {  	[tilespmem:$0x1E7A0] =	vst v1;
	v1 =	vld.idx.msk [tilespmem:v4+s11+$0x0], $0xffff  }
0x233: {  	v3 =	vld.idx.msk [tilespmem:v6+s15+$0x0], $0xffff;
	_ =	sdelay $0x2  }
0x234: {  	v4 =	vor.u32 $0x29, v0  }
0x235: {  	[tilespmem:$0x1EB10] =	vst v5;
	v5 =	vor.u32 $0x29, v2  }
0x236: {  	v1 =	vadd.f32 v1, v3;
	_ =	sdelay $0x1  }
0x237: {  	[tilespmem:v6+s15+$0x0] =	vst.idx.msk $0xffff, v1  }
0x238: {  	[tilespmem:$0x1E7B0] =	vst v1;
	v1 =	vld.idx.msk [tilespmem:v4+s11+$0x0], $0xffff  }
0x239: {  	v3 =	vld.idx.msk [tilespmem:v5+s15+$0x0], $0xffff;
	_ =	sdelay $0x2  }
0x23a: {  	v4 =	vor.u32 $0x2A, v0  }
0x23b: {  	[tilespmem:$0x1EB20] =	vst v6;
	v6 =	vor.u32 $0x2A, v2  }
0x23c: {  	v1 =	vadd.f32 v1, v3;
	_ =	sdelay $0x1  }
0x23d: {  	[tilespmem:v5+s15+$0x0] =	vst.idx.msk $0xffff, v1  }
0x23e: {  	[tilespmem:$0x1E7C0] =	vst v1;
	v1 =	vld.idx.msk [tilespmem:v4+s11+$0x0], $0xffff  }
0x23f: {  	v3 =	vld.idx.msk [tilespmem:v6+s15+$0x0], $0xffff;
	_ =	sdelay $0x2  }
0x240: {  	v4 =	vor.u32 $0x2B, v0  }
0x241: {  	[tilespmem:$0x1EB30] =	vst v5;
	v5 =	vor.u32 $0x2B, v2  }
0x242: {  	v1 =	vadd.f32 v1, v3;
	_ =	sdelay $0x1  }
0x243: {  	[tilespmem:v6+s15+$0x0] =	vst.idx.msk $0xffff, v1  }
0x244: {  	[tilespmem:$0x1E7D0] =	vst v1;
	v1 =	vld.idx.msk [tilespmem:v4+s11+$0x0], $0xffff  }
0x245: {  	v3 =	vld.idx.msk [tilespmem:v5+s15+$0x0], $0xffff;
	_ =	sdelay $0x2  }
0x246: {  	v4 =	vor.u32 $0x2C, v0  }
0x247: {  	[tilespmem:$0x1EB40] =	vst v6;
	v6 =	vor.u32 $0x2C, v2  }
0x248: {  	v1 =	vadd.f32 v1, v3;
	_ =	sdelay $0x1  }
0x249: {  	[tilespmem:v5+s15+$0x0] =	vst.idx.msk $0xffff, v1  }
0x24a: {  	[tilespmem:$0x1E7E0] =	vst v1;
	v1 =	vld.idx.msk [tilespmem:v4+s11+$0x0], $0xffff  }
0x24b: {  	v3 =	vld.idx.msk [tilespmem:v6+s15+$0x0], $0xffff;
	_ =	sdelay $0x2  }
0x24c: {  	v4 =	vor.u32 $0x2D, v0  }
0x24d: {  	[tilespmem:$0x1EB50] =	vst v5;
	v5 =	vor.u32 $0x2D, v2  }
0x24e: {  	v1 =	vadd.f32 v1, v3;
	_ =	sdelay $0x1  }
0x24f: {  	[tilespmem:v6+s15+$0x0] =	vst.idx.msk $0xffff, v1  }
0x250: {  	[tilespmem:$0x1E7F0] =	vst v1;
	v1 =	vld.idx.msk [tilespmem:v4+s11+$0x0], $0xffff  }
0x251: {  	v3 =	vld.idx.msk [tilespmem:v5+s15+$0x0], $0xffff;
	_ =	sdelay $0x2  }
0x252: {  	v4 =	vor.u32 $0x2E, v0  }
0x253: {  	[tilespmem:$0x1EB60] =	vst v6;
	v6 =	vor.u32 $0x2E, v2  }
0x254: {  	v1 =	vadd.f32 v1, v3;
	_ =	sdelay $0x1  }
0x255: {  	[tilespmem:v5+s15+$0x0] =	vst.idx.msk $0xffff, v1  }
0x256: {  	[tilespmem:$0x1E800] =	vst v1;
	v1 =	vld.idx.msk [tilespmem:v4+s11+$0x0], $0xffff  }
0x257: {  	v3 =	vld.idx.msk [tilespmem:v6+s15+$0x0], $0xffff;
	_ =	sdelay $0x3  }
0x258: {  	v4 =	vor.u32 $0x2F, v0  }
0x259: {  	[tilespmem:$0x1EB70] =	vst v5;
	v5 =	vor.u32 $0x2F, v2;
	v1 =	vadd.f32 v1, v3  }
0x25a: {  	[tilespmem:$0x1EB80] =	vst v6  }
0x25b: {  	[tilespmem:$0x1E810] =	vst v1  }
0x25c: {  	[tilespmem:v6+s15+$0x0] =	vst.idx.msk $0xffff, v1  }
0x25d: {  	v1 =	vld.idx.msk [tilespmem:v4+s11+$0x0], $0xffff  }
0x25e: {  	v3 =	vld.idx.msk [tilespmem:v5+s15+$0x0], $0xffff;
	_ =	sdelay $0x2  }
0x25f: {  	v4 =	vor.u32 $0x30, v0  }
0x260: {  	v6 =	vor.u32 $0x30, v2  }
0x261: {  	v1 =	vadd.f32 v1, v3;
	_ =	sdelay $0x1  }
0x262: {  	[tilespmem:v5+s15+$0x0] =	vst.idx.msk $0xffff, v1  }
0x263: {  	[tilespmem:$0x1E820] =	vst v1;
	v1 =	vld.idx.msk [tilespmem:v4+s11+$0x0], $0xffff  }
0x264: {  	v3 =	vld.idx.msk [tilespmem:v6+s15+$0x0], $0xffff;
	_ =	sdelay $0x2  }
0x265: {  	v4 =	vor.u32 $0x31, v0  }
0x266: {  	[tilespmem:$0x1EB90] =	vst v5;
	v5 =	vor.u32 $0x31, v2  }
0x267: {  	v1 =	vadd.f32 v1, v3;
	_ =	sdelay $0x1  }
0x268: {  	[tilespmem:v6+s15+$0x0] =	vst.idx.msk $0xffff, v1  }
0x269: {  	[tilespmem:$0x1E830] =	vst v1;
	v1 =	vld.idx.msk [tilespmem:v4+s11+$0x0], $0xffff  }
0x26a: {  	v3 =	vld.idx.msk [tilespmem:v5+s15+$0x0], $0xffff;
	_ =	sdelay $0x2  }
0x26b: {  	v4 =	vor.u32 $0x32, v0  }
0x26c: {  	[tilespmem:$0x1EBA0] =	vst v6;
	v6 =	vor.u32 $0x32, v2  }
0x26d: {  	v63 =	vadd.f32 v1, v3;
	_ =	sdelay $0x1  }
0x26e: {  	[tilespmem:v5+s15+$0x0] =	vst.idx.msk $0xffff, v63  }
0x26f: {  	v35 =	vld.idx.msk [tilespmem:v4+s11+$0x0], $0xffff  }
0x270: {  	v3 =	vld.idx.msk [tilespmem:v6+s15+$0x0], $0xffff;
	_ =	sdelay $0x2  }
0x271: {  	v4 =	vor.u32 $0x33, v0  }
0x272: {  	[tilespmem:$0x1EBB0] =	vst v5;
	v5 =	vor.u32 $0x33, v2  }
0x273: {  	v1 =	vadd.f32 v35, v3;
	_ =	sdelay $0x1  }
0x274: {  	[tilespmem:v6+s15+$0x0] =	vst.idx.msk $0xffff, v1  }
0x275: {  	[tilespmem:$0x1E840] =	vst v1;
	v1 =	vld.idx.msk [tilespmem:v4+s11+$0x0], $0xffff  }
0x276: {  	v3 =	vld.idx.msk [tilespmem:v5+s15+$0x0], $0xffff;
	_ =	sdelay $0x2  }
0x277: {  	v4 =	vor.u32 $0x34, v0  }
0x278: {  	[tilespmem:$0x1EBC0] =	vst v6;
	v6 =	vor.u32 $0x34, v2  }
0x279: {  	v1 =	vadd.f32 v1, v3;
	_ =	sdelay $0x1  }
0x27a: {  	[tilespmem:v5+s15+$0x0] =	vst.idx.msk $0xffff, v1  }
0x27b: {  	[tilespmem:$0x1E850] =	vst v1;
	v1 =	vld.idx.msk [tilespmem:v4+s11+$0x0], $0xffff  }
0x27c: {  	v3 =	vld.idx.msk [tilespmem:v6+s15+$0x0], $0xffff;
	_ =	sdelay $0x2  }
0x27d: {  	v4 =	vor.u32 $0x35, v0  }
0x27e: {  	[tilespmem:$0x1EBD0] =	vst v5;
	v5 =	vor.u32 $0x35, v2  }
0x27f: {  	v1 =	vadd.f32 v1, v3;
	_ =	sdelay $0x1  }
0x280: {  	[tilespmem:v6+s15+$0x0] =	vst.idx.msk $0xffff, v1  }
0x281: {  	[tilespmem:$0x1E860] =	vst v1;
	v1 =	vld.idx.msk [tilespmem:v4+s11+$0x0], $0xffff  }
0x282: {  	v3 =	vld.idx.msk [tilespmem:v5+s15+$0x0], $0xffff;
	_ =	sdelay $0x2  }
0x283: {  	v4 =	vor.u32 $0x36, v0  }
0x284: {  	[tilespmem:$0x1EBE0] =	vst v6;
	v6 =	vor.u32 $0x36, v2  }
0x285: {  	v1 =	vadd.f32 v1, v3;
	_ =	sdelay $0x1  }
0x286: {  	[tilespmem:v5+s15+$0x0] =	vst.idx.msk $0xffff, v1  }
0x287: {  	[tilespmem:$0x1E870] =	vst v1;
	v1 =	vld.idx.msk [tilespmem:v4+s11+$0x0], $0xffff  }
0x288: {  	v3 =	vld.idx.msk [tilespmem:v6+s15+$0x0], $0xffff;
	_ =	sdelay $0x2  }
0x289: {  	v4 =	vor.u32 $0x37, v0  }
0x28a: {  	[tilespmem:$0x1EBF0] =	vst v5;
	v5 =	vor.u32 $0x37, v2  }
0x28b: {  	v57 =	vadd.f32 v1, v3;
	_ =	sdelay $0x1  }
0x28c: {  	[tilespmem:v6+s15+$0x0] =	vst.idx.msk $0xffff, v57  }
0x28d: {  	v36 =	vld.idx.msk [tilespmem:v4+s11+$0x0], $0xffff  }
0x28e: {  	v3 =	vld.idx.msk [tilespmem:v5+s15+$0x0], $0xffff;
	_ =	sdelay $0x2  }
0x28f: {  	v4 =	vor.u32 $0x38, v0  }
0x290: {  	[tilespmem:$0x1EC00] =	vst v6;
	v6 =	vor.u32 $0x38, v2  }
0x291: {  	v1 =	vadd.f32 v36, v3;
	_ =	sdelay $0x1  }
0x292: {  	[tilespmem:v5+s15+$0x0] =	vst.idx.msk $0xffff, v1  }
0x293: {  	[tilespmem:$0x1E880] =	vst v1;
	v1 =	vld.idx.msk [tilespmem:v4+s11+$0x0], $0xffff  }
0x294: {  	v3 =	vld.idx.msk [tilespmem:v6+s15+$0x0], $0xffff;
	_ =	sdelay $0x2  }
0x295: {  	v4 =	vor.u32 $0x39, v0  }
0x296: {  	[tilespmem:$0x1EC10] =	vst v5;
	v5 =	vor.u32 $0x39, v2  }
0x297: {  	v1 =	vadd.f32 v1, v3;
	_ =	sdelay $0x1  }
0x298: {  	[tilespmem:v6+s15+$0x0] =	vst.idx.msk $0xffff, v1  }
0x299: {  	[tilespmem:$0x1E890] =	vst v1;
	v1 =	vld.idx.msk [tilespmem:v4+s11+$0x0], $0xffff  }
0x29a: {  	v3 =	vld.idx.msk [tilespmem:v5+s15+$0x0], $0xffff;
	_ =	sdelay $0x2  }
0x29b: {  	v4 =	vor.u32 $0x3A, v0  }
0x29c: {  	[tilespmem:$0x1EC20] =	vst v6;
	v6 =	vor.u32 $0x3A, v2  }
0x29d: {  	v1 =	vadd.f32 v1, v3;
	_ =	sdelay $0x1  }
0x29e: {  	[tilespmem:v5+s15+$0x0] =	vst.idx.msk $0xffff, v1  }
0x29f: {  	[tilespmem:$0x1E8A0] =	vst v1;
	v1 =	vld.idx.msk [tilespmem:v4+s11+$0x0], $0xffff  }
0x2a0: {  	v3 =	vld.idx.msk [tilespmem:v6+s15+$0x0], $0xffff;
	_ =	sdelay $0x2  }
0x2a1: {  	v4 =	vor.u32 $0x3B, v0  }
0x2a2: {  	[tilespmem:$0x1EC30] =	vst v5;
	v5 =	vor.u32 $0x3B, v2  }
0x2a3: {  	v54 =	vadd.f32 v1, v3;
	_ =	sdelay $0x1  }
0x2a4: {  	[tilespmem:v6+s15+$0x0] =	vst.idx.msk $0xffff, v54  }
0x2a5: {  	v37 =	vld.idx.msk [tilespmem:v4+s11+$0x0], $0xffff  }
0x2a6: {  	v3 =	vld.idx.msk [tilespmem:v5+s15+$0x0], $0xffff;
	_ =	sdelay $0x2  }
0x2a7: {  	v4 =	vor.u32 $0x3C, v0  }
0x2a8: {  	[tilespmem:$0x1EC40] =	vst v6;
	v6 =	vor.u32 $0x3C, v2  }
0x2a9: {  	v62 =	vadd.f32 v37, v3;
	_ =	sdelay $0x1  }
0x2aa: {  	[tilespmem:v5+s15+$0x0] =	vst.idx.msk $0xffff, v62  }
0x2ab: {  	v38 =	vld.idx.msk [tilespmem:v4+s11+$0x0], $0xffff  }
0x2ac: {  	v3 =	vld.idx.msk [tilespmem:v6+s15+$0x0], $0xffff;
	_ =	sdelay $0x2  }
0x2ad: {  	v4 =	vor.u32 $0x3D, v0  }
0x2ae: {  	[tilespmem:$0x1EC50] =	vst v5;
	v5 =	vor.u32 $0x3D, v2  }
0x2af: {  	v61 =	vadd.f32 v38, v3;
	_ =	sdelay $0x1  }
0x2b0: {  	[tilespmem:v6+s15+$0x0] =	vst.idx.msk $0xffff, v61  }
0x2b1: {  	v39 =	vld.idx.msk [tilespmem:v4+s11+$0x0], $0xffff  }
0x2b2: {  	v3 =	vld.idx.msk [tilespmem:v5+s15+$0x0], $0xffff;
	_ =	sdelay $0x2  }
0x2b3: {  	v4 =	vor.u32 $0x3E, v0  }
0x2b4: {  	[tilespmem:$0x1EC60] =	vst v6;
	v6 =	vor.u32 $0x3E, v2  }
0x2b5: {  	v60 =	vadd.f32 v39, v3;
	_ =	sdelay $0x1  }
0x2b6: {  	[tilespmem:v5+s15+$0x0] =	vst.idx.msk $0xffff, v60  }
0x2b7: {  	v40 =	vld.idx.msk [tilespmem:v4+s11+$0x0], $0xffff  }
0x2b8: {  	v3 =	vld.idx.msk [tilespmem:v6+s15+$0x0], $0xffff;
	_ =	sdelay $0x2  }
0x2b9: {  	v4 =	vor.u32 $0x3F, v0  }
0x2ba: {  	[tilespmem:$0x1EC70] =	vst v5;
	v5 =	vor.u32 $0x3F, v2  }
0x2bb: {  	v59 =	vadd.f32 v40, v3;
	_ =	sdelay $0x1  }
0x2bc: {  	[tilespmem:v6+s15+$0x0] =	vst.idx.msk $0xffff, v59  }
0x2bd: {  	v41 =	vld.idx.msk [tilespmem:v4+s11+$0x0], $0xffff  }
0x2be: {  	v3 =	vld.idx.msk [tilespmem:v5+s15+$0x0], $0xffff;
	_ =	sdelay $0x2  }
0x2bf: {  	v4 =	vor.u32 $0x40, v0  }
0x2c0: {  	[tilespmem:$0x1EC80] =	vst v6;
	v6 =	vor.u32 $0x40, v2  }
0x2c1: {  	v48 =	vadd.f32 v41, v3;
	_ =	sdelay $0x1  }
0x2c2: {  	[tilespmem:v5+s15+$0x0] =	vst.idx.msk $0xffff, v48  }
0x2c3: {  	v42 =	vld.idx.msk [tilespmem:v4+s11+$0x0], $0xffff  }
0x2c4: {  	v3 =	vld.idx.msk [tilespmem:v6+s15+$0x0], $0xffff;
	_ =	sdelay $0x2  }
0x2c5: {  	v4 =	vor.u32 $0x41, v0  }
0x2c6: {  	[tilespmem:$0x1EC90] =	vst v5;
	v5 =	vor.u32 $0x41, v2  }
0x2c7: {  	v58 =	vadd.f32 v42, v3;
	_ =	sdelay $0x1  }
0x2c8: {  	[tilespmem:v6+s15+$0x0] =	vst.idx.msk $0xffff, v58  }
0x2c9: {  	v43 =	vld.idx.msk [tilespmem:v4+s11+$0x0], $0xffff  }
0x2ca: {  	v3 =	vld.idx.msk [tilespmem:v5+s15+$0x0], $0xffff;
	_ =	sdelay $0x2  }
0x2cb: {  	v4 =	vor.u32 $0x42, v0  }
0x2cc: {  	[tilespmem:$0x1ECA0] =	vst v6;
	v6 =	vor.u32 $0x42, v2  }
0x2cd: {  	v56 =	vadd.f32 v43, v3;
	_ =	sdelay $0x1  }
0x2ce: {  	[tilespmem:v5+s15+$0x0] =	vst.idx.msk $0xffff, v56  }
0x2cf: {  	v44 =	vld.idx.msk [tilespmem:v4+s11+$0x0], $0xffff  }
0x2d0: {  	v3 =	vld.idx.msk [tilespmem:v6+s15+$0x0], $0xffff;
	_ =	sdelay $0x2  }
0x2d1: {  	v4 =	vor.u32 $0x43, v0  }
0x2d2: {  	[tilespmem:$0x1ECB0] =	vst v5;
	v5 =	vor.u32 $0x43, v2  }
0x2d3: {  	v55 =	vadd.f32 v44, v3;
	_ =	sdelay $0x1  }
0x2d4: {  	[tilespmem:v6+s15+$0x0] =	vst.idx.msk $0xffff, v55  }
0x2d5: {  	v45 =	vld.idx.msk [tilespmem:v4+s11+$0x0], $0xffff  }
0x2d6: {  	v3 =	vld.idx.msk [tilespmem:v5+s15+$0x0], $0xffff;
	_ =	sdelay $0x2  }
0x2d7: {  	v4 =	vor.u32 $0x44, v0  }
0x2d8: {  	[tilespmem:$0x1ECC0] =	vst v6;
	v6 =	vor.u32 $0x44, v2  }
0x2d9: {  	v45 =	vadd.f32 v45, v3;
	_ =	sdelay $0x1  }
0x2da: {  	[tilespmem:v5+s15+$0x0] =	vst.idx.msk $0xffff, v45  }
0x2db: {  	v46 =	vld.idx.msk [tilespmem:v4+s11+$0x0], $0xffff  }
0x2dc: {  	v3 =	vld.idx.msk [tilespmem:v6+s15+$0x0], $0xffff;
	_ =	sdelay $0x2  }
0x2dd: {  	v4 =	vor.u32 $0x45, v0  }
0x2de: {  	[tilespmem:$0x1ECD0] =	vst v5;
	v5 =	vor.u32 $0x45, v2  }
0x2df: {  	v53 =	vadd.f32 v46, v3;
	_ =	sdelay $0x1  }
0x2e0: {  	[tilespmem:v6+s15+$0x0] =	vst.idx.msk $0xffff, v53  }
0x2e1: {  	v47 =	vld.idx.msk [tilespmem:v4+s11+$0x0], $0xffff  }
0x2e2: {  	v3 =	vld.idx.msk [tilespmem:v5+s15+$0x0], $0xffff;
	_ =	sdelay $0x2  }
0x2e3: {  	v4 =	vor.u32 $0x46, v0  }
0x2e4: {  	[tilespmem:$0x1ECE0] =	vst v6;
	v6 =	vor.u32 $0x46, v2  }
0x2e5: {  	v52 =	vadd.f32 v47, v3;
	_ =	sdelay $0x1  }
0x2e6: {  	[tilespmem:v5+s15+$0x0] =	vst.idx.msk $0xffff, v52  }
0x2e7: {  	v49 =	vld.idx.msk [tilespmem:v4+s11+$0x0], $0xffff  }
0x2e8: {  	v3 =	vld.idx.msk [tilespmem:v6+s15+$0x0], $0xffff;
	_ =	sdelay $0x2  }
0x2e9: {  	v4 =	vor.u32 $0x47, v0  }
0x2ea: {  	[tilespmem:$0x1ECF0] =	vst v5;
	v5 =	vor.u32 $0x47, v2  }
0x2eb: {  	v51 =	vadd.f32 v49, v3;
	_ =	sdelay $0x1  }
0x2ec: {  	[tilespmem:v6+s15+$0x0] =	vst.idx.msk $0xffff, v51  }
0x2ed: {  	v50 =	vld.idx.msk [tilespmem:v4+s11+$0x0], $0xffff  }
0x2ee: {  	v3 =	vld.idx.msk [tilespmem:v5+s15+$0x0], $0xffff;
	_ =	sdelay $0x2  }
0x2ef: {  	v4 =	vor.u32 $0x48, v0  }
0x2f0: {  	[tilespmem:$0x1ED00] =	vst v6;
	v6 =	vor.u32 $0x48, v2  }
0x2f1: {  	v50 =	vadd.f32 v50, v3;
	_ =	sdelay $0x1  }
0x2f2: {  	[tilespmem:v5+s15+$0x0] =	vst.idx.msk $0xffff, v50  }
0x2f3: {  	v16 =	vld.idx.msk [tilespmem:v4+s11+$0x0], $0xffff  }
0x2f4: {  	v3 =	vld.idx.msk [tilespmem:v6+s15+$0x0], $0xffff;
	_ =	sdelay $0x2  }
0x2f5: {  	v4 =	vor.u32 $0x49, v0  }
0x2f6: {  	[tilespmem:$0x1ED10] =	vst v5;
	v5 =	vor.u32 $0x49, v2  }
0x2f7: {  	v39 =	vadd.f32 v16, v3;
	_ =	sdelay $0x1  }
0x2f8: {  	[tilespmem:v6+s15+$0x0] =	vst.idx.msk $0xffff, v39  }
0x2f9: {  	v18 =	vld.idx.msk [tilespmem:v4+s11+$0x0], $0xffff  }
0x2fa: {  	v3 =	vld.idx.msk [tilespmem:v5+s15+$0x0], $0xffff;
	_ =	sdelay $0x2  }
0x2fb: {  	v4 =	vor.u32 $0x4A, v0  }
0x2fc: {  	[tilespmem:$0x1ED20] =	vst v6;
	v6 =	vor.u32 $0x4A, v2  }
0x2fd: {  	v49 =	vadd.f32 v18, v3;
	_ =	sdelay $0x1  }
0x2fe: {  	[tilespmem:v5+s15+$0x0] =	vst.idx.msk $0xffff, v49  }
0x2ff: {  	v20 =	vld.idx.msk [tilespmem:v4+s11+$0x0], $0xffff  }
0x300: {  	v3 =	vld.idx.msk [tilespmem:v6+s15+$0x0], $0xffff;
	_ =	sdelay $0x2  }
0x301: {  	v4 =	vor.u32 $0x4B, v0  }
0x302: {  	[tilespmem:$0x1ED30] =	vst v5;
	v5 =	vor.u32 $0x4B, v2  }
0x303: {  	v47 =	vadd.f32 v20, v3;
	_ =	sdelay $0x1  }
0x304: {  	[tilespmem:v6+s15+$0x0] =	vst.idx.msk $0xffff, v47  }
0x305: {  	v21 =	vld.idx.msk [tilespmem:v4+s11+$0x0], $0xffff  }
0x306: {  	v3 =	vld.idx.msk [tilespmem:v5+s15+$0x0], $0xffff;
	_ =	sdelay $0x2  }
0x307: {  	v4 =	vor.u32 $0x4C, v0  }
0x308: {  	[tilespmem:$0x1ED40] =	vst v6;
	v6 =	vor.u32 $0x4C, v2  }
0x309: {  	v46 =	vadd.f32 v21, v3;
	_ =	sdelay $0x1  }
0x30a: {  	[tilespmem:v5+s15+$0x0] =	vst.idx.msk $0xffff, v46  }
0x30b: {  	v22 =	vld.idx.msk [tilespmem:v4+s11+$0x0], $0xffff  }
0x30c: {  	v3 =	vld.idx.msk [tilespmem:v6+s15+$0x0], $0xffff;
	_ =	sdelay $0x2  }
0x30d: {  	v4 =	vor.u32 $0x4D, v0  }
0x30e: {  	[tilespmem:$0x1ED50] =	vst v5;
	v5 =	vor.u32 $0x4D, v2  }
0x30f: {  	v36 =	vadd.f32 v22, v3;
	_ =	sdelay $0x1  }
0x310: {  	[tilespmem:v6+s15+$0x0] =	vst.idx.msk $0xffff, v36  }
0x311: {  	v23 =	vld.idx.msk [tilespmem:v4+s11+$0x0], $0xffff  }
0x312: {  	v3 =	vld.idx.msk [tilespmem:v5+s15+$0x0], $0xffff;
	_ =	sdelay $0x2  }
0x313: {  	v4 =	vor.u32 $0x4E, v0  }
0x314: {  	[tilespmem:$0x1ED60] =	vst v6;
	v6 =	vor.u32 $0x4E, v2  }
0x315: {  	v42 =	vadd.f32 v23, v3;
	_ =	sdelay $0x1  }
0x316: {  	[tilespmem:v5+s15+$0x0] =	vst.idx.msk $0xffff, v42  }
0x317: {  	v24 =	vld.idx.msk [tilespmem:v4+s11+$0x0], $0xffff  }
0x318: {  	v3 =	vld.idx.msk [tilespmem:v6+s15+$0x0], $0xffff;
	_ =	sdelay $0x2  }
0x319: {  	v4 =	vor.u32 $0x4F, v0  }
0x31a: {  	[tilespmem:$0x1ED70] =	vst v5;
	v5 =	vor.u32 $0x4F, v2  }
0x31b: {  	v41 =	vadd.f32 v24, v3;
	_ =	sdelay $0x1  }
0x31c: {  	[tilespmem:v6+s15+$0x0] =	vst.idx.msk $0xffff, v41  }
0x31d: {  	v25 =	vld.idx.msk [tilespmem:v4+s11+$0x0], $0xffff  }
0x31e: {  	v3 =	vld.idx.msk [tilespmem:v5+s15+$0x0], $0xffff;
	_ =	sdelay $0x2  }
0x31f: {  	v4 =	vor.u32 $0x50, v0  }
0x320: {  	[tilespmem:$0x1ED80] =	vst v6;
	v6 =	vor.u32 $0x50, v2  }
0x321: {  	v40 =	vadd.f32 v25, v3;
	_ =	sdelay $0x1  }
0x322: {  	[tilespmem:v5+s15+$0x0] =	vst.idx.msk $0xffff, v40  }
0x323: {  	v26 =	vld.idx.msk [tilespmem:v4+s11+$0x0], $0xffff  }
0x324: {  	v3 =	vld.idx.msk [tilespmem:v6+s15+$0x0], $0xffff;
	_ =	sdelay $0x2  }
0x325: {  	v4 =	vor.u32 $0x51, v0  }
0x326: {  	[tilespmem:$0x1ED90] =	vst v5;
	v5 =	vor.u32 $0x51, v2  }
0x327: {  	v44 =	vadd.f32 v26, v3;
	_ =	sdelay $0x1  }
0x328: {  	[tilespmem:v6+s15+$0x0] =	vst.idx.msk $0xffff, v44  }
0x329: {  	v27 =	vld.idx.msk [tilespmem:v4+s11+$0x0], $0xffff  }
0x32a: {  	v3 =	vld.idx.msk [tilespmem:v5+s15+$0x0], $0xffff;
	_ =	sdelay $0x2  }
0x32b: {  	v4 =	vor.u32 $0x52, v0  }
0x32c: {  	[tilespmem:$0x1EDA0] =	vst v6;
	v6 =	vor.u32 $0x52, v2  }
0x32d: {  	v30 =	vadd.f32 v27, v3;
	_ =	sdelay $0x1  }
0x32e: {  	[tilespmem:v5+s15+$0x0] =	vst.idx.msk $0xffff, v30  }
0x32f: {  	v28 =	vld.idx.msk [tilespmem:v4+s11+$0x0], $0xffff  }
0x330: {  	v3 =	vld.idx.msk [tilespmem:v6+s15+$0x0], $0xffff;
	_ =	sdelay $0x2  }
0x331: {  	v4 =	vor.u32 $0x53, v0  }
0x332: {  	[tilespmem:$0x1EDB0] =	vst v5;
	v5 =	vor.u32 $0x53, v2  }
0x333: {  	v37 =	vadd.f32 v28, v3;
	_ =	sdelay $0x1  }
0x334: {  	[tilespmem:v6+s15+$0x0] =	vst.idx.msk $0xffff, v37  }
0x335: {  	v29 =	vld.idx.msk [tilespmem:v4+s11+$0x0], $0xffff  }
0x336: {  	v3 =	vld.idx.msk [tilespmem:v5+s15+$0x0], $0xffff;
	_ =	sdelay $0x2  }
0x337: {  	v4 =	vor.u32 $0x54, v0  }
0x338: {  	[tilespmem:$0x1EDC0] =	vst v6;
	v6 =	vor.u32 $0x54, v2  }
0x339: {  	v26 =	vadd.f32 v29, v3;
	_ =	sdelay $0x1  }
0x33a: {  	[tilespmem:v5+s15+$0x0] =	vst.idx.msk $0xffff, v26  }
0x33b: {  	v31 =	vld.idx.msk [tilespmem:v4+s11+$0x0], $0xffff  }
0x33c: {  	v3 =	vld.idx.msk [tilespmem:v6+s15+$0x0], $0xffff;
	_ =	sdelay $0x2  }
0x33d: {  	v4 =	vor.u32 $0x55, v0  }
0x33e: {  	[tilespmem:$0x1EDD0] =	vst v5;
	v5 =	vor.u32 $0x55, v2  }
0x33f: {  	v43 =	vadd.f32 v31, v3;
	_ =	sdelay $0x1  }
0x340: {  	[tilespmem:v6+s15+$0x0] =	vst.idx.msk $0xffff, v43  }
0x341: {  	v32 =	vld.idx.msk [tilespmem:v4+s11+$0x0], $0xffff  }
0x342: {  	v3 =	vld.idx.msk [tilespmem:v5+s15+$0x0], $0xffff;
	_ =	sdelay $0x2  }
0x343: {  	v4 =	vor.u32 $0x56, v0  }
0x344: {  	[tilespmem:$0x1EDE0] =	vst v6;
	v6 =	vor.u32 $0x56, v2  }
0x345: {  	v27 =	vadd.f32 v32, v3;
	_ =	sdelay $0x1  }
0x346: {  	[tilespmem:v5+s15+$0x0] =	vst.idx.msk $0xffff, v27  }
0x347: {  	v33 =	vld.idx.msk [tilespmem:v4+s11+$0x0], $0xffff  }
0x348: {  	v3 =	vld.idx.msk [tilespmem:v6+s15+$0x0], $0xffff;
	_ =	sdelay $0x2  }
0x349: {  	v4 =	vor.u32 $0x57, v0  }
0x34a: {  	[tilespmem:$0x1EDF0] =	vst v5;
	v5 =	vor.u32 $0x57, v2  }
0x34b: {  	v33 =	vadd.f32 v33, v3;
	_ =	sdelay $0x1  }
0x34c: {  	[tilespmem:v6+s15+$0x0] =	vst.idx.msk $0xffff, v33  }
0x34d: {  	v34 =	vld.idx.msk [tilespmem:v4+s11+$0x0], $0xffff  }
0x34e: {  	v3 =	vld.idx.msk [tilespmem:v5+s15+$0x0], $0xffff;
	_ =	sdelay $0x2  }
0x34f: {  	v4 =	vor.u32 $0x58, v0  }
0x350: {  	[tilespmem:$0x1EE00] =	vst v6;
	v6 =	vor.u32 $0x58, v2  }
0x351: {  	v32 =	vadd.f32 v34, v3;
	_ =	sdelay $0x1  }
0x352: {  	[tilespmem:v5+s15+$0x0] =	vst.idx.msk $0xffff, v32  }
0x353: {  	v35 =	vld.idx.msk [tilespmem:v4+s11+$0x0], $0xffff  }
0x354: {  	v3 =	vld.idx.msk [tilespmem:v6+s15+$0x0], $0xffff;
	_ =	sdelay $0x2  }
0x355: {  	v4 =	vor.u32 $0x59, v0  }
0x356: {  	[tilespmem:$0x1EE10] =	vst v5;
	v5 =	vor.u32 $0x59, v2  }
0x357: {  	v31 =	vadd.f32 v35, v3;
	_ =	sdelay $0x1  }
0x358: {  	[tilespmem:v6+s15+$0x0] =	vst.idx.msk $0xffff, v31  }
0x359: {  	v38 =	vld.idx.msk [tilespmem:v4+s11+$0x0], $0xffff  }
0x35a: {  	v3 =	vld.idx.msk [tilespmem:v5+s15+$0x0], $0xffff;
	_ =	sdelay $0x2  }
0x35b: {  	v4 =	vor.u32 $0x5A, v0  }
0x35c: {  	[tilespmem:$0x1EE20] =	vst v6;
	v6 =	vor.u32 $0x5A, v2  }
0x35d: {  	v38 =	vadd.f32 v38, v3;
	_ =	sdelay $0x1  }
0x35e: {  	[tilespmem:v5+s15+$0x0] =	vst.idx.msk $0xffff, v38  }
0x35f: {  	v16 =	vld.idx.msk [tilespmem:v4+s11+$0x0], $0xffff  }
0x360: {  	v3 =	vld.idx.msk [tilespmem:v6+s15+$0x0], $0xffff;
	_ =	sdelay $0x2  }
0x361: {  	v4 =	vor.u32 $0x5B, v0  }
0x362: {  	[tilespmem:$0x1EE30] =	vst v5;
	v5 =	vor.u32 $0x5B, v2  }
0x363: {  	v28 =	vadd.f32 v16, v3;
	_ =	sdelay $0x1  }
0x364: {  	[tilespmem:v6+s15+$0x0] =	vst.idx.msk $0xffff, v28  }
0x365: {  	v18 =	vld.idx.msk [tilespmem:v4+s11+$0x0], $0xffff  }
0x366: {  	v3 =	vld.idx.msk [tilespmem:v5+s15+$0x0], $0xffff;
	_ =	sdelay $0x2  }
0x367: {  	v4 =	vor.u32 $0x5C, v0  }
0x368: {  	[tilespmem:$0x1EE40] =	vst v6;
	v6 =	vor.u32 $0x5C, v2  }
0x369: {  	v35 =	vadd.f32 v18, v3;
	_ =	sdelay $0x1  }
0x36a: {  	[tilespmem:v5+s15+$0x0] =	vst.idx.msk $0xffff, v35  }
0x36b: {  	v20 =	vld.idx.msk [tilespmem:v4+s11+$0x0], $0xffff  }
0x36c: {  	v3 =	vld.idx.msk [tilespmem:v6+s15+$0x0], $0xffff;
	_ =	sdelay $0x2  }
0x36d: {  	v4 =	vor.u32 $0x5D, v0  }
0x36e: {  	[tilespmem:$0x1EE50] =	vst v5;
	v5 =	vor.u32 $0x5D, v2  }
0x36f: {  	v25 =	vadd.f32 v20, v3;
	_ =	sdelay $0x1  }
0x370: {  	[tilespmem:v6+s15+$0x0] =	vst.idx.msk $0xffff, v25  }
0x371: {  	v21 =	vld.idx.msk [tilespmem:v4+s11+$0x0], $0xffff  }
0x372: {  	v3 =	vld.idx.msk [tilespmem:v5+s15+$0x0], $0xffff;
	_ =	sdelay $0x2  }
0x373: {  	v4 =	vor.u32 $0x5E, v0  }
0x374: {  	[tilespmem:$0x1EE60] =	vst v6;
	v6 =	vor.u32 $0x5E, v2  }
0x375: {  	v34 =	vadd.f32 v21, v3;
	_ =	sdelay $0x1  }
0x376: {  	[tilespmem:v5+s15+$0x0] =	vst.idx.msk $0xffff, v34  }
0x377: {  	v22 =	vld.idx.msk [tilespmem:v4+s11+$0x0], $0xffff  }
0x378: {  	v3 =	vld.idx.msk [tilespmem:v6+s15+$0x0], $0xffff;
	_ =	sdelay $0x2  }
0x379: {  	v4 =	vor.u32 $0x5F, v0  }
0x37a: {  	[tilespmem:$0x1EE70] =	vst v5;
	v5 =	vor.u32 $0x5F, v2  }
0x37b: {  	v24 =	vadd.f32 v22, v3;
	_ =	sdelay $0x1  }
0x37c: {  	[tilespmem:v6+s15+$0x0] =	vst.idx.msk $0xffff, v24  }
0x37d: {  	v23 =	vld.idx.msk [tilespmem:v4+s11+$0x0], $0xffff  }
0x37e: {  	v3 =	vld.idx.msk [tilespmem:v5+s15+$0x0], $0xffff;
	_ =	sdelay $0x2  }
0x37f: {  	v4 =	vor.u32 $0x60, v0  }
0x380: {  	[tilespmem:$0x1EE80] =	vst v6;
	v6 =	vor.u32 $0x60, v2  }
0x381: {  	v22 =	vadd.f32 v23, v3;
	_ =	sdelay $0x1  }
0x382: {  	[tilespmem:v5+s15+$0x0] =	vst.idx.msk $0xffff, v22  }
0x383: {  	v29 =	vld.idx.msk [tilespmem:v4+s11+$0x0], $0xffff  }
0x384: {  	v3 =	vld.idx.msk [tilespmem:v6+s15+$0x0], $0xffff;
	_ =	sdelay $0x2  }
0x385: {  	v4 =	vor.u32 $0x61, v0  }
0x386: {  	[tilespmem:$0x1EE90] =	vst v5;
	v5 =	vor.u32 $0x61, v2  }
0x387: {  	v21 =	vadd.f32 v29, v3;
	_ =	sdelay $0x1  }
0x388: {  	[tilespmem:v6+s15+$0x0] =	vst.idx.msk $0xffff, v21  }
0x389: {  	v16 =	vld.idx.msk [tilespmem:v4+s11+$0x0], $0xffff  }
0x38a: {  	v3 =	vld.idx.msk [tilespmem:v5+s15+$0x0], $0xffff;
	_ =	sdelay $0x2  }
0x38b: {  	v4 =	vor.u32 $0x62, v0  }
0x38c: {  	[tilespmem:$0x1EEA0] =	vst v6;
	v6 =	vor.u32 $0x62, v2  }
0x38d: {  	v20 =	vadd.f32 v16, v3;
	_ =	sdelay $0x1  }
0x38e: {  	[tilespmem:v5+s15+$0x0] =	vst.idx.msk $0xffff, v20  }
0x38f: {  	v18 =	vld.idx.msk [tilespmem:v4+s11+$0x0], $0xffff  }
0x390: {  	v3 =	vld.idx.msk [tilespmem:v6+s15+$0x0], $0xffff;
	_ =	sdelay $0x2  }
0x391: {  	v4 =	vor.u32 $0x63, v0  }
0x392: {  	[tilespmem:$0x1EEB0] =	vst v5;
	v5 =	vor.u32 $0x63, v2  }
0x393: {  	v29 =	vadd.f32 v18, v3;
	_ =	sdelay $0x1  }
0x394: {  	[tilespmem:v6+s15+$0x0] =	vst.idx.msk $0xffff, v29  }
0x395: {  	v23 =	vld.idx.msk [tilespmem:v4+s11+$0x0], $0xffff  }
0x396: {  	v3 =	vld.idx.msk [tilespmem:v5+s15+$0x0], $0xffff;
	_ =	sdelay $0x1  }
0x397: {  	[tilespmem:$0x1EEC0] =	vst v6;
	v6 =	vmov v5  }
0x398: {  	v4 =	vor.u32 $0x64, v0  }
0x399: {  	v7 =	vor.u32 $0x64, v2;
	v16 =	vadd.f32 $0.0e+00, v8  }
0x39a: {  	v18 =	vadd.f32 v23, v3  }
0x39b: {  	v1 =	vadd.f32 v9, v16;
	[tilespmem:$0x1EED0] =	vst v5  }
0x39c: {  	v5 =	vmul.f32 v9, v9;
	v3 =	vmul.f32 v8, v8;
	[tilespmem:v6+s15+$0x0] =	vst.idx.msk $0xffff, v18  }
0x39d: {  	v1 =	vadd.f32 v10, v1;
	v4 =	vld.idx.msk [tilespmem:v4+s11+$0x0], $0xffff  }
0x39e: {  	v3 =	vadd.f32 v5, v3;
	v5 =	vmul.f32 v10, v10;
	v6 =	vld.idx.msk [tilespmem:v7+s15+$0x0], $0xffff  }
0x39f: {  	v1 =	vadd.f32 v11, v1  }
0x3a0: {  	v23 =	vmov v7;
	v3 =	vadd.f32 v5, v3;
	v5 =	vmul.f32 v11, v11  }
0x3a1: {  	[tilespmem:$0x1EEE0] =	vst v7;
	v1 =	vadd.f32 v12, v1;
	v7 =	vor.u32 $0x65, v0  }
0x3a2: {  	v3 =	vadd.f32 v5, v3;
	v5 =	vmul.f32 v12, v12;
	v12 =	vor.u32 $0x65, v2  }
0x3a3: {  	v16 =	vadd.f32 v4, v6;
	_ =	sdelay $0x1  }
0x3a4: {  	[tilespmem:v23+s15+$0x0] =	vst.idx.msk $0xffff, v16  }
0x3a5: {  	v3 =	vadd.f32 v5, v3;
	v5 =	vld.idx.msk [tilespmem:v7+s11+$0x0], $0xffff  }
0x3a6: {  	v4 =	vmul.f32 v13, v13;
	v6 =	vld.idx.msk [tilespmem:v12+s15+$0x0], $0xffff;
	_ =	sdelay $0x1  }
0x3a7: {  	v3 =	vadd.f32 v4, v3;
	v4 =	vmul.f32 v14, v14;
	_ =	sdelay $0x1  }
0x3a8: {  	v1 =	vadd.f32 v13, v1;
	v3 =	vadd.f32 v4, v3;
	v4 =	vmul.f32 v15, v15  }
0x3a9: {  	v23 =	vadd.f32 v5, v6;
	v5 =	vld [tilespmem:$0x1E5D0]  }
0x3aa: {  	v1 =	vadd.f32 v14, v1;
	v14 =	vmovc v12;
	v3 =	vadd.f32 v4, v3;
	v4 =	vmul.f32 v17, v17  }
0x3ab: {  	v7 =	vor.u32 $0x66, v0  }
0x3ac: {  	v3 =	vadd.f32 v4, v3;
	v4 =	vmul.f32 v19, v19;
	_ =	sdelay $0x1  }
0x3ad: {  	v1 =	vadd.f32 v15, v1;
	v3 =	vadd.f32 v4, v3;
	v4 =	vmul.f32 v5, v5  }
0x3ae: {  	v6 =	vld [tilespmem:$0x1E5E0];
	[tilespmem:v14+s15+$0x0] =	vst.idx.msk $0xffff, v23  }
0x3af: {  	v1 =	vadd.f32 v17, v1;
	v3 =	vadd.f32 v4, v3;
	v4 =	vld.idx.msk [tilespmem:v7+s11+$0x0], $0xffff  }
0x3b0: {  	v7 =	vld [tilespmem:$0x1E5F0]  }
0x3b1: {  	v1 =	vadd.f32 v19, v1  }
0x3b2: {  	v17 =	vld [tilespmem:$0x1E600]  }
0x3b3: {  	v15 =	vor.u32 $0x66, v2;
	v1 =	vadd.f32 v5, v1;
	v5 =	vmul.f32 v6, v6;
	_ =	sdelay $0x1  }
0x3b4: {  	v3 =	vadd.f32 v5, v3;
	v5 =	vmul.f32 v7, v7;
	_ =	sdelay $0x1  }
0x3b5: {  	v3 =	vadd.f32 v5, v3;
	v5 =	vmul.f32 v17, v17  }
0x3b6: {  	v1 =	vadd.f32 v6, v1;
	v6 =	vld.idx.msk [tilespmem:v15+s15+$0x0], $0xffff  }
0x3b7: {  	v3 =	vadd.f32 v5, v3;
	v5 =	vld [tilespmem:$0x1E610]  }
0x3b8: {  	v1 =	vadd.f32 v7, v1;
	_ =	sdelay $0x1  }
0x3b9: {  	v1 =	vadd.f32 v17, v1  }
0x3ba: {  	v8 =	vmov v15;
	v7 =	vor.u32 $0x67, v0  }
0x3bb: {  	[tilespmem:$0x1EF00] =	vst v15;
	v15 =	vadd.f32 v4, v6;
	v4 =	vmul.f32 v5, v5;
	v1 =	vadd.f32 v5, v1;
	v5 =	vld [tilespmem:$0x1E620];
	_ =	sdelay $0x3  }
0x3bc: {  	v19 =	vor.u32 $0x67, v2;
	[tilespmem:v8+s15+$0x0] =	vst.idx.msk $0xffff, v15  }
0x3bd: {  	v3 =	vadd.f32 v4, v3;
	v4 =	vmul.f32 v5, v5;
	v1 =	vadd.f32 v5, v1;
	v5 =	vld.idx.msk [tilespmem:v7+s11+$0x0], $0xffff  }
0x3be: {  	v7 =	vld [tilespmem:$0x1E630];
	_ =	sdelay $0x3  }
0x3bf: {  	v6 =	vld.idx.msk [tilespmem:v19+s15+$0x0], $0xffff  }
0x3c0: {  	v3 =	vadd.f32 v4, v3;
	v4 =	vmul.f32 v7, v7;
	v1 =	vadd.f32 v7, v1;
	v7 =	vld [tilespmem:$0x1E640];
	_ =	sdelay $0x1  }
0x3c1: {  	v17 =	vld [tilespmem:$0x1E650];
	_ =	sdelay $0x1  }
0x3c2: {  	v14 =	vadd.f32 v5, v6;
	v5 =	vld [tilespmem:$0x1E660]  }
0x3c3: {  	v3 =	vadd.f32 v4, v3;
	v4 =	vmul.f32 v7, v7;
	_ =	sdelay $0x1  }
0x3c4: {  	v3 =	vadd.f32 v4, v3;
	v4 =	vmul.f32 v17, v17;
	_ =	sdelay $0x1  }
0x3c5: {  	v3 =	vadd.f32 v4, v3;
	v4 =	vmul.f32 v5, v5  }
0x3c6: {  	v1 =	vadd.f32 v7, v1  }
0x3c7: {  	v8 =	vmov v19;
	v3 =	vadd.f32 v4, v3;
	v4 =	vld [tilespmem:$0x1E670]  }
0x3c8: {  	[tilespmem:$0x1EF10] =	vst v19;
	v19 =	vor.u32 $0x68, v2;
	v1 =	vadd.f32 v17, v1;
	_ =	sdelay $0x1  }
0x3c9: {  	v7 =	vor.u32 $0x68, v0;
	v1 =	vadd.f32 v5, v1;
	_ =	sdelay $0x1  }
0x3ca: {  	[tilespmem:v8+s15+$0x0] =	vst.idx.msk $0xffff, v14;
	v5 =	vmul.f32 v4, v4;
	v1 =	vadd.f32 v4, v1;
	v4 =	vld [tilespmem:$0x1E680]  }
0x3cb: {  	v6 =	vld.idx.msk [tilespmem:v19+s15+$0x0], $0xffff  }
0x3cc: {  	v13 =	vmov v19;
	[tilespmem:$0x1EF20] =	vst v19;
	v19 =	vld [tilespmem:$0x1E690]  }
0x3cd: {  	v7 =	vld.idx.msk [tilespmem:v7+s11+$0x0], $0xffff;
	_ =	sdelay $0x1  }
0x3ce: {  	v3 =	vadd.f32 v5, v3;
	v5 =	vmul.f32 v4, v4  }
0x3cf: {  	v1 =	vadd.f32 v4, v1  }
0x3d0: {  	v3 =	vadd.f32 v5, v3  }
0x3d1: {  	v5 =	vmul.f32 v19, v19;
	v1 =	vadd.f32 v19, v1;
	v19 =	vadd.f32 v7, v6;
	v6 =	vld [tilespmem:$0x1E6A0]  }
0x3d2: {  	v4 =	vor.u32 $0x69, v0;
	_ =	sdelay $0x2  }
0x3d3: {  	v3 =	vadd.f32 v5, v3  }
0x3d4: {  	[tilespmem:v13+s15+$0x0] =	vst.idx.msk $0xffff, v19;
	v5 =	vmul.f32 v6, v6;
	v1 =	vadd.f32 v6, v1;
	v6 =	vld [tilespmem:$0x1E6B0]  }
0x3d5: {  	[tilespmem:$0x1EEF0] =	vst v12;
	v12 =	vor.u32 $0x69, v2;
	v7 =	vld.idx.msk [tilespmem:v4+s11+$0x0], $0xffff  }
0x3d6: {  	v4 =	vld [tilespmem:$0x1E6C0];
	_ =	sdelay $0x2  }
0x3d7: {  	v3 =	vadd.f32 v5, v3;
	v5 =	vmul.f32 v6, v6;
	v1 =	vadd.f32 v6, v1  }
0x3d8: {  	v6 =	vld.idx.msk [tilespmem:v12+s15+$0x0], $0xffff  }
0x3d9: {  	v3 =	vadd.f32 v5, v3;
	v5 =	vmul.f32 v4, v4;
	v1 =	vadd.f32 v4, v1;
	v4 =	vld [tilespmem:$0x1E6D0];
	_ =	sdelay $0x2  }
0x3da: {  	v13 =	vld [tilespmem:$0x1E6E0]  }
0x3db: {  	[tilespmem:$0x1EF30] =	vst v12;
	v8 =	vmov v12;
	v3 =	vadd.f32 v5, v3;
	v12 =	vadd.f32 v7, v6  }
0x3dc: {  	v6 =	vld [tilespmem:$0x1E6F0];
	v5 =	vmul.f32 v4, v4;
	v1 =	vadd.f32 v4, v1;
	v4 =	vor.u32 $0x6A, v0;
	_ =	sdelay $0x2  }
0x3dd: {  	v3 =	vadd.f32 v5, v3;
	v5 =	vmul.f32 v13, v13;
	v1 =	vadd.f32 v13, v1  }
0x3de: {  	[tilespmem:v8+s15+$0x0] =	vst.idx.msk $0xffff, v12  }
0x3df: {  	v3 =	vadd.f32 v5, v3;
	v5 =	vmul.f32 v6, v6;
	v1 =	vadd.f32 v6, v1;
	v6 =	vld.idx.msk [tilespmem:v4+s11+$0x0], $0xffff  }
0x3e0: {  	v4 =	vld [tilespmem:$0x1E700]  }
0x3e1: {  	v17 =	vor.u32 $0x6A, v2;
	_ =	sdelay $0x3  }
0x3e2: {  	v3 =	vadd.f32 v5, v3;
	v5 =	vmul.f32 v4, v4;
	v1 =	vadd.f32 v4, v1;
	v4 =	vld [tilespmem:$0x1E710]  }
0x3e3: {  	v7 =	vld.idx.msk [tilespmem:v17+s15+$0x0], $0xffff  }
0x3e4: {  	[tilespmem:$0x1EF40] =	vst v17;
	v8 =	vmov v17;
	v17 =	vld [tilespmem:$0x1E720];
	_ =	sdelay $0x2  }
0x3e5: {  	v3 =	vadd.f32 v5, v3;
	v5 =	vmul.f32 v4, v4;
	_ =	sdelay $0x1  }
0x3e6: {  	v3 =	vadd.f32 v5, v3;
	v5 =	vmul.f32 v17, v17;
	_ =	sdelay $0x1  }
0x3e7: {  	v3 =	vadd.f32 v5, v3;
	v5 =	vld [tilespmem:$0x1E730]  }
0x3e8: {  	v1 =	vadd.f32 v4, v1;
	_ =	sdelay $0x1  }
0x3e9: {  	v1 =	vadd.f32 v17, v1  }
0x3ea: {  	v4 =	vor.u32 $0x6B, v0  }
0x3eb: {  	v17 =	vadd.f32 v6, v7;
	v6 =	vmul.f32 v5, v5;
	v1 =	vadd.f32 v5, v1;
	v5 =	vld [tilespmem:$0x1E740];
	_ =	sdelay $0x3  }
0x3ec: {  	[tilespmem:v8+s15+$0x0] =	vst.idx.msk $0xffff, v17  }
0x3ed: {  	v3 =	vadd.f32 v6, v3;
	v6 =	vmul.f32 v5, v5;
	v1 =	vadd.f32 v5, v1;
	v5 =	vld.idx.msk [tilespmem:v4+s11+$0x0], $0xffff  }
0x3ee: {  	v4 =	vld [tilespmem:$0x1E750];
	_ =	sdelay $0x2  }
0x3ef: {  	v13 =	vor.u32 $0x6B, v2;
	_ =	sdelay $0x1  }
0x3f0: {  	v3 =	vadd.f32 v6, v3;
	v6 =	vmul.f32 v4, v4;
	v1 =	vadd.f32 v4, v1;
	v4 =	vld [tilespmem:$0x1E760];
	_ =	sdelay $0x1  }
0x3f1: {  	v10 =	vld [tilespmem:$0x1E770]  }
0x3f2: {  	v7 =	vld.idx.msk [tilespmem:v13+s15+$0x0], $0xffff;
	_ =	sdelay $0x1  }
0x3f3: {  	v3 =	vadd.f32 v6, v3;
	v6 =	vmul.f32 v4, v4  }
0x3f4: {  	v1 =	vadd.f32 v4, v1  }
0x3f5: {  	v8 =	vmov v13;
	v4 =	vor.u32 $0x6C, v0;
	v3 =	vadd.f32 v6, v3  }
0x3f6: {  	v6 =	vmul.f32 v10, v10;
	v1 =	vadd.f32 v10, v1;
	v10 =	vadd.f32 v5, v7;
	v5 =	vld [tilespmem:$0x1E780];
	_ =	sdelay $0x3  }
0x3f7: {  	[tilespmem:v8+s15+$0x0] =	vst.idx.msk $0xffff, v10  }
0x3f8: {  	v3 =	vadd.f32 v6, v3;
	v6 =	vmul.f32 v5, v5;
	v1 =	vadd.f32 v5, v1;
	v5 =	vld.idx.msk [tilespmem:v4+s11+$0x0], $0xffff  }
0x3f9: {  	v4 =	vld [tilespmem:$0x1E790]  }
0x3fa: {  	[tilespmem:$0x1EF50] =	vst v13;
	v13 =	vor.u32 $0x6C, v2;
	_ =	sdelay $0x3  }
0x3fb: {  	v3 =	vadd.f32 v6, v3;
	v6 =	vmul.f32 v4, v4;
	v1 =	vadd.f32 v4, v1;
	v4 =	vld [tilespmem:$0x1E7A0]  }
0x3fc: {  	v7 =	vld.idx.msk [tilespmem:v13+s15+$0x0], $0xffff  }
0x3fd: {  	[tilespmem:$0x1EF60] =	vst v13;
	v8 =	vmov v13;
	v13 =	vld [tilespmem:$0x1E7B0];
	_ =	sdelay $0x2  }
0x3fe: {  	v3 =	vadd.f32 v6, v3;
	v6 =	vmul.f32 v4, v4;
	_ =	sdelay $0x1  }
0x3ff: {  	v3 =	vadd.f32 v6, v3;
	v6 =	vmul.f32 v13, v13;
	_ =	sdelay $0x1  }
0x400: {  	v6 =	vadd.f32 v6, v3;
	v3 =	vld [tilespmem:$0x1E7C0]  }
0x401: {  	v1 =	vadd.f32 v4, v1;
	_ =	sdelay $0x1  }
0x402: {  	v1 =	vadd.f32 v13, v1;
	_ =	sdelay $0x1  }
0x403: {  	v13 =	vadd.f32 v5, v7;
	v5 =	vmul.f32 v3, v3;
	v1 =	vadd.f32 v3, v1;
	v3 =	vld [tilespmem:$0x1E7D0];
	_ =	sdelay $0x4  }
0x404: {  	v5 =	vadd.f32 v5, v6;
	v6 =	vmul.f32 v3, v3;
	v1 =	vadd.f32 v3, v1;
	v3 =	vld [tilespmem:$0x1E7E0];
	_ =	sdelay $0x1  }
0x405: {  	v4 =	vor.u32 $0x6D, v0  }
0x406: {  	v9 =	vor.u32 $0x6D, v2;
	_ =	sdelay $0x1  }
0x407: {  	v5 =	vadd.f32 v6, v5;
	v6 =	vmul.f32 v3, v3;
	v1 =	vadd.f32 v3, v1;
	v3 =	vld [tilespmem:$0x1E7F0]  }
0x408: {  	v11 =	vld [tilespmem:$0x1E800];
	[tilespmem:v8+s15+$0x0] =	vst.idx.msk $0xffff, v13  }
0x409: {  	v8 =	vld.idx.msk [tilespmem:v4+s11+$0x0], $0xffff  }
0x40a: {  	v7 =	vld.idx.msk [tilespmem:v9+s15+$0x0], $0xffff;
	_ =	sdelay $0x1  }
0x40b: {  	v4 =	vmov v9;
	v5 =	vadd.f32 v6, v5;
	v6 =	vmul.f32 v3, v3  }
0x40c: {  	v1 =	vadd.f32 v3, v1;
	v3 =	vor.u32 $0x6E, v0  }
0x40d: {  	v5 =	vadd.f32 v6, v5  }
0x40e: {  	v6 =	vmul.f32 v11, v11;
	v1 =	vadd.f32 v11, v1;
	v11 =	vadd.f32 v8, v7;
	_ =	sdelay $0x1  }
0x40f: {  	v7 =	vld [tilespmem:$0x1E810];
	[tilespmem:v4+s15+$0x0] =	vst.idx.msk $0xffff, v11  }
0x410: {  	v4 =	vld.idx.msk [tilespmem:v3+s11+$0x0], $0xffff  }
0x411: {  	v3 =	vld [tilespmem:$0x1E820];
	_ =	sdelay $0x2  }
0x412: {  	v5 =	vadd.f32 v6, v5;
	v6 =	vmul.f32 v7, v7;
	v1 =	vadd.f32 v7, v1;
	_ =	sdelay $0x1  }
0x413: {  	v5 =	vadd.f32 v6, v5;
	v6 =	vmul.f32 v3, v3;
	v1 =	vadd.f32 v3, v1;
	v3 =	vld [tilespmem:$0x1E830];
	_ =	sdelay $0x2  }
0x414: {  	[tilespmem:$0x1EF70] =	vst v9;
	v9 =	vor.u32 $0x6E, v2;
	_ =	sdelay $0x1  }
0x415: {  	v5 =	vadd.f32 v6, v5;
	v6 =	vmul.f32 v3, v3;
	_ =	sdelay $0x1  }
0x416: {  	v5 =	vadd.f32 v6, v5;
	v6 =	vmul.f32 v63, v63  }
0x417: {  	v7 =	vld.idx.msk [tilespmem:v9+s15+$0x0], $0xffff  }
0x418: {  	v5 =	vadd.f32 v6, v5;
	v6 =	vld [tilespmem:$0x1E840]  }
0x419: {  	v1 =	vadd.f32 v3, v1;
	_ =	sdelay $0x1  }
0x41a: {  	v1 =	vadd.f32 v63, v1;
	_ =	sdelay $0x1  }
0x41b: {  	v63 =	vadd.f32 v4, v7;
	v4 =	vmul.f32 v6, v6;
	v1 =	vadd.f32 v6, v1;
	v6 =	vld [tilespmem:$0x1E850];
	_ =	sdelay $0x1  }
0x41c: {  	v7 =	vld [tilespmem:$0x1E860];
	_ =	sdelay $0x1  }
0x41d: {  	v3 =	vor.u32 $0x6F, v0  }
0x41e: {  	v4 =	vadd.f32 v4, v5;
	v5 =	vmul.f32 v6, v6;
	v1 =	vadd.f32 v6, v1  }
0x41f: {  	v8 =	vor.u32 $0x6F, v2  }
0x420: {  	v4 =	vadd.f32 v5, v4;
	v5 =	vmul.f32 v7, v7;
	v1 =	vadd.f32 v7, v1;
	v7 =	vld [tilespmem:$0x1E870];
	_ =	sdelay $0x1  }
0x421: {  	[tilespmem:v9+s15+$0x0] =	vst.idx.msk $0xffff, v63  }
0x422: {  	v3 =	vld.idx.msk [tilespmem:v3+s11+$0x0], $0xffff  }
0x423: {  	v6 =	vld.idx.msk [tilespmem:v8+s15+$0x0], $0xffff  }
0x424: {  	v4 =	vadd.f32 v5, v4;
	v5 =	vmul.f32 v7, v7  }
0x425: {  	v1 =	vadd.f32 v7, v1  }
0x426: {  	v4 =	vadd.f32 v5, v4;
	v5 =	vmul.f32 v57, v57  }
0x427: {  	v1 =	vadd.f32 v57, v1  }
0x428: {  	v57 =	vadd.f32 v3, v6;
	v3 =	vadd.f32 v5, v4;
	v5 =	vld [tilespmem:$0x1E880]  }
0x429: {  	[tilespmem:$0x1EF80] =	vst v9;
	v9 =	vmov v8  }
0x42a: {  	v7 =	vor.u32 $0x70, v0;
	_ =	sdelay $0x2  }
0x42b: {  	v4 =	vmul.f32 v5, v5  }
0x42c: {  	v6 =	vld [tilespmem:$0x1E890];
	[tilespmem:v9+s15+$0x0] =	vst.idx.msk $0xffff, v57  }
0x42d: {  	[tilespmem:$0x1EF90] =	vst v8;
	v8 =	vor.u32 $0x70, v2;
	v3 =	vadd.f32 v4, v3;
	v4 =	vld.idx.msk [tilespmem:v7+s11+$0x0], $0xffff  }
0x42e: {  	v7 =	vld [tilespmem:$0x1E8A0];
	_ =	sdelay $0x1  }
0x42f: {  	v1 =	vadd.f32 v5, v1  }
0x430: {  	v5 =	vmul.f32 v6, v6  }
0x431: {  	v1 =	vadd.f32 v6, v1;
	v6 =	vld.idx.msk [tilespmem:v8+s15+$0x0], $0xffff  }
0x432: {  	v3 =	vadd.f32 v5, v3;
	v5 =	vmul.f32 v7, v7  }
0x433: {  	v1 =	vadd.f32 v7, v1  }
0x434: {  	v7 =	vor.u32 $0x71, v0;
	v3 =	vadd.f32 v5, v3;
	v5 =	vmul.f32 v54, v54  }
0x435: {  	v9 =	vor.u32 $0x71, v2;
	v1 =	vadd.f32 v54, v1  }
0x436: {  	v54 =	vadd.f32 v4, v6;
	v4 =	vmul.f32 v62, v62;
	v3 =	vadd.f32 v5, v3  }
0x437: {  	v1 =	vadd.f32 v62, v1  }
0x438: {  	[tilespmem:v8+s15+$0x0] =	vst.idx.msk $0xffff, v54;
	v3 =	vadd.f32 v4, v3;
	v4 =	vmul.f32 v61, v61  }
0x439: {  	v5 =	vld.idx.msk [tilespmem:v7+s11+$0x0], $0xffff;
	v1 =	vadd.f32 v61, v1  }
0x43a: {  	v6 =	vld.idx.msk [tilespmem:v9+s15+$0x0], $0xffff;
	v3 =	vadd.f32 v4, v3;
	v4 =	vmul.f32 v60, v60  }
0x43b: {  	v1 =	vadd.f32 v60, v1  }
0x43c: {  	[tilespmem:$0x1EFA0] =	vst v8;
	v8 =	vmov v9;
	v3 =	vadd.f32 v4, v3;
	v4 =	vmul.f32 v59, v59  }
0x43d: {  	[tilespmem:$0x1EFB0] =	vst v9;
	v9 =	vor.u32 $0x72, v2;
	v1 =	vadd.f32 v59, v1  }
0x43e: {  	v7 =	vor.u32 $0x72, v0;
	v3 =	vadd.f32 v4, v3;
	v4 =	vmul.f32 v48, v48  }
0x43f: {  	v1 =	vadd.f32 v48, v1;
	v48 =	vadd.f32 v5, v6  }
0x440: {  	v3 =	vadd.f32 v4, v3;
	v4 =	vmul.f32 v58, v58  }
0x441: {  	v1 =	vadd.f32 v58, v1;
	[tilespmem:v8+s15+$0x0] =	vst.idx.msk $0xffff, v48  }
0x442: {  	v5 =	vmul.f32 v56, v56;
	v6 =	vld.idx.msk [tilespmem:v9+s15+$0x0], $0xffff;
	v3 =	vadd.f32 v4, v3  }
0x443: {  	v4 =	vld.idx.msk [tilespmem:v7+s11+$0x0], $0xffff;
	v1 =	vadd.f32 v56, v1  }
0x444: {  	v3 =	vadd.f32 v5, v3;
	v5 =	vmul.f32 v55, v55  }
0x445: {  	v62 =	vmov v9;
	v1 =	vadd.f32 v55, v1  }
0x446: {  	v7 =	vor.u32 $0x73, v0;
	v3 =	vadd.f32 v5, v3;
	v5 =	vmul.f32 v45, v45  }
0x447: {  	[tilespmem:$0x1EFC0] =	vst v9;
	v9 =	vor.u32 $0x73, v2;
	v1 =	vadd.f32 v45, v1  }
0x448: {  	v45 =	vadd.f32 v4, v6;
	v4 =	vmul.f32 v53, v53;
	v3 =	vadd.f32 v5, v3  }
0x449: {  	v1 =	vadd.f32 v53, v1  }
0x44a: {  	[tilespmem:v62+s15+$0x0] =	vst.idx.msk $0xffff, v45;
	v3 =	vadd.f32 v4, v3;
	v4 =	vmul.f32 v52, v52  }
0x44b: {  	v1 =	vadd.f32 v52, v1;
	v5 =	vld.idx.msk [tilespmem:v7+s11+$0x0], $0xffff  }
0x44c: {  	v6 =	vld.idx.msk [tilespmem:v9+s15+$0x0], $0xffff;
	v3 =	vadd.f32 v4, v3;
	v4 =	vmul.f32 v51, v51  }
0x44d: {  	v1 =	vadd.f32 v51, v1  }
0x44e: {  	v3 =	vadd.f32 v4, v3;
	v4 =	vmul.f32 v50, v50  }
0x44f: {  	v51 =	vor.u32 $0x74, v2;
	v1 =	vadd.f32 v50, v1  }
0x450: {  	v7 =	vor.u32 $0x74, v0;
	v3 =	vadd.f32 v4, v3;
	v4 =	vmul.f32 v39, v39  }
0x451: {  	v1 =	vadd.f32 v39, v1;
	v39 =	vadd.f32 v5, v6  }
0x452: {  	v3 =	vadd.f32 v4, v3;
	v4 =	vmul.f32 v49, v49  }
0x453: {  	v1 =	vadd.f32 v49, v1;
	[tilespmem:v9+s15+$0x0] =	vst.idx.msk $0xffff, v39  }
0x454: {  	v5 =	vmul.f32 v47, v47;
	v6 =	vld.idx.msk [tilespmem:v51+s15+$0x0], $0xffff;
	v3 =	vadd.f32 v4, v3  }
0x455: {  	v4 =	vld.idx.msk [tilespmem:v7+s11+$0x0], $0xffff;
	v1 =	vadd.f32 v47, v1  }
0x456: {  	v3 =	vadd.f32 v5, v3;
	v5 =	vmul.f32 v46, v46  }
0x457: {  	v1 =	vadd.f32 v46, v1  }
0x458: {  	v7 =	vor.u32 $0x75, v0;
	v3 =	vadd.f32 v5, v3;
	v5 =	vmul.f32 v36, v36  }
0x459: {  	v46 =	vor.u32 $0x75, v2;
	v1 =	vadd.f32 v36, v1  }
0x45a: {  	v36 =	vadd.f32 v4, v6;
	v4 =	vmul.f32 v42, v42;
	v3 =	vadd.f32 v5, v3  }
0x45b: {  	v1 =	vadd.f32 v42, v1  }
0x45c: {  	[tilespmem:v51+s15+$0x0] =	vst.idx.msk $0xffff, v36;
	v3 =	vadd.f32 v4, v3;
	v4 =	vmul.f32 v41, v41  }
0x45d: {  	v1 =	vadd.f32 v41, v1;
	v5 =	vld.idx.msk [tilespmem:v7+s11+$0x0], $0xffff  }
0x45e: {  	v6 =	vld.idx.msk [tilespmem:v46+s15+$0x0], $0xffff;
	v3 =	vadd.f32 v4, v3;
	v4 =	vmul.f32 v40, v40  }
0x45f: {  	v1 =	vadd.f32 v40, v1  }
0x460: {  	v3 =	vadd.f32 v4, v3;
	v4 =	vmul.f32 v44, v44  }
0x461: {  	v1 =	vadd.f32 v44, v1;
	v44 =	vor.u32 $0x76, v2  }
0x462: {  	v7 =	vor.u32 $0x76, v0;
	v3 =	vadd.f32 v4, v3;
	v4 =	vmul.f32 v30, v30  }
0x463: {  	v1 =	vadd.f32 v30, v1;
	v30 =	vadd.f32 v5, v6  }
0x464: {  	v3 =	vadd.f32 v4, v3;
	v4 =	vmul.f32 v37, v37  }
0x465: {  	v1 =	vadd.f32 v37, v1;
	[tilespmem:v46+s15+$0x0] =	vst.idx.msk $0xffff, v30  }
0x466: {  	v5 =	vmul.f32 v26, v26;
	v6 =	vld.idx.msk [tilespmem:v44+s15+$0x0], $0xffff;
	v3 =	vadd.f32 v4, v3  }
0x467: {  	v4 =	vld.idx.msk [tilespmem:v7+s11+$0x0], $0xffff;
	v1 =	vadd.f32 v26, v1  }
0x468: {  	v3 =	vadd.f32 v5, v3;
	v5 =	vmul.f32 v43, v43  }
0x469: {  	v1 =	vadd.f32 v43, v1  }
0x46a: {  	v7 =	vor.u32 $0x77, v0;
	v3 =	vadd.f32 v5, v3;
	v5 =	vmul.f32 v27, v27  }
0x46b: {  	v50 =	vor.u32 $0x77, v2;
	v1 =	vadd.f32 v27, v1  }
0x46c: {  	v27 =	vadd.f32 v4, v6;
	v4 =	vmul.f32 v33, v33;
	v3 =	vadd.f32 v5, v3  }
0x46d: {  	v1 =	vadd.f32 v33, v1  }
0x46e: {  	[tilespmem:v44+s15+$0x0] =	vst.idx.msk $0xffff, v27;
	v3 =	vadd.f32 v4, v3;
	v4 =	vmul.f32 v32, v32  }
0x46f: {  	v1 =	vadd.f32 v32, v1;
	v5 =	vld.idx.msk [tilespmem:v7+s11+$0x0], $0xffff  }
0x470: {  	v6 =	vld.idx.msk [tilespmem:v50+s15+$0x0], $0xffff;
	v3 =	vadd.f32 v4, v3;
	v4 =	vmul.f32 v31, v31  }
0x471: {  	v1 =	vadd.f32 v31, v1  }
0x472: {  	v3 =	vadd.f32 v4, v3;
	v4 =	vmul.f32 v38, v38  }
0x473: {  	v47 =	vor.u32 $0x78, v2;
	v1 =	vadd.f32 v38, v1  }
0x474: {  	v7 =	vor.u32 $0x78, v0;
	v3 =	vadd.f32 v4, v3;
	v4 =	vmul.f32 v28, v28  }
0x475: {  	v1 =	vadd.f32 v28, v1;
	v28 =	vadd.f32 v5, v6  }
0x476: {  	v3 =	vadd.f32 v4, v3;
	v4 =	vmul.f32 v35, v35  }
0x477: {  	v1 =	vadd.f32 v35, v1;
	[tilespmem:v50+s15+$0x0] =	vst.idx.msk $0xffff, v28  }
0x478: {  	v5 =	vmul.f32 v25, v25;
	v6 =	vld.idx.msk [tilespmem:v47+s15+$0x0], $0xffff;
	v3 =	vadd.f32 v4, v3  }
0x479: {  	v4 =	vld.idx.msk [tilespmem:v7+s11+$0x0], $0xffff;
	v1 =	vadd.f32 v25, v1  }
0x47a: {  	v3 =	vadd.f32 v5, v3;
	v5 =	vmul.f32 v34, v34  }
0x47b: {  	v1 =	vadd.f32 v34, v1  }
0x47c: {  	v7 =	vor.u32 $0x79, v0;
	v3 =	vadd.f32 v5, v3;
	v5 =	vmul.f32 v24, v24  }
0x47d: {  	v38 =	vor.u32 $0x79, v2;
	v1 =	vadd.f32 v24, v1  }
0x47e: {  	v24 =	vadd.f32 v4, v6;
	v4 =	vmul.f32 v22, v22;
	v3 =	vadd.f32 v5, v3  }
0x47f: {  	v1 =	vadd.f32 v22, v1  }
0x480: {  	[tilespmem:v47+s15+$0x0] =	vst.idx.msk $0xffff, v24;
	v3 =	vadd.f32 v4, v3;
	v4 =	vmul.f32 v21, v21  }
0x481: {  	v1 =	vadd.f32 v21, v1;
	v5 =	vld.idx.msk [tilespmem:v7+s11+$0x0], $0xffff  }
0x482: {  	v6 =	vld.idx.msk [tilespmem:v38+s15+$0x0], $0xffff;
	v3 =	vadd.f32 v4, v3;
	v4 =	vmul.f32 v20, v20  }
0x483: {  	v1 =	vadd.f32 v20, v1  }
0x484: {  	v43 =	vmov v38;
	v3 =	vadd.f32 v4, v3;
	v4 =	vmul.f32 v29, v29  }
0x485: {  	[tilespmem:$0x1EFD0] =	vst v47;
	v47 =	vor.u32 $0x7A, v2;
	v1 =	vadd.f32 v29, v1  }
0x486: {  	v7 =	vor.u32 $0x7A, v0;
	v3 =	vadd.f32 v4, v3;
	v4 =	vmul.f32 v18, v18  }
0x487: {  	v1 =	vadd.f32 v18, v1;
	v18 =	vadd.f32 v5, v6  }
0x488: {  	v3 =	vadd.f32 v4, v3;
	v4 =	vmul.f32 v16, v16  }
0x489: {  	v1 =	vadd.f32 v16, v1;
	[tilespmem:v43+s15+$0x0] =	vst.idx.msk $0xffff, v18  }
0x48a: {  	v5 =	vmul.f32 v23, v23;
	v6 =	vld.idx.msk [tilespmem:v47+s15+$0x0], $0xffff;
	v3 =	vadd.f32 v4, v3  }
0x48b: {  	v4 =	vld.idx.msk [tilespmem:v7+s11+$0x0], $0xffff;
	v1 =	vadd.f32 v23, v1  }
0x48c: {  	v3 =	vadd.f32 v5, v3;
	v5 =	vmul.f32 v15, v15  }
0x48d: {  	v23 =	vmov v47;
	v1 =	vadd.f32 v15, v1  }
0x48e: {  	v29 =	vor.u32 $0x7B, v0;
	v3 =	vadd.f32 v5, v3;
	v5 =	vmul.f32 v14, v14  }
0x48f: {  	v34 =	vor.u32 $0x7B, v2;
	v1 =	vadd.f32 v14, v1  }
0x490: {  	v14 =	vadd.f32 v4, v6;
	v4 =	vmul.f32 v19, v19;
	v3 =	vadd.f32 v5, v3  }
0x491: {  	v1 =	vadd.f32 v19, v1  }
0x492: {  	[tilespmem:v23+s15+$0x0] =	vst.idx.msk $0xffff, v14;
	v3 =	vadd.f32 v4, v3;
	v4 =	vmul.f32 v12, v12  }
0x493: {  	v1 =	vadd.f32 v12, v1;
	v5 =	vld.idx.msk [tilespmem:v29+s11+$0x0], $0xffff  }
0x494: {  	v43 =	vld.idx.msk [tilespmem:v34+s15+$0x0], $0xffff;
	v3 =	vadd.f32 v4, v3;
	v4 =	vmul.f32 v17, v17  }
0x495: {  	v1 =	vadd.f32 v17, v1  }
0x496: {  	[tilespmem:$0x1EFE0] =	vst v38;
	v38 =	vmov v34;
	v3 =	vadd.f32 v4, v3;
	v4 =	vmul.f32 v10, v10  }
0x497: {  	v6 =	vor.u32 $0x7C, v2;
	v1 =	vadd.f32 v10, v1  }
0x498: {  	v47 =	vor.u32 $0x7C, v0;
	v3 =	vadd.f32 v4, v3;
	v4 =	vmul.f32 v13, v13  }
0x499: {  	v52 =	vmov v9;
	v9 =	vadd.f32 v5, v43;
	v1 =	vadd.f32 v13, v1  }
0x49a: {  	v3 =	vadd.f32 v4, v3;
	v4 =	vmul.f32 v11, v11  }
0x49b: {  	[tilespmem:v38+s15+$0x0] =	vst.idx.msk $0xffff, v9;
	v1 =	vadd.f32 v11, v1  }
0x49c: {  	v5 =	vmul.f32 v63, v63;
	v8 =	vld.idx.msk [tilespmem:v6+s15+$0x0], $0xffff;
	v3 =	vadd.f32 v4, v3  }
0x49d: {  	v4 =	vld.idx.msk [tilespmem:v47+s11+$0x0], $0xffff;
	v1 =	vadd.f32 v63, v1  }
0x49e: {  	v3 =	vadd.f32 v5, v3;
	v5 =	vmul.f32 v57, v57  }
0x49f: {  	v1 =	vadd.f32 v57, v1  }
0x4a0: {  	v12 =	vmul.f32 v54, v54;
	v13 =	vor.u32 $0x7D, v0;
	v3 =	vadd.f32 v5, v3  }
0x4a1: {  	v1 =	vadd.f32 v54, v1;
	v5 =	vor.u32 $0x7D, v2  }
0x4a2: {  	v8 =	vadd.f32 v4, v8;
	v4 =	vmul.f32 v48, v48;
	v3 =	vadd.f32 v12, v3  }
0x4a3: {  	v1 =	vadd.f32 v48, v1  }
0x4a4: {  	[tilespmem:v6+s15+$0x0] =	vst.idx.msk $0xffff, v8;
	v3 =	vadd.f32 v4, v3;
	v4 =	vmul.f32 v45, v45  }
0x4a5: {  	v19 =	vmov v23;
	v1 =	vadd.f32 v45, v1;
	v23 =	vld.idx.msk [tilespmem:v13+s11+$0x0], $0xffff  }
0x4a6: {  	[tilespmem:$0x1EFF0] =	vst v34;
	v34 =	vld.idx.msk [tilespmem:v5+s15+$0x0], $0xffff;
	v3 =	vadd.f32 v4, v3;
	v4 =	vmul.f32 v39, v39  }
0x4a7: {  	v1 =	vadd.f32 v39, v1  }
0x4a8: {  	v3 =	vadd.f32 v4, v3;
	v4 =	vmul.f32 v36, v36  }
0x4a9: {  	v38 =	vor.u32 $0x7E, v0;
	v1 =	vadd.f32 v36, v1  }
0x4aa: {  	v43 =	vmul.f32 v30, v30;
	v3 =	vadd.f32 v4, v3;
	v4 =	vor.u32 $0x7E, v2  }
0x4ab: {  	v1 =	vadd.f32 v30, v1;
	v10 =	vadd.f32 v23, v34  }
0x4ac: {  	v45 =	vmul.f32 v27, v27;
	v3 =	vadd.f32 v43, v3  }
0x4ad: {  	v1 =	vadd.f32 v27, v1;
	[tilespmem:v5+s15+$0x0] =	vst.idx.msk $0xffff, v10  }
0x4ae: {  	v23 =	vmul.f32 v28, v28;
	v47 =	vld.idx.msk [tilespmem:v38+s11+$0x0], $0xffff;
	v3 =	vadd.f32 v45, v3  }
0x4af: {  	v1 =	vadd.f32 v28, v1;
	v29 =	vld.idx.msk [tilespmem:v4+s15+$0x0], $0xffff  }
0x4b0: {  	v34 =	vmul.f32 v24, v24;
	v3 =	vadd.f32 v23, v3  }
0x4b1: {  	v1 =	vadd.f32 v24, v1  }
0x4b2: {  	v0 =	vor.u32 $0x7F, v0;
	v38 =	vmul.f32 v18, v18;
	v12 =	vadd.f32 v34, v3  }
0x4b3: {  	v1 =	vadd.f32 v18, v1;
	v3 =	vor.u32 $0x7F, v2  }
0x4b4: {  	v43 =	vmul.f32 v14, v14;
	v12 =	vadd.f32 v38, v12;
	v11 =	vadd.f32 v47, v29  }
0x4b5: {  	v1 =	vadd.f32 v14, v1  }
0x4b6: {  	v45 =	vmul.f32 v9, v9;
	v12 =	vadd.f32 v43, v12;
	[tilespmem:v4+s15+$0x0] =	vst.idx.msk $0xffff, v11  }
0x4b7: {  	v1 =	vadd.f32 v9, v1;
	v0 =	vld.idx.msk [tilespmem:v0+s11+$0x0], $0xffff  }
0x4b8: {  	v23 =	vmul.f32 v8, v8;
	v29 =	vld.idx.msk [tilespmem:v3+s15+$0x0], $0xffff;
	v47 =	vadd.f32 v45, v12  }
0x4b9: {  	v1 =	vadd.f32 v8, v1  }
0x4ba: {  	v38 =	vmul.f32 v10, v10;
	v34 =	vadd.f32 v23, v47  }
0x4bb: {  	v1 =	vadd.f32 v10, v1  }
0x4bc: {  	v8 =	vadd.f32 v38, v34  }
0x4bd: {  	v43 =	vmul.f32 v11, v11;
	v0 =	vadd.f32 v0, v29;
	v1 =	vadd.f32 v11, v1;
	_ =	sdelay $0x1  }
0x4be: {  	v8 =	vadd.f32 v43, v8;
	v1 =	vadd.f32 v0, v1;
	v45 =	vmul.f32 v0, v0;
	_ =	sdelay $0x1  }
0x4bf: {  	v8 =	vadd.f32 v45, v8;
	v1 =	vmul.f32 $7.812500000e-03, v1;
	_ =	sdelay $0x1  }
0x4c0: {  	v8 =	vmul.f32 $7.812500000e-03, v8;
	v47 =	vmul.f32 v1, v1;
	_ =	sdelay $0x1  }
0x4c1: {  	v8 =	vsub.f32 v8, v47;
	_ =	sdelay $0x1  }
0x4c2: {  	v8 =	vadd.f32 $9.999999740e-06, v8;
	_ =	sdelay $0x1  }
0x4c3: {  	v23 =	vshra.s32 v8, $0x1;
	v8 =	vmul.f32 $5.000000000e-01, v8  }
0x4c4: {  	v9 =	vsub.s32 $0x5F3759DF, v23  }
0x4c5: {  	v29 =	vmul.f32 v9, v8;
	_ =	sdelay $0x1  }
0x4c6: {  	v10 =	vmul.f32 v9, v29;
	_ =	sdelay $0x1  }
0x4c7: {  	v10 =	vsub.f32 $1.500000000e+00, v10;
	_ =	sdelay $0x1  }
0x4c8: {  	v9 =	vmul.f32 v9, v10;
	_ =	sdelay $0x1  }
0x4c9: {  	v10 =	vmul.f32 v9, v8;
	_ =	sdelay $0x1  }
0x4ca: {  	v10 =	vmul.f32 v10, v9;
	_ =	sdelay $0x1  }
0x4cb: {  	v10 =	vsub.f32 $1.500000000e+00, v10;
	_ =	sdelay $0x1  }
0x4cc: {  	v9 =	vmul.f32 v10, v9;
	_ =	sdelay $0x1  }
0x4cd: {  	[tilespmem:v3+s15+$0x0] =	vst.idx.msk $0xffff, v0;
	v38 =	vmul.f32 v9, v8  }
0x4ce: {  	v43 =	vld.idx.msk [tilespmem:v2+s15+$0x0], $0xffff  }
0x4cf: {  	v0 =	vmul.f32 v38, v9;
	_ =	sdelay $0x1  }
0x4d0: {  	v0 =	vsub.f32 $1.500000000e+00, v0  }
0x4d1: {  	v45 =	vld [tilespmem:$0x1F000]  }
0x4d2: {  	v34 =	vld [tilespmem:$0x1F010];
	v8 =	vsub.f32 v43, v1;
	v0 =	vmul.f32 v0, v9  }
0x4d3: {  	v23 =	vld [tilespmem:$0x1E8B0]  }
0x4d4: {  	v8 =	vmul.f32 v0, v8;
	_ =	sdelay $0x1  }
0x4d5: {  	v8 =	vmul.f32 v8, v45;
	_ =	sdelay $0x1  }
0x4d6: {  	v8 =	vadd.f32 v8, v34;
	_ =	sdelay $0x1  }
0x4d7: {  	[tilespmem:v2+s15+$0x0] =	vst.idx.msk $0xffff, v8  }
0x4d8: {  	v2 =	vld.idx.msk [tilespmem:v23+s15+$0x0], $0xffff;
	_ =	sdelay $0x3  }
0x4d9: {  	v47 =	vld [tilespmem:$0x1F020]  }
0x4da: {  	v11 =	vld [tilespmem:$0x1F030];
	v2 =	vsub.f32 v2, v1  }
0x4db: {  	v29 =	vld [tilespmem:$0x1E8C0]  }
0x4dc: {  	v2 =	vmul.f32 v0, v2;
	_ =	sdelay $0x1  }
0x4dd: {  	v2 =	vmul.f32 v2, v47;
	_ =	sdelay $0x1  }
0x4de: {  	v2 =	vadd.f32 v2, v11;
	_ =	sdelay $0x1  }
0x4df: {  	[tilespmem:v23+s15+$0x0] =	vst.idx.msk $0xffff, v2  }
0x4e0: {  	v2 =	vld.idx.msk [tilespmem:v29+s15+$0x0], $0xffff;
	_ =	sdelay $0x3  }
0x4e1: {  	v12 =	vld [tilespmem:$0x1F040]  }
0x4e2: {  	v13 =	vld [tilespmem:$0x1F050];
	v2 =	vsub.f32 v2, v1  }
0x4e3: {  	v34 =	vld [tilespmem:$0x1E8D0]  }
0x4e4: {  	v2 =	vmul.f32 v0, v2;
	_ =	sdelay $0x1  }
0x4e5: {  	v2 =	vmul.f32 v2, v12;
	_ =	sdelay $0x1  }
0x4e6: {  	v2 =	vadd.f32 v2, v13;
	_ =	sdelay $0x1  }
0x4e7: {  	[tilespmem:v29+s15+$0x0] =	vst.idx.msk $0xffff, v2  }
0x4e8: {  	v2 =	vld.idx.msk [tilespmem:v34+s15+$0x0], $0xffff;
	_ =	sdelay $0x3  }
0x4e9: {  	v14 =	vld [tilespmem:$0x1F060]  }
0x4ea: {  	v15 =	vld [tilespmem:$0x1F070];
	v2 =	vsub.f32 v2, v1  }
0x4eb: {  	v38 =	vld [tilespmem:$0x1E8E0]  }
0x4ec: {  	v2 =	vmul.f32 v0, v2;
	_ =	sdelay $0x1  }
0x4ed: {  	v2 =	vmul.f32 v2, v14;
	_ =	sdelay $0x1  }
0x4ee: {  	v2 =	vadd.f32 v2, v15;
	_ =	sdelay $0x1  }
0x4ef: {  	[tilespmem:v34+s15+$0x0] =	vst.idx.msk $0xffff, v2  }
0x4f0: {  	v2 =	vld.idx.msk [tilespmem:v38+s15+$0x0], $0xffff;
	_ =	sdelay $0x3  }
0x4f1: {  	v7 =	vld [tilespmem:$0x1F080]  }
0x4f2: {  	v2 =	vsub.f32 v2, v1;
	_ =	sdelay $0x1  }
0x4f3: {  	v2 =	vmul.f32 v0, v2  }
0x4f4: {  	v16 =	vld [tilespmem:$0x1F090]  }
0x4f5: {  	v2 =	vmul.f32 v2, v7;
	v7 =	vld [tilespmem:$0x1E8F0];
	_ =	sdelay $0x4  }
0x4f6: {  	v2 =	vadd.f32 v2, v16;
	_ =	sdelay $0x1  }
0x4f7: {  	[tilespmem:v38+s15+$0x0] =	vst.idx.msk $0xffff, v2  }
0x4f8: {  	v2 =	vld.idx.msk [tilespmem:v7+s15+$0x0], $0xffff;
	_ =	sdelay $0x3  }
0x4f9: {  	v18 =	vld [tilespmem:$0x1F0A0]  }
0x4fa: {  	v2 =	vsub.f32 v2, v1  }
0x4fb: {  	v20 =	vld [tilespmem:$0x1F0B0]  }
0x4fc: {  	v2 =	vmul.f32 v0, v2;
	_ =	sdelay $0x1  }
0x4fd: {  	v2 =	vmul.f32 v2, v18;
	_ =	sdelay $0x1  }
0x4fe: {  	v2 =	vadd.f32 v2, v20;
	_ =	sdelay $0x1  }
0x4ff: {  	[tilespmem:v7+s15+$0x0] =	vst.idx.msk $0xffff, v2;
	v7 =	vld [tilespmem:$0x1E900];
	_ =	sdelay $0x7  }
0x500: {  	v2 =	vld.idx.msk [tilespmem:v7+s15+$0x0], $0xffff;
	_ =	sdelay $0x3  }
0x501: {  	v21 =	vld [tilespmem:$0x1F0C0]  }
0x502: {  	v2 =	vsub.f32 v2, v1  }
0x503: {  	v22 =	vld [tilespmem:$0x1F0D0]  }
0x504: {  	v2 =	vmul.f32 v0, v2;
	_ =	sdelay $0x1  }
0x505: {  	v2 =	vmul.f32 v2, v21;
	_ =	sdelay $0x1  }
0x506: {  	v2 =	vadd.f32 v2, v22;
	_ =	sdelay $0x1  }
0x507: {  	[tilespmem:v7+s15+$0x0] =	vst.idx.msk $0xffff, v2;
	v7 =	vld [tilespmem:$0x1E910];
	_ =	sdelay $0x7  }
0x508: {  	v2 =	vld.idx.msk [tilespmem:v7+s15+$0x0], $0xffff;
	_ =	sdelay $0x3  }
0x509: {  	v24 =	vld [tilespmem:$0x1F0E0]  }
0x50a: {  	v2 =	vsub.f32 v2, v1  }
0x50b: {  	v25 =	vld [tilespmem:$0x1F0F0]  }
0x50c: {  	v2 =	vmul.f32 v0, v2;
	_ =	sdelay $0x1  }
0x50d: {  	v2 =	vmul.f32 v2, v24;
	_ =	sdelay $0x1  }
0x50e: {  	v2 =	vadd.f32 v2, v25;
	_ =	sdelay $0x1  }
0x50f: {  	[tilespmem:v7+s15+$0x0] =	vst.idx.msk $0xffff, v2;
	v7 =	vld [tilespmem:$0x1E920];
	_ =	sdelay $0x7  }
0x510: {  	v2 =	vld.idx.msk [tilespmem:v7+s15+$0x0], $0xffff;
	_ =	sdelay $0x3  }
0x511: {  	v35 =	vld [tilespmem:$0x1F100]  }
0x512: {  	v2 =	vsub.f32 v2, v1  }
0x513: {  	v27 =	vld [tilespmem:$0x1F110]  }
0x514: {  	v2 =	vmul.f32 v0, v2;
	_ =	sdelay $0x1  }
0x515: {  	v2 =	vmul.f32 v2, v35;
	_ =	sdelay $0x1  }
0x516: {  	v2 =	vadd.f32 v2, v27;
	_ =	sdelay $0x1  }
0x517: {  	[tilespmem:v7+s15+$0x0] =	vst.idx.msk $0xffff, v2;
	v7 =	vld [tilespmem:$0x1E930];
	_ =	sdelay $0x7  }
0x518: {  	v2 =	vld.idx.msk [tilespmem:v7+s15+$0x0], $0xffff;
	_ =	sdelay $0x3  }
0x519: {  	v28 =	vld [tilespmem:$0x1FD50]  }
0x51a: {  	v2 =	vsub.f32 v2, v1  }
0x51b: {  	v30 =	vld [tilespmem:$0x1FD60]  }
0x51c: {  	v2 =	vmul.f32 v0, v2;
	_ =	sdelay $0x1  }
0x51d: {  	v2 =	vmul.f32 v2, v28;
	_ =	sdelay $0x1  }
0x51e: {  	v2 =	vadd.f32 v2, v30;
	_ =	sdelay $0x1  }
0x51f: {  	[tilespmem:v7+s15+$0x0] =	vst.idx.msk $0xffff, v2;
	v7 =	vld [tilespmem:$0x1E940];
	_ =	sdelay $0x7  }
0x520: {  	v2 =	vld.idx.msk [tilespmem:v7+s15+$0x0], $0xffff;
	_ =	sdelay $0x3  }
0x521: {  	v31 =	vld [tilespmem:$0x1FD70]  }
0x522: {  	v2 =	vsub.f32 v2, v1  }
0x523: {  	v32 =	vld [tilespmem:$0x1FD80]  }
0x524: {  	v2 =	vmul.f32 v2, v0;
	_ =	sdelay $0x1  }
0x525: {  	v2 =	vmul.f32 v2, v31;
	_ =	sdelay $0x1  }
0x526: {  	v2 =	vadd.f32 v2, v32;
	_ =	sdelay $0x1  }
0x527: {  	[tilespmem:v7+s15+$0x0] =	vst.idx.msk $0xffff, v2;
	v7 =	vld [tilespmem:$0x1E950];
	_ =	sdelay $0x7  }
0x528: {  	v2 =	vld.idx.msk [tilespmem:v7+s15+$0x0], $0xffff;
	_ =	sdelay $0x3  }
0x529: {  	v33 =	vld [tilespmem:$0x1FD90]  }
0x52a: {  	v2 =	vsub.f32 v2, v1  }
0x52b: {  	v26 =	vld [tilespmem:$0x1FDA0]  }
0x52c: {  	v2 =	vmul.f32 v2, v0;
	_ =	sdelay $0x1  }
0x52d: {  	v2 =	vmul.f32 v2, v33;
	_ =	sdelay $0x1  }
0x52e: {  	v2 =	vadd.f32 v2, v26;
	_ =	sdelay $0x1  }
0x52f: {  	[tilespmem:v7+s15+$0x0] =	vst.idx.msk $0xffff, v2;
	v7 =	vld [tilespmem:$0x1E960];
	_ =	sdelay $0x7  }
0x530: {  	v2 =	vld.idx.msk [tilespmem:v7+s15+$0x0], $0xffff;
	_ =	sdelay $0x3  }
0x531: {  	v36 =	vld [tilespmem:$0x1FDB0]  }
0x532: {  	v2 =	vsub.f32 v2, v1  }
0x533: {  	v37 =	vld [tilespmem:$0x1FDC0]  }
0x534: {  	v2 =	vmul.f32 v2, v0;
	_ =	sdelay $0x1  }
0x535: {  	v2 =	vmul.f32 v2, v36;
	_ =	sdelay $0x1  }
0x536: {  	v2 =	vadd.f32 v2, v37;
	_ =	sdelay $0x1  }
0x537: {  	[tilespmem:v7+s15+$0x0] =	vst.idx.msk $0xffff, v2;
	v7 =	vld [tilespmem:$0x1E970];
	_ =	sdelay $0x7  }
0x538: {  	v2 =	vld.idx.msk [tilespmem:v7+s15+$0x0], $0xffff;
	_ =	sdelay $0x3  }
0x539: {  	v39 =	vld [tilespmem:$0x1FDD0]  }
0x53a: {  	v2 =	vsub.f32 v2, v1  }
0x53b: {  	v40 =	vld [tilespmem:$0x1FDE0]  }
0x53c: {  	v2 =	vmul.f32 v2, v0;
	_ =	sdelay $0x1  }
0x53d: {  	v2 =	vmul.f32 v2, v39;
	_ =	sdelay $0x1  }
0x53e: {  	v2 =	vadd.f32 v2, v40;
	_ =	sdelay $0x1  }
0x53f: {  	[tilespmem:v7+s15+$0x0] =	vst.idx.msk $0xffff, v2;
	v7 =	vld [tilespmem:$0x1E980];
	_ =	sdelay $0x7  }
0x540: {  	v2 =	vld.idx.msk [tilespmem:v7+s15+$0x0], $0xffff;
	_ =	sdelay $0x3  }
0x541: {  	v41 =	vld [tilespmem:$0x1FDF0]  }
0x542: {  	v2 =	vsub.f32 v2, v1  }
0x543: {  	v42 =	vld [tilespmem:$0x1FE00]  }
0x544: {  	v2 =	vmul.f32 v2, v0;
	_ =	sdelay $0x1  }
0x545: {  	v2 =	vmul.f32 v2, v41;
	_ =	sdelay $0x1  }
0x546: {  	v2 =	vadd.f32 v2, v42;
	_ =	sdelay $0x1  }
0x547: {  	[tilespmem:v7+s15+$0x0] =	vst.idx.msk $0xffff, v2;
	v7 =	vld [tilespmem:$0x1E990];
	_ =	sdelay $0x7  }
0x548: {  	v2 =	vld.idx.msk [tilespmem:v7+s15+$0x0], $0xffff;
	_ =	sdelay $0x3  }
0x549: {  	v49 =	vld [tilespmem:$0x1FE10]  }
0x54a: {  	v2 =	vsub.f32 v2, v1  }
0x54b: {  	v17 =	vld [tilespmem:$0x1FE20]  }
0x54c: {  	v2 =	vmul.f32 v2, v0;
	_ =	sdelay $0x1  }
0x54d: {  	v2 =	vmul.f32 v2, v49;
	_ =	sdelay $0x1  }
0x54e: {  	v2 =	vadd.f32 v2, v17;
	_ =	sdelay $0x1  }
0x54f: {  	[tilespmem:v7+s15+$0x0] =	vst.idx.msk $0xffff, v2;
	v7 =	vld [tilespmem:$0x1E9A0];
	_ =	sdelay $0x7  }
0x550: {  	v2 =	vld.idx.msk [tilespmem:v7+s15+$0x0], $0xffff;
	_ =	sdelay $0x3  }
0x551: {  	v53 =	vld [tilespmem:$0x1FE30]  }
0x552: {  	v2 =	vsub.f32 v2, v1  }
0x553: {  	v48 =	vld [tilespmem:$0x1FE40]  }
0x554: {  	v2 =	vmul.f32 v2, v0;
	_ =	sdelay $0x1  }
0x555: {  	v2 =	vmul.f32 v2, v53;
	_ =	sdelay $0x1  }
0x556: {  	v2 =	vadd.f32 v2, v48;
	_ =	sdelay $0x1  }
0x557: {  	[tilespmem:v7+s15+$0x0] =	vst.idx.msk $0xffff, v2;
	v7 =	vld [tilespmem:$0x1E9B0];
	_ =	sdelay $0x7  }
0x558: {  	v2 =	vld.idx.msk [tilespmem:v7+s15+$0x0], $0xffff;
	_ =	sdelay $0x3  }
0x559: {  	v58 =	vld [tilespmem:$0x1FE50]  }
0x55a: {  	v2 =	vsub.f32 v2, v1  }
0x55b: {  	v62 =	vld [tilespmem:$0x1FE60]  }
0x55c: {  	v2 =	vmul.f32 v2, v0;
	_ =	sdelay $0x1  }
0x55d: {  	v2 =	vmul.f32 v2, v58;
	_ =	sdelay $0x1  }
0x55e: {  	v2 =	vadd.f32 v2, v62;
	_ =	sdelay $0x1  }
0x55f: {  	[tilespmem:v7+s15+$0x0] =	vst.idx.msk $0xffff, v2;
	v7 =	vld [tilespmem:$0x1E9C0];
	_ =	sdelay $0x7  }
0x560: {  	v2 =	vld.idx.msk [tilespmem:v7+s15+$0x0], $0xffff;
	_ =	sdelay $0x3  }
0x561: {  	v55 =	vld [tilespmem:$0x1FE70]  }
0x562: {  	v2 =	vsub.f32 v2, v1  }
0x563: {  	v56 =	vld [tilespmem:$0x1FE80]  }
0x564: {  	v2 =	vmul.f32 v2, v0;
	_ =	sdelay $0x1  }
0x565: {  	v2 =	vmul.f32 v2, v55;
	_ =	sdelay $0x1  }
0x566: {  	v2 =	vadd.f32 v2, v56;
	_ =	sdelay $0x1  }
0x567: {  	[tilespmem:v7+s15+$0x0] =	vst.idx.msk $0xffff, v2;
	v7 =	vld [tilespmem:$0x1E9D0];
	_ =	sdelay $0x7  }
0x568: {  	v2 =	vld.idx.msk [tilespmem:v7+s15+$0x0], $0xffff;
	_ =	sdelay $0x3  }
0x569: {  	v54 =	vld [tilespmem:$0x1FE90]  }
0x56a: {  	v2 =	vsub.f32 v2, v1  }
0x56b: {  	v59 =	vld [tilespmem:$0x1FEA0]  }
0x56c: {  	v2 =	vmul.f32 v2, v0;
	_ =	sdelay $0x1  }
0x56d: {  	v2 =	vmul.f32 v2, v54;
	_ =	sdelay $0x1  }
0x56e: {  	v2 =	vadd.f32 v2, v59;
	_ =	sdelay $0x1  }
0x56f: {  	[tilespmem:v7+s15+$0x0] =	vst.idx.msk $0xffff, v2;
	v7 =	vld [tilespmem:$0x1E9E0];
	_ =	sdelay $0x7  }
0x570: {  	v2 =	vld.idx.msk [tilespmem:v7+s15+$0x0], $0xffff;
	_ =	sdelay $0x3  }
0x571: {  	v57 =	vld [tilespmem:$0x1FEB0]  }
0x572: {  	v2 =	vsub.f32 v2, v1  }
0x573: {  	v60 =	vld [tilespmem:$0x1FEC0]  }
0x574: {  	v2 =	vmul.f32 v2, v0;
	_ =	sdelay $0x1  }
0x575: {  	v2 =	vmul.f32 v2, v57;
	_ =	sdelay $0x1  }
0x576: {  	v2 =	vadd.f32 v2, v60;
	_ =	sdelay $0x1  }
0x577: {  	[tilespmem:v7+s15+$0x0] =	vst.idx.msk $0xffff, v2;
	v7 =	vld [tilespmem:$0x1E9F0];
	_ =	sdelay $0x7  }
0x578: {  	v2 =	vld.idx.msk [tilespmem:v7+s15+$0x0], $0xffff;
	_ =	sdelay $0x3  }
0x579: {  	v61 =	vld [tilespmem:$0x1FED0]  }
0x57a: {  	v2 =	vsub.f32 v2, v1  }
0x57b: {  	v40 =	vld [tilespmem:$0x1FEE0]  }
0x57c: {  	v2 =	vmul.f32 v2, v0;
	_ =	sdelay $0x1  }
0x57d: {  	v2 =	vmul.f32 v2, v61;
	_ =	sdelay $0x1  }
0x57e: {  	v2 =	vadd.f32 v2, v40;
	_ =	sdelay $0x1  }
0x57f: {  	[tilespmem:v7+s15+$0x0] =	vst.idx.msk $0xffff, v2;
	v7 =	vld [tilespmem:$0x1EA00];
	_ =	sdelay $0x7  }
0x580: {  	v2 =	vld.idx.msk [tilespmem:v7+s15+$0x0], $0xffff;
	_ =	sdelay $0x3  }
0x581: {  	v41 =	vld [tilespmem:$0x1FEF0]  }
0x582: {  	v63 =	vld [tilespmem:$0x1FF00];
	v2 =	vsub.f32 v2, v1  }
0x583: {  	v42 =	vld [tilespmem:$0x1EA10]  }
0x584: {  	v2 =	vmul.f32 v2, v0;
	_ =	sdelay $0x1  }
0x585: {  	v2 =	vmul.f32 v2, v41;
	_ =	sdelay $0x1  }
0x586: {  	v2 =	vadd.f32 v2, v63;
	_ =	sdelay $0x1  }
0x587: {  	[tilespmem:v7+s15+$0x0] =	vst.idx.msk $0xffff, v2  }
0x588: {  	v2 =	vld.idx.msk [tilespmem:v42+s15+$0x0], $0xffff;
	_ =	sdelay $0x3  }
0x589: {  	v43 =	vld [tilespmem:$0x1F120]  }
0x58a: {  	v45 =	vld [tilespmem:$0x1EA20];
	v2 =	vsub.f32 v2, v1  }
0x58b: {  	v7 =	vld [tilespmem:$0x1F130]  }
0x58c: {  	v2 =	vmul.f32 v2, v0;
	_ =	sdelay $0x1  }
0x58d: {  	v2 =	vmul.f32 v2, v43;
	_ =	sdelay $0x1  }
0x58e: {  	v2 =	vadd.f32 v2, v7;
	_ =	sdelay $0x1  }
0x58f: {  	[tilespmem:v42+s15+$0x0] =	vst.idx.msk $0xffff, v2  }
0x590: {  	v2 =	vld.idx.msk [tilespmem:v45+s15+$0x0], $0xffff;
	_ =	sdelay $0x3  }
0x591: {  	v7 =	vld [tilespmem:$0x1F140]  }
0x592: {  	v2 =	vsub.f32 v2, v1;
	_ =	sdelay $0x1  }
0x593: {  	v2 =	vmul.f32 v2, v0  }
0x594: {  	v47 =	vld [tilespmem:$0x1EA30]  }
0x595: {  	v2 =	vmul.f32 v2, v7;
	v7 =	vld [tilespmem:$0x1F150];
	_ =	sdelay $0x4  }
0x596: {  	v2 =	vadd.f32 v2, v7;
	_ =	sdelay $0x1  }
0x597: {  	[tilespmem:v45+s15+$0x0] =	vst.idx.msk $0xffff, v2  }
0x598: {  	v2 =	vld.idx.msk [tilespmem:v47+s15+$0x0], $0xffff;
	_ =	sdelay $0x3  }
0x599: {  	v7 =	vld [tilespmem:$0x1F160]  }
0x59a: {  	v2 =	vsub.f32 v2, v1;
	_ =	sdelay $0x1  }
0x59b: {  	v2 =	vmul.f32 v2, v0;
	_ =	sdelay $0x1  }
0x59c: {  	v2 =	vmul.f32 v2, v7;
	v7 =	vld [tilespmem:$0x1F170];
	_ =	sdelay $0x4  }
0x59d: {  	v2 =	vadd.f32 v2, v7;
	_ =	sdelay $0x1  }
0x59e: {  	[tilespmem:v47+s15+$0x0] =	vst.idx.msk $0xffff, v2  }
0x59f: {  	v8 =	vld [tilespmem:$0x1EA40];
	_ =	sdelay $0x7  }
0x5a0: {  	v48 =	vld.idx.msk [tilespmem:v8+s15+$0x0], $0xffff;
	_ =	sdelay $0x3  }
0x5a1: {  	v7 =	vld [tilespmem:$0x1F180]  }
0x5a2: {  	v2 =	vsub.f32 v48, v1;
	_ =	sdelay $0x1  }
0x5a3: {  	v2 =	vmul.f32 v2, v0  }
0x5a4: {  	v49 =	vld [tilespmem:$0x1EA50]  }
0x5a5: {  	v2 =	vmul.f32 v2, v7;
	v7 =	vld [tilespmem:$0x1F190];
	_ =	sdelay $0x4  }
0x5a6: {  	v2 =	vadd.f32 v2, v7;
	_ =	sdelay $0x1  }
0x5a7: {  	[tilespmem:v8+s15+$0x0] =	vst.idx.msk $0xffff, v2  }
0x5a8: {  	v2 =	vld.idx.msk [tilespmem:v49+s15+$0x0], $0xffff;
	_ =	sdelay $0x3  }
0x5a9: {  	v7 =	vld [tilespmem:$0x1F1A0]  }
0x5aa: {  	v2 =	vsub.f32 v2, v1;
	_ =	sdelay $0x1  }
0x5ab: {  	v2 =	vmul.f32 v2, v0  }
0x5ac: {  	v53 =	vld [tilespmem:$0x1EA60]  }
0x5ad: {  	v2 =	vmul.f32 v2, v7;
	v7 =	vld [tilespmem:$0x1F1B0];
	_ =	sdelay $0x4  }
0x5ae: {  	v2 =	vadd.f32 v2, v7;
	_ =	sdelay $0x1  }
0x5af: {  	[tilespmem:v49+s15+$0x0] =	vst.idx.msk $0xffff, v2  }
0x5b0: {  	v2 =	vld.idx.msk [tilespmem:v53+s15+$0x0], $0xffff;
	_ =	sdelay $0x3  }
0x5b1: {  	v7 =	vld [tilespmem:$0x1F1C0]  }
0x5b2: {  	v2 =	vsub.f32 v2, v1;
	_ =	sdelay $0x1  }
0x5b3: {  	v2 =	vmul.f32 v2, v0  }
0x5b4: {  	v54 =	vld [tilespmem:$0x1EA70]  }
0x5b5: {  	v2 =	vmul.f32 v2, v7;
	v7 =	vld [tilespmem:$0x1F1D0];
	_ =	sdelay $0x4  }
0x5b6: {  	v2 =	vadd.f32 v2, v7;
	_ =	sdelay $0x1  }
0x5b7: {  	[tilespmem:v53+s15+$0x0] =	vst.idx.msk $0xffff, v2  }
0x5b8: {  	v2 =	vld.idx.msk [tilespmem:v54+s15+$0x0], $0xffff;
	_ =	sdelay $0x3  }
0x5b9: {  	v7 =	vld [tilespmem:$0x1F1E0]  }
0x5ba: {  	v2 =	vsub.f32 v2, v1;
	_ =	sdelay $0x1  }
0x5bb: {  	v2 =	vmul.f32 v2, v0  }
0x5bc: {  	v55 =	vld [tilespmem:$0x1EA80]  }
0x5bd: {  	v2 =	vmul.f32 v2, v7;
	v7 =	vld [tilespmem:$0x1F1F0];
	_ =	sdelay $0x4  }
0x5be: {  	v2 =	vadd.f32 v2, v7;
	_ =	sdelay $0x1  }
0x5bf: {  	[tilespmem:v54+s15+$0x0] =	vst.idx.msk $0xffff, v2  }
0x5c0: {  	v2 =	vld.idx.msk [tilespmem:v55+s15+$0x0], $0xffff;
	_ =	sdelay $0x3  }
0x5c1: {  	v7 =	vld [tilespmem:$0x1F200]  }
0x5c2: {  	v2 =	vsub.f32 v2, v1;
	_ =	sdelay $0x1  }
0x5c3: {  	v2 =	vmul.f32 v2, v0  }
0x5c4: {  	v56 =	vld [tilespmem:$0x1EA90]  }
0x5c5: {  	v2 =	vmul.f32 v2, v7;
	v7 =	vld [tilespmem:$0x1F220];
	_ =	sdelay $0x4  }
0x5c6: {  	v2 =	vadd.f32 v2, v7;
	_ =	sdelay $0x1  }
0x5c7: {  	[tilespmem:v55+s15+$0x0] =	vst.idx.msk $0xffff, v2  }
0x5c8: {  	v2 =	vld.idx.msk [tilespmem:v56+s15+$0x0], $0xffff;
	_ =	sdelay $0x3  }
0x5c9: {  	v7 =	vld [tilespmem:$0x1F210]  }
0x5ca: {  	v2 =	vsub.f32 v2, v1;
	_ =	sdelay $0x1  }
0x5cb: {  	v2 =	vmul.f32 v2, v0  }
0x5cc: {  	v57 =	vld [tilespmem:$0x1EAA0]  }
0x5cd: {  	v2 =	vmul.f32 v2, v7;
	v7 =	vld [tilespmem:$0x1F230];
	_ =	sdelay $0x4  }
0x5ce: {  	v2 =	vadd.f32 v2, v7;
	_ =	sdelay $0x1  }
0x5cf: {  	[tilespmem:v56+s15+$0x0] =	vst.idx.msk $0xffff, v2  }
0x5d0: {  	v2 =	vld.idx.msk [tilespmem:v57+s15+$0x0], $0xffff;
	_ =	sdelay $0x3  }
0x5d1: {  	v7 =	vld [tilespmem:$0x1F240]  }
0x5d2: {  	v2 =	vsub.f32 v2, v1;
	_ =	sdelay $0x1  }
0x5d3: {  	v2 =	vmul.f32 v2, v0  }
0x5d4: {  	v58 =	vld [tilespmem:$0x1EAB0]  }
0x5d5: {  	v2 =	vmul.f32 v2, v7;
	v7 =	vld [tilespmem:$0x1F340];
	_ =	sdelay $0x4  }
0x5d6: {  	v2 =	vadd.f32 v2, v7;
	_ =	sdelay $0x1  }
0x5d7: {  	[tilespmem:v57+s15+$0x0] =	vst.idx.msk $0xffff, v2  }
0x5d8: {  	v2 =	vld.idx.msk [tilespmem:v58+s15+$0x0], $0xffff;
	_ =	sdelay $0x3  }
0x5d9: {  	v7 =	vld [tilespmem:$0x1F250]  }
0x5da: {  	v2 =	vsub.f32 v2, v1;
	_ =	sdelay $0x1  }
0x5db: {  	v2 =	vmul.f32 v2, v0  }
0x5dc: {  	v59 =	vld [tilespmem:$0x1EAC0]  }
0x5dd: {  	v2 =	vmul.f32 v2, v7;
	v7 =	vld [tilespmem:$0x1F350];
	_ =	sdelay $0x4  }
0x5de: {  	v2 =	vadd.f32 v2, v7;
	_ =	sdelay $0x1  }
0x5df: {  	[tilespmem:v58+s15+$0x0] =	vst.idx.msk $0xffff, v2  }
0x5e0: {  	v2 =	vld.idx.msk [tilespmem:v59+s15+$0x0], $0xffff;
	_ =	sdelay $0x3  }
0x5e1: {  	v7 =	vld [tilespmem:$0x1F260]  }
0x5e2: {  	v2 =	vsub.f32 v2, v1;
	_ =	sdelay $0x1  }
0x5e3: {  	v2 =	vmul.f32 v2, v0  }
0x5e4: {  	v60 =	vld [tilespmem:$0x1EAD0]  }
0x5e5: {  	v2 =	vmul.f32 v2, v7;
	v7 =	vld [tilespmem:$0x1F360];
	_ =	sdelay $0x4  }
0x5e6: {  	v2 =	vadd.f32 v2, v7;
	_ =	sdelay $0x1  }
0x5e7: {  	[tilespmem:v59+s15+$0x0] =	vst.idx.msk $0xffff, v2  }
0x5e8: {  	v2 =	vld.idx.msk [tilespmem:v60+s15+$0x0], $0xffff;
	_ =	sdelay $0x3  }
0x5e9: {  	v7 =	vld [tilespmem:$0x1F270]  }
0x5ea: {  	v2 =	vsub.f32 v2, v1;
	_ =	sdelay $0x1  }
0x5eb: {  	v2 =	vmul.f32 v2, v0  }
0x5ec: {  	v61 =	vld [tilespmem:$0x1EAE0]  }
0x5ed: {  	v2 =	vmul.f32 v2, v7;
	v7 =	vld [tilespmem:$0x1F370];
	_ =	sdelay $0x4  }
0x5ee: {  	v2 =	vadd.f32 v2, v7;
	_ =	sdelay $0x1  }
0x5ef: {  	[tilespmem:v60+s15+$0x0] =	vst.idx.msk $0xffff, v2  }
0x5f0: {  	v2 =	vld.idx.msk [tilespmem:v61+s15+$0x0], $0xffff;
	_ =	sdelay $0x3  }
0x5f1: {  	v7 =	vld [tilespmem:$0x1F280]  }
0x5f2: {  	v2 =	vsub.f32 v2, v1;
	_ =	sdelay $0x1  }
0x5f3: {  	v2 =	vmul.f32 v2, v0  }
0x5f4: {  	v62 =	vld [tilespmem:$0x1EAF0]  }
0x5f5: {  	v2 =	vmul.f32 v2, v7;
	v7 =	vld [tilespmem:$0x1F380];
	_ =	sdelay $0x4  }
0x5f6: {  	v2 =	vadd.f32 v2, v7;
	_ =	sdelay $0x1  }
0x5f7: {  	[tilespmem:v61+s15+$0x0] =	vst.idx.msk $0xffff, v2  }
0x5f8: {  	v2 =	vld.idx.msk [tilespmem:v62+s15+$0x0], $0xffff;
	_ =	sdelay $0x3  }
0x5f9: {  	v7 =	vld [tilespmem:$0x1F290]  }
0x5fa: {  	v2 =	vsub.f32 v2, v1;
	_ =	sdelay $0x1  }
0x5fb: {  	v2 =	vmul.f32 v2, v0  }
0x5fc: {  	v63 =	vld [tilespmem:$0x1EB00]  }
0x5fd: {  	v2 =	vmul.f32 v2, v7;
	v7 =	vld [tilespmem:$0x1F390];
	_ =	sdelay $0x4  }
0x5fe: {  	v2 =	vadd.f32 v2, v7;
	_ =	sdelay $0x1  }
0x5ff: {  	[tilespmem:v62+s15+$0x0] =	vst.idx.msk $0xffff, v2  }
0x600: {  	v2 =	vld.idx.msk [tilespmem:v63+s15+$0x0], $0xffff;
	_ =	sdelay $0x3  }
0x601: {  	v7 =	vld [tilespmem:$0x1F2A0]  }
0x602: {  	v2 =	vsub.f32 v2, v1;
	_ =	sdelay $0x1  }
0x603: {  	v2 =	vmul.f32 v2, v0  }
0x604: {  	v12 =	vld [tilespmem:$0x1EB10]  }
0x605: {  	v2 =	vmul.f32 v2, v7;
	v7 =	vld [tilespmem:$0x1F3A0];
	_ =	sdelay $0x4  }
0x606: {  	v2 =	vadd.f32 v2, v7;
	_ =	sdelay $0x1  }
0x607: {  	[tilespmem:v63+s15+$0x0] =	vst.idx.msk $0xffff, v2  }
0x608: {  	v2 =	vld.idx.msk [tilespmem:v12+s15+$0x0], $0xffff;
	_ =	sdelay $0x3  }
0x609: {  	v7 =	vld [tilespmem:$0x1F2B0]  }
0x60a: {  	v2 =	vsub.f32 v2, v1;
	_ =	sdelay $0x1  }
0x60b: {  	v2 =	vmul.f32 v2, v0  }
0x60c: {  	v13 =	vld [tilespmem:$0x1EB20]  }
0x60d: {  	v2 =	vmul.f32 v2, v7;
	v7 =	vld [tilespmem:$0x1F3B0];
	_ =	sdelay $0x4  }
0x60e: {  	v2 =	vadd.f32 v2, v7;
	_ =	sdelay $0x1  }
0x60f: {  	[tilespmem:v12+s15+$0x0] =	vst.idx.msk $0xffff, v2  }
0x610: {  	v2 =	vld.idx.msk [tilespmem:v13+s15+$0x0], $0xffff;
	_ =	sdelay $0x3  }
0x611: {  	v7 =	vld [tilespmem:$0x1F2C0]  }
0x612: {  	v2 =	vsub.f32 v2, v1;
	_ =	sdelay $0x1  }
0x613: {  	v2 =	vmul.f32 v2, v0  }
0x614: {  	v14 =	vld [tilespmem:$0x1EB30]  }
0x615: {  	v2 =	vmul.f32 v2, v7;
	v7 =	vld [tilespmem:$0x1F3C0];
	_ =	sdelay $0x4  }
0x616: {  	v2 =	vadd.f32 v2, v7;
	_ =	sdelay $0x1  }
0x617: {  	[tilespmem:v13+s15+$0x0] =	vst.idx.msk $0xffff, v2  }
0x618: {  	v2 =	vld.idx.msk [tilespmem:v14+s15+$0x0], $0xffff;
	_ =	sdelay $0x3  }
0x619: {  	v7 =	vld [tilespmem:$0x1F2D0]  }
0x61a: {  	v2 =	vsub.f32 v2, v1;
	_ =	sdelay $0x1  }
0x61b: {  	v2 =	vmul.f32 v2, v0  }
0x61c: {  	v15 =	vld [tilespmem:$0x1EB40]  }
0x61d: {  	v2 =	vmul.f32 v2, v7;
	v7 =	vld [tilespmem:$0x1F3D0];
	_ =	sdelay $0x4  }
0x61e: {  	v2 =	vadd.f32 v2, v7;
	_ =	sdelay $0x1  }
0x61f: {  	[tilespmem:v14+s15+$0x0] =	vst.idx.msk $0xffff, v2  }
0x620: {  	v2 =	vld.idx.msk [tilespmem:v15+s15+$0x0], $0xffff;
	_ =	sdelay $0x3  }
0x621: {  	v7 =	vld [tilespmem:$0x1F2E0]  }
0x622: {  	v2 =	vsub.f32 v2, v1;
	_ =	sdelay $0x1  }
0x623: {  	v2 =	vmul.f32 v2, v0  }
0x624: {  	v16 =	vld [tilespmem:$0x1EB50]  }
0x625: {  	v2 =	vmul.f32 v2, v7;
	v7 =	vld [tilespmem:$0x1F3E0];
	_ =	sdelay $0x4  }
0x626: {  	v2 =	vadd.f32 v2, v7;
	_ =	sdelay $0x1  }
0x627: {  	[tilespmem:v15+s15+$0x0] =	vst.idx.msk $0xffff, v2  }
0x628: {  	v2 =	vld.idx.msk [tilespmem:v16+s15+$0x0], $0xffff;
	_ =	sdelay $0x3  }
0x629: {  	v7 =	vld [tilespmem:$0x1F2F0]  }
0x62a: {  	v2 =	vsub.f32 v2, v1;
	_ =	sdelay $0x1  }
0x62b: {  	v2 =	vmul.f32 v2, v0  }
0x62c: {  	v17 =	vld [tilespmem:$0x1EB60]  }
0x62d: {  	v2 =	vmul.f32 v2, v7;
	v7 =	vld [tilespmem:$0x1F3F0];
	_ =	sdelay $0x4  }
0x62e: {  	v2 =	vadd.f32 v2, v7;
	_ =	sdelay $0x1  }
0x62f: {  	[tilespmem:v16+s15+$0x0] =	vst.idx.msk $0xffff, v2  }
0x630: {  	v2 =	vld.idx.msk [tilespmem:v17+s15+$0x0], $0xffff;
	_ =	sdelay $0x3  }
0x631: {  	v7 =	vld [tilespmem:$0x1F300]  }
0x632: {  	v2 =	vsub.f32 v2, v1;
	_ =	sdelay $0x1  }
0x633: {  	v2 =	vmul.f32 v2, v0  }
0x634: {  	v18 =	vld [tilespmem:$0x1EB70]  }
0x635: {  	v2 =	vmul.f32 v2, v7;
	v7 =	vld [tilespmem:$0x1F400];
	_ =	sdelay $0x4  }
0x636: {  	v2 =	vadd.f32 v2, v7;
	_ =	sdelay $0x1  }
0x637: {  	[tilespmem:v17+s15+$0x0] =	vst.idx.msk $0xffff, v2  }
0x638: {  	v2 =	vld.idx.msk [tilespmem:v18+s15+$0x0], $0xffff;
	_ =	sdelay $0x3  }
0x639: {  	v7 =	vld [tilespmem:$0x1F310]  }
0x63a: {  	v2 =	vsub.f32 v2, v1;
	_ =	sdelay $0x1  }
0x63b: {  	v2 =	vmul.f32 v2, v0  }
0x63c: {  	v20 =	vld [tilespmem:$0x1EB80]  }
0x63d: {  	v2 =	vmul.f32 v2, v7;
	v7 =	vld [tilespmem:$0x1F410];
	_ =	sdelay $0x4  }
0x63e: {  	v2 =	vadd.f32 v2, v7;
	_ =	sdelay $0x1  }
0x63f: {  	[tilespmem:v18+s15+$0x0] =	vst.idx.msk $0xffff, v2  }
0x640: {  	v2 =	vld.idx.msk [tilespmem:v20+s15+$0x0], $0xffff;
	_ =	sdelay $0x3  }
0x641: {  	v7 =	vld [tilespmem:$0x1F320]  }
0x642: {  	v2 =	vsub.f32 v2, v1;
	_ =	sdelay $0x1  }
0x643: {  	v2 =	vmul.f32 v2, v0  }
0x644: {  	v21 =	vld [tilespmem:$0x1EB90]  }
0x645: {  	v2 =	vmul.f32 v2, v7;
	v7 =	vld [tilespmem:$0x1F420];
	_ =	sdelay $0x4  }
0x646: {  	v2 =	vadd.f32 v2, v7;
	_ =	sdelay $0x1  }
0x647: {  	[tilespmem:v20+s15+$0x0] =	vst.idx.msk $0xffff, v2  }
0x648: {  	v2 =	vld.idx.msk [tilespmem:v21+s15+$0x0], $0xffff;
	_ =	sdelay $0x3  }
0x649: {  	v7 =	vld [tilespmem:$0x1F330]  }
0x64a: {  	v2 =	vsub.f32 v2, v1;
	_ =	sdelay $0x1  }
0x64b: {  	v2 =	vmul.f32 v2, v0  }
0x64c: {  	v22 =	vld [tilespmem:$0x1EBA0]  }
0x64d: {  	v2 =	vmul.f32 v2, v7;
	v7 =	vld [tilespmem:$0x1F430];
	_ =	sdelay $0x4  }
0x64e: {  	v2 =	vadd.f32 v2, v7;
	_ =	sdelay $0x1  }
0x64f: {  	[tilespmem:v21+s15+$0x0] =	vst.idx.msk $0xffff, v2  }
0x650: {  	v2 =	vld.idx.msk [tilespmem:v22+s15+$0x0], $0xffff;
	_ =	sdelay $0x3  }
0x651: {  	v7 =	vld [tilespmem:$0x1F440]  }
0x652: {  	v2 =	vsub.f32 v2, v1;
	_ =	sdelay $0x1  }
0x653: {  	v2 =	vmul.f32 v2, v0  }
0x654: {  	v23 =	vld [tilespmem:$0x1EBB0]  }
0x655: {  	v2 =	vmul.f32 v2, v7;
	v7 =	vld [tilespmem:$0x1F540];
	_ =	sdelay $0x4  }
0x656: {  	v2 =	vadd.f32 v2, v7;
	_ =	sdelay $0x1  }
0x657: {  	[tilespmem:v22+s15+$0x0] =	vst.idx.msk $0xffff, v2  }
0x658: {  	v2 =	vld.idx.msk [tilespmem:v23+s15+$0x0], $0xffff;
	_ =	sdelay $0x3  }
0x659: {  	v7 =	vld [tilespmem:$0x1F450]  }
0x65a: {  	v2 =	vsub.f32 v2, v1;
	_ =	sdelay $0x1  }
0x65b: {  	v2 =	vmul.f32 v2, v0  }
0x65c: {  	v24 =	vld [tilespmem:$0x1EBC0]  }
0x65d: {  	v2 =	vmul.f32 v2, v7;
	v7 =	vld [tilespmem:$0x1F550];
	_ =	sdelay $0x4  }
0x65e: {  	v2 =	vadd.f32 v2, v7;
	_ =	sdelay $0x1  }
0x65f: {  	[tilespmem:v23+s15+$0x0] =	vst.idx.msk $0xffff, v2  }
0x660: {  	v2 =	vld.idx.msk [tilespmem:v24+s15+$0x0], $0xffff;
	_ =	sdelay $0x3  }
0x661: {  	v7 =	vld [tilespmem:$0x1F460]  }
0x662: {  	v2 =	vsub.f32 v2, v1;
	_ =	sdelay $0x1  }
0x663: {  	v2 =	vmul.f32 v2, v0  }
0x664: {  	v25 =	vld [tilespmem:$0x1EBD0]  }
0x665: {  	v2 =	vmul.f32 v2, v7;
	v7 =	vld [tilespmem:$0x1F560];
	_ =	sdelay $0x4  }
0x666: {  	v2 =	vadd.f32 v2, v7;
	_ =	sdelay $0x1  }
0x667: {  	[tilespmem:v24+s15+$0x0] =	vst.idx.msk $0xffff, v2  }
0x668: {  	v2 =	vld.idx.msk [tilespmem:v25+s15+$0x0], $0xffff;
	_ =	sdelay $0x3  }
0x669: {  	v7 =	vld [tilespmem:$0x1F470]  }
0x66a: {  	v2 =	vsub.f32 v2, v1;
	_ =	sdelay $0x1  }
0x66b: {  	v2 =	vmul.f32 v2, v0  }
0x66c: {  	v26 =	vld [tilespmem:$0x1EBE0]  }
0x66d: {  	v2 =	vmul.f32 v2, v7;
	v7 =	vld [tilespmem:$0x1F570];
	_ =	sdelay $0x4  }
0x66e: {  	v2 =	vadd.f32 v2, v7;
	_ =	sdelay $0x1  }
0x66f: {  	[tilespmem:v25+s15+$0x0] =	vst.idx.msk $0xffff, v2  }
0x670: {  	v2 =	vld.idx.msk [tilespmem:v26+s15+$0x0], $0xffff;
	_ =	sdelay $0x3  }
0x671: {  	v7 =	vld [tilespmem:$0x1F480]  }
0x672: {  	v2 =	vsub.f32 v2, v1;
	_ =	sdelay $0x1  }
0x673: {  	v2 =	vmul.f32 v2, v0  }
0x674: {  	v27 =	vld [tilespmem:$0x1EBF0]  }
0x675: {  	v2 =	vmul.f32 v2, v7;
	v7 =	vld [tilespmem:$0x1F580];
	_ =	sdelay $0x4  }
0x676: {  	v2 =	vadd.f32 v2, v7;
	_ =	sdelay $0x1  }
0x677: {  	[tilespmem:v26+s15+$0x0] =	vst.idx.msk $0xffff, v2  }
0x678: {  	v2 =	vld.idx.msk [tilespmem:v27+s15+$0x0], $0xffff;
	_ =	sdelay $0x3  }
0x679: {  	v7 =	vld [tilespmem:$0x1F490]  }
0x67a: {  	v2 =	vsub.f32 v2, v1;
	_ =	sdelay $0x1  }
0x67b: {  	v2 =	vmul.f32 v2, v0  }
0x67c: {  	v28 =	vld [tilespmem:$0x1EC00]  }
0x67d: {  	v2 =	vmul.f32 v2, v7;
	v7 =	vld [tilespmem:$0x1F590];
	_ =	sdelay $0x4  }
0x67e: {  	v2 =	vadd.f32 v2, v7;
	_ =	sdelay $0x1  }
0x67f: {  	[tilespmem:v27+s15+$0x0] =	vst.idx.msk $0xffff, v2  }
0x680: {  	v2 =	vld.idx.msk [tilespmem:v28+s15+$0x0], $0xffff;
	_ =	sdelay $0x3  }
0x681: {  	v7 =	vld [tilespmem:$0x1F4A0]  }
0x682: {  	v2 =	vsub.f32 v2, v1;
	_ =	sdelay $0x1  }
0x683: {  	v2 =	vmul.f32 v2, v0  }
0x684: {  	v29 =	vld [tilespmem:$0x1EC10]  }
0x685: {  	v2 =	vmul.f32 v2, v7;
	v7 =	vld [tilespmem:$0x1F5A0];
	_ =	sdelay $0x4  }
0x686: {  	v2 =	vadd.f32 v2, v7;
	_ =	sdelay $0x1  }
0x687: {  	[tilespmem:v28+s15+$0x0] =	vst.idx.msk $0xffff, v2  }
0x688: {  	v2 =	vld.idx.msk [tilespmem:v29+s15+$0x0], $0xffff;
	_ =	sdelay $0x3  }
0x689: {  	v7 =	vld [tilespmem:$0x1F4B0]  }
0x68a: {  	v2 =	vsub.f32 v2, v1;
	_ =	sdelay $0x1  }
0x68b: {  	v2 =	vmul.f32 v2, v0  }
0x68c: {  	v30 =	vld [tilespmem:$0x1EC20]  }
0x68d: {  	v2 =	vmul.f32 v2, v7;
	v7 =	vld [tilespmem:$0x1F5B0];
	_ =	sdelay $0x4  }
0x68e: {  	v2 =	vadd.f32 v2, v7;
	_ =	sdelay $0x1  }
0x68f: {  	[tilespmem:v29+s15+$0x0] =	vst.idx.msk $0xffff, v2  }
0x690: {  	v2 =	vld.idx.msk [tilespmem:v30+s15+$0x0], $0xffff;
	_ =	sdelay $0x3  }
0x691: {  	v7 =	vld [tilespmem:$0x1F4C0]  }
0x692: {  	v2 =	vsub.f32 v2, v1;
	_ =	sdelay $0x1  }
0x693: {  	v2 =	vmul.f32 v2, v0  }
0x694: {  	v31 =	vld [tilespmem:$0x1EC30]  }
0x695: {  	v2 =	vmul.f32 v2, v7;
	v7 =	vld [tilespmem:$0x1F5C0];
	_ =	sdelay $0x4  }
0x696: {  	v2 =	vadd.f32 v2, v7;
	_ =	sdelay $0x1  }
0x697: {  	[tilespmem:v30+s15+$0x0] =	vst.idx.msk $0xffff, v2  }
0x698: {  	v2 =	vld.idx.msk [tilespmem:v31+s15+$0x0], $0xffff;
	_ =	sdelay $0x3  }
0x699: {  	v7 =	vld [tilespmem:$0x1F4D0]  }
0x69a: {  	v2 =	vsub.f32 v2, v1;
	_ =	sdelay $0x1  }
0x69b: {  	v2 =	vmul.f32 v2, v0  }
0x69c: {  	v32 =	vld [tilespmem:$0x1EC40]  }
0x69d: {  	v2 =	vmul.f32 v2, v7;
	v7 =	vld [tilespmem:$0x1F5D0];
	_ =	sdelay $0x4  }
0x69e: {  	v2 =	vadd.f32 v2, v7;
	_ =	sdelay $0x1  }
0x69f: {  	[tilespmem:v31+s15+$0x0] =	vst.idx.msk $0xffff, v2  }
0x6a0: {  	v2 =	vld.idx.msk [tilespmem:v32+s15+$0x0], $0xffff;
	_ =	sdelay $0x3  }
0x6a1: {  	v7 =	vld [tilespmem:$0x1F4E0]  }
0x6a2: {  	v2 =	vsub.f32 v2, v1;
	_ =	sdelay $0x1  }
0x6a3: {  	v2 =	vmul.f32 v2, v0  }
0x6a4: {  	v33 =	vld [tilespmem:$0x1EC50]  }
0x6a5: {  	v2 =	vmul.f32 v2, v7;
	v7 =	vld [tilespmem:$0x1F5E0];
	_ =	sdelay $0x4  }
0x6a6: {  	v2 =	vadd.f32 v2, v7;
	_ =	sdelay $0x1  }
0x6a7: {  	[tilespmem:v32+s15+$0x0] =	vst.idx.msk $0xffff, v2  }
0x6a8: {  	v2 =	vld.idx.msk [tilespmem:v33+s15+$0x0], $0xffff;
	_ =	sdelay $0x3  }
0x6a9: {  	v7 =	vld [tilespmem:$0x1F4F0]  }
0x6aa: {  	v2 =	vsub.f32 v2, v1;
	_ =	sdelay $0x1  }
0x6ab: {  	v2 =	vmul.f32 v2, v0  }
0x6ac: {  	v34 =	vld [tilespmem:$0x1EC60]  }
0x6ad: {  	v2 =	vmul.f32 v2, v7;
	v7 =	vld [tilespmem:$0x1F5F0];
	_ =	sdelay $0x4  }
0x6ae: {  	v2 =	vadd.f32 v2, v7;
	_ =	sdelay $0x1  }
0x6af: {  	[tilespmem:v33+s15+$0x0] =	vst.idx.msk $0xffff, v2  }
0x6b0: {  	v2 =	vld.idx.msk [tilespmem:v34+s15+$0x0], $0xffff;
	_ =	sdelay $0x3  }
0x6b1: {  	v7 =	vld [tilespmem:$0x1F500]  }
0x6b2: {  	v2 =	vsub.f32 v2, v1;
	_ =	sdelay $0x1  }
0x6b3: {  	v2 =	vmul.f32 v2, v0  }
0x6b4: {  	v35 =	vld [tilespmem:$0x1EC70]  }
0x6b5: {  	v2 =	vmul.f32 v2, v7;
	v7 =	vld [tilespmem:$0x1F600];
	_ =	sdelay $0x4  }
0x6b6: {  	v2 =	vadd.f32 v2, v7;
	_ =	sdelay $0x1  }
0x6b7: {  	[tilespmem:v34+s15+$0x0] =	vst.idx.msk $0xffff, v2  }
0x6b8: {  	v2 =	vld.idx.msk [tilespmem:v35+s15+$0x0], $0xffff;
	_ =	sdelay $0x3  }
0x6b9: {  	v7 =	vld [tilespmem:$0x1F510]  }
0x6ba: {  	v2 =	vsub.f32 v2, v1;
	_ =	sdelay $0x1  }
0x6bb: {  	v2 =	vmul.f32 v2, v0  }
0x6bc: {  	v36 =	vld [tilespmem:$0x1EC80]  }
0x6bd: {  	v2 =	vmul.f32 v2, v7;
	v7 =	vld [tilespmem:$0x1F610];
	_ =	sdelay $0x4  }
0x6be: {  	v2 =	vadd.f32 v2, v7;
	_ =	sdelay $0x1  }
0x6bf: {  	[tilespmem:v35+s15+$0x0] =	vst.idx.msk $0xffff, v2  }
0x6c0: {  	v2 =	vld.idx.msk [tilespmem:v36+s15+$0x0], $0xffff;
	_ =	sdelay $0x3  }
0x6c1: {  	v7 =	vld [tilespmem:$0x1F520]  }
0x6c2: {  	v2 =	vsub.f32 v2, v1;
	_ =	sdelay $0x1  }
0x6c3: {  	v2 =	vmul.f32 v2, v0  }
0x6c4: {  	v37 =	vld [tilespmem:$0x1EC90]  }
0x6c5: {  	v2 =	vmul.f32 v2, v7;
	v7 =	vld [tilespmem:$0x1F620];
	_ =	sdelay $0x4  }
0x6c6: {  	v2 =	vadd.f32 v2, v7;
	_ =	sdelay $0x1  }
0x6c7: {  	[tilespmem:v36+s15+$0x0] =	vst.idx.msk $0xffff, v2  }
0x6c8: {  	v2 =	vld.idx.msk [tilespmem:v37+s15+$0x0], $0xffff;
	_ =	sdelay $0x3  }
0x6c9: {  	v7 =	vld [tilespmem:$0x1F530]  }
0x6ca: {  	v2 =	vsub.f32 v2, v1;
	_ =	sdelay $0x1  }
0x6cb: {  	v2 =	vmul.f32 v2, v0  }
0x6cc: {  	v38 =	vld [tilespmem:$0x1ECA0]  }
0x6cd: {  	v2 =	vmul.f32 v2, v7;
	v7 =	vld [tilespmem:$0x1F630];
	_ =	sdelay $0x4  }
0x6ce: {  	v2 =	vadd.f32 v2, v7;
	_ =	sdelay $0x1  }
0x6cf: {  	[tilespmem:v37+s15+$0x0] =	vst.idx.msk $0xffff, v2  }
0x6d0: {  	v2 =	vld.idx.msk [tilespmem:v38+s15+$0x0], $0xffff;
	_ =	sdelay $0x3  }
0x6d1: {  	v7 =	vld [tilespmem:$0x1F640]  }
0x6d2: {  	v2 =	vsub.f32 v2, v1;
	_ =	sdelay $0x1  }
0x6d3: {  	v2 =	vmul.f32 v2, v0  }
0x6d4: {  	v39 =	vld [tilespmem:$0x1ECB0]  }
0x6d5: {  	v2 =	vmul.f32 v2, v7;
	v7 =	vld [tilespmem:$0x1F740];
	_ =	sdelay $0x4  }
0x6d6: {  	v2 =	vadd.f32 v2, v7;
	_ =	sdelay $0x1  }
0x6d7: {  	[tilespmem:v38+s15+$0x0] =	vst.idx.msk $0xffff, v2  }
0x6d8: {  	v2 =	vld.idx.msk [tilespmem:v39+s15+$0x0], $0xffff;
	_ =	sdelay $0x3  }
0x6d9: {  	v7 =	vld [tilespmem:$0x1F650]  }
0x6da: {  	v2 =	vsub.f32 v2, v1;
	_ =	sdelay $0x1  }
0x6db: {  	v2 =	vmul.f32 v2, v0  }
0x6dc: {  	v40 =	vld [tilespmem:$0x1ECC0]  }
0x6dd: {  	v2 =	vmul.f32 v2, v7;
	v7 =	vld [tilespmem:$0x1F750];
	_ =	sdelay $0x4  }
0x6de: {  	v2 =	vadd.f32 v2, v7;
	_ =	sdelay $0x1  }
0x6df: {  	[tilespmem:v39+s15+$0x0] =	vst.idx.msk $0xffff, v2  }
0x6e0: {  	v2 =	vld.idx.msk [tilespmem:v40+s15+$0x0], $0xffff;
	_ =	sdelay $0x3  }
0x6e1: {  	v7 =	vld [tilespmem:$0x1F660]  }
0x6e2: {  	v2 =	vsub.f32 v2, v1;
	_ =	sdelay $0x1  }
0x6e3: {  	v2 =	vmul.f32 v2, v0  }
0x6e4: {  	v41 =	vld [tilespmem:$0x1ECD0]  }
0x6e5: {  	v2 =	vmul.f32 v2, v7;
	v7 =	vld [tilespmem:$0x1F760];
	_ =	sdelay $0x4  }
0x6e6: {  	v2 =	vadd.f32 v2, v7;
	_ =	sdelay $0x1  }
0x6e7: {  	[tilespmem:v40+s15+$0x0] =	vst.idx.msk $0xffff, v2  }
0x6e8: {  	v2 =	vld.idx.msk [tilespmem:v41+s15+$0x0], $0xffff;
	_ =	sdelay $0x3  }
0x6e9: {  	v7 =	vld [tilespmem:$0x1F670]  }
0x6ea: {  	v2 =	vsub.f32 v2, v1;
	_ =	sdelay $0x1  }
0x6eb: {  	v2 =	vmul.f32 v2, v0  }
0x6ec: {  	v42 =	vld [tilespmem:$0x1ECE0]  }
0x6ed: {  	v2 =	vmul.f32 v2, v7;
	v7 =	vld [tilespmem:$0x1F770];
	_ =	sdelay $0x4  }
0x6ee: {  	v2 =	vadd.f32 v2, v7;
	_ =	sdelay $0x1  }
0x6ef: {  	[tilespmem:v41+s15+$0x0] =	vst.idx.msk $0xffff, v2  }
0x6f0: {  	v2 =	vld.idx.msk [tilespmem:v42+s15+$0x0], $0xffff;
	_ =	sdelay $0x3  }
0x6f1: {  	v7 =	vld [tilespmem:$0x1F680]  }
0x6f2: {  	v2 =	vsub.f32 v2, v1;
	_ =	sdelay $0x1  }
0x6f3: {  	v2 =	vmul.f32 v2, v0  }
0x6f4: {  	v43 =	vld [tilespmem:$0x1ECF0]  }
0x6f5: {  	v2 =	vmul.f32 v2, v7;
	v7 =	vld [tilespmem:$0x1F780];
	_ =	sdelay $0x4  }
0x6f6: {  	v2 =	vadd.f32 v2, v7;
	_ =	sdelay $0x1  }
0x6f7: {  	[tilespmem:v42+s15+$0x0] =	vst.idx.msk $0xffff, v2  }
0x6f8: {  	v2 =	vld.idx.msk [tilespmem:v43+s15+$0x0], $0xffff;
	_ =	sdelay $0x3  }
0x6f9: {  	v7 =	vld [tilespmem:$0x1F690]  }
0x6fa: {  	v2 =	vsub.f32 v2, v1;
	_ =	sdelay $0x1  }
0x6fb: {  	v2 =	vmul.f32 v2, v0  }
0x6fc: {  	v45 =	vld [tilespmem:$0x1ED00]  }
0x6fd: {  	v2 =	vmul.f32 v2, v7;
	v7 =	vld [tilespmem:$0x1F790];
	_ =	sdelay $0x4  }
0x6fe: {  	v2 =	vadd.f32 v2, v7;
	_ =	sdelay $0x1  }
0x6ff: {  	[tilespmem:v43+s15+$0x0] =	vst.idx.msk $0xffff, v2  }
0x700: {  	v2 =	vld.idx.msk [tilespmem:v45+s15+$0x0], $0xffff;
	_ =	sdelay $0x3  }
0x701: {  	v7 =	vld [tilespmem:$0x1F6A0]  }
0x702: {  	v2 =	vsub.f32 v2, v1;
	_ =	sdelay $0x1  }
0x703: {  	v2 =	vmul.f32 v2, v0  }
0x704: {  	v47 =	vld [tilespmem:$0x1ED10]  }
0x705: {  	v2 =	vmul.f32 v2, v7;
	v7 =	vld [tilespmem:$0x1F7A0];
	_ =	sdelay $0x4  }
0x706: {  	v2 =	vadd.f32 v2, v7;
	_ =	sdelay $0x1  }
0x707: {  	[tilespmem:v45+s15+$0x0] =	vst.idx.msk $0xffff, v2  }
0x708: {  	v2 =	vld.idx.msk [tilespmem:v47+s15+$0x0], $0xffff;
	_ =	sdelay $0x3  }
0x709: {  	v7 =	vld [tilespmem:$0x1F6B0]  }
0x70a: {  	v2 =	vsub.f32 v2, v1;
	_ =	sdelay $0x1  }
0x70b: {  	v2 =	vmul.f32 v2, v0  }
0x70c: {  	v48 =	vld [tilespmem:$0x1ED20]  }
0x70d: {  	v2 =	vmul.f32 v2, v7;
	v7 =	vld [tilespmem:$0x1F7B0];
	_ =	sdelay $0x4  }
0x70e: {  	v2 =	vadd.f32 v2, v7;
	_ =	sdelay $0x1  }
0x70f: {  	[tilespmem:v47+s15+$0x0] =	vst.idx.msk $0xffff, v2  }
0x710: {  	v2 =	vld.idx.msk [tilespmem:v48+s15+$0x0], $0xffff;
	_ =	sdelay $0x3  }
0x711: {  	v7 =	vld [tilespmem:$0x1F6C0]  }
0x712: {  	v2 =	vsub.f32 v2, v1;
	_ =	sdelay $0x1  }
0x713: {  	v2 =	vmul.f32 v2, v0  }
0x714: {  	v49 =	vld [tilespmem:$0x1ED30]  }
0x715: {  	v2 =	vmul.f32 v2, v7;
	v7 =	vld [tilespmem:$0x1F7C0];
	_ =	sdelay $0x4  }
0x716: {  	v2 =	vadd.f32 v2, v7;
	_ =	sdelay $0x1  }
0x717: {  	[tilespmem:v48+s15+$0x0] =	vst.idx.msk $0xffff, v2  }
0x718: {  	v2 =	vld.idx.msk [tilespmem:v49+s15+$0x0], $0xffff;
	_ =	sdelay $0x3  }
0x719: {  	v7 =	vld [tilespmem:$0x1F6D0]  }
0x71a: {  	v2 =	vsub.f32 v2, v1;
	_ =	sdelay $0x1  }
0x71b: {  	v2 =	vmul.f32 v2, v0  }
0x71c: {  	v53 =	vld [tilespmem:$0x1ED40]  }
0x71d: {  	v2 =	vmul.f32 v2, v7;
	v7 =	vld [tilespmem:$0x1F7D0];
	_ =	sdelay $0x4  }
0x71e: {  	v2 =	vadd.f32 v2, v7;
	_ =	sdelay $0x1  }
0x71f: {  	[tilespmem:v49+s15+$0x0] =	vst.idx.msk $0xffff, v2  }
0x720: {  	v2 =	vld.idx.msk [tilespmem:v53+s15+$0x0], $0xffff;
	_ =	sdelay $0x3  }
0x721: {  	v7 =	vld [tilespmem:$0x1F6E0]  }
0x722: {  	v2 =	vsub.f32 v2, v1;
	_ =	sdelay $0x1  }
0x723: {  	v2 =	vmul.f32 v2, v0  }
0x724: {  	v54 =	vld [tilespmem:$0x1ED50]  }
0x725: {  	v2 =	vmul.f32 v2, v7;
	v7 =	vld [tilespmem:$0x1F7E0];
	_ =	sdelay $0x4  }
0x726: {  	v2 =	vadd.f32 v2, v7;
	_ =	sdelay $0x1  }
0x727: {  	[tilespmem:v53+s15+$0x0] =	vst.idx.msk $0xffff, v2  }
0x728: {  	v2 =	vld.idx.msk [tilespmem:v54+s15+$0x0], $0xffff;
	_ =	sdelay $0x3  }
0x729: {  	v7 =	vld [tilespmem:$0x1F6F0]  }
0x72a: {  	v2 =	vsub.f32 v2, v1;
	_ =	sdelay $0x1  }
0x72b: {  	v2 =	vmul.f32 v2, v0  }
0x72c: {  	v55 =	vld [tilespmem:$0x1ED60]  }
0x72d: {  	v2 =	vmul.f32 v2, v7;
	v7 =	vld [tilespmem:$0x1F7F0];
	_ =	sdelay $0x4  }
0x72e: {  	v2 =	vadd.f32 v2, v7;
	_ =	sdelay $0x1  }
0x72f: {  	[tilespmem:v54+s15+$0x0] =	vst.idx.msk $0xffff, v2  }
0x730: {  	v2 =	vld.idx.msk [tilespmem:v55+s15+$0x0], $0xffff;
	_ =	sdelay $0x3  }
0x731: {  	v7 =	vld [tilespmem:$0x1F700]  }
0x732: {  	v2 =	vsub.f32 v2, v1;
	_ =	sdelay $0x1  }
0x733: {  	v2 =	vmul.f32 v2, v0  }
0x734: {  	v56 =	vld [tilespmem:$0x1ED70]  }
0x735: {  	v2 =	vmul.f32 v2, v7;
	v7 =	vld [tilespmem:$0x1F800];
	_ =	sdelay $0x4  }
0x736: {  	v2 =	vadd.f32 v2, v7;
	_ =	sdelay $0x1  }
0x737: {  	[tilespmem:v55+s15+$0x0] =	vst.idx.msk $0xffff, v2  }
0x738: {  	v2 =	vld.idx.msk [tilespmem:v56+s15+$0x0], $0xffff;
	_ =	sdelay $0x3  }
0x739: {  	v7 =	vld [tilespmem:$0x1F710]  }
0x73a: {  	v2 =	vsub.f32 v2, v1;
	_ =	sdelay $0x1  }
0x73b: {  	v2 =	vmul.f32 v2, v0  }
0x73c: {  	v57 =	vld [tilespmem:$0x1ED80]  }
0x73d: {  	v2 =	vmul.f32 v2, v7;
	v7 =	vld [tilespmem:$0x1F810];
	_ =	sdelay $0x4  }
0x73e: {  	v2 =	vadd.f32 v2, v7;
	_ =	sdelay $0x1  }
0x73f: {  	[tilespmem:v56+s15+$0x0] =	vst.idx.msk $0xffff, v2  }
0x740: {  	v2 =	vld.idx.msk [tilespmem:v57+s15+$0x0], $0xffff;
	_ =	sdelay $0x3  }
0x741: {  	v7 =	vld [tilespmem:$0x1F720]  }
0x742: {  	v2 =	vsub.f32 v2, v1;
	_ =	sdelay $0x1  }
0x743: {  	v2 =	vmul.f32 v2, v0  }
0x744: {  	v58 =	vld [tilespmem:$0x1ED90]  }
0x745: {  	v2 =	vmul.f32 v2, v7;
	v7 =	vld [tilespmem:$0x1F820];
	_ =	sdelay $0x4  }
0x746: {  	v2 =	vadd.f32 v2, v7;
	_ =	sdelay $0x1  }
0x747: {  	[tilespmem:v57+s15+$0x0] =	vst.idx.msk $0xffff, v2  }
0x748: {  	v2 =	vld.idx.msk [tilespmem:v58+s15+$0x0], $0xffff;
	_ =	sdelay $0x3  }
0x749: {  	v7 =	vld [tilespmem:$0x1F730]  }
0x74a: {  	v2 =	vsub.f32 v2, v1;
	_ =	sdelay $0x1  }
0x74b: {  	v2 =	vmul.f32 v2, v0  }
0x74c: {  	v59 =	vld [tilespmem:$0x1EDA0]  }
0x74d: {  	v2 =	vmul.f32 v2, v7;
	v7 =	vld [tilespmem:$0x1F830];
	_ =	sdelay $0x4  }
0x74e: {  	v2 =	vadd.f32 v2, v7;
	_ =	sdelay $0x1  }
0x74f: {  	[tilespmem:v58+s15+$0x0] =	vst.idx.msk $0xffff, v2  }
0x750: {  	v2 =	vld.idx.msk [tilespmem:v59+s15+$0x0], $0xffff;
	_ =	sdelay $0x3  }
0x751: {  	v7 =	vld [tilespmem:$0x1F840]  }
0x752: {  	v2 =	vsub.f32 v2, v1;
	_ =	sdelay $0x1  }
0x753: {  	v2 =	vmul.f32 v2, v0  }
0x754: {  	v60 =	vld [tilespmem:$0x1EDB0]  }
0x755: {  	v2 =	vmul.f32 v2, v7;
	v7 =	vld [tilespmem:$0x1F940];
	_ =	sdelay $0x4  }
0x756: {  	v2 =	vadd.f32 v2, v7;
	_ =	sdelay $0x1  }
0x757: {  	[tilespmem:v59+s15+$0x0] =	vst.idx.msk $0xffff, v2  }
0x758: {  	v2 =	vld.idx.msk [tilespmem:v60+s15+$0x0], $0xffff;
	_ =	sdelay $0x3  }
0x759: {  	v7 =	vld [tilespmem:$0x1F850]  }
0x75a: {  	v2 =	vsub.f32 v2, v1;
	_ =	sdelay $0x1  }
0x75b: {  	v2 =	vmul.f32 v2, v0  }
0x75c: {  	v61 =	vld [tilespmem:$0x1EDC0]  }
0x75d: {  	v2 =	vmul.f32 v2, v7;
	v7 =	vld [tilespmem:$0x1F950];
	_ =	sdelay $0x4  }
0x75e: {  	v2 =	vadd.f32 v2, v7;
	_ =	sdelay $0x1  }
0x75f: {  	[tilespmem:v60+s15+$0x0] =	vst.idx.msk $0xffff, v2  }
0x760: {  	v2 =	vld.idx.msk [tilespmem:v61+s15+$0x0], $0xffff;
	_ =	sdelay $0x3  }
0x761: {  	v7 =	vld [tilespmem:$0x1F860]  }
0x762: {  	v2 =	vsub.f32 v2, v1;
	_ =	sdelay $0x1  }
0x763: {  	v2 =	vmul.f32 v2, v0  }
0x764: {  	v62 =	vld [tilespmem:$0x1EDD0]  }
0x765: {  	v2 =	vmul.f32 v2, v7;
	v7 =	vld [tilespmem:$0x1F960];
	_ =	sdelay $0x4  }
0x766: {  	v2 =	vadd.f32 v2, v7;
	_ =	sdelay $0x1  }
0x767: {  	[tilespmem:v61+s15+$0x0] =	vst.idx.msk $0xffff, v2  }
0x768: {  	v2 =	vld.idx.msk [tilespmem:v62+s15+$0x0], $0xffff;
	_ =	sdelay $0x3  }
0x769: {  	v7 =	vld [tilespmem:$0x1F870]  }
0x76a: {  	v2 =	vsub.f32 v2, v1;
	_ =	sdelay $0x1  }
0x76b: {  	v2 =	vmul.f32 v2, v0  }
0x76c: {  	v63 =	vld [tilespmem:$0x1EDE0]  }
0x76d: {  	v2 =	vmul.f32 v2, v7;
	v7 =	vld [tilespmem:$0x1F970];
	_ =	sdelay $0x4  }
0x76e: {  	v2 =	vadd.f32 v2, v7;
	_ =	sdelay $0x1  }
0x76f: {  	[tilespmem:v62+s15+$0x0] =	vst.idx.msk $0xffff, v2  }
0x770: {  	v2 =	vld.idx.msk [tilespmem:v63+s15+$0x0], $0xffff;
	_ =	sdelay $0x3  }
0x771: {  	v7 =	vld [tilespmem:$0x1F880]  }
0x772: {  	v2 =	vsub.f32 v2, v1;
	_ =	sdelay $0x1  }
0x773: {  	v2 =	vmul.f32 v2, v0  }
0x774: {  	v12 =	vld [tilespmem:$0x1EDF0]  }
0x775: {  	v2 =	vmul.f32 v2, v7;
	v7 =	vld [tilespmem:$0x1F980];
	_ =	sdelay $0x4  }
0x776: {  	v2 =	vadd.f32 v2, v7;
	_ =	sdelay $0x1  }
0x777: {  	[tilespmem:v63+s15+$0x0] =	vst.idx.msk $0xffff, v2  }
0x778: {  	v2 =	vld.idx.msk [tilespmem:v12+s15+$0x0], $0xffff;
	_ =	sdelay $0x3  }
0x779: {  	v7 =	vld [tilespmem:$0x1F890]  }
0x77a: {  	v2 =	vsub.f32 v2, v1;
	_ =	sdelay $0x1  }
0x77b: {  	v2 =	vmul.f32 v2, v0  }
0x77c: {  	v13 =	vld [tilespmem:$0x1EE00]  }
0x77d: {  	v2 =	vmul.f32 v2, v7;
	v7 =	vld [tilespmem:$0x1F990];
	_ =	sdelay $0x4  }
0x77e: {  	v2 =	vadd.f32 v2, v7;
	_ =	sdelay $0x1  }
0x77f: {  	[tilespmem:v12+s15+$0x0] =	vst.idx.msk $0xffff, v2  }
0x780: {  	v2 =	vld.idx.msk [tilespmem:v13+s15+$0x0], $0xffff;
	_ =	sdelay $0x3  }
0x781: {  	v7 =	vld [tilespmem:$0x1F8A0]  }
0x782: {  	v2 =	vsub.f32 v2, v1;
	_ =	sdelay $0x1  }
0x783: {  	v2 =	vmul.f32 v2, v0  }
0x784: {  	v14 =	vld [tilespmem:$0x1EE10]  }
0x785: {  	v2 =	vmul.f32 v2, v7;
	v7 =	vld [tilespmem:$0x1F9A0];
	_ =	sdelay $0x4  }
0x786: {  	v2 =	vadd.f32 v2, v7;
	_ =	sdelay $0x1  }
0x787: {  	[tilespmem:v13+s15+$0x0] =	vst.idx.msk $0xffff, v2  }
0x788: {  	v2 =	vld.idx.msk [tilespmem:v14+s15+$0x0], $0xffff;
	_ =	sdelay $0x3  }
0x789: {  	v7 =	vld [tilespmem:$0x1F8B0]  }
0x78a: {  	v2 =	vsub.f32 v2, v1;
	_ =	sdelay $0x1  }
0x78b: {  	v2 =	vmul.f32 v2, v0  }
0x78c: {  	v15 =	vld [tilespmem:$0x1EE20]  }
0x78d: {  	v2 =	vmul.f32 v2, v7;
	v7 =	vld [tilespmem:$0x1F9B0];
	_ =	sdelay $0x4  }
0x78e: {  	v2 =	vadd.f32 v2, v7;
	_ =	sdelay $0x1  }
0x78f: {  	[tilespmem:v14+s15+$0x0] =	vst.idx.msk $0xffff, v2  }
0x790: {  	v2 =	vld.idx.msk [tilespmem:v15+s15+$0x0], $0xffff;
	_ =	sdelay $0x3  }
0x791: {  	v7 =	vld [tilespmem:$0x1F8C0]  }
0x792: {  	v2 =	vsub.f32 v2, v1;
	_ =	sdelay $0x1  }
0x793: {  	v2 =	vmul.f32 v2, v0  }
0x794: {  	v16 =	vld [tilespmem:$0x1EE30]  }
0x795: {  	v2 =	vmul.f32 v2, v7;
	v7 =	vld [tilespmem:$0x1F9C0];
	_ =	sdelay $0x4  }
0x796: {  	v2 =	vadd.f32 v2, v7;
	_ =	sdelay $0x1  }
0x797: {  	[tilespmem:v15+s15+$0x0] =	vst.idx.msk $0xffff, v2  }
0x798: {  	v2 =	vld.idx.msk [tilespmem:v16+s15+$0x0], $0xffff;
	_ =	sdelay $0x3  }
0x799: {  	v7 =	vld [tilespmem:$0x1F8D0]  }
0x79a: {  	v2 =	vsub.f32 v2, v1;
	_ =	sdelay $0x1  }
0x79b: {  	v2 =	vmul.f32 v2, v0  }
0x79c: {  	v17 =	vld [tilespmem:$0x1EE40]  }
0x79d: {  	v2 =	vmul.f32 v2, v7;
	v7 =	vld [tilespmem:$0x1F9D0];
	_ =	sdelay $0x4  }
0x79e: {  	v2 =	vadd.f32 v2, v7;
	_ =	sdelay $0x1  }
0x79f: {  	[tilespmem:v16+s15+$0x0] =	vst.idx.msk $0xffff, v2  }
0x7a0: {  	v2 =	vld.idx.msk [tilespmem:v17+s15+$0x0], $0xffff;
	_ =	sdelay $0x3  }
0x7a1: {  	v7 =	vld [tilespmem:$0x1F8E0]  }
0x7a2: {  	v2 =	vsub.f32 v2, v1;
	_ =	sdelay $0x1  }
0x7a3: {  	v2 =	vmul.f32 v2, v0  }
0x7a4: {  	v18 =	vld [tilespmem:$0x1EE50]  }
0x7a5: {  	v2 =	vmul.f32 v2, v7;
	v7 =	vld [tilespmem:$0x1F9E0];
	_ =	sdelay $0x4  }
0x7a6: {  	v2 =	vadd.f32 v2, v7;
	_ =	sdelay $0x1  }
0x7a7: {  	[tilespmem:v17+s15+$0x0] =	vst.idx.msk $0xffff, v2  }
0x7a8: {  	v2 =	vld.idx.msk [tilespmem:v18+s15+$0x0], $0xffff;
	_ =	sdelay $0x3  }
0x7a9: {  	v7 =	vld [tilespmem:$0x1F8F0]  }
0x7aa: {  	v2 =	vsub.f32 v2, v1;
	_ =	sdelay $0x1  }
0x7ab: {  	v2 =	vmul.f32 v2, v0  }
0x7ac: {  	v20 =	vld [tilespmem:$0x1EE60]  }
0x7ad: {  	v2 =	vmul.f32 v2, v7;
	v7 =	vld [tilespmem:$0x1F9F0];
	_ =	sdelay $0x4  }
0x7ae: {  	v2 =	vadd.f32 v2, v7;
	_ =	sdelay $0x1  }
0x7af: {  	[tilespmem:v18+s15+$0x0] =	vst.idx.msk $0xffff, v2  }
0x7b0: {  	v2 =	vld.idx.msk [tilespmem:v20+s15+$0x0], $0xffff;
	_ =	sdelay $0x3  }
0x7b1: {  	v7 =	vld [tilespmem:$0x1F900]  }
0x7b2: {  	v2 =	vsub.f32 v2, v1;
	_ =	sdelay $0x1  }
0x7b3: {  	v2 =	vmul.f32 v2, v0  }
0x7b4: {  	v21 =	vld [tilespmem:$0x1EE70]  }
0x7b5: {  	v2 =	vmul.f32 v2, v7;
	v7 =	vld [tilespmem:$0x1FA00];
	_ =	sdelay $0x4  }
0x7b6: {  	v2 =	vadd.f32 v2, v7;
	_ =	sdelay $0x1  }
0x7b7: {  	[tilespmem:v20+s15+$0x0] =	vst.idx.msk $0xffff, v2  }
0x7b8: {  	v2 =	vld.idx.msk [tilespmem:v21+s15+$0x0], $0xffff;
	_ =	sdelay $0x3  }
0x7b9: {  	v7 =	vld [tilespmem:$0x1F910]  }
0x7ba: {  	v2 =	vsub.f32 v2, v1;
	_ =	sdelay $0x1  }
0x7bb: {  	v2 =	vmul.f32 v2, v0  }
0x7bc: {  	v22 =	vld [tilespmem:$0x1EE80]  }
0x7bd: {  	v2 =	vmul.f32 v2, v7;
	v7 =	vld [tilespmem:$0x1FA10];
	_ =	sdelay $0x4  }
0x7be: {  	v2 =	vadd.f32 v2, v7;
	_ =	sdelay $0x1  }
0x7bf: {  	[tilespmem:v21+s15+$0x0] =	vst.idx.msk $0xffff, v2  }
0x7c0: {  	v2 =	vld.idx.msk [tilespmem:v22+s15+$0x0], $0xffff;
	_ =	sdelay $0x3  }
0x7c1: {  	v7 =	vld [tilespmem:$0x1F920]  }
0x7c2: {  	v2 =	vsub.f32 v2, v1;
	_ =	sdelay $0x1  }
0x7c3: {  	v2 =	vmul.f32 v2, v0  }
0x7c4: {  	v23 =	vld [tilespmem:$0x1EE90]  }
0x7c5: {  	v2 =	vmul.f32 v2, v7;
	v7 =	vld [tilespmem:$0x1FA20];
	_ =	sdelay $0x4  }
0x7c6: {  	v2 =	vadd.f32 v2, v7;
	_ =	sdelay $0x1  }
0x7c7: {  	[tilespmem:v22+s15+$0x0] =	vst.idx.msk $0xffff, v2  }
0x7c8: {  	v2 =	vld.idx.msk [tilespmem:v23+s15+$0x0], $0xffff;
	_ =	sdelay $0x3  }
0x7c9: {  	v7 =	vld [tilespmem:$0x1F930]  }
0x7ca: {  	v2 =	vsub.f32 v2, v1;
	_ =	sdelay $0x1  }
0x7cb: {  	v2 =	vmul.f32 v2, v0  }
0x7cc: {  	v24 =	vld [tilespmem:$0x1EEA0]  }
0x7cd: {  	v2 =	vmul.f32 v2, v7;
	v7 =	vld [tilespmem:$0x1FA30];
	_ =	sdelay $0x4  }
0x7ce: {  	v2 =	vadd.f32 v2, v7;
	_ =	sdelay $0x1  }
0x7cf: {  	[tilespmem:v23+s15+$0x0] =	vst.idx.msk $0xffff, v2  }
0x7d0: {  	v2 =	vld.idx.msk [tilespmem:v24+s15+$0x0], $0xffff;
	_ =	sdelay $0x3  }
0x7d1: {  	v7 =	vld [tilespmem:$0x1FA40]  }
0x7d2: {  	v2 =	vsub.f32 v2, v1;
	_ =	sdelay $0x1  }
0x7d3: {  	v2 =	vmul.f32 v2, v0  }
0x7d4: {  	v25 =	vld [tilespmem:$0x1EEB0]  }
0x7d5: {  	v2 =	vmul.f32 v2, v7;
	v7 =	vld [tilespmem:$0x1FB40];
	_ =	sdelay $0x4  }
0x7d6: {  	v2 =	vadd.f32 v2, v7;
	_ =	sdelay $0x1  }
0x7d7: {  	[tilespmem:v24+s15+$0x0] =	vst.idx.msk $0xffff, v2  }
0x7d8: {  	v2 =	vld.idx.msk [tilespmem:v25+s15+$0x0], $0xffff;
	_ =	sdelay $0x3  }
0x7d9: {  	v7 =	vld [tilespmem:$0x1FA50]  }
0x7da: {  	v2 =	vsub.f32 v2, v1;
	_ =	sdelay $0x1  }
0x7db: {  	v2 =	vmul.f32 v2, v0  }
0x7dc: {  	v26 =	vld [tilespmem:$0x1EEC0]  }
0x7dd: {  	v2 =	vmul.f32 v2, v7;
	v7 =	vld [tilespmem:$0x1FB50];
	_ =	sdelay $0x4  }
0x7de: {  	v2 =	vadd.f32 v2, v7;
	_ =	sdelay $0x1  }
0x7df: {  	[tilespmem:v25+s15+$0x0] =	vst.idx.msk $0xffff, v2  }
0x7e0: {  	v2 =	vld.idx.msk [tilespmem:v26+s15+$0x0], $0xffff;
	_ =	sdelay $0x3  }
0x7e1: {  	v7 =	vld [tilespmem:$0x1FA60]  }
0x7e2: {  	v2 =	vsub.f32 v2, v1;
	_ =	sdelay $0x1  }
0x7e3: {  	v2 =	vmul.f32 v2, v0  }
0x7e4: {  	v27 =	vld [tilespmem:$0x1EED0]  }
0x7e5: {  	v2 =	vmul.f32 v2, v7;
	v7 =	vld [tilespmem:$0x1FB60];
	_ =	sdelay $0x4  }
0x7e6: {  	v2 =	vadd.f32 v2, v7;
	_ =	sdelay $0x1  }
0x7e7: {  	[tilespmem:v26+s15+$0x0] =	vst.idx.msk $0xffff, v2  }
0x7e8: {  	v2 =	vld.idx.msk [tilespmem:v27+s15+$0x0], $0xffff;
	_ =	sdelay $0x3  }
0x7e9: {  	v7 =	vld [tilespmem:$0x1FA70]  }
0x7ea: {  	v2 =	vsub.f32 v2, v1;
	_ =	sdelay $0x1  }
0x7eb: {  	v2 =	vmul.f32 v2, v0  }
0x7ec: {  	v28 =	vld [tilespmem:$0x1EEE0]  }
0x7ed: {  	v2 =	vmul.f32 v2, v7;
	v7 =	vld [tilespmem:$0x1FB70];
	_ =	sdelay $0x4  }
0x7ee: {  	v2 =	vadd.f32 v2, v7;
	_ =	sdelay $0x1  }
0x7ef: {  	[tilespmem:v27+s15+$0x0] =	vst.idx.msk $0xffff, v2  }
0x7f0: {  	v2 =	vld.idx.msk [tilespmem:v28+s15+$0x0], $0xffff;
	_ =	sdelay $0x3  }
0x7f1: {  	v7 =	vld [tilespmem:$0x1FA80]  }
0x7f2: {  	v2 =	vsub.f32 v2, v1;
	_ =	sdelay $0x1  }
0x7f3: {  	v2 =	vmul.f32 v2, v0  }
0x7f4: {  	v29 =	vld [tilespmem:$0x1EEF0]  }
0x7f5: {  	v2 =	vmul.f32 v2, v7;
	v7 =	vld [tilespmem:$0x1FB80];
	_ =	sdelay $0x4  }
0x7f6: {  	v2 =	vadd.f32 v2, v7;
	_ =	sdelay $0x1  }
0x7f7: {  	[tilespmem:v28+s15+$0x0] =	vst.idx.msk $0xffff, v2  }
0x7f8: {  	v2 =	vld.idx.msk [tilespmem:v29+s15+$0x0], $0xffff;
	_ =	sdelay $0x3  }
0x7f9: {  	v7 =	vld [tilespmem:$0x1FA90]  }
0x7fa: {  	v2 =	vsub.f32 v2, v1;
	_ =	sdelay $0x1  }
0x7fb: {  	v2 =	vmul.f32 v2, v0  }
0x7fc: {  	v30 =	vld [tilespmem:$0x1EF00]  }
0x7fd: {  	v2 =	vmul.f32 v2, v7;
	v7 =	vld [tilespmem:$0x1FB90];
	_ =	sdelay $0x4  }
0x7fe: {  	v2 =	vadd.f32 v2, v7;
	_ =	sdelay $0x1  }
0x7ff: {  	[tilespmem:v29+s15+$0x0] =	vst.idx.msk $0xffff, v2  }
0x800: {  	v2 =	vld.idx.msk [tilespmem:v30+s15+$0x0], $0xffff;
	_ =	sdelay $0x3  }
0x801: {  	v7 =	vld [tilespmem:$0x1FAA0]  }
0x802: {  	v2 =	vsub.f32 v2, v1;
	_ =	sdelay $0x1  }
0x803: {  	v2 =	vmul.f32 v2, v0  }
0x804: {  	v31 =	vld [tilespmem:$0x1EF10]  }
0x805: {  	v2 =	vmul.f32 v2, v7;
	v7 =	vld [tilespmem:$0x1FBA0];
	_ =	sdelay $0x4  }
0x806: {  	v2 =	vadd.f32 v2, v7;
	_ =	sdelay $0x1  }
0x807: {  	[tilespmem:v30+s15+$0x0] =	vst.idx.msk $0xffff, v2  }
0x808: {  	v2 =	vld.idx.msk [tilespmem:v31+s15+$0x0], $0xffff;
	_ =	sdelay $0x3  }
0x809: {  	v7 =	vld [tilespmem:$0x1FAB0]  }
0x80a: {  	v2 =	vsub.f32 v2, v1;
	_ =	sdelay $0x1  }
0x80b: {  	v2 =	vmul.f32 v2, v0  }
0x80c: {  	v32 =	vld [tilespmem:$0x1EF20]  }
0x80d: {  	v2 =	vmul.f32 v2, v7;
	v7 =	vld [tilespmem:$0x1FBB0];
	_ =	sdelay $0x4  }
0x80e: {  	v2 =	vadd.f32 v2, v7;
	_ =	sdelay $0x1  }
0x80f: {  	[tilespmem:v31+s15+$0x0] =	vst.idx.msk $0xffff, v2  }
0x810: {  	v2 =	vld.idx.msk [tilespmem:v32+s15+$0x0], $0xffff;
	_ =	sdelay $0x3  }
0x811: {  	v7 =	vld [tilespmem:$0x1FAC0]  }
0x812: {  	v2 =	vsub.f32 v2, v1;
	_ =	sdelay $0x1  }
0x813: {  	v2 =	vmul.f32 v2, v0  }
0x814: {  	v33 =	vld [tilespmem:$0x1EF30]  }
0x815: {  	v2 =	vmul.f32 v2, v7;
	v7 =	vld [tilespmem:$0x1FBC0];
	_ =	sdelay $0x4  }
0x816: {  	v2 =	vadd.f32 v2, v7;
	_ =	sdelay $0x1  }
0x817: {  	[tilespmem:v32+s15+$0x0] =	vst.idx.msk $0xffff, v2  }
0x818: {  	v2 =	vld.idx.msk [tilespmem:v33+s15+$0x0], $0xffff;
	_ =	sdelay $0x3  }
0x819: {  	v7 =	vld [tilespmem:$0x1FAD0]  }
0x81a: {  	v2 =	vsub.f32 v2, v1;
	_ =	sdelay $0x1  }
0x81b: {  	v2 =	vmul.f32 v2, v0  }
0x81c: {  	v34 =	vld [tilespmem:$0x1EF40]  }
0x81d: {  	v2 =	vmul.f32 v2, v7;
	v7 =	vld [tilespmem:$0x1FBD0];
	_ =	sdelay $0x4  }
0x81e: {  	v2 =	vadd.f32 v2, v7;
	_ =	sdelay $0x1  }
0x81f: {  	[tilespmem:v33+s15+$0x0] =	vst.idx.msk $0xffff, v2  }
0x820: {  	v2 =	vld.idx.msk [tilespmem:v34+s15+$0x0], $0xffff;
	_ =	sdelay $0x3  }
0x821: {  	v7 =	vld [tilespmem:$0x1FAE0]  }
0x822: {  	v2 =	vsub.f32 v2, v1;
	_ =	sdelay $0x1  }
0x823: {  	v2 =	vmul.f32 v2, v0  }
0x824: {  	v35 =	vld [tilespmem:$0x1EF50]  }
0x825: {  	v2 =	vmul.f32 v2, v7;
	v7 =	vld [tilespmem:$0x1FBE0];
	_ =	sdelay $0x4  }
0x826: {  	v2 =	vadd.f32 v2, v7;
	_ =	sdelay $0x1  }
0x827: {  	[tilespmem:v34+s15+$0x0] =	vst.idx.msk $0xffff, v2  }
0x828: {  	v2 =	vld.idx.msk [tilespmem:v35+s15+$0x0], $0xffff;
	_ =	sdelay $0x3  }
0x829: {  	v7 =	vld [tilespmem:$0x1FAF0]  }
0x82a: {  	v2 =	vsub.f32 v2, v1;
	_ =	sdelay $0x1  }
0x82b: {  	v2 =	vmul.f32 v2, v0  }
0x82c: {  	v36 =	vld [tilespmem:$0x1EF60]  }
0x82d: {  	v2 =	vmul.f32 v2, v7;
	v7 =	vld [tilespmem:$0x1FBF0];
	_ =	sdelay $0x4  }
0x82e: {  	v2 =	vadd.f32 v2, v7;
	_ =	sdelay $0x1  }
0x82f: {  	[tilespmem:v35+s15+$0x0] =	vst.idx.msk $0xffff, v2  }
0x830: {  	v2 =	vld.idx.msk [tilespmem:v36+s15+$0x0], $0xffff;
	_ =	sdelay $0x3  }
0x831: {  	v7 =	vld [tilespmem:$0x1FB00]  }
0x832: {  	v2 =	vsub.f32 v2, v1;
	_ =	sdelay $0x1  }
0x833: {  	v2 =	vmul.f32 v2, v0  }
0x834: {  	v37 =	vld [tilespmem:$0x1EF70]  }
0x835: {  	v2 =	vmul.f32 v2, v7;
	v7 =	vld [tilespmem:$0x1FC00];
	_ =	sdelay $0x4  }
0x836: {  	v2 =	vadd.f32 v2, v7;
	_ =	sdelay $0x1  }
0x837: {  	[tilespmem:v36+s15+$0x0] =	vst.idx.msk $0xffff, v2  }
0x838: {  	v2 =	vld.idx.msk [tilespmem:v37+s15+$0x0], $0xffff;
	_ =	sdelay $0x3  }
0x839: {  	v7 =	vld [tilespmem:$0x1FB10]  }
0x83a: {  	v2 =	vsub.f32 v2, v1;
	_ =	sdelay $0x1  }
0x83b: {  	v2 =	vmul.f32 v2, v0  }
0x83c: {  	v38 =	vld [tilespmem:$0x1EF80]  }
0x83d: {  	v2 =	vmul.f32 v2, v7;
	v7 =	vld [tilespmem:$0x1FC10];
	_ =	sdelay $0x4  }
0x83e: {  	v2 =	vadd.f32 v2, v7;
	_ =	sdelay $0x1  }
0x83f: {  	[tilespmem:v37+s15+$0x0] =	vst.idx.msk $0xffff, v2  }
0x840: {  	v2 =	vld.idx.msk [tilespmem:v38+s15+$0x0], $0xffff;
	_ =	sdelay $0x3  }
0x841: {  	v7 =	vld [tilespmem:$0x1FB20]  }
0x842: {  	v2 =	vsub.f32 v2, v1;
	_ =	sdelay $0x1  }
0x843: {  	v2 =	vmul.f32 v2, v0  }
0x844: {  	v39 =	vld [tilespmem:$0x1EF90]  }
0x845: {  	v2 =	vmul.f32 v2, v7;
	v7 =	vld [tilespmem:$0x1FC20];
	_ =	sdelay $0x4  }
0x846: {  	v2 =	vadd.f32 v2, v7;
	_ =	sdelay $0x1  }
0x847: {  	[tilespmem:v38+s15+$0x0] =	vst.idx.msk $0xffff, v2  }
0x848: {  	v2 =	vld.idx.msk [tilespmem:v39+s15+$0x0], $0xffff;
	_ =	sdelay $0x3  }
0x849: {  	v7 =	vld [tilespmem:$0x1FB30]  }
0x84a: {  	v2 =	vsub.f32 v2, v1;
	_ =	sdelay $0x1  }
0x84b: {  	v2 =	vmul.f32 v2, v0  }
0x84c: {  	v40 =	vld [tilespmem:$0x1EFA0]  }
0x84d: {  	v2 =	vmul.f32 v2, v7;
	v7 =	vld [tilespmem:$0x1FC30];
	_ =	sdelay $0x4  }
0x84e: {  	v2 =	vadd.f32 v2, v7;
	_ =	sdelay $0x1  }
0x84f: {  	[tilespmem:v39+s15+$0x0] =	vst.idx.msk $0xffff, v2  }
0x850: {  	v2 =	vld.idx.msk [tilespmem:v40+s15+$0x0], $0xffff;
	_ =	sdelay $0x3  }
0x851: {  	v7 =	vld [tilespmem:$0x1FC40]  }
0x852: {  	v2 =	vsub.f32 v2, v1;
	_ =	sdelay $0x1  }
0x853: {  	v2 =	vmul.f32 v2, v0  }
0x854: {  	v41 =	vld [tilespmem:$0x1EFB0]  }
0x855: {  	v2 =	vmul.f32 v2, v7;
	v7 =	vld [tilespmem:$0x1FC60];
	_ =	sdelay $0x4  }
0x856: {  	v2 =	vadd.f32 v2, v7;
	_ =	sdelay $0x1  }
0x857: {  	[tilespmem:v40+s15+$0x0] =	vst.idx.msk $0xffff, v2  }
0x858: {  	v2 =	vld.idx.msk [tilespmem:v41+s15+$0x0], $0xffff;
	_ =	sdelay $0x3  }
0x859: {  	v7 =	vld [tilespmem:$0x1FC50]  }
0x85a: {  	v2 =	vsub.f32 v2, v1;
	_ =	sdelay $0x1  }
0x85b: {  	v2 =	vmul.f32 v2, v0  }
0x85c: {  	v43 =	vld [tilespmem:$0x1EFC0]  }
0x85d: {  	v2 =	vmul.f32 v2, v7;
	v7 =	vld [tilespmem:$0x1FC70];
	_ =	sdelay $0x4  }
0x85e: {  	v2 =	vadd.f32 v2, v7;
	_ =	sdelay $0x1  }
0x85f: {  	[tilespmem:v41+s15+$0x0] =	vst.idx.msk $0xffff, v2  }
0x860: {  	v2 =	vld.idx.msk [tilespmem:v43+s15+$0x0], $0xffff;
	_ =	sdelay $0x3  }
0x861: {  	v42 =	vld [tilespmem:$0x1FF10]  }
0x862: {  	v2 =	vsub.f32 v2, v1  }
0x863: {  	v7 =	vld [tilespmem:$0x1FC80]  }
0x864: {  	v2 =	vmul.f32 v2, v0;
	_ =	sdelay $0x1  }
0x865: {  	v2 =	vmul.f32 v2, v42;
	_ =	sdelay $0x1  }
0x866: {  	v2 =	vadd.f32 v2, v7;
	_ =	sdelay $0x1  }
0x867: {  	[tilespmem:v43+s15+$0x0] =	vst.idx.msk $0xffff, v2  }
0x868: {  	v2 =	vld.idx.msk [tilespmem:v52+s15+$0x0], $0xffff;
	_ =	sdelay $0x3  }
0x869: {  	v45 =	vld [tilespmem:$0x1FF20]  }
0x86a: {  	v2 =	vsub.f32 v2, v1  }
0x86b: {  	v7 =	vld [tilespmem:$0x1FC90]  }
0x86c: {  	v2 =	vmul.f32 v2, v0;
	_ =	sdelay $0x1  }
0x86d: {  	v2 =	vmul.f32 v2, v45;
	_ =	sdelay $0x1  }
0x86e: {  	v2 =	vadd.f32 v2, v7;
	_ =	sdelay $0x1  }
0x86f: {  	[tilespmem:v52+s15+$0x0] =	vst.idx.msk $0xffff, v2  }
0x870: {  	v2 =	vld.idx.msk [tilespmem:v51+s15+$0x0], $0xffff;
	_ =	sdelay $0x3  }
0x871: {  	v47 =	vld [tilespmem:$0x1FF30]  }
0x872: {  	v2 =	vsub.f32 v2, v1  }
0x873: {  	v7 =	vld [tilespmem:$0x1FCA0]  }
0x874: {  	v2 =	vmul.f32 v2, v0;
	_ =	sdelay $0x1  }
0x875: {  	v2 =	vmul.f32 v2, v47;
	_ =	sdelay $0x1  }
0x876: {  	v2 =	vadd.f32 v2, v7;
	_ =	sdelay $0x1  }
0x877: {  	[tilespmem:v51+s15+$0x0] =	vst.idx.msk $0xffff, v2  }
0x878: {  	v2 =	vld.idx.msk [tilespmem:v46+s15+$0x0], $0xffff;
	_ =	sdelay $0x3  }
0x879: {  	v48 =	vld [tilespmem:$0x1FF40]  }
0x87a: {  	v2 =	vsub.f32 v2, v1  }
0x87b: {  	v7 =	vld [tilespmem:$0x1FCB0]  }
0x87c: {  	v2 =	vmul.f32 v2, v0;
	_ =	sdelay $0x1  }
0x87d: {  	v2 =	vmul.f32 v2, v48;
	_ =	sdelay $0x1  }
0x87e: {  	v2 =	vadd.f32 v2, v7;
	_ =	sdelay $0x1  }
0x87f: {  	[tilespmem:v46+s15+$0x0] =	vst.idx.msk $0xffff, v2  }
0x880: {  	v2 =	vld.idx.msk [tilespmem:v44+s15+$0x0], $0xffff;
	_ =	sdelay $0x3  }
0x881: {  	v49 =	vld [tilespmem:$0x1FF50]  }
0x882: {  	v2 =	vsub.f32 v2, v1  }
0x883: {  	v7 =	vld [tilespmem:$0x1FCC0]  }
0x884: {  	v2 =	vmul.f32 v2, v0;
	_ =	sdelay $0x1  }
0x885: {  	v2 =	vmul.f32 v2, v49;
	_ =	sdelay $0x1  }
0x886: {  	v2 =	vadd.f32 v2, v7;
	_ =	sdelay $0x1  }
0x887: {  	[tilespmem:v44+s15+$0x0] =	vst.idx.msk $0xffff, v2  }
0x888: {  	v2 =	vld.idx.msk [tilespmem:v50+s15+$0x0], $0xffff;
	_ =	sdelay $0x3  }
0x889: {  	v51 =	vld [tilespmem:$0x1FF60]  }
0x88a: {  	v53 =	vld [tilespmem:$0x1EFD0];
	v2 =	vsub.f32 v2, v1  }
0x88b: {  	v7 =	vld [tilespmem:$0x1FCD0]  }
0x88c: {  	v2 =	vmul.f32 v2, v0;
	_ =	sdelay $0x1  }
0x88d: {  	v2 =	vmul.f32 v2, v51;
	_ =	sdelay $0x1  }
0x88e: {  	v2 =	vadd.f32 v2, v7;
	_ =	sdelay $0x1  }
0x88f: {  	[tilespmem:v50+s15+$0x0] =	vst.idx.msk $0xffff, v2  }
0x890: {  	v2 =	vld.idx.msk [tilespmem:v53+s15+$0x0], $0xffff;
	_ =	sdelay $0x3  }
0x891: {  	v52 =	vld [tilespmem:$0x1FF70]  }
0x892: {  	v55 =	vld [tilespmem:$0x1EFE0];
	v2 =	vsub.f32 v2, v1  }
0x893: {  	v7 =	vld [tilespmem:$0x1FCE0]  }
0x894: {  	v2 =	vmul.f32 v2, v0;
	_ =	sdelay $0x1  }
0x895: {  	v2 =	vmul.f32 v2, v52;
	_ =	sdelay $0x1  }
0x896: {  	v2 =	vadd.f32 v2, v7;
	_ =	sdelay $0x1  }
0x897: {  	[tilespmem:v53+s15+$0x0] =	vst.idx.msk $0xffff, v2  }
0x898: {  	v2 =	vld.idx.msk [tilespmem:v55+s15+$0x0], $0xffff;
	_ =	sdelay $0x3  }
0x899: {  	v54 =	vld [tilespmem:$0x1FF80]  }
0x89a: {  	v2 =	vsub.f32 v2, v1  }
0x89b: {  	v7 =	vld [tilespmem:$0x1FCF0]  }
0x89c: {  	v2 =	vmul.f32 v2, v0;
	_ =	sdelay $0x1  }
0x89d: {  	v2 =	vmul.f32 v2, v54;
	_ =	sdelay $0x1  }
0x89e: {  	v2 =	vadd.f32 v2, v7;
	_ =	sdelay $0x1  }
0x89f: {  	[tilespmem:v55+s15+$0x0] =	vst.idx.msk $0xffff, v2  }
0x8a0: {  	v2 =	vld.idx.msk [tilespmem:v19+s15+$0x0], $0xffff;
	_ =	sdelay $0x3  }
0x8a1: {  	v56 =	vld [tilespmem:$0x1FF90]  }
0x8a2: {  	v58 =	vld [tilespmem:$0x1EFF0];
	v2 =	vsub.f32 v2, v1  }
0x8a3: {  	v7 =	vld [tilespmem:$0x1FD00]  }
0x8a4: {  	v2 =	vmul.f32 v2, v0;
	_ =	sdelay $0x1  }
0x8a5: {  	v2 =	vmul.f32 v2, v56;
	_ =	sdelay $0x1  }
0x8a6: {  	v2 =	vadd.f32 v2, v7;
	_ =	sdelay $0x1  }
0x8a7: {  	[tilespmem:v19+s15+$0x0] =	vst.idx.msk $0xffff, v2  }
0x8a8: {  	v2 =	vld.idx.msk [tilespmem:v58+s15+$0x0], $0xffff;
	_ =	sdelay $0x3  }
0x8a9: {  	v57 =	vld [tilespmem:$0x1FFA0]  }
0x8aa: {  	v2 =	vsub.f32 v2, v1  }
0x8ab: {  	v7 =	vld [tilespmem:$0x1FD10]  }
0x8ac: {  	v2 =	vmul.f32 v2, v0;
	_ =	sdelay $0x1  }
0x8ad: {  	v2 =	vmul.f32 v2, v57;
	_ =	sdelay $0x1  }
0x8ae: {  	v2 =	vadd.f32 v2, v7;
	_ =	sdelay $0x1  }
0x8af: {  	[tilespmem:v58+s15+$0x0] =	vst.idx.msk $0xffff, v2  }
0x8b0: {  	v2 =	vld.idx.msk [tilespmem:v6+s15+$0x0], $0xffff;
	_ =	sdelay $0x3  }
0x8b1: {  	v7 =	vld [tilespmem:$0x1FFB0]  }
0x8b2: {  	v2 =	vsub.f32 v2, v1  }
0x8b3: {  	v59 =	vld [tilespmem:$0x1FD20]  }
0x8b4: {  	v2 =	vmul.f32 v2, v0;
	_ =	sdelay $0x1  }
0x8b5: {  	v2 =	vmul.f32 v2, v7;
	_ =	sdelay $0x1  }
0x8b6: {  	v2 =	vadd.f32 v2, v59;
	_ =	sdelay $0x1  }
0x8b7: {  	[tilespmem:v6+s15+$0x0] =	vst.idx.msk $0xffff, v2  }
0x8b8: {  	v2 =	vld.idx.msk [tilespmem:v5+s15+$0x0], $0xffff;
	_ =	sdelay $0x3  }
0x8b9: {  	v6 =	vld [tilespmem:$0x1FFC0]  }
0x8ba: {  	v2 =	vsub.f32 v2, v1  }
0x8bb: {  	v60 =	vld [tilespmem:$0x1FD30]  }
0x8bc: {  	v2 =	vmul.f32 v2, v0;
	_ =	sdelay $0x1  }
0x8bd: {  	v2 =	vmul.f32 v2, v6;
	_ =	sdelay $0x1  }
0x8be: {  	v2 =	vadd.f32 v2, v60;
	_ =	sdelay $0x1  }
0x8bf: {  	[tilespmem:v5+s15+$0x0] =	vst.idx.msk $0xffff, v2  }
0x8c0: {  	v2 =	vld.idx.msk [tilespmem:v4+s15+$0x0], $0xffff;
	_ =	sdelay $0x3  }
0x8c1: {  	v5 =	vld [tilespmem:$0x1FFD0]  }
0x8c2: {  	v2 =	vsub.f32 v2, v1  }
0x8c3: {  	v61 =	vld [tilespmem:$0x1FD40]  }
0x8c4: {  	v2 =	vmul.f32 v2, v0;
	_ =	sdelay $0x1  }
0x8c5: {  	v2 =	vmul.f32 v2, v5;
	_ =	sdelay $0x1  }
0x8c6: {  	v2 =	vadd.f32 v2, v61;
	_ =	sdelay $0x1  }
0x8c7: {  	[tilespmem:v4+s15+$0x0] =	vst.idx.msk $0xffff, v2  }
0x8c8: {  	v2 =	vld.idx.msk [tilespmem:v3+s15+$0x0], $0xffff;
	_ =	sdelay $0x3  }
0x8c9: {  	v62 =	vld [tilespmem:$0x1FFE0]  }
0x8ca: {  	v1 =	vsub.f32 v2, v1  }
0x8cb: {  	v63 =	vld [tilespmem:$0x1FFF0]  }
0x8cc: {  	v0 =	vmul.f32 v1, v0  }
0x8cd: {  	p0 =	sne.s32 s26, $0x180  }
.Ltmp0:
0x8ce: {  	v0 =	vmul.f32 v0, v62;
	(pc) =	sbr.rel @p0 .LBB2_3-.Ltmp0, $3  }
0x8cf: {  	_ = 	snop  }
0x8d0: {  	v0 =	vadd.f32 v0, v63;
	_ =	sdelay $0x1  }
0x8d1: {  	s28 =	sadd.s32 $0x10, s28;
	s26 =	sadd.s32 $0x10, s26;
	v4 =	vlaneseq.u32;
	[tilespmem:v3+s15+$0x0] =	vst.idx.msk $0xffff, v0  }
0x8d2: {  	s24 =	sadd.s32 $0x1, s24  }
0x8d3: {  	s25 =	sshll.u32 s25, $0x4;
	p0 =	sne.s32 s24, $0x10  }
.Ltmp1:
0x8d4: {  	s25 =	sadd.s32 s2, s25;
	(pc) =	sbr.rel @p0 .LBB2_2-.Ltmp1, $4  }
0x8d5: {  	[hbm4b:s25+s3] =	stream.linear.scatter [tilespmem:s15], [sflag:$0x2], $0xC800, $0x38;
	[tilespmem:$0x19500] =	vst v63  }
0x8d6: {  	_ =	swait.ge [sflag:s12], $0xC800  }
0x8d7: {  	[sflag:s12] =	ssyncset.done $0x0  }
0x8d8: {  	[sflag:s12] =	ssyncadd.s32 $0xFFFF3800  }
0x8d9: {  	s23 =	sadd.s32 $0x1, s23  }
0x8da: {  	p0 =	sne.s32 s23, s10  }
.Ltmp2:
0x8db: {  	_ = 	snop;
	(pc) =	sbr.rel @p0 .LBB2_1-.Ltmp2, $1  }
0x8dc: {  	_ =	sdelay $0x3  }
0x8dd: {  	_ =	sfence.sel $0x180000  }
0x8de: {  	[bflag:$0x0] =	sbarrier.arrive $0xFFFF  }
0x8df: {  	p0 =	sne.s32 s4, $0x0;
	_ =	strace $0x90000047  }
0x8e0: {  	s0 =	sadd.s32 @!p0 $0x100000, s0;
	[bflag:$0x2] =	sbarrier.arrive $0xFFFF  }
0x8e1: {  	[sflag:s0] =	ssyncadd.tile.s32 @!p0 $0x1;
	_ =	shalt  }
.Lfunc_end2:
_tile_overlayer_lowered:
.L_overlay_start_2:
0x8e2: {  	(tag) =	ssettag $0x2  }
0x8e3: {  	s0 =	rddreg [dreg:$0x0];
	s2 =	stileid.u32  }
0x8e4: {  	s1 =	rddreg [dreg:$0x1];
	p0 =	sne.s32 s2, $0x0  }
0x8e5: {  	s3 =	rddreg [dreg:$0x2];
	[bflag:$0x3] =	sbarrier.arrive $0xFFFF;
	s2 =	simm.s32 @!p0 $0x1C02  }
0x8e6: {  	[timem:s3], [sflag:s2] =	dma.local @!p0 [hbm:s0], s1  }
0x8e7: {  	s0 =	simm.s32 @!p0 $0x2  }
0x8e8: {  	_ =	swait.ge @!p0 [sflag:s0], s1  }
0x8e9: {  	s1 =	ssub.s32 @!p0 $0x0, s1;
	[sflag:s0] =	ssyncset.done @!p0 $0x0  }
0x8ea: {  	[sflag:s0] =	ssyncadd.s32 @!p0 s1  }
0x8eb: {  	[bflag:$0x3] =	sbarrier.arrive $0xFFFF  }
0x8ec: {  	_ =	shalt  }

</sc_bundles>
